<compile_context>
chip_gen: v7x
topology: tpu7x:2x2x1
jax: 0.10.2.dev20260603
libtpu: 0.0.44.dev20260713+nightly
codegen_flags: <defaults>
</compile_context>

<pallas_src>
import functools

import jax
import jax.numpy as jnp
from jax import lax
from jax.experimental import pallas as pl
from jax.experimental.pallas import tpu as pltpu
from jax.experimental.pallas import tpu_sc as plsc

N = 10000
D = 128
E = 320000
NUM_LAYERS = 5

NC = 2
NS = 16
NW = NC * NS
CH = 128
CHUNKS = 80
E_PAD = NW * CHUNKS * CH
N_ACC = 10112
ROWS_PER_TILE = N_ACC // NS
CNT_W = 16

_mesh = plsc.VectorSubcoreMesh(
    core_axis_name="c", subcore_axis_name="s", num_cores=NC, num_subcores=NS)


NBUF = 2
GIDX = 8
N0 = 152
N1 = 8
C0 = NS * N0


def _agg_body(h_hbm, srcm, dstm, zeros_hbm, p_hbm, acc,
              idx_v, *bufs):
    rows = bufs[:NBUF]
    isem = bufs[NBUF]
    gsem = bufs[NBUF + 1:2 * NBUF + 1]
    ssem = bufs[2 * NBUF + 1:3 * NBUF + 1]
    cid = lax.axis_index("c")
    sid = lax.axis_index("s")
    my_chunks = jnp.where(cid == 0, N0, N1)
    base_chunk = jnp.where(cid == 0, sid * N0, C0 + sid * N1)
    ngroups = my_chunks // GIDX

    @pl.when(ngroups > 0)
    def _prefetch0():
        pltpu.async_copy(srcm.at[pl.ds(base_chunk, GIDX)], idx_v.at[0, 0], isem)
        pltpu.async_copy(dstm.at[pl.ds(base_chunk, GIDX)], idx_v.at[0, 1], isem)
    pltpu.sync_copy(zeros_hbm.at[pl.ds(sid * ROWS_PER_TILE, ROWS_PER_TILE)],
                    acc.at[pl.ds(sid * ROWS_PER_TILE, ROWS_PER_TILE)])
    plsc.subcore_barrier()

    def group(g, carry):
        pb = g % 2
        pltpu.make_async_copy(srcm.at[pl.ds(base_chunk, GIDX)],
                              idx_v.at[0, 0], isem).wait()
        pltpu.make_async_copy(dstm.at[pl.ds(base_chunk, GIDX)],
                              idx_v.at[0, 1], isem).wait()

        @pl.when(g + 1 < ngroups)
        def _prefetch():
            nb = (g + 1) % 2
            off = base_chunk + (g + 1) * GIDX
            pltpu.async_copy(srcm.at[pl.ds(off, GIDX)], idx_v.at[nb, 0], isem)
            pltpu.async_copy(dstm.at[pl.ds(off, GIDX)], idx_v.at[nb, 1], isem)

        def step(j2, c2):
            base = j2 * NBUF
            gathers = [
                pltpu.async_copy(h_hbm.at[idx_v.at[pb, 0, base + b]],
                                 rows[b], gsem[b])
                for b in range(NBUF)
            ]
            scatters = []
            for b in range(NBUF):
                gathers[b].wait()
                scatters.append(
                    pltpu.async_copy(rows[b],
                                     acc.at[idx_v.at[pb, 1, base + b]],
                                     ssem[b], add=True))
            for b in range(NBUF):
                scatters[b].wait()
            return c2

        lax.fori_loop(0, GIDX // NBUF, step, 0)
        return carry

    lax.fori_loop(0, ngroups, group, 0)

    plsc.subcore_barrier()
    pltpu.sync_copy(acc.at[pl.ds(sid * ROWS_PER_TILE, ROWS_PER_TILE)],
                    p_hbm.at[cid, pl.ds(sid * ROWS_PER_TILE, ROWS_PER_TILE)])


_agg_call = pl.kernel(
    _agg_body,
    out_type=jax.ShapeDtypeStruct((NC, N_ACC, D), jnp.float32),
    mesh=_mesh,
    scratch_types=(
        [pltpu.VMEM_SHARED((N_ACC, D), jnp.float32),
         pltpu.VMEM((2, 2, GIDX, CH), jnp.int32)]
        + [pltpu.VMEM((CH, D), jnp.float32) for _ in range(NBUF)]
        + [pltpu.SemaphoreType.DMA for _ in range(2 * NBUF + 1)]
    ),
)


def _cnt_body(dstm, ones_hbm, zeros_hbm, c_hbm, acc, dst_v, ones_v):
    cid = lax.axis_index("c")
    sid = lax.axis_index("s")
    w = sid * NC + cid
    pltpu.sync_copy(zeros_hbm.at[pl.ds(sid * ROWS_PER_TILE, ROWS_PER_TILE)],
                    acc.at[pl.ds(sid * ROWS_PER_TILE, ROWS_PER_TILE)])
    pltpu.sync_copy(ones_hbm, ones_v)
    pltpu.sync_copy(dstm.at[pl.ds(w * CHUNKS, CHUNKS)], dst_v)
    plsc.subcore_barrier()

    def step(j, carry):
        pltpu.sync_copy(ones_v, acc.at[dst_v.at[j]], add=True)
        return carry

    lax.fori_loop(0, CHUNKS, step, 0)
    plsc.subcore_barrier()
    pltpu.sync_copy(acc.at[pl.ds(sid * ROWS_PER_TILE, ROWS_PER_TILE)],
                    c_hbm.at[cid, pl.ds(sid * ROWS_PER_TILE, ROWS_PER_TILE)])


_cnt_call = pl.kernel(
    _cnt_body,
    out_type=jax.ShapeDtypeStruct((NC, N_ACC, D), jnp.float32),
    mesh=_mesh,
    scratch_types=[
        pltpu.VMEM_SHARED((N_ACC, D), jnp.float32),
        pltpu.VMEM((CHUNKS, CH), jnp.int32),
        pltpu.VMEM((CH, D), jnp.float32),
    ],
)


def _narrow_body(c_ref, o_ref):
    o_ref[...] = c_ref[0, :, :CNT_W] + c_ref[1, :, :CNT_W]


def _dense_body(apply_ln, p_ref, cnt_ref, h_ref, wl_ref, bl_ref, wr_ref,
                g_ref, b_ref, o_ref):
    p = p_ref[0] + p_ref[1]
    c = cnt_ref[:, 0:1]
    mean = p / jnp.maximum(c, 1.0)
    out = lax.dot_general(mean, wl_ref[...], (((1,), (1,)), ((), ())),
                          preferred_element_type=jnp.float32)
    out = out + bl_ref[...]
    out = out + lax.dot_general(h_ref[...], wr_ref[...], (((1,), (1,)), ((), ())),
                                preferred_element_type=jnp.float32)
    if apply_ln:
        mu = jnp.mean(out, axis=-1, keepdims=True)
        var = jnp.mean((out - mu) ** 2, axis=-1, keepdims=True)
        out = (out - mu) * lax.rsqrt(var + 1e-5) * g_ref[...] + b_ref[...]
        out = jnp.maximum(out, 0.0)
    o_ref[...] = out


BN = 400


_narrow_call = pl.pallas_call(
    _narrow_body,
    grid=(N_ACC // 632,),
    in_specs=[pl.BlockSpec((NC, 632, D), lambda i: (0, i, 0))],
    out_specs=pl.BlockSpec((632, CNT_W), lambda i: (i, 0)),
    out_shape=jax.ShapeDtypeStruct((N_ACC, CNT_W), jnp.float32),
)


def _make_dense(apply_ln):
    return pl.pallas_call(
        functools.partial(_dense_body, apply_ln),
        grid=(N // BN,),
        in_specs=[
            pl.BlockSpec((NC, BN, D), lambda i: (0, i, 0)),
            pl.BlockSpec((BN, CNT_W), lambda i: (i, 0)),
            pl.BlockSpec((BN, D), lambda i: (i, 0)),
            pl.BlockSpec((D, D), lambda i: (0, 0)),
            pl.BlockSpec((1, D), lambda i: (0, 0)),
            pl.BlockSpec((D, D), lambda i: (0, 0)),
            pl.BlockSpec((1, D), lambda i: (0, 0)),
            pl.BlockSpec((1, D), lambda i: (0, 0)),
        ],
        out_specs=pl.BlockSpec((BN, D), lambda i: (i, 0)),
        out_shape=jax.ShapeDtypeStruct((N, D), jnp.float32),
    )


_dense_ln = _make_dense(True)
_dense_plain = _make_dense(False)


def kernel(x, edge_index, Wl0, Wl1, Wl2, Wl3, Wl4, bl0, bl1, bl2, bl3, bl4,
           Wr0, Wr1, Wr2, Wr3, Wr4, g0, g1, g2, g3, b0, b1, b2, b3):
    Wls = (Wl0, Wl1, Wl2, Wl3, Wl4)
    bls = (bl0, bl1, bl2, bl3, bl4)
    Wrs = (Wr0, Wr1, Wr2, Wr3, Wr4)
    gs = (g0, g1, g2, g3)
    bs = (b0, b1, b2, b3)

    src = edge_index[0]
    dst = edge_index[1]
    pad = E_PAD - E
    src_p = jnp.concatenate([src, jnp.zeros((pad,), jnp.int32)])
    dst_p = jnp.concatenate([dst, jnp.full((pad,), N, jnp.int32)])
    srcm = src_p.reshape(NW * CHUNKS, CH)
    dstm = dst_p.reshape(NW * CHUNKS, CH)
    zeros128 = jnp.zeros((N_ACC, D), jnp.float32)
    ones_chunk = jnp.ones((CH, D), jnp.float32)

    cnt = _narrow_call(_cnt_call(dstm, ones_chunk, zeros128))

    h = x
    for i in range(NUM_LAYERS):
        p = _agg_call(h, srcm, dstm, zeros128)
        dense = _dense_ln if i < NUM_LAYERS - 1 else _dense_plain
        gi = gs[i] if i < NUM_LAYERS - 1 else g0
        bi = bs[i] if i < NUM_LAYERS - 1 else b0
        h = dense(p, cnt, h, Wls[i], bls[i].reshape(1, D), Wrs[i],
                  gi.reshape(1, D), bi.reshape(1, D))
    return h

# --- scband reference (transcript-rebuilt; emitter-appended) ---
"""Pipeline reference for scband-graph-sage-66614942761625 (READ-ONLY COPY).

The authoritative reference and input builder live on the scoring server;
editing this copy changes nothing except your own understanding.
"""

import jax, jax.numpy as jnp
import numpy as np

N = 10000
E = 320000
D = 128
NUM_LAYERS = 5

PKEYS = [f"Wl{i}" for i in range(5)] + [f"bl{i}" for i in range(5)] + [f"Wr{i}" for i in range(5)] + [f"g{i}" for i in range(4)] + [f"b{i}" for i in range(4)]


def _sage(x, src, dst, Wl, bl, Wr, n):
    # PyG SAGEConv with mean aggregation: out = lin_l(mean_j x_j) + lin_r(x_i)
    msgs = x[src]
    s = jax.ops.segment_sum(msgs, dst, num_segments=n)
    cnt = jax.ops.segment_sum(jnp.ones((src.shape[0],), x.dtype), dst, num_segments=n)
    mean = s / jnp.maximum(cnt, 1.0)[:, None]
    return mean @ Wl.T + bl + x @ Wr.T


def _ln(x, g, b):
    mu = jnp.mean(x, axis=-1, keepdims=True)
    var = jnp.var(x, axis=-1, keepdims=True)
    return (x - mu) / jnp.sqrt(var + 1e-5) * g + b


def _forward(x, edge_index, params):
    src, dst = edge_index[0], edge_index[1]
    Wls = params[0:5]; bls = params[5:10]; Wrs = params[10:15]
    gs = params[15:19]; bs = params[19:23]
    h = x
    for i in range(NUM_LAYERS - 1):
        h = _sage(h, src, dst, Wls[i], bls[i], Wrs[i], h.shape[0])
        h = _ln(h, gs[i], bs[i])
        h = jax.nn.relu(h)
        # dropout is identity in eval mode
    h = _sage(h, src, dst, Wls[NUM_LAYERS - 1], bls[NUM_LAYERS - 1], Wrs[NUM_LAYERS - 1], h.shape[0])
    return h


def setup_inputs(seed: int = 0) -> dict:
    key = jax.random.key(seed)
    ks = jax.random.split(key, 2 + len(PKEYS))
    inp = {}
    inp["x"] = jax.random.normal(ks[0], (N, D), jnp.float32)
    inp["edge_index"] = jax.random.randint(ks[1], (2, E), 0, N, dtype=jnp.int32)
    scale = 1.0 / np.sqrt(D)
    for j, name in enumerate(PKEYS):
        k = ks[2 + j]
        if name.startswith("Wl") or name.startswith("Wr"):
            inp[name] = jax.random.normal(k, (D, D), jnp.float32) * scale
        elif name.startswith("bl") or name.startswith("b"):
            inp[name] = jnp.zeros((D,), jnp.float32)
        else:  # LayerNorm gamma
            inp[name] = jnp.ones((D,), jnp.float32)
    return inp


def reference(x, edge_index, Wl0, Wl1, Wl2, Wl3, Wl4, bl0, bl1, bl2, bl3, bl4, Wr0, Wr1, Wr2, Wr3, Wr4, g0, g1, g2, g3, b0, b1, b2, b3):
    params = (Wl0, Wl1, Wl2, Wl3, Wl4, bl0, bl1, bl2, bl3, bl4, Wr0, Wr1, Wr2, Wr3, Wr4, g0, g1, g2, g3, b0, b1, b2, b3)
    return _forward(x, edge_index, params)

if __name__ == "__main__":
    import jax
    _d = setup_inputs()
    print(jax.jit(kernel)(*tuple(_d.values())))

</pallas_src>

<mosaic_0001>
#map = affine_map<(d0, d1) -> (0, 0)>
#map1 = affine_map<(d0, d1) -> (0, 0, 0)>
module attributes {stable_mosaic.version = 14 : i64} {
  func.func @_agg_body(%arg0: i32, %arg1: i32, %arg2: memref<10000x128xf32, #tpu.memory_space<hbm>>, %arg3: memref<2560x128xi32, #tpu.memory_space<hbm>>, %arg4: memref<2560x128xi32, #tpu.memory_space<hbm>>, %arg5: memref<10112x128xf32, #tpu.memory_space<hbm>>, %arg6: memref<2x10112x128xf32, #tpu.memory_space<hbm>>, %arg7: memref<10112x128xf32, #tpu.memory_space<vmem_shared>>, %arg8: memref<2x2x8x128xi32, #tpu.memory_space<vmem>>, %arg9: memref<128x128xf32, #tpu.memory_space<vmem>>, %arg10: memref<128x128xf32, #tpu.memory_space<vmem>>, %arg11: memref<!tpu.dma_semaphore, #tpu.memory_space<semaphore_mem>>, %arg12: memref<!tpu.dma_semaphore, #tpu.memory_space<semaphore_mem>>, %arg13: memref<!tpu.dma_semaphore, #tpu.memory_space<semaphore_mem>>, %arg14: memref<!tpu.dma_semaphore, #tpu.memory_space<semaphore_mem>>, %arg15: memref<!tpu.dma_semaphore, #tpu.memory_space<semaphore_mem>>) attributes {dimension_semantics = [#tpu.dimension_semantics<core_parallel>, #tpu.dimension_semantics<subcore_parallel>], iteration_bounds = array<i64: 2, 16>, scalar_prefetch = 0 : i64, scratch_operands = 9 : i64, tpu.core_type = #tpu.core_type<sc_vector_subcore>, window_params = [{transform_indices = #map}, {transform_indices = #map}, {transform_indices = #map}, {transform_indices = #map}, {transform_indices = #map1}]} {
    %eq3A = arith.constant 0 : i32
    %eq3A_0 = arith.cmpi eq, %arg0, %eq3A : i32
    %jit3A = arith.constant 152 : i32
    %jit3A_1 = arith.constant 8 : i32
    %select_n3A = arith.select %eq3A_0, %jit3A, %jit3A_1 : i32
    %eq3A_2 = arith.constant 0 : i32
    %eq3A_3 = arith.cmpi eq, %arg0, %eq3A_2 : i32
    %mul3A = arith.constant 152 : i32
    %mul3A_4 = arith.muli %arg1, %mul3A : i32
    %mul3A_5 = arith.constant 8 : i32
    %mul3A_6 = arith.muli %arg1, %mul3A_5 : i32
    %add3A = arith.constant 2432 : i32
    %add3A_7 = arith.addi %add3A, %mul3A_6 : i32
    %select_n3A_8 = arith.select %eq3A_3, %mul3A_4, %add3A_7 : i32
    %jit3A_9 = arith.constant 8 : i32
    %div3A = arith.divsi %select_n3A, %jit3A_9 : i32
    %sign3A = arith.constant 0 : i32
    %sign3A_10 = arith.cmpi sgt, %select_n3A, %sign3A : i32
    %sign3A_11 = arith.extui %sign3A_10 : i1 to i32
    %sign3A_12 = arith.constant 0 : i32
    %sign3A_13 = arith.cmpi slt, %select_n3A, %sign3A_12 : i32
    %sign3A_14 = arith.extui %sign3A_13 : i1 to i32
    %sign3A_15 = arith.subi %sign3A_11, %sign3A_14 : i32
    %sign3A_16 = arith.constant 0 : i32
    %sign3A_17 = arith.cmpi sgt, %jit3A_9, %sign3A_16 : i32
    %sign3A_18 = arith.extui %sign3A_17 : i1 to i32
    %sign3A_19 = arith.constant 0 : i32
    %sign3A_20 = arith.cmpi slt, %jit3A_9, %sign3A_19 : i32
    %sign3A_21 = arith.extui %sign3A_20 : i1 to i32
    %sign3A_22 = arith.subi %sign3A_18, %sign3A_21 : i32
    %ne3A = arith.cmpi ne, %sign3A_15, %sign3A_22 : i32
    %rem3A = arith.remsi %select_n3A, %jit3A_9 : i32
    %ne3A_23 = arith.constant 0 : i32
    %ne3A_24 = arith.cmpi ne, %rem3A, %ne3A_23 : i32
    %and3A = arith.andi %ne3A, %ne3A_24 : i1
    %sub3A = arith.constant 1 : i32
    %sub3A_25 = arith.subi %div3A, %sub3A : i32
    %select_n3A_26 = arith.select %and3A, %sub3A_25, %div3A : i32
    %gt3A = arith.constant 0 : i32
    %gt3A_27 = arith.cmpi sgt, %select_n3A_26, %gt3A : i32
    %convert_element_type3A = arith.extui %gt3A_27 : i1 to i32
    %cond3A = arith.constant 0 : i32
    %cond3A_28 = arith.cmpi ne, %convert_element_type3A, %cond3A : i32
    scf.if %cond3A_28 {
      %dma_start3A = arith.constant 0 : i32
      %dma_start3A_47 = arith.constant 0 : i32
      %dma_start3A_48 = arith.constant 0 : i32
      %dma_start3A_49 = arith.constant 0 : i32
      %dma_start3A_50 = tpu.memref_slice %arg8[%dma_start3A, %dma_start3A_47, %dma_start3A_48, %dma_start3A_49] : memref<2x2x8x128xi32, #tpu.memory_space<vmem>> -> memref<1x1x8x128xi32, #tpu.memory_space<vmem>>
      %dma_start3A_51 = tpu.memref_squeeze %dma_start3A_50 : memref<1x1x8x128xi32, #tpu.memory_space<vmem>> -> memref<8x128xi32, #tpu.memory_space<vmem>>
      %dma_start3A_52 = arith.constant 0 : i32
      %dma_start3A_53 = tpu.memref_slice %arg3[%select_n3A_8, %dma_start3A_52] : memref<2560x128xi32, #tpu.memory_space<hbm>> -> memref<8x128xi32, #tpu.memory_space<hbm>>
      %dma_start3A_54 = arith.constant 0 : i32
      %dma_start3A_55 = arith.constant 0 : i32
      %dma_start3A_56 = tpu.memref_slice %arg8[%dma_start3A, %dma_start3A_47, %dma_start3A_54, %dma_start3A_55] : memref<2x2x8x128xi32, #tpu.memory_space<vmem>> -> memref<1x1x8x128xi32, #tpu.memory_space<vmem>>
      %dma_start3A_57 = tpu.memref_squeeze %dma_start3A_56 : memref<1x1x8x128xi32, #tpu.memory_space<vmem>> -> memref<8x128xi32, #tpu.memory_space<vmem>>
      %dma_start3A_58 = arith.constant 0 : i32
      %dma_start3A_59 = tpu.memref_slice %arg3[%select_n3A_8, %dma_start3A_58] : memref<2560x128xi32, #tpu.memory_space<hbm>> -> memref<8x128xi32, #tpu.memory_space<hbm>>
      tpu.enqueue_dma source(%dma_start3A_59 : memref<8x128xi32, #tpu.memory_space<hbm>>) target(%dma_start3A_57 : memref<8x128xi32, #tpu.memory_space<vmem>>) target_semaphore(%arg11 : memref<!tpu.dma_semaphore, #tpu.memory_space<semaphore_mem>>)
      %dma_start3A_60 = arith.constant 0 : i32
      %dma_start3A_61 = arith.constant 1 : i32
      %dma_start3A_62 = arith.constant 0 : i32
      %dma_start3A_63 = arith.constant 0 : i32
      %dma_start3A_64 = tpu.memref_slice %arg8[%dma_start3A_60, %dma_start3A_61, %dma_start3A_62, %dma_start3A_63] : memref<2x2x8x128xi32, #tpu.memory_space<vmem>> -> memref<1x1x8x128xi32, #tpu.memory_space<vmem>>
      %dma_start3A_65 = tpu.memref_squeeze %dma_start3A_64 : memref<1x1x8x128xi32, #tpu.memory_space<vmem>> -> memref<8x128xi32, #tpu.memory_space<vmem>>
      %dma_start3A_66 = arith.constant 0 : i32
      %dma_start3A_67 = tpu.memref_slice %arg4[%select_n3A_8, %dma_start3A_66] : memref<2560x128xi32, #tpu.memory_space<hbm>> -> memref<8x128xi32, #tpu.memory_space<hbm>>
      %dma_start3A_68 = arith.constant 0 : i32
      %dma_start3A_69 = arith.constant 0 : i32
      %dma_start3A_70 = tpu.memref_slice %arg8[%dma_start3A_60, %dma_start3A_61, %dma_start3A_68, %dma_start3A_69] : memref<2x2x8x128xi32, #tpu.memory_space<vmem>> -> memref<1x1x8x128xi32, #tpu.memory_space<vmem>>
      %dma_start3A_71 = tpu.memref_squeeze %dma_start3A_70 : memref<1x1x8x128xi32, #tpu.memory_space<vmem>> -> memref<8x128xi32, #tpu.memory_space<vmem>>
      %dma_start3A_72 = arith.constant 0 : i32
      %dma_start3A_73 = tpu.memref_slice %arg4[%select_n3A_8, %dma_start3A_72] : memref<2560x128xi32, #tpu.memory_space<hbm>> -> memref<8x128xi32, #tpu.memory_space<hbm>>
      tpu.enqueue_dma source(%dma_start3A_73 : memref<8x128xi32, #tpu.memory_space<hbm>>) target(%dma_start3A_71 : memref<8x128xi32, #tpu.memory_space<vmem>>) target_semaphore(%arg11 : memref<!tpu.dma_semaphore, #tpu.memory_space<semaphore_mem>>)
    } else {
    }
    %mul3A_29 = arith.constant 632 : i32
    %mul3A_30 = arith.muli %arg1, %mul3A_29 : i32
    %mul3A_31 = arith.constant 632 : i32
    %mul3A_32 = arith.muli %arg1, %mul3A_31 : i32
    "tpu.region"() ({
      %run_scoped3A = tpu.sem_alloc : memref<!tpu.dma_semaphore, #tpu.memory_space<semaphore_mem>>
      %dma_start3A = arith.constant 0 : i32
      %dma_start3A_47 = tpu.memref_slice %arg7[%mul3A_32, %dma_start3A] : memref<10112x128xf32, #tpu.memory_space<vmem_shared>> -> memref<632x128xf32, #tpu.memory_space<vmem_shared>>
      %dma_start3A_48 = arith.constant 0 : i32
      %dma_start3A_49 = tpu.memref_slice %arg5[%mul3A_30, %dma_start3A_48] : memref<10112x128xf32, #tpu.memory_space<hbm>> -> memref<632x128xf32, #tpu.memory_space<hbm>>
      tpu.enqueue_dma source(%dma_start3A_49 : memref<632x128xf32, #tpu.memory_space<hbm>>) target(%dma_start3A_47 : memref<632x128xf32, #tpu.memory_space<vmem_shared>>) target_semaphore(%run_scoped3A : memref<!tpu.dma_semaphore, #tpu.memory_space<semaphore_mem>>)
      %dma_wait3A = arith.constant 0 : i32
      %dma_wait3A_50 = tpu.memref_slice %arg7[%mul3A_32, %dma_wait3A] : memref<10112x128xf32, #tpu.memory_space<vmem_shared>> -> memref<632x128xf32, #tpu.memory_space<vmem_shared>>
      %dma_wait3A_51 = arith.constant 0 : i32
      %dma_wait3A_52 = tpu.memref_slice %arg5[%mul3A_30, %dma_wait3A_51] : memref<10112x128xf32, #tpu.memory_space<hbm>> -> memref<632x128xf32, #tpu.memory_space<hbm>>
      tpu.wait_dma2 semaphore(%run_scoped3A : memref<!tpu.dma_semaphore, #tpu.memory_space<semaphore_mem>>) src(%dma_wait3A_52 : memref<632x128xf32, #tpu.memory_space<hbm>>) dst(%dma_wait3A_50 : memref<632x128xf32, #tpu.memory_space<vmem_shared>>)
      tpu.yield
    }) : () -> ()
    %barrier3A = arith.constant 0 : index
    tpu.barrier barrier_id(%barrier3A)
    %while3A = arith.constant 0 : i32
    %while3A_33 = arith.constant 0 : i32
    %while3A_34 = arith.subi %select_n3A_26, %while3A_33 : i32
    %while3A_35 = arith.addi %while3A_33, %while3A_34 : i32
    %while3A_36 = arith.constant 1 : i32
    %while3A_37 = arith.divsi %while3A_34, %while3A_36 : i32
    %while3A_38 = arith.muli %while3A_37, %while3A_36 : i32
    %while3A_39 = arith.addi %while3A_33, %while3A_38 : i32
    %while3A_40 = arith.constant 1 : i32
    scf.for %while3A_47 = %while3A_33 to %while3A_39 step %while3A_40  : i32 {
      %jit3A_48 = arith.constant 2 : i32
      %eq3A_49 = arith.constant 0 : i32
      %eq3A_50 = arith.cmpi eq, %jit3A_48, %eq3A_49 : i32
      %jit3A_51 = arith.constant 1 : i32
      %select_n3A_52 = arith.select %eq3A_50, %jit3A_51, %jit3A_48 : i32
      %rem3A_53 = arith.remsi %while3A_47, %select_n3A_52 : i32
      %ne3A_54 = arith.constant 0 : i32
      %ne3A_55 = arith.cmpi ne, %rem3A_53, %ne3A_54 : i32
      %lt3A = arith.constant 0 : i32
      %lt3A_56 = arith.cmpi slt, %rem3A_53, %lt3A : i32
      %lt3A_57 = arith.constant 0 : i32
      %lt3A_58 = arith.cmpi slt, %select_n3A_52, %lt3A_57 : i32
      %ne3A_59 = arith.xori %lt3A_56, %lt3A_58 : i1
      %and3A_60 = arith.andi %ne3A_59, %ne3A_55 : i1
      %add3A_61 = arith.addi %rem3A_53, %select_n3A_52 : i32
      %select_n3A_62 = arith.select %and3A_60, %add3A_61, %rem3A_53 : i32
      %dma_wait3A = arith.constant 0 : i32
      %dma_wait3A_63 = arith.constant 0 : i32
      %dma_wait3A_64 = arith.constant 0 : i32
      %dma_wait3A_65 = arith.constant 0 : i32
      %dma_wait3A_66 = tpu.memref_slice %arg8[%dma_wait3A, %dma_wait3A_63, %dma_wait3A_64, %dma_wait3A_65] : memref<2x2x8x128xi32, #tpu.memory_space<vmem>> -> memref<1x1x8x128xi32, #tpu.memory_space<vmem>>
      %dma_wait3A_67 = tpu.memref_squeeze %dma_wait3A_66 : memref<1x1x8x128xi32, #tpu.memory_space<vmem>> -> memref<8x128xi32, #tpu.memory_space<vmem>>
      %dma_wait3A_68 = arith.constant 0 : i32
      %dma_wait3A_69 = tpu.memref_slice %arg3[%select_n3A_8, %dma_wait3A_68] : memref<2560x128xi32, #tpu.memory_space<hbm>> -> memref<8x128xi32, #tpu.memory_space<hbm>>
      %dma_wait3A_70 = arith.constant 0 : i32
      %dma_wait3A_71 = arith.constant 0 : i32
      %dma_wait3A_72 = tpu.memref_slice %arg8[%dma_wait3A, %dma_wait3A_63, %dma_wait3A_70, %dma_wait3A_71] : memref<2x2x8x128xi32, #tpu.memory_space<vmem>> -> memref<1x1x8x128xi32, #tpu.memory_space<vmem>>
      %dma_wait3A_73 = tpu.memref_squeeze %dma_wait3A_72 : memref<1x1x8x128xi32, #tpu.memory_space<vmem>> -> memref<8x128xi32, #tpu.memory_space<vmem>>
      %dma_wait3A_74 = arith.constant 0 : i32
      %dma_wait3A_75 = tpu.memref_slice %arg3[%select_n3A_8, %dma_wait3A_74] : memref<2560x128xi32, #tpu.memory_space<hbm>> -> memref<8x128xi32, #tpu.memory_space<hbm>>
      tpu.wait_dma2 semaphore(%arg11 : memref<!tpu.dma_semaphore, #tpu.memory_space<semaphore_mem>>) src(%dma_wait3A_75 : memref<8x128xi32, #tpu.memory_space<hbm>>) dst(%dma_wait3A_73 : memref<8x128xi32, #tpu.memory_space<vmem>>)
      %dma_wait3A_76 = arith.constant 0 : i32
      %dma_wait3A_77 = arith.constant 1 : i32
      %dma_wait3A_78 = arith.constant 0 : i32
      %dma_wait3A_79 = arith.constant 0 : i32
      %dma_wait3A_80 = tpu.memref_slice %arg8[%dma_wait3A_76, %dma_wait3A_77, %dma_wait3A_78, %dma_wait3A_79] : memref<2x2x8x128xi32, #tpu.memory_space<vmem>> -> memref<1x1x8x128xi32, #tpu.memory_space<vmem>>
      %dma_wait3A_81 = tpu.memref_squeeze %dma_wait3A_80 : memref<1x1x8x128xi32, #tpu.memory_space<vmem>> -> memref<8x128xi32, #tpu.memory_space<vmem>>
      %dma_wait3A_82 = arith.constant 0 : i32
      %dma_wait3A_83 = tpu.memref_slice %arg4[%select_n3A_8, %dma_wait3A_82] : memref<2560x128xi32, #tpu.memory_space<hbm>> -> memref<8x128xi32, #tpu.memory_space<hbm>>
      %dma_wait3A_84 = arith.constant 0 : i32
      %dma_wait3A_85 = arith.constant 0 : i32
      %dma_wait3A_86 = tpu.memref_slice %arg8[%dma_wait3A_76, %dma_wait3A_77, %dma_wait3A_84, %dma_wait3A_85] : memref<2x2x8x128xi32, #tpu.memory_space<vmem>> -> memref<1x1x8x128xi32, #tpu.memory_space<vmem>>
      %dma_wait3A_87 = tpu.memref_squeeze %dma_wait3A_86 : memref<1x1x8x128xi32, #tpu.memory_space<vmem>> -> memref<8x128xi32, #tpu.memory_space<vmem>>
      %dma_wait3A_88 = arith.constant 0 : i32
      %dma_wait3A_89 = tpu.memref_slice %arg4[%select_n3A_8, %dma_wait3A_88] : memref<2560x128xi32, #tpu.memory_space<hbm>> -> memref<8x128xi32, #tpu.memory_space<hbm>>
      tpu.wait_dma2 semaphore(%arg11 : memref<!tpu.dma_semaphore, #tpu.memory_space<semaphore_mem>>) src(%dma_wait3A_89 : memref<8x128xi32, #tpu.memory_space<hbm>>) dst(%dma_wait3A_87 : memref<8x128xi32, #tpu.memory_space<vmem>>)
      %add3A_90 = arith.constant 1 : i32
      %add3A_91 = arith.addi %while3A_47, %add3A_90 : i32
      %lt3A_92 = arith.cmpi slt, %add3A_91, %select_n3A_26 : i32
      %convert_element_type3A_93 = arith.extui %lt3A_92 : i1 to i32
      %cond3A_94 = arith.constant 0 : i32
      %cond3A_95 = arith.cmpi ne, %convert_element_type3A_93, %cond3A_94 : i32
      scf.if %cond3A_95 {
        %add3A_101 = arith.constant 1 : i32
        %add3A_102 = arith.addi %while3A_47, %add3A_101 : i32
        %jit3A_103 = arith.constant 2 : i32
        %eq3A_104 = arith.constant 0 : i32
        %eq3A_105 = arith.cmpi eq, %jit3A_103, %eq3A_104 : i32
        %jit3A_106 = arith.constant 1 : i32
        %select_n3A_107 = arith.select %eq3A_105, %jit3A_106, %jit3A_103 : i32
        %rem3A_108 = arith.remsi %add3A_102, %select_n3A_107 : i32
        %ne3A_109 = arith.constant 0 : i32
        %ne3A_110 = arith.cmpi ne, %rem3A_108, %ne3A_109 : i32
        %lt3A_111 = arith.constant 0 : i32
        %lt3A_112 = arith.cmpi slt, %rem3A_108, %lt3A_111 : i32
        %lt3A_113 = arith.constant 0 : i32
        %lt3A_114 = arith.cmpi slt, %select_n3A_107, %lt3A_113 : i32
        %ne3A_115 = arith.xori %lt3A_112, %lt3A_114 : i1
        %and3A_116 = arith.andi %ne3A_115, %ne3A_110 : i1
        %add3A_117 = arith.addi %rem3A_108, %select_n3A_107 : i32
        %select_n3A_118 = arith.select %and3A_116, %add3A_117, %rem3A_108 : i32
        %add3A_119 = arith.constant 1 : i32
        %add3A_120 = arith.addi %while3A_47, %add3A_119 : i32
        %mul3A_121 = arith.constant 8 : i32
        %mul3A_122 = arith.muli %add3A_120, %mul3A_121 : i32
        %add3A_123 = arith.addi %select_n3A_8, %mul3A_122 : i32
        %dma_start3A = arith.constant 0 : i32
        %dma_start3A_124 = arith.constant 0 : i32
        %dma_start3A_125 = arith.constant 0 : i32
        %dma_start3A_126 = tpu.memref_slice %arg8[%select_n3A_118, %dma_start3A, %dma_start3A_124, %dma_start3A_125] : memref<2x2x8x128xi32, #tpu.memory_space<vmem>> -> memref<1x1x8x128xi32, #tpu.memory_space<vmem>>
        %dma_start3A_127 = tpu.memref_squeeze %dma_start3A_126 : memref<1x1x8x128xi32, #tpu.memory_space<vmem>> -> memref<8x128xi32, #tpu.memory_space<vmem>>
        %dma_start3A_128 = arith.constant 0 : i32
        %dma_start3A_129 = tpu.memref_slice %arg3[%add3A_123, %dma_start3A_128] : memref<2560x128xi32, #tpu.memory_space<hbm>> -> memref<8x128xi32, #tpu.memory_space<hbm>>
        %dma_start3A_130 = arith.constant 0 : i32
        %dma_start3A_131 = arith.constant 0 : i32
        %dma_start3A_132 = tpu.memref_slice %arg8[%select_n3A_118, %dma_start3A, %dma_start3A_130, %dma_start3A_131] : memref<2x2x8x128xi32, #tpu.memory_space<vmem>> -> memref<1x1x8x128xi32, #tpu.memory_space<vmem>>
        %dma_start3A_133 = tpu.memref_squeeze %dma_start3A_132 : memref<1x1x8x128xi32, #tpu.memory_space<vmem>> -> memref<8x128xi32, #tpu.memory_space<vmem>>
        %dma_start3A_134 = arith.constant 0 : i32
        %dma_start3A_135 = tpu.memref_slice %arg3[%add3A_123, %dma_start3A_134] : memref<2560x128xi32, #tpu.memory_space<hbm>> -> memref<8x128xi32, #tpu.memory_space<hbm>>
        tpu.enqueue_dma source(%dma_start3A_135 : memref<8x128xi32, #tpu.memory_space<hbm>>) target(%dma_start3A_133 : memref<8x128xi32, #tpu.memory_space<vmem>>) target_semaphore(%arg11 : memref<!tpu.dma_semaphore, #tpu.memory_space<semaphore_mem>>)
        %dma_start3A_136 = arith.constant 1 : i32
        %dma_start3A_137 = arith.constant 0 : i32
        %dma_start3A_138 = arith.constant 0 : i32
        %dma_start3A_139 = tpu.memref_slice %arg8[%select_n3A_118, %dma_start3A_136, %dma_start3A_137, %dma_start3A_138] : memref<2x2x8x128xi32, #tpu.memory_space<vmem>> -> memref<1x1x8x128xi32, #tpu.memory_space<vmem>>
        %dma_start3A_140 = tpu.memref_squeeze %dma_start3A_139 : memref<1x1x8x128xi32, #tpu.memory_space<vmem>> -> memref<8x128xi32, #tpu.memory_space<vmem>>
        %dma_start3A_141 = arith.constant 0 : i32
        %dma_start3A_142 = tpu.memref_slice %arg4[%add3A_123, %dma_start3A_141] : memref<2560x128xi32, #tpu.memory_space<hbm>> -> memref<8x128xi32, #tpu.memory_space<hbm>>
        %dma_start3A_143 = arith.constant 0 : i32
        %dma_start3A_144 = arith.constant 0 : i32
        %dma_start3A_145 = tpu.memref_slice %arg8[%select_n3A_118, %dma_start3A_136, %dma_start3A_143, %dma_start3A_144] : memref<2x2x8x128xi32, #tpu.memory_space<vmem>> -> memref<1x1x8x128xi32, #tpu.memory_space<vmem>>
        %dma_start3A_146 = tpu.memref_squeeze %dma_start3A_145 : memref<1x1x8x128xi32, #tpu.memory_space<vmem>> -> memref<8x128xi32, #tpu.memory_space<vmem>>
        %dma_start3A_147 = arith.constant 0 : i32
        %dma_start3A_148 = tpu.memref_slice %arg4[%add3A_123, %dma_start3A_147] : memref<2560x128xi32, #tpu.memory_space<hbm>> -> memref<8x128xi32, #tpu.memory_space<hbm>>
        tpu.enqueue_dma source(%dma_start3A_148 : memref<8x128xi32, #tpu.memory_space<hbm>>) target(%dma_start3A_146 : memref<8x128xi32, #tpu.memory_space<vmem>>) target_semaphore(%arg11 : memref<!tpu.dma_semaphore, #tpu.memory_space<semaphore_mem>>)
      } else {
      }
      %scan3A = arith.constant 0 : i32
      %scan3A_96 = arith.constant 0 : i32
      %scan3A_97 = arith.constant 4 : i32
      %scan3A_98 = arith.addi %scan3A_96, %scan3A_97 : i32
      %scan3A_99 = arith.constant 1 : i32
      scf.for %scan3A_101 = %scan3A_96 to %scan3A_98 step %scan3A_99  : i32 {
        %mul3A_102 = arith.constant 2 : i32
        %mul3A_103 = arith.muli %scan3A_101, %mul3A_102 : i32
        %add3A_104 = arith.constant 0 : i32
        %add3A_105 = arith.addi %mul3A_103, %add3A_104 : i32
        %dma_start3A = arith.constant 0 : i32
        %dma_start3A_106 = arith.constant 0 : i32
        %dma_start3A_107 = tpu.memref_slice %arg8[%select_n3A_62, %dma_start3A, %add3A_105, %dma_start3A_106] : memref<2x2x8x128xi32, #tpu.memory_space<vmem>> -> memref<1x1x1x128xi32, #tpu.memory_space<vmem>>
        %dma_start3A_108 = tpu.memref_squeeze %dma_start3A_107 : memref<1x1x1x128xi32, #tpu.memory_space<vmem>> -> memref<128xi32, #tpu.memory_space<vmem>>
        %dma_start3A_109 = arith.constant 0 : i32
        %dma_start3A_110 = arith.constant 0 : i32
        %dma_start3A_111 = tpu.memref_slice %arg2[%dma_start3A_109, %dma_start3A_110] : memref<10000x128xf32, #tpu.memory_space<hbm>> -> memref<10000x128xf32, #tpu.memory_space<hbm>>
        tpu.enqueue_indirect_dma source(%dma_start3A_111 : memref<10000x128xf32, #tpu.memory_space<hbm>>) target(%arg9 : memref<128x128xf32, #tpu.memory_space<vmem>>) offsets(%dma_start3A_108 : memref<128xi32, #tpu.memory_space<vmem>>) semaphore(%arg12 : memref<!tpu.dma_semaphore, #tpu.memory_space<semaphore_mem>>)
        %add3A_112 = arith.constant 1 : i32
        %add3A_113 = arith.addi %mul3A_103, %add3A_112 : i32
        %dma_start3A_114 = arith.constant 0 : i32
        %dma_start3A_115 = arith.constant 0 : i32
        %dma_start3A_116 = tpu.memref_slice %arg8[%select_n3A_62, %dma_start3A_114, %add3A_113, %dma_start3A_115] : memref<2x2x8x128xi32, #tpu.memory_space<vmem>> -> memref<1x1x1x128xi32, #tpu.memory_space<vmem>>
        %dma_start3A_117 = tpu.memref_squeeze %dma_start3A_116 : memref<1x1x1x128xi32, #tpu.memory_space<vmem>> -> memref<128xi32, #tpu.memory_space<vmem>>
        %dma_start3A_118 = arith.constant 0 : i32
        %dma_start3A_119 = arith.constant 0 : i32
        %dma_start3A_120 = tpu.memref_slice %arg2[%dma_start3A_118, %dma_start3A_119] : memref<10000x128xf32, #tpu.memory_space<hbm>> -> memref<10000x128xf32, #tpu.memory_space<hbm>>
        tpu.enqueue_indirect_dma source(%dma_start3A_120 : memref<10000x128xf32, #tpu.memory_space<hbm>>) target(%arg10 : memref<128x128xf32, #tpu.memory_space<vmem>>) offsets(%dma_start3A_117 : memref<128xi32, #tpu.memory_space<vmem>>) semaphore(%arg13 : memref<!tpu.dma_semaphore, #tpu.memory_space<semaphore_mem>>)
        %dma_wait3A_121 = arith.constant 0 : i32
        %dma_wait3A_122 = arith.constant 0 : i32
        %dma_wait3A_123 = tpu.memref_slice %arg8[%select_n3A_62, %dma_wait3A_121, %add3A_105, %dma_wait3A_122] : memref<2x2x8x128xi32, #tpu.memory_space<vmem>> -> memref<1x1x1x128xi32, #tpu.memory_space<vmem>>
        %dma_wait3A_124 = tpu.memref_squeeze %dma_wait3A_123 : memref<1x1x1x128xi32, #tpu.memory_space<vmem>> -> memref<128xi32, #tpu.memory_space<vmem>>
        %dma_wait3A_125 = arith.constant 0 : i32
        %dma_wait3A_126 = arith.constant 0 : i32
        %dma_wait3A_127 = tpu.memref_slice %arg2[%dma_wait3A_125, %dma_wait3A_126] : memref<10000x128xf32, #tpu.memory_space<hbm>> -> memref<10000x128xf32, #tpu.memory_space<hbm>>
        tpu.wait_indirect_dma semaphore(%arg12 : memref<!tpu.dma_semaphore, #tpu.memory_space<semaphore_mem>>) src(%dma_wait3A_127 : memref<10000x128xf32, #tpu.memory_space<hbm>>) dst(%arg9 : memref<128x128xf32, #tpu.memory_space<vmem>>)
        %add3A_128 = arith.constant 0 : i32
        %add3A_129 = arith.addi %mul3A_103, %add3A_128 : i32
        %dma_start3A_130 = arith.constant 1 : i32
        %dma_start3A_131 = arith.constant 0 : i32
        %dma_start3A_132 = tpu.memref_slice %arg8[%select_n3A_62, %dma_start3A_130, %add3A_129, %dma_start3A_131] : memref<2x2x8x128xi32, #tpu.memory_space<vmem>> -> memref<1x1x1x128xi32, #tpu.memory_space<vmem>>
        %dma_start3A_133 = tpu.memref_squeeze %dma_start3A_132 : memref<1x1x1x128xi32, #tpu.memory_space<vmem>> -> memref<128xi32, #tpu.memory_space<vmem>>
        %dma_start3A_134 = arith.constant 0 : i32
        %dma_start3A_135 = arith.constant 0 : i32
        %dma_start3A_136 = tpu.memref_slice %arg7[%dma_start3A_134, %dma_start3A_135] : memref<10112x128xf32, #tpu.memory_space<vmem_shared>> -> memref<10112x128xf32, #tpu.memory_space<vmem_shared>>
        tpu.enqueue_indirect_dma source(%arg9 : memref<128x128xf32, #tpu.memory_space<vmem>>) target(%dma_start3A_136 : memref<10112x128xf32, #tpu.memory_space<vmem_shared>>) offsets(%dma_start3A_133 : memref<128xi32, #tpu.memory_space<vmem>>) semaphore(%arg14 : memref<!tpu.dma_semaphore, #tpu.memory_space<semaphore_mem>>) {add = true}
        %dma_wait3A_137 = arith.constant 0 : i32
        %dma_wait3A_138 = arith.constant 0 : i32
        %dma_wait3A_139 = tpu.memref_slice %arg8[%select_n3A_62, %dma_wait3A_137, %add3A_113, %dma_wait3A_138] : memref<2x2x8x128xi32, #tpu.memory_space<vmem>> -> memref<1x1x1x128xi32, #tpu.memory_space<vmem>>
        %dma_wait3A_140 = tpu.memref_squeeze %dma_wait3A_139 : memref<1x1x1x128xi32, #tpu.memory_space<vmem>> -> memref<128xi32, #tpu.memory_space<vmem>>
        %dma_wait3A_141 = arith.constant 0 : i32
        %dma_wait3A_142 = arith.constant 0 : i32
        %dma_wait3A_143 = tpu.memref_slice %arg2[%dma_wait3A_141, %dma_wait3A_142] : memref<10000x128xf32, #tpu.memory_space<hbm>> -> memref<10000x128xf32, #tpu.memory_space<hbm>>
        tpu.wait_indirect_dma semaphore(%arg13 : memref<!tpu.dma_semaphore, #tpu.memory_space<semaphore_mem>>) src(%dma_wait3A_143 : memref<10000x128xf32, #tpu.memory_space<hbm>>) dst(%arg10 : memref<128x128xf32, #tpu.memory_space<vmem>>)
        %add3A_144 = arith.constant 1 : i32
        %add3A_145 = arith.addi %mul3A_103, %add3A_144 : i32
        %dma_start3A_146 = arith.constant 1 : i32
        %dma_start3A_147 = arith.constant 0 : i32
        %dma_start3A_148 = tpu.memref_slice %arg8[%select_n3A_62, %dma_start3A_146, %add3A_145, %dma_start3A_147] : memref<2x2x8x128xi32, #tpu.memory_space<vmem>> -> memref<1x1x1x128xi32, #tpu.memory_space<vmem>>
        %dma_start3A_149 = tpu.memref_squeeze %dma_start3A_148 : memref<1x1x1x128xi32, #tpu.memory_space<vmem>> -> memref<128xi32, #tpu.memory_space<vmem>>
        %dma_start3A_150 = arith.constant 0 : i32
        %dma_start3A_151 = arith.constant 0 : i32
        %dma_start3A_152 = tpu.memref_slice %arg7[%dma_start3A_150, %dma_start3A_151] : memref<10112x128xf32, #tpu.memory_space<vmem_shared>> -> memref<10112x128xf32, #tpu.memory_space<vmem_shared>>
        tpu.enqueue_indirect_dma source(%arg10 : memref<128x128xf32, #tpu.memory_space<vmem>>) target(%dma_start3A_152 : memref<10112x128xf32, #tpu.memory_space<vmem_shared>>) offsets(%dma_start3A_149 : memref<128xi32, #tpu.memory_space<vmem>>) semaphore(%arg15 : memref<!tpu.dma_semaphore, #tpu.memory_space<semaphore_mem>>) {add = true}
        %dma_wait3A_153 = arith.constant 1 : i32
        %dma_wait3A_154 = arith.constant 0 : i32
        %dma_wait3A_155 = tpu.memref_slice %arg8[%select_n3A_62, %dma_wait3A_153, %add3A_129, %dma_wait3A_154] : memref<2x2x8x128xi32, #tpu.memory_space<vmem>> -> memref<1x1x1x128xi32, #tpu.memory_space<vmem>>
        %dma_wait3A_156 = tpu.memref_squeeze %dma_wait3A_155 : memref<1x1x1x128xi32, #tpu.memory_space<vmem>> -> memref<128xi32, #tpu.memory_space<vmem>>
        %dma_wait3A_157 = arith.constant 0 : i32
        %dma_wait3A_158 = arith.constant 0 : i32
        %dma_wait3A_159 = tpu.memref_slice %arg7[%dma_wait3A_157, %dma_wait3A_158] : memref<10112x128xf32, #tpu.memory_space<vmem_shared>> -> memref<10112x128xf32, #tpu.memory_space<vmem_shared>>
        tpu.wait_indirect_dma semaphore(%arg14 : memref<!tpu.dma_semaphore, #tpu.memory_space<semaphore_mem>>) src(%arg9 : memref<128x128xf32, #tpu.memory_space<vmem>>) dst(%dma_wait3A_159 : memref<10112x128xf32, #tpu.memory_space<vmem_shared>>)
        %dma_wait3A_160 = arith.constant 1 : i32
        %dma_wait3A_161 = arith.constant 0 : i32
        %dma_wait3A_162 = tpu.memref_slice %arg8[%select_n3A_62, %dma_wait3A_160, %add3A_145, %dma_wait3A_161] : memref<2x2x8x128xi32, #tpu.memory_space<vmem>> -> memref<1x1x1x128xi32, #tpu.memory_space<vmem>>
        %dma_wait3A_163 = tpu.memref_squeeze %dma_wait3A_162 : memref<1x1x1x128xi32, #tpu.memory_space<vmem>> -> memref<128xi32, #tpu.memory_space<vmem>>
        %dma_wait3A_164 = arith.constant 0 : i32
        %dma_wait3A_165 = arith.constant 0 : i32
        %dma_wait3A_166 = tpu.memref_slice %arg7[%dma_wait3A_164, %dma_wait3A_165] : memref<10112x128xf32, #tpu.memory_space<vmem_shared>> -> memref<10112x128xf32, #tpu.memory_space<vmem_shared>>
        tpu.wait_indirect_dma semaphore(%arg15 : memref<!tpu.dma_semaphore, #tpu.memory_space<semaphore_mem>>) src(%arg10 : memref<128x128xf32, #tpu.memory_space<vmem>>) dst(%dma_wait3A_166 : memref<10112x128xf32, #tpu.memory_space<vmem_shared>>)
      }
      %scan3A_100 = arith.constant 4 : i32
    }
    %while3A_41 = arith.constant 1 : i32
    scf.for %while3A_47 = %while3A_39 to %while3A_35 step %while3A_41  : i32 {
      %jit3A_48 = arith.constant 2 : i32
      %eq3A_49 = arith.constant 0 : i32
      %eq3A_50 = arith.cmpi eq, %jit3A_48, %eq3A_49 : i32
      %jit3A_51 = arith.constant 1 : i32
      %select_n3A_52 = arith.select %eq3A_50, %jit3A_51, %jit3A_48 : i32
      %rem3A_53 = arith.remsi %while3A_47, %select_n3A_52 : i32
      %ne3A_54 = arith.constant 0 : i32
      %ne3A_55 = arith.cmpi ne, %rem3A_53, %ne3A_54 : i32
      %lt3A = arith.constant 0 : i32
      %lt3A_56 = arith.cmpi slt, %rem3A_53, %lt3A : i32
      %lt3A_57 = arith.constant 0 : i32
      %lt3A_58 = arith.cmpi slt, %select_n3A_52, %lt3A_57 : i32
      %ne3A_59 = arith.xori %lt3A_56, %lt3A_58 : i1
      %and3A_60 = arith.andi %ne3A_59, %ne3A_55 : i1
      %add3A_61 = arith.addi %rem3A_53, %select_n3A_52 : i32
      %select_n3A_62 = arith.select %and3A_60, %add3A_61, %rem3A_53 : i32
      %dma_wait3A = arith.constant 0 : i32
      %dma_wait3A_63 = arith.constant 0 : i32
      %dma_wait3A_64 = arith.constant 0 : i32
      %dma_wait3A_65 = arith.constant 0 : i32
      %dma_wait3A_66 = tpu.memref_slice %arg8[%dma_wait3A, %dma_wait3A_63, %dma_wait3A_64, %dma_wait3A_65] : memref<2x2x8x128xi32, #tpu.memory_space<vmem>> -> memref<1x1x8x128xi32, #tpu.memory_space<vmem>>
      %dma_wait3A_67 = tpu.memref_squeeze %dma_wait3A_66 : memref<1x1x8x128xi32, #tpu.memory_space<vmem>> -> memref<8x128xi32, #tpu.memory_space<vmem>>
      %dma_wait3A_68 = arith.constant 0 : i32
      %dma_wait3A_69 = tpu.memref_slice %arg3[%select_n3A_8, %dma_wait3A_68] : memref<2560x128xi32, #tpu.memory_space<hbm>> -> memref<8x128xi32, #tpu.memory_space<hbm>>
      %dma_wait3A_70 = arith.constant 0 : i32
      %dma_wait3A_71 = arith.constant 0 : i32
      %dma_wait3A_72 = tpu.memref_slice %arg8[%dma_wait3A, %dma_wait3A_63, %dma_wait3A_70, %dma_wait3A_71] : memref<2x2x8x128xi32, #tpu.memory_space<vmem>> -> memref<1x1x8x128xi32, #tpu.memory_space<vmem>>
      %dma_wait3A_73 = tpu.memref_squeeze %dma_wait3A_72 : memref<1x1x8x128xi32, #tpu.memory_space<vmem>> -> memref<8x128xi32, #tpu.memory_space<vmem>>
      %dma_wait3A_74 = arith.constant 0 : i32
      %dma_wait3A_75 = tpu.memref_slice %arg3[%select_n3A_8, %dma_wait3A_74] : memref<2560x128xi32, #tpu.memory_space<hbm>> -> memref<8x128xi32, #tpu.memory_space<hbm>>
      tpu.wait_dma2 semaphore(%arg11 : memref<!tpu.dma_semaphore, #tpu.memory_space<semaphore_mem>>) src(%dma_wait3A_75 : memref<8x128xi32, #tpu.memory_space<hbm>>) dst(%dma_wait3A_73 : memref<8x128xi32, #tpu.memory_space<vmem>>)
      %dma_wait3A_76 = arith.constant 0 : i32
      %dma_wait3A_77 = arith.constant 1 : i32
      %dma_wait3A_78 = arith.constant 0 : i32
      %dma_wait3A_79 = arith.constant 0 : i32
      %dma_wait3A_80 = tpu.memref_slice %arg8[%dma_wait3A_76, %dma_wait3A_77, %dma_wait3A_78, %dma_wait3A_79] : memref<2x2x8x128xi32, #tpu.memory_space<vmem>> -> memref<1x1x8x128xi32, #tpu.memory_space<vmem>>
      %dma_wait3A_81 = tpu.memref_squeeze %dma_wait3A_80 : memref<1x1x8x128xi32, #tpu.memory_space<vmem>> -> memref<8x128xi32, #tpu.memory_space<vmem>>
      %dma_wait3A_82 = arith.constant 0 : i32
      %dma_wait3A_83 = tpu.memref_slice %arg4[%select_n3A_8, %dma_wait3A_82] : memref<2560x128xi32, #tpu.memory_space<hbm>> -> memref<8x128xi32, #tpu.memory_space<hbm>>
      %dma_wait3A_84 = arith.constant 0 : i32
      %dma_wait3A_85 = arith.constant 0 : i32
      %dma_wait3A_86 = tpu.memref_slice %arg8[%dma_wait3A_76, %dma_wait3A_77, %dma_wait3A_84, %dma_wait3A_85] : memref<2x2x8x128xi32, #tpu.memory_space<vmem>> -> memref<1x1x8x128xi32, #tpu.memory_space<vmem>>
      %dma_wait3A_87 = tpu.memref_squeeze %dma_wait3A_86 : memref<1x1x8x128xi32, #tpu.memory_space<vmem>> -> memref<8x128xi32, #tpu.memory_space<vmem>>
      %dma_wait3A_88 = arith.constant 0 : i32
      %dma_wait3A_89 = tpu.memref_slice %arg4[%select_n3A_8, %dma_wait3A_88] : memref<2560x128xi32, #tpu.memory_space<hbm>> -> memref<8x128xi32, #tpu.memory_space<hbm>>
      tpu.wait_dma2 semaphore(%arg11 : memref<!tpu.dma_semaphore, #tpu.memory_space<semaphore_mem>>) src(%dma_wait3A_89 : memref<8x128xi32, #tpu.memory_space<hbm>>) dst(%dma_wait3A_87 : memref<8x128xi32, #tpu.memory_space<vmem>>)
      %add3A_90 = arith.constant 1 : i32
      %add3A_91 = arith.addi %while3A_47, %add3A_90 : i32
      %lt3A_92 = arith.cmpi slt, %add3A_91, %select_n3A_26 : i32
      %convert_element_type3A_93 = arith.extui %lt3A_92 : i1 to i32
      %cond3A_94 = arith.constant 0 : i32
      %cond3A_95 = arith.cmpi ne, %convert_element_type3A_93, %cond3A_94 : i32
      scf.if %cond3A_95 {
        %add3A_101 = arith.constant 1 : i32
        %add3A_102 = arith.addi %while3A_47, %add3A_101 : i32
        %jit3A_103 = arith.constant 2 : i32
        %eq3A_104 = arith.constant 0 : i32
        %eq3A_105 = arith.cmpi eq, %jit3A_103, %eq3A_104 : i32
        %jit3A_106 = arith.constant 1 : i32
        %select_n3A_107 = arith.select %eq3A_105, %jit3A_106, %jit3A_103 : i32
        %rem3A_108 = arith.remsi %add3A_102, %select_n3A_107 : i32
        %ne3A_109 = arith.constant 0 : i32
        %ne3A_110 = arith.cmpi ne, %rem3A_108, %ne3A_109 : i32
        %lt3A_111 = arith.constant 0 : i32
        %lt3A_112 = arith.cmpi slt, %rem3A_108, %lt3A_111 : i32
        %lt3A_113 = arith.constant 0 : i32
        %lt3A_114 = arith.cmpi slt, %select_n3A_107, %lt3A_113 : i32
        %ne3A_115 = arith.xori %lt3A_112, %lt3A_114 : i1
        %and3A_116 = arith.andi %ne3A_115, %ne3A_110 : i1
        %add3A_117 = arith.addi %rem3A_108, %select_n3A_107 : i32
        %select_n3A_118 = arith.select %and3A_116, %add3A_117, %rem3A_108 : i32
        %add3A_119 = arith.constant 1 : i32
        %add3A_120 = arith.addi %while3A_47, %add3A_119 : i32
        %mul3A_121 = arith.constant 8 : i32
        %mul3A_122 = arith.muli %add3A_120, %mul3A_121 : i32
        %add3A_123 = arith.addi %select_n3A_8, %mul3A_122 : i32
        %dma_start3A = arith.constant 0 : i32
        %dma_start3A_124 = arith.constant 0 : i32
        %dma_start3A_125 = arith.constant 0 : i32
        %dma_start3A_126 = tpu.memref_slice %arg8[%select_n3A_118, %dma_start3A, %dma_start3A_124, %dma_start3A_125] : memref<2x2x8x128xi32, #tpu.memory_space<vmem>> -> memref<1x1x8x128xi32, #tpu.memory_space<vmem>>
        %dma_start3A_127 = tpu.memref_squeeze %dma_start3A_126 : memref<1x1x8x128xi32, #tpu.memory_space<vmem>> -> memref<8x128xi32, #tpu.memory_space<vmem>>
        %dma_start3A_128 = arith.constant 0 : i32
        %dma_start3A_129 = tpu.memref_slice %arg3[%add3A_123, %dma_start3A_128] : memref<2560x128xi32, #tpu.memory_space<hbm>> -> memref<8x128xi32, #tpu.memory_space<hbm>>
        %dma_start3A_130 = arith.constant 0 : i32
        %dma_start3A_131 = arith.constant 0 : i32
        %dma_start3A_132 = tpu.memref_slice %arg8[%select_n3A_118, %dma_start3A, %dma_start3A_130, %dma_start3A_131] : memref<2x2x8x128xi32, #tpu.memory_space<vmem>> -> memref<1x1x8x128xi32, #tpu.memory_space<vmem>>
        %dma_start3A_133 = tpu.memref_squeeze %dma_start3A_132 : memref<1x1x8x128xi32, #tpu.memory_space<vmem>> -> memref<8x128xi32, #tpu.memory_space<vmem>>
        %dma_start3A_134 = arith.constant 0 : i32
        %dma_start3A_135 = tpu.memref_slice %arg3[%add3A_123, %dma_start3A_134] : memref<2560x128xi32, #tpu.memory_space<hbm>> -> memref<8x128xi32, #tpu.memory_space<hbm>>
        tpu.enqueue_dma source(%dma_start3A_135 : memref<8x128xi32, #tpu.memory_space<hbm>>) target(%dma_start3A_133 : memref<8x128xi32, #tpu.memory_space<vmem>>) target_semaphore(%arg11 : memref<!tpu.dma_semaphore, #tpu.memory_space<semaphore_mem>>)
        %dma_start3A_136 = arith.constant 1 : i32
        %dma_start3A_137 = arith.constant 0 : i32
        %dma_start3A_138 = arith.constant 0 : i32
        %dma_start3A_139 = tpu.memref_slice %arg8[%select_n3A_118, %dma_start3A_136, %dma_start3A_137, %dma_start3A_138] : memref<2x2x8x128xi32, #tpu.memory_space<vmem>> -> memref<1x1x8x128xi32, #tpu.memory_space<vmem>>
        %dma_start3A_140 = tpu.memref_squeeze %dma_start3A_139 : memref<1x1x8x128xi32, #tpu.memory_space<vmem>> -> memref<8x128xi32, #tpu.memory_space<vmem>>
        %dma_start3A_141 = arith.constant 0 : i32
        %dma_start3A_142 = tpu.memref_slice %arg4[%add3A_123, %dma_start3A_141] : memref<2560x128xi32, #tpu.memory_space<hbm>> -> memref<8x128xi32, #tpu.memory_space<hbm>>
        %dma_start3A_143 = arith.constant 0 : i32
        %dma_start3A_144 = arith.constant 0 : i32
        %dma_start3A_145 = tpu.memref_slice %arg8[%select_n3A_118, %dma_start3A_136, %dma_start3A_143, %dma_start3A_144] : memref<2x2x8x128xi32, #tpu.memory_space<vmem>> -> memref<1x1x8x128xi32, #tpu.memory_space<vmem>>
        %dma_start3A_146 = tpu.memref_squeeze %dma_start3A_145 : memref<1x1x8x128xi32, #tpu.memory_space<vmem>> -> memref<8x128xi32, #tpu.memory_space<vmem>>
        %dma_start3A_147 = arith.constant 0 : i32
        %dma_start3A_148 = tpu.memref_slice %arg4[%add3A_123, %dma_start3A_147] : memref<2560x128xi32, #tpu.memory_space<hbm>> -> memref<8x128xi32, #tpu.memory_space<hbm>>
        tpu.enqueue_dma source(%dma_start3A_148 : memref<8x128xi32, #tpu.memory_space<hbm>>) target(%dma_start3A_146 : memref<8x128xi32, #tpu.memory_space<vmem>>) target_semaphore(%arg11 : memref<!tpu.dma_semaphore, #tpu.memory_space<semaphore_mem>>)
      } else {
      }
      %scan3A = arith.constant 0 : i32
      %scan3A_96 = arith.constant 0 : i32
      %scan3A_97 = arith.constant 4 : i32
      %scan3A_98 = arith.addi %scan3A_96, %scan3A_97 : i32
      %scan3A_99 = arith.constant 1 : i32
      scf.for %scan3A_101 = %scan3A_96 to %scan3A_98 step %scan3A_99  : i32 {
        %mul3A_102 = arith.constant 2 : i32
        %mul3A_103 = arith.muli %scan3A_101, %mul3A_102 : i32
        %add3A_104 = arith.constant 0 : i32
        %add3A_105 = arith.addi %mul3A_103, %add3A_104 : i32
        %dma_start3A = arith.constant 0 : i32
        %dma_start3A_106 = arith.constant 0 : i32
        %dma_start3A_107 = tpu.memref_slice %arg8[%select_n3A_62, %dma_start3A, %add3A_105, %dma_start3A_106] : memref<2x2x8x128xi32, #tpu.memory_space<vmem>> -> memref<1x1x1x128xi32, #tpu.memory_space<vmem>>
        %dma_start3A_108 = tpu.memref_squeeze %dma_start3A_107 : memref<1x1x1x128xi32, #tpu.memory_space<vmem>> -> memref<128xi32, #tpu.memory_space<vmem>>
        %dma_start3A_109 = arith.constant 0 : i32
        %dma_start3A_110 = arith.constant 0 : i32
        %dma_start3A_111 = tpu.memref_slice %arg2[%dma_start3A_109, %dma_start3A_110] : memref<10000x128xf32, #tpu.memory_space<hbm>> -> memref<10000x128xf32, #tpu.memory_space<hbm>>
        tpu.enqueue_indirect_dma source(%dma_start3A_111 : memref<10000x128xf32, #tpu.memory_space<hbm>>) target(%arg9 : memref<128x128xf32, #tpu.memory_space<vmem>>) offsets(%dma_start3A_108 : memref<128xi32, #tpu.memory_space<vmem>>) semaphore(%arg12 : memref<!tpu.dma_semaphore, #tpu.memory_space<semaphore_mem>>)
        %add3A_112 = arith.constant 1 : i32
        %add3A_113 = arith.addi %mul3A_103, %add3A_112 : i32
        %dma_start3A_114 = arith.constant 0 : i32
        %dma_start3A_115 = arith.constant 0 : i32
        %dma_start3A_116 = tpu.memref_slice %arg8[%select_n3A_62, %dma_start3A_114, %add3A_113, %dma_start3A_115] : memref<2x2x8x128xi32, #tpu.memory_space<vmem>> -> memref<1x1x1x128xi32, #tpu.memory_space<vmem>>
        %dma_start3A_117 = tpu.memref_squeeze %dma_start3A_116 : memref<1x1x1x128xi32, #tpu.memory_space<vmem>> -> memref<128xi32, #tpu.memory_space<vmem>>
        %dma_start3A_118 = arith.constant 0 : i32
        %dma_start3A_119 = arith.constant 0 : i32
        %dma_start3A_120 = tpu.memref_slice %arg2[%dma_start3A_118, %dma_start3A_119] : memref<10000x128xf32, #tpu.memory_space<hbm>> -> memref<10000x128xf32, #tpu.memory_space<hbm>>
        tpu.enqueue_indirect_dma source(%dma_start3A_120 : memref<10000x128xf32, #tpu.memory_space<hbm>>) target(%arg10 : memref<128x128xf32, #tpu.memory_space<vmem>>) offsets(%dma_start3A_117 : memref<128xi32, #tpu.memory_space<vmem>>) semaphore(%arg13 : memref<!tpu.dma_semaphore, #tpu.memory_space<semaphore_mem>>)
        %dma_wait3A_121 = arith.constant 0 : i32
        %dma_wait3A_122 = arith.constant 0 : i32
        %dma_wait3A_123 = tpu.memref_slice %arg8[%select_n3A_62, %dma_wait3A_121, %add3A_105, %dma_wait3A_122] : memref<2x2x8x128xi32, #tpu.memory_space<vmem>> -> memref<1x1x1x128xi32, #tpu.memory_space<vmem>>
        %dma_wait3A_124 = tpu.memref_squeeze %dma_wait3A_123 : memref<1x1x1x128xi32, #tpu.memory_space<vmem>> -> memref<128xi32, #tpu.memory_space<vmem>>
        %dma_wait3A_125 = arith.constant 0 : i32
        %dma_wait3A_126 = arith.constant 0 : i32
        %dma_wait3A_127 = tpu.memref_slice %arg2[%dma_wait3A_125, %dma_wait3A_126] : memref<10000x128xf32, #tpu.memory_space<hbm>> -> memref<10000x128xf32, #tpu.memory_space<hbm>>
        tpu.wait_indirect_dma semaphore(%arg12 : memref<!tpu.dma_semaphore, #tpu.memory_space<semaphore_mem>>) src(%dma_wait3A_127 : memref<10000x128xf32, #tpu.memory_space<hbm>>) dst(%arg9 : memref<128x128xf32, #tpu.memory_space<vmem>>)
        %add3A_128 = arith.constant 0 : i32
        %add3A_129 = arith.addi %mul3A_103, %add3A_128 : i32
        %dma_start3A_130 = arith.constant 1 : i32
        %dma_start3A_131 = arith.constant 0 : i32
        %dma_start3A_132 = tpu.memref_slice %arg8[%select_n3A_62, %dma_start3A_130, %add3A_129, %dma_start3A_131] : memref<2x2x8x128xi32, #tpu.memory_space<vmem>> -> memref<1x1x1x128xi32, #tpu.memory_space<vmem>>
        %dma_start3A_133 = tpu.memref_squeeze %dma_start3A_132 : memref<1x1x1x128xi32, #tpu.memory_space<vmem>> -> memref<128xi32, #tpu.memory_space<vmem>>
        %dma_start3A_134 = arith.constant 0 : i32
        %dma_start3A_135 = arith.constant 0 : i32
        %dma_start3A_136 = tpu.memref_slice %arg7[%dma_start3A_134, %dma_start3A_135] : memref<10112x128xf32, #tpu.memory_space<vmem_shared>> -> memref<10112x128xf32, #tpu.memory_space<vmem_shared>>
        tpu.enqueue_indirect_dma source(%arg9 : memref<128x128xf32, #tpu.memory_space<vmem>>) target(%dma_start3A_136 : memref<10112x128xf32, #tpu.memory_space<vmem_shared>>) offsets(%dma_start3A_133 : memref<128xi32, #tpu.memory_space<vmem>>) semaphore(%arg14 : memref<!tpu.dma_semaphore, #tpu.memory_space<semaphore_mem>>) {add = true}
        %dma_wait3A_137 = arith.constant 0 : i32
        %dma_wait3A_138 = arith.constant 0 : i32
        %dma_wait3A_139 = tpu.memref_slice %arg8[%select_n3A_62, %dma_wait3A_137, %add3A_113, %dma_wait3A_138] : memref<2x2x8x128xi32, #tpu.memory_space<vmem>> -> memref<1x1x1x128xi32, #tpu.memory_space<vmem>>
        %dma_wait3A_140 = tpu.memref_squeeze %dma_wait3A_139 : memref<1x1x1x128xi32, #tpu.memory_space<vmem>> -> memref<128xi32, #tpu.memory_space<vmem>>
        %dma_wait3A_141 = arith.constant 0 : i32
        %dma_wait3A_142 = arith.constant 0 : i32
        %dma_wait3A_143 = tpu.memref_slice %arg2[%dma_wait3A_141, %dma_wait3A_142] : memref<10000x128xf32, #tpu.memory_space<hbm>> -> memref<10000x128xf32, #tpu.memory_space<hbm>>
        tpu.wait_indirect_dma semaphore(%arg13 : memref<!tpu.dma_semaphore, #tpu.memory_space<semaphore_mem>>) src(%dma_wait3A_143 : memref<10000x128xf32, #tpu.memory_space<hbm>>) dst(%arg10 : memref<128x128xf32, #tpu.memory_space<vmem>>)
        %add3A_144 = arith.constant 1 : i32
        %add3A_145 = arith.addi %mul3A_103, %add3A_144 : i32
        %dma_start3A_146 = arith.constant 1 : i32
        %dma_start3A_147 = arith.constant 0 : i32
        %dma_start3A_148 = tpu.memref_slice %arg8[%select_n3A_62, %dma_start3A_146, %add3A_145, %dma_start3A_147] : memref<2x2x8x128xi32, #tpu.memory_space<vmem>> -> memref<1x1x1x128xi32, #tpu.memory_space<vmem>>
        %dma_start3A_149 = tpu.memref_squeeze %dma_start3A_148 : memref<1x1x1x128xi32, #tpu.memory_space<vmem>> -> memref<128xi32, #tpu.memory_space<vmem>>
        %dma_start3A_150 = arith.constant 0 : i32
        %dma_start3A_151 = arith.constant 0 : i32
        %dma_start3A_152 = tpu.memref_slice %arg7[%dma_start3A_150, %dma_start3A_151] : memref<10112x128xf32, #tpu.memory_space<vmem_shared>> -> memref<10112x128xf32, #tpu.memory_space<vmem_shared>>
        tpu.enqueue_indirect_dma source(%arg10 : memref<128x128xf32, #tpu.memory_space<vmem>>) target(%dma_start3A_152 : memref<10112x128xf32, #tpu.memory_space<vmem_shared>>) offsets(%dma_start3A_149 : memref<128xi32, #tpu.memory_space<vmem>>) semaphore(%arg15 : memref<!tpu.dma_semaphore, #tpu.memory_space<semaphore_mem>>) {add = true}
        %dma_wait3A_153 = arith.constant 1 : i32
        %dma_wait3A_154 = arith.constant 0 : i32
        %dma_wait3A_155 = tpu.memref_slice %arg8[%select_n3A_62, %dma_wait3A_153, %add3A_129, %dma_wait3A_154] : memref<2x2x8x128xi32, #tpu.memory_space<vmem>> -> memref<1x1x1x128xi32, #tpu.memory_space<vmem>>
        %dma_wait3A_156 = tpu.memref_squeeze %dma_wait3A_155 : memref<1x1x1x128xi32, #tpu.memory_space<vmem>> -> memref<128xi32, #tpu.memory_space<vmem>>
        %dma_wait3A_157 = arith.constant 0 : i32
        %dma_wait3A_158 = arith.constant 0 : i32
        %dma_wait3A_159 = tpu.memref_slice %arg7[%dma_wait3A_157, %dma_wait3A_158] : memref<10112x128xf32, #tpu.memory_space<vmem_shared>> -> memref<10112x128xf32, #tpu.memory_space<vmem_shared>>
        tpu.wait_indirect_dma semaphore(%arg14 : memref<!tpu.dma_semaphore, #tpu.memory_space<semaphore_mem>>) src(%arg9 : memref<128x128xf32, #tpu.memory_space<vmem>>) dst(%dma_wait3A_159 : memref<10112x128xf32, #tpu.memory_space<vmem_shared>>)
        %dma_wait3A_160 = arith.constant 1 : i32
        %dma_wait3A_161 = arith.constant 0 : i32
        %dma_wait3A_162 = tpu.memref_slice %arg8[%select_n3A_62, %dma_wait3A_160, %add3A_145, %dma_wait3A_161] : memref<2x2x8x128xi32, #tpu.memory_space<vmem>> -> memref<1x1x1x128xi32, #tpu.memory_space<vmem>>
        %dma_wait3A_163 = tpu.memref_squeeze %dma_wait3A_162 : memref<1x1x1x128xi32, #tpu.memory_space<vmem>> -> memref<128xi32, #tpu.memory_space<vmem>>
        %dma_wait3A_164 = arith.constant 0 : i32
        %dma_wait3A_165 = arith.constant 0 : i32
        %dma_wait3A_166 = tpu.memref_slice %arg7[%dma_wait3A_164, %dma_wait3A_165] : memref<10112x128xf32, #tpu.memory_space<vmem_shared>> -> memref<10112x128xf32, #tpu.memory_space<vmem_shared>>
        tpu.wait_indirect_dma semaphore(%arg15 : memref<!tpu.dma_semaphore, #tpu.memory_space<semaphore_mem>>) src(%arg10 : memref<128x128xf32, #tpu.memory_space<vmem>>) dst(%dma_wait3A_166 : memref<10112x128xf32, #tpu.memory_space<vmem_shared>>)
      }
      %scan3A_100 = arith.constant 4 : i32
    }
    %barrier3A_42 = arith.constant 0 : index
    tpu.barrier barrier_id(%barrier3A_42)
    %mul3A_43 = arith.constant 632 : i32
    %mul3A_44 = arith.muli %arg1, %mul3A_43 : i32
    %mul3A_45 = arith.constant 632 : i32
    %mul3A_46 = arith.muli %arg1, %mul3A_45 : i32
    "tpu.region"() ({
      %run_scoped3A = tpu.sem_alloc : memref<!tpu.dma_semaphore, #tpu.memory_space<semaphore_mem>>
      %dma_start3A = arith.constant 0 : i32
      %dma_start3A_47 = tpu.memref_slice %arg6[%arg0, %mul3A_46, %dma_start3A] : memref<2x10112x128xf32, #tpu.memory_space<hbm>> -> memref<1x632x128xf32, #tpu.memory_space<hbm>>
      %dma_start3A_48 = tpu.memref_squeeze %dma_start3A_47 : memref<1x632x128xf32, #tpu.memory_space<hbm>> -> memref<632x128xf32, #tpu.memory_space<hbm>>
      %dma_start3A_49 = arith.constant 0 : i32
      %dma_start3A_50 = tpu.memref_slice %arg7[%mul3A_44, %dma_start3A_49] : memref<10112x128xf32, #tpu.memory_space<vmem_shared>> -> memref<632x128xf32, #tpu.memory_space<vmem_shared>>
      tpu.enqueue_dma source(%dma_start3A_50 : memref<632x128xf32, #tpu.memory_space<vmem_shared>>) target(%dma_start3A_48 : memref<632x128xf32, #tpu.memory_space<hbm>>) target_semaphore(%run_scoped3A : memref<!tpu.dma_semaphore, #tpu.memory_space<semaphore_mem>>)
      %dma_wait3A = arith.constant 0 : i32
      %dma_wait3A_51 = tpu.memref_slice %arg6[%arg0, %mul3A_46, %dma_wait3A] : memref<2x10112x128xf32, #tpu.memory_space<hbm>> -> memref<1x632x128xf32, #tpu.memory_space<hbm>>
      %dma_wait3A_52 = tpu.memref_squeeze %dma_wait3A_51 : memref<1x632x128xf32, #tpu.memory_space<hbm>> -> memref<632x128xf32, #tpu.memory_space<hbm>>
      %dma_wait3A_53 = arith.constant 0 : i32
      %dma_wait3A_54 = tpu.memref_slice %arg7[%mul3A_44, %dma_wait3A_53] : memref<10112x128xf32, #tpu.memory_space<vmem_shared>> -> memref<632x128xf32, #tpu.memory_space<vmem_shared>>
      tpu.wait_dma2 semaphore(%run_scoped3A : memref<!tpu.dma_semaphore, #tpu.memory_space<semaphore_mem>>) src(%dma_wait3A_54 : memref<632x128xf32, #tpu.memory_space<vmem_shared>>) dst(%dma_wait3A_52 : memref<632x128xf32, #tpu.memory_space<hbm>>)
      tpu.yield
    }) : () -> ()
    return
  }
}

#map = affine_map<(d0, d1) -> (0, 0)>
#map1 = affine_map<(d0, d1) -> (0, 0, 0)>
module attributes {stable_mosaic.version = 14 : i64} {
  func.func @_cnt_body(%arg0: i32, %arg1: i32, %arg2: memref<2560x128xi32, #tpu.memory_space<hbm>>, %arg3: memref<128x128xf32, #tpu.memory_space<hbm>>, %arg4: memref<10112x128xf32, #tpu.memory_space<hbm>>, %arg5: memref<2x10112x128xf32, #tpu.memory_space<hbm>>, %arg6: memref<10112x128xf32, #tpu.memory_space<vmem_shared>>, %arg7: memref<80x128xi32, #tpu.memory_space<vmem>>, %arg8: memref<128x128xf32, #tpu.memory_space<vmem>>) attributes {dimension_semantics = [#tpu.dimension_semantics<core_parallel>, #tpu.dimension_semantics<subcore_parallel>], iteration_bounds = array<i64: 2, 16>, scalar_prefetch = 0 : i64, scratch_operands = 3 : i64, tpu.core_type = #tpu.core_type<sc_vector_subcore>, window_params = [{transform_indices = #map}, {transform_indices = #map}, {transform_indices = #map}, {transform_indices = #map1}]} {
    %mul3A = arith.constant 2 : i32
    %mul3A_0 = arith.muli %arg1, %mul3A : i32
    %add3A = arith.addi %mul3A_0, %arg0 : i32
    %mul3A_1 = arith.constant 632 : i32
    %mul3A_2 = arith.muli %arg1, %mul3A_1 : i32
    %mul3A_3 = arith.constant 632 : i32
    %mul3A_4 = arith.muli %arg1, %mul3A_3 : i32
    "tpu.region"() ({
      %run_scoped3A = tpu.sem_alloc : memref<!tpu.dma_semaphore, #tpu.memory_space<semaphore_mem>>
      %dma_start3A = arith.constant 0 : i32
      %dma_start3A_17 = tpu.memref_slice %arg6[%mul3A_4, %dma_start3A] : memref<10112x128xf32, #tpu.memory_space<vmem_shared>> -> memref<632x128xf32, #tpu.memory_space<vmem_shared>>
      %dma_start3A_18 = arith.constant 0 : i32
      %dma_start3A_19 = tpu.memref_slice %arg4[%mul3A_2, %dma_start3A_18] : memref<10112x128xf32, #tpu.memory_space<hbm>> -> memref<632x128xf32, #tpu.memory_space<hbm>>
      tpu.enqueue_dma source(%dma_start3A_19 : memref<632x128xf32, #tpu.memory_space<hbm>>) target(%dma_start3A_17 : memref<632x128xf32, #tpu.memory_space<vmem_shared>>) target_semaphore(%run_scoped3A : memref<!tpu.dma_semaphore, #tpu.memory_space<semaphore_mem>>)
      %dma_wait3A = arith.constant 0 : i32
      %dma_wait3A_20 = tpu.memref_slice %arg6[%mul3A_4, %dma_wait3A] : memref<10112x128xf32, #tpu.memory_space<vmem_shared>> -> memref<632x128xf32, #tpu.memory_space<vmem_shared>>
      %dma_wait3A_21 = arith.constant 0 : i32
      %dma_wait3A_22 = tpu.memref_slice %arg4[%mul3A_2, %dma_wait3A_21] : memref<10112x128xf32, #tpu.memory_space<hbm>> -> memref<632x128xf32, #tpu.memory_space<hbm>>
      tpu.wait_dma2 semaphore(%run_scoped3A : memref<!tpu.dma_semaphore, #tpu.memory_space<semaphore_mem>>) src(%dma_wait3A_22 : memref<632x128xf32, #tpu.memory_space<hbm>>) dst(%dma_wait3A_20 : memref<632x128xf32, #tpu.memory_space<vmem_shared>>)
      tpu.yield
    }) : () -> ()
    "tpu.region"() ({
      %run_scoped3A = tpu.sem_alloc : memref<!tpu.dma_semaphore, #tpu.memory_space<semaphore_mem>>
      tpu.enqueue_dma source(%arg3 : memref<128x128xf32, #tpu.memory_space<hbm>>) target(%arg8 : memref<128x128xf32, #tpu.memory_space<vmem>>) target_semaphore(%run_scoped3A : memref<!tpu.dma_semaphore, #tpu.memory_space<semaphore_mem>>)
      tpu.wait_dma2 semaphore(%run_scoped3A : memref<!tpu.dma_semaphore, #tpu.memory_space<semaphore_mem>>) src(%arg3 : memref<128x128xf32, #tpu.memory_space<hbm>>) dst(%arg8 : memref<128x128xf32, #tpu.memory_space<vmem>>)
      tpu.yield
    }) : () -> ()
    %mul3A_5 = arith.constant 80 : i32
    %mul3A_6 = arith.muli %add3A, %mul3A_5 : i32
    "tpu.region"() ({
      %run_scoped3A = tpu.sem_alloc : memref<!tpu.dma_semaphore, #tpu.memory_space<semaphore_mem>>
      %dma_start3A = arith.constant 0 : i32
      %dma_start3A_17 = tpu.memref_slice %arg2[%mul3A_6, %dma_start3A] : memref<2560x128xi32, #tpu.memory_space<hbm>> -> memref<80x128xi32, #tpu.memory_space<hbm>>
      %dma_start3A_18 = arith.constant 0 : i32
      %dma_start3A_19 = tpu.memref_slice %arg2[%mul3A_6, %dma_start3A_18] : memref<2560x128xi32, #tpu.memory_space<hbm>> -> memref<80x128xi32, #tpu.memory_space<hbm>>
      tpu.enqueue_dma source(%dma_start3A_19 : memref<80x128xi32, #tpu.memory_space<hbm>>) target(%arg7 : memref<80x128xi32, #tpu.memory_space<vmem>>) target_semaphore(%run_scoped3A : memref<!tpu.dma_semaphore, #tpu.memory_space<semaphore_mem>>)
      %dma_wait3A = arith.constant 0 : i32
      %dma_wait3A_20 = tpu.memref_slice %arg2[%mul3A_6, %dma_wait3A] : memref<2560x128xi32, #tpu.memory_space<hbm>> -> memref<80x128xi32, #tpu.memory_space<hbm>>
      %dma_wait3A_21 = arith.constant 0 : i32
      %dma_wait3A_22 = tpu.memref_slice %arg2[%mul3A_6, %dma_wait3A_21] : memref<2560x128xi32, #tpu.memory_space<hbm>> -> memref<80x128xi32, #tpu.memory_space<hbm>>
      tpu.wait_dma2 semaphore(%run_scoped3A : memref<!tpu.dma_semaphore, #tpu.memory_space<semaphore_mem>>) src(%dma_wait3A_22 : memref<80x128xi32, #tpu.memory_space<hbm>>) dst(%arg7 : memref<80x128xi32, #tpu.memory_space<vmem>>)
      tpu.yield
    }) : () -> ()
    %barrier3A = arith.constant 0 : index
    tpu.barrier barrier_id(%barrier3A)
    %scan3A = arith.constant 0 : i32
    %scan3A_7 = arith.constant 0 : i32
    %scan3A_8 = arith.constant 80 : i32
    %scan3A_9 = arith.addi %scan3A_7, %scan3A_8 : i32
    %scan3A_10 = arith.constant 1 : i32
    scf.for %scan3A_17 = %scan3A_7 to %scan3A_9 step %scan3A_10  : i32 {
      "tpu.region"() ({
        %run_scoped3A = tpu.sem_alloc : memref<!tpu.dma_semaphore, #tpu.memory_space<semaphore_mem>>
        %dma_start3A = arith.constant 0 : i32
        %dma_start3A_18 = tpu.memref_slice %arg7[%scan3A_17, %dma_start3A] : memref<80x128xi32, #tpu.memory_space<vmem>> -> memref<1x128xi32, #tpu.memory_space<vmem>>
        %dma_start3A_19 = tpu.memref_squeeze %dma_start3A_18 : memref<1x128xi32, #tpu.memory_space<vmem>> -> memref<128xi32, #tpu.memory_space<vmem>>
        %dma_start3A_20 = arith.constant 0 : i32
        %dma_start3A_21 = arith.constant 0 : i32
        %dma_start3A_22 = tpu.memref_slice %arg6[%dma_start3A_20, %dma_start3A_21] : memref<10112x128xf32, #tpu.memory_space<vmem_shared>> -> memref<10112x128xf32, #tpu.memory_space<vmem_shared>>
        tpu.enqueue_indirect_dma source(%arg8 : memref<128x128xf32, #tpu.memory_space<vmem>>) target(%dma_start3A_22 : memref<10112x128xf32, #tpu.memory_space<vmem_shared>>) offsets(%dma_start3A_19 : memref<128xi32, #tpu.memory_space<vmem>>) semaphore(%run_scoped3A : memref<!tpu.dma_semaphore, #tpu.memory_space<semaphore_mem>>) {add = true}
        %dma_wait3A = arith.constant 0 : i32
        %dma_wait3A_23 = tpu.memref_slice %arg7[%scan3A_17, %dma_wait3A] : memref<80x128xi32, #tpu.memory_space<vmem>> -> memref<1x128xi32, #tpu.memory_space<vmem>>
        %dma_wait3A_24 = tpu.memref_squeeze %dma_wait3A_23 : memref<1x128xi32, #tpu.memory_space<vmem>> -> memref<128xi32, #tpu.memory_space<vmem>>
        %dma_wait3A_25 = arith.constant 0 : i32
        %dma_wait3A_26 = arith.constant 0 : i32
        %dma_wait3A_27 = tpu.memref_slice %arg6[%dma_wait3A_25, %dma_wait3A_26] : memref<10112x128xf32, #tpu.memory_space<vmem_shared>> -> memref<10112x128xf32, #tpu.memory_space<vmem_shared>>
        tpu.wait_indirect_dma semaphore(%run_scoped3A : memref<!tpu.dma_semaphore, #tpu.memory_space<semaphore_mem>>) src(%arg8 : memref<128x128xf32, #tpu.memory_space<vmem>>) dst(%dma_wait3A_27 : memref<10112x128xf32, #tpu.memory_space<vmem_shared>>)
        tpu.yield
      }) : () -> ()
    }
    %scan3A_11 = arith.constant 80 : i32
    %barrier3A_12 = arith.constant 0 : index
    tpu.barrier barrier_id(%barrier3A_12)
    %mul3A_13 = arith.constant 632 : i32
    %mul3A_14 = arith.muli %arg1, %mul3A_13 : i32
    %mul3A_15 = arith.constant 632 : i32
    %mul3A_16 = arith.muli %arg1, %mul3A_15 : i32
    "tpu.region"() ({
      %run_scoped3A = tpu.sem_alloc : memref<!tpu.dma_semaphore, #tpu.memory_space<semaphore_mem>>
      %dma_start3A = arith.constant 0 : i32
      %dma_start3A_17 = tpu.memref_slice %arg5[%arg0, %mul3A_16, %dma_start3A] : memref<2x10112x128xf32, #tpu.memory_space<hbm>> -> memref<1x632x128xf32, #tpu.memory_space<hbm>>
      %dma_start3A_18 = tpu.memref_squeeze %dma_start3A_17 : memref<1x632x128xf32, #tpu.memory_space<hbm>> -> memref<632x128xf32, #tpu.memory_space<hbm>>
      %dma_start3A_19 = arith.constant 0 : i32
      %dma_start3A_20 = tpu.memref_slice %arg6[%mul3A_14, %dma_start3A_19] : memref<10112x128xf32, #tpu.memory_space<vmem_shared>> -> memref<632x128xf32, #tpu.memory_space<vmem_shared>>
      tpu.enqueue_dma source(%dma_start3A_20 : memref<632x128xf32, #tpu.memory_space<vmem_shared>>) target(%dma_start3A_18 : memref<632x128xf32, #tpu.memory_space<hbm>>) target_semaphore(%run_scoped3A : memref<!tpu.dma_semaphore, #tpu.memory_space<semaphore_mem>>)
      %dma_wait3A = arith.constant 0 : i32
      %dma_wait3A_21 = tpu.memref_slice %arg5[%arg0, %mul3A_16, %dma_wait3A] : memref<2x10112x128xf32, #tpu.memory_space<hbm>> -> memref<1x632x128xf32, #tpu.memory_space<hbm>>
      %dma_wait3A_22 = tpu.memref_squeeze %dma_wait3A_21 : memref<1x632x128xf32, #tpu.memory_space<hbm>> -> memref<632x128xf32, #tpu.memory_space<hbm>>
      %dma_wait3A_23 = arith.constant 0 : i32
      %dma_wait3A_24 = tpu.memref_slice %arg6[%mul3A_14, %dma_wait3A_23] : memref<10112x128xf32, #tpu.memory_space<vmem_shared>> -> memref<632x128xf32, #tpu.memory_space<vmem_shared>>
      tpu.wait_dma2 semaphore(%run_scoped3A : memref<!tpu.dma_semaphore, #tpu.memory_space<semaphore_mem>>) src(%dma_wait3A_24 : memref<632x128xf32, #tpu.memory_space<vmem_shared>>) dst(%dma_wait3A_22 : memref<632x128xf32, #tpu.memory_space<hbm>>)
      tpu.yield
    }) : () -> ()
    return
  }
}

#map = affine_map<(d0, d1) -> (0, 0)>
#map1 = affine_map<(d0, d1) -> (0, 0, 0)>
module attributes {stable_mosaic.version = 14 : i64} {
  func.func @_agg_body(%arg0: i32, %arg1: i32, %arg2: memref<10000x128xf32, #tpu.memory_space<hbm>>, %arg3: memref<2560x128xi32, #tpu.memory_space<hbm>>, %arg4: memref<2560x128xi32, #tpu.memory_space<hbm>>, %arg5: memref<10112x128xf32, #tpu.memory_space<hbm>>, %arg6: memref<2x10112x128xf32, #tpu.memory_space<hbm>>, %arg7: memref<10112x128xf32, #tpu.memory_space<vmem_shared>>, %arg8: memref<2x2x8x128xi32, #tpu.memory_space<vmem>>, %arg9: memref<128x128xf32, #tpu.memory_space<vmem>>, %arg10: memref<128x128xf32, #tpu.memory_space<vmem>>, %arg11: memref<!tpu.dma_semaphore, #tpu.memory_space<semaphore_mem>>, %arg12: memref<!tpu.dma_semaphore, #tpu.memory_space<semaphore_mem>>, %arg13: memref<!tpu.dma_semaphore, #tpu.memory_space<semaphore_mem>>, %arg14: memref<!tpu.dma_semaphore, #tpu.memory_space<semaphore_mem>>, %arg15: memref<!tpu.dma_semaphore, #tpu.memory_space<semaphore_mem>>) attributes {dimension_semantics = [#tpu.dimension_semantics<core_parallel>, #tpu.dimension_semantics<subcore_parallel>], iteration_bounds = array<i64: 2, 16>, scalar_prefetch = 0 : i64, scratch_operands = 9 : i64, tpu.core_type = #tpu.core_type<sc_vector_subcore>, window_params = [{transform_indices = #map}, {transform_indices = #map}, {transform_indices = #map}, {transform_indices = #map}, {transform_indices = #map1}]} {
    %eq3A = arith.constant 0 : i32
    %eq3A_0 = arith.cmpi eq, %arg0, %eq3A : i32
    %jit3A = arith.constant 152 : i32
    %jit3A_1 = arith.constant 8 : i32
    %select_n3A = arith.select %eq3A_0, %jit3A, %jit3A_1 : i32
    %eq3A_2 = arith.constant 0 : i32
    %eq3A_3 = arith.cmpi eq, %arg0, %eq3A_2 : i32
    %mul3A = arith.constant 152 : i32
    %mul3A_4 = arith.muli %arg1, %mul3A : i32
    %mul3A_5 = arith.constant 8 : i32
    %mul3A_6 = arith.muli %arg1, %mul3A_5 : i32
    %add3A = arith.constant 2432 : i32
    %add3A_7 = arith.addi %add3A, %mul3A_6 : i32
    %select_n3A_8 = arith.select %eq3A_3, %mul3A_4, %add3A_7 : i32
    %jit3A_9 = arith.constant 8 : i32
    %div3A = arith.divsi %select_n3A, %jit3A_9 : i32
    %sign3A = arith.constant 0 : i32
    %sign3A_10 = arith.cmpi sgt, %select_n3A, %sign3A : i32
    %sign3A_11 = arith.extui %sign3A_10 : i1 to i32
    %sign3A_12 = arith.constant 0 : i32
    %sign3A_13 = arith.cmpi slt, %select_n3A, %sign3A_12 : i32
    %sign3A_14 = arith.extui %sign3A_13 : i1 to i32
    %sign3A_15 = arith.subi %sign3A_11, %sign3A_14 : i32
    %sign3A_16 = arith.constant 0 : i32
    %sign3A_17 = arith.cmpi sgt, %jit3A_9, %sign3A_16 : i32
    %sign3A_18 = arith.extui %sign3A_17 : i1 to i32
    %sign3A_19 = arith.constant 0 : i32
    %sign3A_20 = arith.cmpi slt, %jit3A_9, %sign3A_19 : i32
    %sign3A_21 = arith.extui %sign3A_20 : i1 to i32
    %sign3A_22 = arith.subi %sign3A_18, %sign3A_21 : i32
    %ne3A = arith.cmpi ne, %sign3A_15, %sign3A_22 : i32
    %rem3A = arith.remsi %select_n3A, %jit3A_9 : i32
    %ne3A_23 = arith.constant 0 : i32
    %ne3A_24 = arith.cmpi ne, %rem3A, %ne3A_23 : i32
    %and3A = arith.andi %ne3A, %ne3A_24 : i1
    %sub3A = arith.constant 1 : i32
    %sub3A_25 = arith.subi %div3A, %sub3A : i32
    %select_n3A_26 = arith.select %and3A, %sub3A_25, %div3A : i32
    %gt3A = arith.constant 0 : i32
    %gt3A_27 = arith.cmpi sgt, %select_n3A_26, %gt3A : i32
    %convert_element_type3A = arith.extui %gt3A_27 : i1 to i32
    %cond3A = arith.constant 0 : i32
    %cond3A_28 = arith.cmpi ne, %convert_element_type3A, %cond3A : i32
    scf.if %cond3A_28 {
      %dma_start3A = arith.constant 0 : i32
      %dma_start3A_47 = arith.constant 0 : i32
      %dma_start3A_48 = arith.constant 0 : i32
      %dma_start3A_49 = arith.constant 0 : i32
      %dma_start3A_50 = tpu.memref_slice %arg8[%dma_start3A, %dma_start3A_47, %dma_start3A_48, %dma_start3A_49] : memref<2x2x8x128xi32, #tpu.memory_space<vmem>> -> memref<1x1x8x128xi32, #tpu.memory_space<vmem>>
      %dma_start3A_51 = tpu.memref_squeeze %dma_start3A_50 : memref<1x1x8x128xi32, #tpu.memory_space<vmem>> -> memref<8x128xi32, #tpu.memory_space<vmem>>
      %dma_start3A_52 = arith.constant 0 : i32
      %dma_start3A_53 = tpu.memref_slice %arg3[%select_n3A_8, %dma_start3A_52] : memref<2560x128xi32, #tpu.memory_space<hbm>> -> memref<8x128xi32, #tpu.memory_space<hbm>>
      %dma_start3A_54 = arith.constant 0 : i32
      %dma_start3A_55 = arith.constant 0 : i32
      %dma_start3A_56 = tpu.memref_slice %arg8[%dma_start3A, %dma_start3A_47, %dma_start3A_54, %dma_start3A_55] : memref<2x2x8x128xi32, #tpu.memory_space<vmem>> -> memref<1x1x8x128xi32, #tpu.memory_space<vmem>>
      %dma_start3A_57 = tpu.memref_squeeze %dma_start3A_56 : memref<1x1x8x128xi32, #tpu.memory_space<vmem>> -> memref<8x128xi32, #tpu.memory_space<vmem>>
      %dma_start3A_58 = arith.constant 0 : i32
      %dma_start3A_59 = tpu.memref_slice %arg3[%select_n3A_8, %dma_start3A_58] : memref<2560x128xi32, #tpu.memory_space<hbm>> -> memref<8x128xi32, #tpu.memory_space<hbm>>
      tpu.enqueue_dma source(%dma_start3A_59 : memref<8x128xi32, #tpu.memory_space<hbm>>) target(%dma_start3A_57 : memref<8x128xi32, #tpu.memory_space<vmem>>) target_semaphore(%arg11 : memref<!tpu.dma_semaphore, #tpu.memory_space<semaphore_mem>>)
      %dma_start3A_60 = arith.constant 0 : i32
      %dma_start3A_61 = arith.constant 1 : i32
      %dma_start3A_62 = arith.constant 0 : i32
      %dma_start3A_63 = arith.constant 0 : i32
      %dma_start3A_64 = tpu.memref_slice %arg8[%dma_start3A_60, %dma_start3A_61, %dma_start3A_62, %dma_start3A_63] : memref<2x2x8x128xi32, #tpu.memory_space<vmem>> -> memref<1x1x8x128xi32, #tpu.memory_space<vmem>>
      %dma_start3A_65 = tpu.memref_squeeze %dma_start3A_64 : memref<1x1x8x128xi32, #tpu.memory_space<vmem>> -> memref<8x128xi32, #tpu.memory_space<vmem>>
      %dma_start3A_66 = arith.constant 0 : i32
      %dma_start3A_67 = tpu.memref_slice %arg4[%select_n3A_8, %dma_start3A_66] : memref<2560x128xi32, #tpu.memory_space<hbm>> -> memref<8x128xi32, #tpu.memory_space<hbm>>
      %dma_start3A_68 = arith.constant 0 : i32
      %dma_start3A_69 = arith.constant 0 : i32
      %dma_start3A_70 = tpu.memref_slice %arg8[%dma_start3A_60, %dma_start3A_61, %dma_start3A_68, %dma_start3A_69] : memref<2x2x8x128xi32, #tpu.memory_space<vmem>> -> memref<1x1x8x128xi32, #tpu.memory_space<vmem>>
      %dma_start3A_71 = tpu.memref_squeeze %dma_start3A_70 : memref<1x1x8x128xi32, #tpu.memory_space<vmem>> -> memref<8x128xi32, #tpu.memory_space<vmem>>
      %dma_start3A_72 = arith.constant 0 : i32
      %dma_start3A_73 = tpu.memref_slice %arg4[%select_n3A_8, %dma_start3A_72] : memref<2560x128xi32, #tpu.memory_space<hbm>> -> memref<8x128xi32, #tpu.memory_space<hbm>>
      tpu.enqueue_dma source(%dma_start3A_73 : memref<8x128xi32, #tpu.memory_space<hbm>>) target(%dma_start3A_71 : memref<8x128xi32, #tpu.memory_space<vmem>>) target_semaphore(%arg11 : memref<!tpu.dma_semaphore, #tpu.memory_space<semaphore_mem>>)
    } else {
    }
    %mul3A_29 = arith.constant 632 : i32
    %mul3A_30 = arith.muli %arg1, %mul3A_29 : i32
    %mul3A_31 = arith.constant 632 : i32
    %mul3A_32 = arith.muli %arg1, %mul3A_31 : i32
    "tpu.region"() ({
      %run_scoped3A = tpu.sem_alloc : memref<!tpu.dma_semaphore, #tpu.memory_space<semaphore_mem>>
      %dma_start3A = arith.constant 0 : i32
      %dma_start3A_47 = tpu.memref_slice %arg7[%mul3A_32, %dma_start3A] : memref<10112x128xf32, #tpu.memory_space<vmem_shared>> -> memref<632x128xf32, #tpu.memory_space<vmem_shared>>
      %dma_start3A_48 = arith.constant 0 : i32
      %dma_start3A_49 = tpu.memref_slice %arg5[%mul3A_30, %dma_start3A_48] : memref<10112x128xf32, #tpu.memory_space<hbm>> -> memref<632x128xf32, #tpu.memory_space<hbm>>
      tpu.enqueue_dma source(%dma_start3A_49 : memref<632x128xf32, #tpu.memory_space<hbm>>) target(%dma_start3A_47 : memref<632x128xf32, #tpu.memory_space<vmem_shared>>) target_semaphore(%run_scoped3A : memref<!tpu.dma_semaphore, #tpu.memory_space<semaphore_mem>>)
      %dma_wait3A = arith.constant 0 : i32
      %dma_wait3A_50 = tpu.memref_slice %arg7[%mul3A_32, %dma_wait3A] : memref<10112x128xf32, #tpu.memory_space<vmem_shared>> -> memref<632x128xf32, #tpu.memory_space<vmem_shared>>
      %dma_wait3A_51 = arith.constant 0 : i32
      %dma_wait3A_52 = tpu.memref_slice %arg5[%mul3A_30, %dma_wait3A_51] : memref<10112x128xf32, #tpu.memory_space<hbm>> -> memref<632x128xf32, #tpu.memory_space<hbm>>
      tpu.wait_dma2 semaphore(%run_scoped3A : memref<!tpu.dma_semaphore, #tpu.memory_space<semaphore_mem>>) src(%dma_wait3A_52 : memref<632x128xf32, #tpu.memory_space<hbm>>) dst(%dma_wait3A_50 : memref<632x128xf32, #tpu.memory_space<vmem_shared>>)
      tpu.yield
    }) : () -> ()
    %barrier3A = arith.constant 0 : index
    tpu.barrier barrier_id(%barrier3A)
    %while3A = arith.constant 0 : i32
    %while3A_33 = arith.constant 0 : i32
    %while3A_34 = arith.subi %select_n3A_26, %while3A_33 : i32
    %while3A_35 = arith.addi %while3A_33, %while3A_34 : i32
    %while3A_36 = arith.constant 1 : i32
    %while3A_37 = arith.divsi %while3A_34, %while3A_36 : i32
    %while3A_38 = arith.muli %while3A_37, %while3A_36 : i32
    %while3A_39 = arith.addi %while3A_33, %while3A_38 : i32
    %while3A_40 = arith.constant 1 : i32
    scf.for %while3A_47 = %while3A_33 to %while3A_39 step %while3A_40  : i32 {
      %jit3A_48 = arith.constant 2 : i32
      %eq3A_49 = arith.constant 0 : i32
      %eq3A_50 = arith.cmpi eq, %jit3A_48, %eq3A_49 : i32
      %jit3A_51 = arith.constant 1 : i32
      %select_n3A_52 = arith.select %eq3A_50, %jit3A_51, %jit3A_48 : i32
      %rem3A_53 = arith.remsi %while3A_47, %select_n3A_52 : i32
      %ne3A_54 = arith.constant 0 : i32
      %ne3A_55 = arith.cmpi ne, %rem3A_53, %ne3A_54 : i32
      %lt3A = arith.constant 0 : i32
      %lt3A_56 = arith.cmpi slt, %rem3A_53, %lt3A : i32
      %lt3A_57 = arith.constant 0 : i32
      %lt3A_58 = arith.cmpi slt, %select_n3A_52, %lt3A_57 : i32
      %ne3A_59 = arith.xori %lt3A_56, %lt3A_58 : i1
      %and3A_60 = arith.andi %ne3A_59, %ne3A_55 : i1
      %add3A_61 = arith.addi %rem3A_53, %select_n3A_52 : i32
      %select_n3A_62 = arith.select %and3A_60, %add3A_61, %rem3A_53 : i32
      %dma_wait3A = arith.constant 0 : i32
      %dma_wait3A_63 = arith.constant 0 : i32
      %dma_wait3A_64 = arith.constant 0 : i32
      %dma_wait3A_65 = arith.constant 0 : i32
      %dma_wait3A_66 = tpu.memref_slice %arg8[%dma_wait3A, %dma_wait3A_63, %dma_wait3A_64, %dma_wait3A_65] : memref<2x2x8x128xi32, #tpu.memory_space<vmem>> -> memref<1x1x8x128xi32, #tpu.memory_space<vmem>>
      %dma_wait3A_67 = tpu.memref_squeeze %dma_wait3A_66 : memref<1x1x8x128xi32, #tpu.memory_space<vmem>> -> memref<8x128xi32, #tpu.memory_space<vmem>>
      %dma_wait3A_68 = arith.constant 0 : i32
      %dma_wait3A_69 = tpu.memref_slice %arg3[%select_n3A_8, %dma_wait3A_68] : memref<2560x128xi32, #tpu.memory_space<hbm>> -> memref<8x128xi32, #tpu.memory_space<hbm>>
      %dma_wait3A_70 = arith.constant 0 : i32
      %dma_wait3A_71 = arith.constant 0 : i32
      %dma_wait3A_72 = tpu.memref_slice %arg8[%dma_wait3A, %dma_wait3A_63, %dma_wait3A_70, %dma_wait3A_71] : memref<2x2x8x128xi32, #tpu.memory_space<vmem>> -> memref<1x1x8x128xi32, #tpu.memory_space<vmem>>
      %dma_wait3A_73 = tpu.memref_squeeze %dma_wait3A_72 : memref<1x1x8x128xi32, #tpu.memory_space<vmem>> -> memref<8x128xi32, #tpu.memory_space<vmem>>
      %dma_wait3A_74 = arith.constant 0 : i32
      %dma_wait3A_75 = tpu.memref_slice %arg3[%select_n3A_8, %dma_wait3A_74] : memref<2560x128xi32, #tpu.memory_space<hbm>> -> memref<8x128xi32, #tpu.memory_space<hbm>>
      tpu.wait_dma2 semaphore(%arg11 : memref<!tpu.dma_semaphore, #tpu.memory_space<semaphore_mem>>) src(%dma_wait3A_75 : memref<8x128xi32, #tpu.memory_space<hbm>>) dst(%dma_wait3A_73 : memref<8x128xi32, #tpu.memory_space<vmem>>)
      %dma_wait3A_76 = arith.constant 0 : i32
      %dma_wait3A_77 = arith.constant 1 : i32
      %dma_wait3A_78 = arith.constant 0 : i32
      %dma_wait3A_79 = arith.constant 0 : i32
      %dma_wait3A_80 = tpu.memref_slice %arg8[%dma_wait3A_76, %dma_wait3A_77, %dma_wait3A_78, %dma_wait3A_79] : memref<2x2x8x128xi32, #tpu.memory_space<vmem>> -> memref<1x1x8x128xi32, #tpu.memory_space<vmem>>
      %dma_wait3A_81 = tpu.memref_squeeze %dma_wait3A_80 : memref<1x1x8x128xi32, #tpu.memory_space<vmem>> -> memref<8x128xi32, #tpu.memory_space<vmem>>
      %dma_wait3A_82 = arith.constant 0 : i32
      %dma_wait3A_83 = tpu.memref_slice %arg4[%select_n3A_8, %dma_wait3A_82] : memref<2560x128xi32, #tpu.memory_space<hbm>> -> memref<8x128xi32, #tpu.memory_space<hbm>>
      %dma_wait3A_84 = arith.constant 0 : i32
      %dma_wait3A_85 = arith.constant 0 : i32
      %dma_wait3A_86 = tpu.memref_slice %arg8[%dma_wait3A_76, %dma_wait3A_77, %dma_wait3A_84, %dma_wait3A_85] : memref<2x2x8x128xi32, #tpu.memory_space<vmem>> -> memref<1x1x8x128xi32, #tpu.memory_space<vmem>>
      %dma_wait3A_87 = tpu.memref_squeeze %dma_wait3A_86 : memref<1x1x8x128xi32, #tpu.memory_space<vmem>> -> memref<8x128xi32, #tpu.memory_space<vmem>>
      %dma_wait3A_88 = arith.constant 0 : i32
      %dma_wait3A_89 = tpu.memref_slice %arg4[%select_n3A_8, %dma_wait3A_88] : memref<2560x128xi32, #tpu.memory_space<hbm>> -> memref<8x128xi32, #tpu.memory_space<hbm>>
      tpu.wait_dma2 semaphore(%arg11 : memref<!tpu.dma_semaphore, #tpu.memory_space<semaphore_mem>>) src(%dma_wait3A_89 : memref<8x128xi32, #tpu.memory_space<hbm>>) dst(%dma_wait3A_87 : memref<8x128xi32, #tpu.memory_space<vmem>>)
      %add3A_90 = arith.constant 1 : i32
      %add3A_91 = arith.addi %while3A_47, %add3A_90 : i32
      %lt3A_92 = arith.cmpi slt, %add3A_91, %select_n3A_26 : i32
      %convert_element_type3A_93 = arith.extui %lt3A_92 : i1 to i32
      %cond3A_94 = arith.constant 0 : i32
      %cond3A_95 = arith.cmpi ne, %convert_element_type3A_93, %cond3A_94 : i32
      scf.if %cond3A_95 {
        %add3A_101 = arith.constant 1 : i32
        %add3A_102 = arith.addi %while3A_47, %add3A_101 : i32
        %jit3A_103 = arith.constant 2 : i32
        %eq3A_104 = arith.constant 0 : i32
        %eq3A_105 = arith.cmpi eq, %jit3A_103, %eq3A_104 : i32
        %jit3A_106 = arith.constant 1 : i32
        %select_n3A_107 = arith.select %eq3A_105, %jit3A_106, %jit3A_103 : i32
        %rem3A_108 = arith.remsi %add3A_102, %select_n3A_107 : i32
        %ne3A_109 = arith.constant 0 : i32
        %ne3A_110 = arith.cmpi ne, %rem3A_108, %ne3A_109 : i32
        %lt3A_111 = arith.constant 0 : i32
        %lt3A_112 = arith.cmpi slt, %rem3A_108, %lt3A_111 : i32
        %lt3A_113 = arith.constant 0 : i32
        %lt3A_114 = arith.cmpi slt, %select_n3A_107, %lt3A_113 : i32
        %ne3A_115 = arith.xori %lt3A_112, %lt3A_114 : i1
        %and3A_116 = arith.andi %ne3A_115, %ne3A_110 : i1
        %add3A_117 = arith.addi %rem3A_108, %select_n3A_107 : i32
        %select_n3A_118 = arith.select %and3A_116, %add3A_117, %rem3A_108 : i32
        %add3A_119 = arith.constant 1 : i32
        %add3A_120 = arith.addi %while3A_47, %add3A_119 : i32
        %mul3A_121 = arith.constant 8 : i32
        %mul3A_122 = arith.muli %add3A_120, %mul3A_121 : i32
        %add3A_123 = arith.addi %select_n3A_8, %mul3A_122 : i32
        %dma_start3A = arith.constant 0 : i32
        %dma_start3A_124 = arith.constant 0 : i32
        %dma_start3A_125 = arith.constant 0 : i32
        %dma_start3A_126 = tpu.memref_slice %arg8[%select_n3A_118, %dma_start3A, %dma_start3A_124, %dma_start3A_125] : memref<2x2x8x128xi32, #tpu.memory_space<vmem>> -> memref<1x1x8x128xi32, #tpu.memory_space<vmem>>
        %dma_start3A_127 = tpu.memref_squeeze %dma_start3A_126 : memref<1x1x8x128xi32, #tpu.memory_space<vmem>> -> memref<8x128xi32, #tpu.memory_space<vmem>>
        %dma_start3A_128 = arith.constant 0 : i32
        %dma_start3A_129 = tpu.memref_slice %arg3[%add3A_123, %dma_start3A_128] : memref<2560x128xi32, #tpu.memory_space<hbm>> -> memref<8x128xi32, #tpu.memory_space<hbm>>
        %dma_start3A_130 = arith.constant 0 : i32
        %dma_start3A_131 = arith.constant 0 : i32
        %dma_start3A_132 = tpu.memref_slice %arg8[%select_n3A_118, %dma_start3A, %dma_start3A_130, %dma_start3A_131] : memref<2x2x8x128xi32, #tpu.memory_space<vmem>> -> memref<1x1x8x128xi32, #tpu.memory_space<vmem>>
        %dma_start3A_133 = tpu.memref_squeeze %dma_start3A_132 : memref<1x1x8x128xi32, #tpu.memory_space<vmem>> -> memref<8x128xi32, #tpu.memory_space<vmem>>
        %dma_start3A_134 = arith.constant 0 : i32
        %dma_start3A_135 = tpu.memref_slice %arg3[%add3A_123, %dma_start3A_134] : memref<2560x128xi32, #tpu.memory_space<hbm>> -> memref<8x128xi32, #tpu.memory_space<hbm>>
        tpu.enqueue_dma source(%dma_start3A_135 : memref<8x128xi32, #tpu.memory_space<hbm>>) target(%dma_start3A_133 : memref<8x128xi32, #tpu.memory_space<vmem>>) target_semaphore(%arg11 : memref<!tpu.dma_semaphore, #tpu.memory_space<semaphore_mem>>)
        %dma_start3A_136 = arith.constant 1 : i32
        %dma_start3A_137 = arith.constant 0 : i32
        %dma_start3A_138 = arith.constant 0 : i32
        %dma_start3A_139 = tpu.memref_slice %arg8[%select_n3A_118, %dma_start3A_136, %dma_start3A_137, %dma_start3A_138] : memref<2x2x8x128xi32, #tpu.memory_space<vmem>> -> memref<1x1x8x128xi32, #tpu.memory_space<vmem>>
        %dma_start3A_140 = tpu.memref_squeeze %dma_start3A_139 : memref<1x1x8x128xi32, #tpu.memory_space<vmem>> -> memref<8x128xi32, #tpu.memory_space<vmem>>
        %dma_start3A_141 = arith.constant 0 : i32
        %dma_start3A_142 = tpu.memref_slice %arg4[%add3A_123, %dma_start3A_141] : memref<2560x128xi32, #tpu.memory_space<hbm>> -> memref<8x128xi32, #tpu.memory_space<hbm>>
        %dma_start3A_143 = arith.constant 0 : i32
        %dma_start3A_144 = arith.constant 0 : i32
        %dma_start3A_145 = tpu.memref_slice %arg8[%select_n3A_118, %dma_start3A_136, %dma_start3A_143, %dma_start3A_144] : memref<2x2x8x128xi32, #tpu.memory_space<vmem>> -> memref<1x1x8x128xi32, #tpu.memory_space<vmem>>
        %dma_start3A_146 = tpu.memref_squeeze %dma_start3A_145 : memref<1x1x8x128xi32, #tpu.memory_space<vmem>> -> memref<8x128xi32, #tpu.memory_space<vmem>>
        %dma_start3A_147 = arith.constant 0 : i32
        %dma_start3A_148 = tpu.memref_slice %arg4[%add3A_123, %dma_start3A_147] : memref<2560x128xi32, #tpu.memory_space<hbm>> -> memref<8x128xi32, #tpu.memory_space<hbm>>
        tpu.enqueue_dma source(%dma_start3A_148 : memref<8x128xi32, #tpu.memory_space<hbm>>) target(%dma_start3A_146 : memref<8x128xi32, #tpu.memory_space<vmem>>) target_semaphore(%arg11 : memref<!tpu.dma_semaphore, #tpu.memory_space<semaphore_mem>>)
      } else {
      }
      %scan3A = arith.constant 0 : i32
      %scan3A_96 = arith.constant 0 : i32
      %scan3A_97 = arith.constant 4 : i32
      %scan3A_98 = arith.addi %scan3A_96, %scan3A_97 : i32
      %scan3A_99 = arith.constant 1 : i32
      scf.for %scan3A_101 = %scan3A_96 to %scan3A_98 step %scan3A_99  : i32 {
        %mul3A_102 = arith.constant 2 : i32
        %mul3A_103 = arith.muli %scan3A_101, %mul3A_102 : i32
        %add3A_104 = arith.constant 0 : i32
        %add3A_105 = arith.addi %mul3A_103, %add3A_104 : i32
        %dma_start3A = arith.constant 0 : i32
        %dma_start3A_106 = arith.constant 0 : i32
        %dma_start3A_107 = tpu.memref_slice %arg8[%select_n3A_62, %dma_start3A, %add3A_105, %dma_start3A_106] : memref<2x2x8x128xi32, #tpu.memory_space<vmem>> -> memref<1x1x1x128xi32, #tpu.memory_space<vmem>>
        %dma_start3A_108 = tpu.memref_squeeze %dma_start3A_107 : memref<1x1x1x128xi32, #tpu.memory_space<vmem>> -> memref<128xi32, #tpu.memory_space<vmem>>
        %dma_start3A_109 = arith.constant 0 : i32
        %dma_start3A_110 = arith.constant 0 : i32
        %dma_start3A_111 = tpu.memref_slice %arg2[%dma_start3A_109, %dma_start3A_110] : memref<10000x128xf32, #tpu.memory_space<hbm>> -> memref<10000x128xf32, #tpu.memory_space<hbm>>
        tpu.enqueue_indirect_dma source(%dma_start3A_111 : memref<10000x128xf32, #tpu.memory_space<hbm>>) target(%arg9 : memref<128x128xf32, #tpu.memory_space<vmem>>) offsets(%dma_start3A_108 : memref<128xi32, #tpu.memory_space<vmem>>) semaphore(%arg12 : memref<!tpu.dma_semaphore, #tpu.memory_space<semaphore_mem>>)
        %add3A_112 = arith.constant 1 : i32
        %add3A_113 = arith.addi %mul3A_103, %add3A_112 : i32
        %dma_start3A_114 = arith.constant 0 : i32
        %dma_start3A_115 = arith.constant 0 : i32
        %dma_start3A_116 = tpu.memref_slice %arg8[%select_n3A_62, %dma_start3A_114, %add3A_113, %dma_start3A_115] : memref<2x2x8x128xi32, #tpu.memory_space<vmem>> -> memref<1x1x1x128xi32, #tpu.memory_space<vmem>>
        %dma_start3A_117 = tpu.memref_squeeze %dma_start3A_116 : memref<1x1x1x128xi32, #tpu.memory_space<vmem>> -> memref<128xi32, #tpu.memory_space<vmem>>
        %dma_start3A_118 = arith.constant 0 : i32
        %dma_start3A_119 = arith.constant 0 : i32
        %dma_start3A_120 = tpu.memref_slice %arg2[%dma_start3A_118, %dma_start3A_119] : memref<10000x128xf32, #tpu.memory_space<hbm>> -> memref<10000x128xf32, #tpu.memory_space<hbm>>
        tpu.enqueue_indirect_dma source(%dma_start3A_120 : memref<10000x128xf32, #tpu.memory_space<hbm>>) target(%arg10 : memref<128x128xf32, #tpu.memory_space<vmem>>) offsets(%dma_start3A_117 : memref<128xi32, #tpu.memory_space<vmem>>) semaphore(%arg13 : memref<!tpu.dma_semaphore, #tpu.memory_space<semaphore_mem>>)
        %dma_wait3A_121 = arith.constant 0 : i32
        %dma_wait3A_122 = arith.constant 0 : i32
        %dma_wait3A_123 = tpu.memref_slice %arg8[%select_n3A_62, %dma_wait3A_121, %add3A_105, %dma_wait3A_122] : memref<2x2x8x128xi32, #tpu.memory_space<vmem>> -> memref<1x1x1x128xi32, #tpu.memory_space<vmem>>
        %dma_wait3A_124 = tpu.memref_squeeze %dma_wait3A_123 : memref<1x1x1x128xi32, #tpu.memory_space<vmem>> -> memref<128xi32, #tpu.memory_space<vmem>>
        %dma_wait3A_125 = arith.constant 0 : i32
        %dma_wait3A_126 = arith.constant 0 : i32
        %dma_wait3A_127 = tpu.memref_slice %arg2[%dma_wait3A_125, %dma_wait3A_126] : memref<10000x128xf32, #tpu.memory_space<hbm>> -> memref<10000x128xf32, #tpu.memory_space<hbm>>
        tpu.wait_indirect_dma semaphore(%arg12 : memref<!tpu.dma_semaphore, #tpu.memory_space<semaphore_mem>>) src(%dma_wait3A_127 : memref<10000x128xf32, #tpu.memory_space<hbm>>) dst(%arg9 : memref<128x128xf32, #tpu.memory_space<vmem>>)
        %add3A_128 = arith.constant 0 : i32
        %add3A_129 = arith.addi %mul3A_103, %add3A_128 : i32
        %dma_start3A_130 = arith.constant 1 : i32
        %dma_start3A_131 = arith.constant 0 : i32
        %dma_start3A_132 = tpu.memref_slice %arg8[%select_n3A_62, %dma_start3A_130, %add3A_129, %dma_start3A_131] : memref<2x2x8x128xi32, #tpu.memory_space<vmem>> -> memref<1x1x1x128xi32, #tpu.memory_space<vmem>>
        %dma_start3A_133 = tpu.memref_squeeze %dma_start3A_132 : memref<1x1x1x128xi32, #tpu.memory_space<vmem>> -> memref<128xi32, #tpu.memory_space<vmem>>
        %dma_start3A_134 = arith.constant 0 : i32
        %dma_start3A_135 = arith.constant 0 : i32
        %dma_start3A_136 = tpu.memref_slice %arg7[%dma_start3A_134, %dma_start3A_135] : memref<10112x128xf32, #tpu.memory_space<vmem_shared>> -> memref<10112x128xf32, #tpu.memory_space<vmem_shared>>
        tpu.enqueue_indirect_dma source(%arg9 : memref<128x128xf32, #tpu.memory_space<vmem>>) target(%dma_start3A_136 : memref<10112x128xf32, #tpu.memory_space<vmem_shared>>) offsets(%dma_start3A_133 : memref<128xi32, #tpu.memory_space<vmem>>) semaphore(%arg14 : memref<!tpu.dma_semaphore, #tpu.memory_space<semaphore_mem>>) {add = true}
        %dma_wait3A_137 = arith.constant 0 : i32
        %dma_wait3A_138 = arith.constant 0 : i32
        %dma_wait3A_139 = tpu.memref_slice %arg8[%select_n3A_62, %dma_wait3A_137, %add3A_113, %dma_wait3A_138] : memref<2x2x8x128xi32, #tpu.memory_space<vmem>> -> memref<1x1x1x128xi32, #tpu.memory_space<vmem>>
        %dma_wait3A_140 = tpu.memref_squeeze %dma_wait3A_139 : memref<1x1x1x128xi32, #tpu.memory_space<vmem>> -> memref<128xi32, #tpu.memory_space<vmem>>
        %dma_wait3A_141 = arith.constant 0 : i32
        %dma_wait3A_142 = arith.constant 0 : i32
        %dma_wait3A_143 = tpu.memref_slice %arg2[%dma_wait3A_141, %dma_wait3A_142] : memref<10000x128xf32, #tpu.memory_space<hbm>> -> memref<10000x128xf32, #tpu.memory_space<hbm>>
        tpu.wait_indirect_dma semaphore(%arg13 : memref<!tpu.dma_semaphore, #tpu.memory_space<semaphore_mem>>) src(%dma_wait3A_143 : memref<10000x128xf32, #tpu.memory_space<hbm>>) dst(%arg10 : memref<128x128xf32, #tpu.memory_space<vmem>>)
        %add3A_144 = arith.constant 1 : i32
        %add3A_145 = arith.addi %mul3A_103, %add3A_144 : i32
        %dma_start3A_146 = arith.constant 1 : i32
        %dma_start3A_147 = arith.constant 0 : i32
        %dma_start3A_148 = tpu.memref_slice %arg8[%select_n3A_62, %dma_start3A_146, %add3A_145, %dma_start3A_147] : memref<2x2x8x128xi32, #tpu.memory_space<vmem>> -> memref<1x1x1x128xi32, #tpu.memory_space<vmem>>
        %dma_start3A_149 = tpu.memref_squeeze %dma_start3A_148 : memref<1x1x1x128xi32, #tpu.memory_space<vmem>> -> memref<128xi32, #tpu.memory_space<vmem>>
        %dma_start3A_150 = arith.constant 0 : i32
        %dma_start3A_151 = arith.constant 0 : i32
        %dma_start3A_152 = tpu.memref_slice %arg7[%dma_start3A_150, %dma_start3A_151] : memref<10112x128xf32, #tpu.memory_space<vmem_shared>> -> memref<10112x128xf32, #tpu.memory_space<vmem_shared>>
        tpu.enqueue_indirect_dma source(%arg10 : memref<128x128xf32, #tpu.memory_space<vmem>>) target(%dma_start3A_152 : memref<10112x128xf32, #tpu.memory_space<vmem_shared>>) offsets(%dma_start3A_149 : memref<128xi32, #tpu.memory_space<vmem>>) semaphore(%arg15 : memref<!tpu.dma_semaphore, #tpu.memory_space<semaphore_mem>>) {add = true}
        %dma_wait3A_153 = arith.constant 1 : i32
        %dma_wait3A_154 = arith.constant 0 : i32
        %dma_wait3A_155 = tpu.memref_slice %arg8[%select_n3A_62, %dma_wait3A_153, %add3A_129, %dma_wait3A_154] : memref<2x2x8x128xi32, #tpu.memory_space<vmem>> -> memref<1x1x1x128xi32, #tpu.memory_space<vmem>>
        %dma_wait3A_156 = tpu.memref_squeeze %dma_wait3A_155 : memref<1x1x1x128xi32, #tpu.memory_space<vmem>> -> memref<128xi32, #tpu.memory_space<vmem>>
        %dma_wait3A_157 = arith.constant 0 : i32
        %dma_wait3A_158 = arith.constant 0 : i32
        %dma_wait3A_159 = tpu.memref_slice %arg7[%dma_wait3A_157, %dma_wait3A_158] : memref<10112x128xf32, #tpu.memory_space<vmem_shared>> -> memref<10112x128xf32, #tpu.memory_space<vmem_shared>>
        tpu.wait_indirect_dma semaphore(%arg14 : memref<!tpu.dma_semaphore, #tpu.memory_space<semaphore_mem>>) src(%arg9 : memref<128x128xf32, #tpu.memory_space<vmem>>) dst(%dma_wait3A_159 : memref<10112x128xf32, #tpu.memory_space<vmem_shared>>)
        %dma_wait3A_160 = arith.constant 1 : i32
        %dma_wait3A_161 = arith.constant 0 : i32
        %dma_wait3A_162 = tpu.memref_slice %arg8[%select_n3A_62, %dma_wait3A_160, %add3A_145, %dma_wait3A_161] : memref<2x2x8x128xi32, #tpu.memory_space<vmem>> -> memref<1x1x1x128xi32, #tpu.memory_space<vmem>>
        %dma_wait3A_163 = tpu.memref_squeeze %dma_wait3A_162 : memref<1x1x1x128xi32, #tpu.memory_space<vmem>> -> memref<128xi32, #tpu.memory_space<vmem>>
        %dma_wait3A_164 = arith.constant 0 : i32
        %dma_wait3A_165 = arith.constant 0 : i32
        %dma_wait3A_166 = tpu.memref_slice %arg7[%dma_wait3A_164, %dma_wait3A_165] : memref<10112x128xf32, #tpu.memory_space<vmem_shared>> -> memref<10112x128xf32, #tpu.memory_space<vmem_shared>>
        tpu.wait_indirect_dma semaphore(%arg15 : memref<!tpu.dma_semaphore, #tpu.memory_space<semaphore_mem>>) src(%arg10 : memref<128x128xf32, #tpu.memory_space<vmem>>) dst(%dma_wait3A_166 : memref<10112x128xf32, #tpu.memory_space<vmem_shared>>)
      }
      %scan3A_100 = arith.constant 4 : i32
    }
    %while3A_41 = arith.constant 1 : i32
    scf.for %while3A_47 = %while3A_39 to %while3A_35 step %while3A_41  : i32 {
      %jit3A_48 = arith.constant 2 : i32
      %eq3A_49 = arith.constant 0 : i32
      %eq3A_50 = arith.cmpi eq, %jit3A_48, %eq3A_49 : i32
      %jit3A_51 = arith.constant 1 : i32
      %select_n3A_52 = arith.select %eq3A_50, %jit3A_51, %jit3A_48 : i32
      %rem3A_53 = arith.remsi %while3A_47, %select_n3A_52 : i32
      %ne3A_54 = arith.constant 0 : i32
      %ne3A_55 = arith.cmpi ne, %rem3A_53, %ne3A_54 : i32
      %lt3A = arith.constant 0 : i32
      %lt3A_56 = arith.cmpi slt, %rem3A_53, %lt3A : i32
      %lt3A_57 = arith.constant 0 : i32
      %lt3A_58 = arith.cmpi slt, %select_n3A_52, %lt3A_57 : i32
      %ne3A_59 = arith.xori %lt3A_56, %lt3A_58 : i1
      %and3A_60 = arith.andi %ne3A_59, %ne3A_55 : i1
      %add3A_61 = arith.addi %rem3A_53, %select_n3A_52 : i32
      %select_n3A_62 = arith.select %and3A_60, %add3A_61, %rem3A_53 : i32
      %dma_wait3A = arith.constant 0 : i32
      %dma_wait3A_63 = arith.constant 0 : i32
      %dma_wait3A_64 = arith.constant 0 : i32
      %dma_wait3A_65 = arith.constant 0 : i32
      %dma_wait3A_66 = tpu.memref_slice %arg8[%dma_wait3A, %dma_wait3A_63, %dma_wait3A_64, %dma_wait3A_65] : memref<2x2x8x128xi32, #tpu.memory_space<vmem>> -> memref<1x1x8x128xi32, #tpu.memory_space<vmem>>
      %dma_wait3A_67 = tpu.memref_squeeze %dma_wait3A_66 : memref<1x1x8x128xi32, #tpu.memory_space<vmem>> -> memref<8x128xi32, #tpu.memory_space<vmem>>
      %dma_wait3A_68 = arith.constant 0 : i32
      %dma_wait3A_69 = tpu.memref_slice %arg3[%select_n3A_8, %dma_wait3A_68] : memref<2560x128xi32, #tpu.memory_space<hbm>> -> memref<8x128xi32, #tpu.memory_space<hbm>>
      %dma_wait3A_70 = arith.constant 0 : i32
      %dma_wait3A_71 = arith.constant 0 : i32
      %dma_wait3A_72 = tpu.memref_slice %arg8[%dma_wait3A, %dma_wait3A_63, %dma_wait3A_70, %dma_wait3A_71] : memref<2x2x8x128xi32, #tpu.memory_space<vmem>> -> memref<1x1x8x128xi32, #tpu.memory_space<vmem>>
      %dma_wait3A_73 = tpu.memref_squeeze %dma_wait3A_72 : memref<1x1x8x128xi32, #tpu.memory_space<vmem>> -> memref<8x128xi32, #tpu.memory_space<vmem>>
      %dma_wait3A_74 = arith.constant 0 : i32
      %dma_wait3A_75 = tpu.memref_slice %arg3[%select_n3A_8, %dma_wait3A_74] : memref<2560x128xi32, #tpu.memory_space<hbm>> -> memref<8x128xi32, #tpu.memory_space<hbm>>
      tpu.wait_dma2 semaphore(%arg11 : memref<!tpu.dma_semaphore, #tpu.memory_space<semaphore_mem>>) src(%dma_wait3A_75 : memref<8x128xi32, #tpu.memory_space<hbm>>) dst(%dma_wait3A_73 : memref<8x128xi32, #tpu.memory_space<vmem>>)
      %dma_wait3A_76 = arith.constant 0 : i32
      %dma_wait3A_77 = arith.constant 1 : i32
      %dma_wait3A_78 = arith.constant 0 : i32
      %dma_wait3A_79 = arith.constant 0 : i32
      %dma_wait3A_80 = tpu.memref_slice %arg8[%dma_wait3A_76, %dma_wait3A_77, %dma_wait3A_78, %dma_wait3A_79] : memref<2x2x8x128xi32, #tpu.memory_space<vmem>> -> memref<1x1x8x128xi32, #tpu.memory_space<vmem>>
      %dma_wait3A_81 = tpu.memref_squeeze %dma_wait3A_80 : memref<1x1x8x128xi32, #tpu.memory_space<vmem>> -> memref<8x128xi32, #tpu.memory_space<vmem>>
      %dma_wait3A_82 = arith.constant 0 : i32
      %dma_wait3A_83 = tpu.memref_slice %arg4[%select_n3A_8, %dma_wait3A_82] : memref<2560x128xi32, #tpu.memory_space<hbm>> -> memref<8x128xi32, #tpu.memory_space<hbm>>
      %dma_wait3A_84 = arith.constant 0 : i32
      %dma_wait3A_85 = arith.constant 0 : i32
      %dma_wait3A_86 = tpu.memref_slice %arg8[%dma_wait3A_76, %dma_wait3A_77, %dma_wait3A_84, %dma_wait3A_85] : memref<2x2x8x128xi32, #tpu.memory_space<vmem>> -> memref<1x1x8x128xi32, #tpu.memory_space<vmem>>
      %dma_wait3A_87 = tpu.memref_squeeze %dma_wait3A_86 : memref<1x1x8x128xi32, #tpu.memory_space<vmem>> -> memref<8x128xi32, #tpu.memory_space<vmem>>
      %dma_wait3A_88 = arith.constant 0 : i32
      %dma_wait3A_89 = tpu.memref_slice %arg4[%select_n3A_8, %dma_wait3A_88] : memref<2560x128xi32, #tpu.memory_space<hbm>> -> memref<8x128xi32, #tpu.memory_space<hbm>>
      tpu.wait_dma2 semaphore(%arg11 : memref<!tpu.dma_semaphore, #tpu.memory_space<semaphore_mem>>) src(%dma_wait3A_89 : memref<8x128xi32, #tpu.memory_space<hbm>>) dst(%dma_wait3A_87 : memref<8x128xi32, #tpu.memory_space<vmem>>)
      %add3A_90 = arith.constant 1 : i32
      %add3A_91 = arith.addi %while3A_47, %add3A_90 : i32
      %lt3A_92 = arith.cmpi slt, %add3A_91, %select_n3A_26 : i32
      %convert_element_type3A_93 = arith.extui %lt3A_92 : i1 to i32
      %cond3A_94 = arith.constant 0 : i32
      %cond3A_95 = arith.cmpi ne, %convert_element_type3A_93, %cond3A_94 : i32
      scf.if %cond3A_95 {
        %add3A_101 = arith.constant 1 : i32
        %add3A_102 = arith.addi %while3A_47, %add3A_101 : i32
        %jit3A_103 = arith.constant 2 : i32
        %eq3A_104 = arith.constant 0 : i32
        %eq3A_105 = arith.cmpi eq, %jit3A_103, %eq3A_104 : i32
        %jit3A_106 = arith.constant 1 : i32
        %select_n3A_107 = arith.select %eq3A_105, %jit3A_106, %jit3A_103 : i32
        %rem3A_108 = arith.remsi %add3A_102, %select_n3A_107 : i32
        %ne3A_109 = arith.constant 0 : i32
        %ne3A_110 = arith.cmpi ne, %rem3A_108, %ne3A_109 : i32
        %lt3A_111 = arith.constant 0 : i32
        %lt3A_112 = arith.cmpi slt, %rem3A_108, %lt3A_111 : i32
        %lt3A_113 = arith.constant 0 : i32
        %lt3A_114 = arith.cmpi slt, %select_n3A_107, %lt3A_113 : i32
        %ne3A_115 = arith.xori %lt3A_112, %lt3A_114 : i1
        %and3A_116 = arith.andi %ne3A_115, %ne3A_110 : i1
        %add3A_117 = arith.addi %rem3A_108, %select_n3A_107 : i32
        %select_n3A_118 = arith.select %and3A_116, %add3A_117, %rem3A_108 : i32
        %add3A_119 = arith.constant 1 : i32
        %add3A_120 = arith.addi %while3A_47, %add3A_119 : i32
        %mul3A_121 = arith.constant 8 : i32
        %mul3A_122 = arith.muli %add3A_120, %mul3A_121 : i32
        %add3A_123 = arith.addi %select_n3A_8, %mul3A_122 : i32
        %dma_start3A = arith.constant 0 : i32
        %dma_start3A_124 = arith.constant 0 : i32
        %dma_start3A_125 = arith.constant 0 : i32
        %dma_start3A_126 = tpu.memref_slice %arg8[%select_n3A_118, %dma_start3A, %dma_start3A_124, %dma_start3A_125] : memref<2x2x8x128xi32, #tpu.memory_space<vmem>> -> memref<1x1x8x128xi32, #tpu.memory_space<vmem>>
        %dma_start3A_127 = tpu.memref_squeeze %dma_start3A_126 : memref<1x1x8x128xi32, #tpu.memory_space<vmem>> -> memref<8x128xi32, #tpu.memory_space<vmem>>
        %dma_start3A_128 = arith.constant 0 : i32
        %dma_start3A_129 = tpu.memref_slice %arg3[%add3A_123, %dma_start3A_128] : memref<2560x128xi32, #tpu.memory_space<hbm>> -> memref<8x128xi32, #tpu.memory_space<hbm>>
        %dma_start3A_130 = arith.constant 0 : i32
        %dma_start3A_131 = arith.constant 0 : i32
        %dma_start3A_132 = tpu.memref_slice %arg8[%select_n3A_118, %dma_start3A, %dma_start3A_130, %dma_start3A_131] : memref<2x2x8x128xi32, #tpu.memory_space<vmem>> -> memref<1x1x8x128xi32, #tpu.memory_space<vmem>>
        %dma_start3A_133 = tpu.memref_squeeze %dma_start3A_132 : memref<1x1x8x128xi32, #tpu.memory_space<vmem>> -> memref<8x128xi32, #tpu.memory_space<vmem>>
        %dma_start3A_134 = arith.constant 0 : i32
        %dma_start3A_135 = tpu.memref_slice %arg3[%add3A_123, %dma_start3A_134] : memref<2560x128xi32, #tpu.memory_space<hbm>> -> memref<8x128xi32, #tpu.memory_space<hbm>>
        tpu.enqueue_dma source(%dma_start3A_135 : memref<8x128xi32, #tpu.memory_space<hbm>>) target(%dma_start3A_133 : memref<8x128xi32, #tpu.memory_space<vmem>>) target_semaphore(%arg11 : memref<!tpu.dma_semaphore, #tpu.memory_space<semaphore_mem>>)
        %dma_start3A_136 = arith.constant 1 : i32
        %dma_start3A_137 = arith.constant 0 : i32
        %dma_start3A_138 = arith.constant 0 : i32
        %dma_start3A_139 = tpu.memref_slice %arg8[%select_n3A_118, %dma_start3A_136, %dma_start3A_137, %dma_start3A_138] : memref<2x2x8x128xi32, #tpu.memory_space<vmem>> -> memref<1x1x8x128xi32, #tpu.memory_space<vmem>>
        %dma_start3A_140 = tpu.memref_squeeze %dma_start3A_139 : memref<1x1x8x128xi32, #tpu.memory_space<vmem>> -> memref<8x128xi32, #tpu.memory_space<vmem>>
        %dma_start3A_141 = arith.constant 0 : i32
        %dma_start3A_142 = tpu.memref_slice %arg4[%add3A_123, %dma_start3A_141] : memref<2560x128xi32, #tpu.memory_space<hbm>> -> memref<8x128xi32, #tpu.memory_space<hbm>>
        %dma_start3A_143 = arith.constant 0 : i32
        %dma_start3A_144 = arith.constant 0 : i32
        %dma_start3A_145 = tpu.memref_slice %arg8[%select_n3A_118, %dma_start3A_136, %dma_start3A_143, %dma_start3A_144] : memref<2x2x8x128xi32, #tpu.memory_space<vmem>> -> memref<1x1x8x128xi32, #tpu.memory_space<vmem>>
        %dma_start3A_146 = tpu.memref_squeeze %dma_start3A_145 : memref<1x1x8x128xi32, #tpu.memory_space<vmem>> -> memref<8x128xi32, #tpu.memory_space<vmem>>
        %dma_start3A_147 = arith.constant 0 : i32
        %dma_start3A_148 = tpu.memref_slice %arg4[%add3A_123, %dma_start3A_147] : memref<2560x128xi32, #tpu.memory_space<hbm>> -> memref<8x128xi32, #tpu.memory_space<hbm>>
        tpu.enqueue_dma source(%dma_start3A_148 : memref<8x128xi32, #tpu.memory_space<hbm>>) target(%dma_start3A_146 : memref<8x128xi32, #tpu.memory_space<vmem>>) target_semaphore(%arg11 : memref<!tpu.dma_semaphore, #tpu.memory_space<semaphore_mem>>)
      } else {
      }
      %scan3A = arith.constant 0 : i32
      %scan3A_96 = arith.constant 0 : i32
      %scan3A_97 = arith.constant 4 : i32
      %scan3A_98 = arith.addi %scan3A_96, %scan3A_97 : i32
      %scan3A_99 = arith.constant 1 : i32
      scf.for %scan3A_101 = %scan3A_96 to %scan3A_98 step %scan3A_99  : i32 {
        %mul3A_102 = arith.constant 2 : i32
        %mul3A_103 = arith.muli %scan3A_101, %mul3A_102 : i32
        %add3A_104 = arith.constant 0 : i32
        %add3A_105 = arith.addi %mul3A_103, %add3A_104 : i32
        %dma_start3A = arith.constant 0 : i32
        %dma_start3A_106 = arith.constant 0 : i32
        %dma_start3A_107 = tpu.memref_slice %arg8[%select_n3A_62, %dma_start3A, %add3A_105, %dma_start3A_106] : memref<2x2x8x128xi32, #tpu.memory_space<vmem>> -> memref<1x1x1x128xi32, #tpu.memory_space<vmem>>
        %dma_start3A_108 = tpu.memref_squeeze %dma_start3A_107 : memref<1x1x1x128xi32, #tpu.memory_space<vmem>> -> memref<128xi32, #tpu.memory_space<vmem>>
        %dma_start3A_109 = arith.constant 0 : i32
        %dma_start3A_110 = arith.constant 0 : i32
        %dma_start3A_111 = tpu.memref_slice %arg2[%dma_start3A_109, %dma_start3A_110] : memref<10000x128xf32, #tpu.memory_space<hbm>> -> memref<10000x128xf32, #tpu.memory_space<hbm>>
        tpu.enqueue_indirect_dma source(%dma_start3A_111 : memref<10000x128xf32, #tpu.memory_space<hbm>>) target(%arg9 : memref<128x128xf32, #tpu.memory_space<vmem>>) offsets(%dma_start3A_108 : memref<128xi32, #tpu.memory_space<vmem>>) semaphore(%arg12 : memref<!tpu.dma_semaphore, #tpu.memory_space<semaphore_mem>>)
        %add3A_112 = arith.constant 1 : i32
        %add3A_113 = arith.addi %mul3A_103, %add3A_112 : i32
        %dma_start3A_114 = arith.constant 0 : i32
        %dma_start3A_115 = arith.constant 0 : i32
        %dma_start3A_116 = tpu.memref_slice %arg8[%select_n3A_62, %dma_start3A_114, %add3A_113, %dma_start3A_115] : memref<2x2x8x128xi32, #tpu.memory_space<vmem>> -> memref<1x1x1x128xi32, #tpu.memory_space<vmem>>
        %dma_start3A_117 = tpu.memref_squeeze %dma_start3A_116 : memref<1x1x1x128xi32, #tpu.memory_space<vmem>> -> memref<128xi32, #tpu.memory_space<vmem>>
        %dma_start3A_118 = arith.constant 0 : i32
        %dma_start3A_119 = arith.constant 0 : i32
        %dma_start3A_120 = tpu.memref_slice %arg2[%dma_start3A_118, %dma_start3A_119] : memref<10000x128xf32, #tpu.memory_space<hbm>> -> memref<10000x128xf32, #tpu.memory_space<hbm>>
        tpu.enqueue_indirect_dma source(%dma_start3A_120 : memref<10000x128xf32, #tpu.memory_space<hbm>>) target(%arg10 : memref<128x128xf32, #tpu.memory_space<vmem>>) offsets(%dma_start3A_117 : memref<128xi32, #tpu.memory_space<vmem>>) semaphore(%arg13 : memref<!tpu.dma_semaphore, #tpu.memory_space<semaphore_mem>>)
        %dma_wait3A_121 = arith.constant 0 : i32
        %dma_wait3A_122 = arith.constant 0 : i32
        %dma_wait3A_123 = tpu.memref_slice %arg8[%select_n3A_62, %dma_wait3A_121, %add3A_105, %dma_wait3A_122] : memref<2x2x8x128xi32, #tpu.memory_space<vmem>> -> memref<1x1x1x128xi32, #tpu.memory_space<vmem>>
        %dma_wait3A_124 = tpu.memref_squeeze %dma_wait3A_123 : memref<1x1x1x128xi32, #tpu.memory_space<vmem>> -> memref<128xi32, #tpu.memory_space<vmem>>
        %dma_wait3A_125 = arith.constant 0 : i32
        %dma_wait3A_126 = arith.constant 0 : i32
        %dma_wait3A_127 = tpu.memref_slice %arg2[%dma_wait3A_125, %dma_wait3A_126] : memref<10000x128xf32, #tpu.memory_space<hbm>> -> memref<10000x128xf32, #tpu.memory_space<hbm>>
        tpu.wait_indirect_dma semaphore(%arg12 : memref<!tpu.dma_semaphore, #tpu.memory_space<semaphore_mem>>) src(%dma_wait3A_127 : memref<10000x128xf32, #tpu.memory_space<hbm>>) dst(%arg9 : memref<128x128xf32, #tpu.memory_space<vmem>>)
        %add3A_128 = arith.constant 0 : i32
        %add3A_129 = arith.addi %mul3A_103, %add3A_128 : i32
        %dma_start3A_130 = arith.constant 1 : i32
        %dma_start3A_131 = arith.constant 0 : i32
        %dma_start3A_132 = tpu.memref_slice %arg8[%select_n3A_62, %dma_start3A_130, %add3A_129, %dma_start3A_131] : memref<2x2x8x128xi32, #tpu.memory_space<vmem>> -> memref<1x1x1x128xi32, #tpu.memory_space<vmem>>
        %dma_start3A_133 = tpu.memref_squeeze %dma_start3A_132 : memref<1x1x1x128xi32, #tpu.memory_space<vmem>> -> memref<128xi32, #tpu.memory_space<vmem>>
        %dma_start3A_134 = arith.constant 0 : i32
        %dma_start3A_135 = arith.constant 0 : i32
        %dma_start3A_136 = tpu.memref_slice %arg7[%dma_start3A_134, %dma_start3A_135] : memref<10112x128xf32, #tpu.memory_space<vmem_shared>> -> memref<10112x128xf32, #tpu.memory_space<vmem_shared>>
        tpu.enqueue_indirect_dma source(%arg9 : memref<128x128xf32, #tpu.memory_space<vmem>>) target(%dma_start3A_136 : memref<10112x128xf32, #tpu.memory_space<vmem_shared>>) offsets(%dma_start3A_133 : memref<128xi32, #tpu.memory_space<vmem>>) semaphore(%arg14 : memref<!tpu.dma_semaphore, #tpu.memory_space<semaphore_mem>>) {add = true}
        %dma_wait3A_137 = arith.constant 0 : i32
        %dma_wait3A_138 = arith.constant 0 : i32
        %dma_wait3A_139 = tpu.memref_slice %arg8[%select_n3A_62, %dma_wait3A_137, %add3A_113, %dma_wait3A_138] : memref<2x2x8x128xi32, #tpu.memory_space<vmem>> -> memref<1x1x1x128xi32, #tpu.memory_space<vmem>>
        %dma_wait3A_140 = tpu.memref_squeeze %dma_wait3A_139 : memref<1x1x1x128xi32, #tpu.memory_space<vmem>> -> memref<128xi32, #tpu.memory_space<vmem>>
        %dma_wait3A_141 = arith.constant 0 : i32
        %dma_wait3A_142 = arith.constant 0 : i32
        %dma_wait3A_143 = tpu.memref_slice %arg2[%dma_wait3A_141, %dma_wait3A_142] : memref<10000x128xf32, #tpu.memory_space<hbm>> -> memref<10000x128xf32, #tpu.memory_space<hbm>>
        tpu.wait_indirect_dma semaphore(%arg13 : memref<!tpu.dma_semaphore, #tpu.memory_space<semaphore_mem>>) src(%dma_wait3A_143 : memref<10000x128xf32, #tpu.memory_space<hbm>>) dst(%arg10 : memref<128x128xf32, #tpu.memory_space<vmem>>)
        %add3A_144 = arith.constant 1 : i32
        %add3A_145 = arith.addi %mul3A_103, %add3A_144 : i32
        %dma_start3A_146 = arith.constant 1 : i32
        %dma_start3A_147 = arith.constant 0 : i32
        %dma_start3A_148 = tpu.memref_slice %arg8[%select_n3A_62, %dma_start3A_146, %add3A_145, %dma_start3A_147] : memref<2x2x8x128xi32, #tpu.memory_space<vmem>> -> memref<1x1x1x128xi32, #tpu.memory_space<vmem>>
        %dma_start3A_149 = tpu.memref_squeeze %dma_start3A_148 : memref<1x1x1x128xi32, #tpu.memory_space<vmem>> -> memref<128xi32, #tpu.memory_space<vmem>>
        %dma_start3A_150 = arith.constant 0 : i32
        %dma_start3A_151 = arith.constant 0 : i32
        %dma_start3A_152 = tpu.memref_slice %arg7[%dma_start3A_150, %dma_start3A_151] : memref<10112x128xf32, #tpu.memory_space<vmem_shared>> -> memref<10112x128xf32, #tpu.memory_space<vmem_shared>>
        tpu.enqueue_indirect_dma source(%arg10 : memref<128x128xf32, #tpu.memory_space<vmem>>) target(%dma_start3A_152 : memref<10112x128xf32, #tpu.memory_space<vmem_shared>>) offsets(%dma_start3A_149 : memref<128xi32, #tpu.memory_space<vmem>>) semaphore(%arg15 : memref<!tpu.dma_semaphore, #tpu.memory_space<semaphore_mem>>) {add = true}
        %dma_wait3A_153 = arith.constant 1 : i32
        %dma_wait3A_154 = arith.constant 0 : i32
        %dma_wait3A_155 = tpu.memref_slice %arg8[%select_n3A_62, %dma_wait3A_153, %add3A_129, %dma_wait3A_154] : memref<2x2x8x128xi32, #tpu.memory_space<vmem>> -> memref<1x1x1x128xi32, #tpu.memory_space<vmem>>
        %dma_wait3A_156 = tpu.memref_squeeze %dma_wait3A_155 : memref<1x1x1x128xi32, #tpu.memory_space<vmem>> -> memref<128xi32, #tpu.memory_space<vmem>>
        %dma_wait3A_157 = arith.constant 0 : i32
        %dma_wait3A_158 = arith.constant 0 : i32
        %dma_wait3A_159 = tpu.memref_slice %arg7[%dma_wait3A_157, %dma_wait3A_158] : memref<10112x128xf32, #tpu.memory_space<vmem_shared>> -> memref<10112x128xf32, #tpu.memory_space<vmem_shared>>
        tpu.wait_indirect_dma semaphore(%arg14 : memref<!tpu.dma_semaphore, #tpu.memory_space<semaphore_mem>>) src(%arg9 : memref<128x128xf32, #tpu.memory_space<vmem>>) dst(%dma_wait3A_159 : memref<10112x128xf32, #tpu.memory_space<vmem_shared>>)
        %dma_wait3A_160 = arith.constant 1 : i32
        %dma_wait3A_161 = arith.constant 0 : i32
        %dma_wait3A_162 = tpu.memref_slice %arg8[%select_n3A_62, %dma_wait3A_160, %add3A_145, %dma_wait3A_161] : memref<2x2x8x128xi32, #tpu.memory_space<vmem>> -> memref<1x1x1x128xi32, #tpu.memory_space<vmem>>
        %dma_wait3A_163 = tpu.memref_squeeze %dma_wait3A_162 : memref<1x1x1x128xi32, #tpu.memory_space<vmem>> -> memref<128xi32, #tpu.memory_space<vmem>>
        %dma_wait3A_164 = arith.constant 0 : i32
        %dma_wait3A_165 = arith.constant 0 : i32
        %dma_wait3A_166 = tpu.memref_slice %arg7[%dma_wait3A_164, %dma_wait3A_165] : memref<10112x128xf32, #tpu.memory_space<vmem_shared>> -> memref<10112x128xf32, #tpu.memory_space<vmem_shared>>
        tpu.wait_indirect_dma semaphore(%arg15 : memref<!tpu.dma_semaphore, #tpu.memory_space<semaphore_mem>>) src(%arg10 : memref<128x128xf32, #tpu.memory_space<vmem>>) dst(%dma_wait3A_166 : memref<10112x128xf32, #tpu.memory_space<vmem_shared>>)
      }
      %scan3A_100 = arith.constant 4 : i32
    }
    %barrier3A_42 = arith.constant 0 : index
    tpu.barrier barrier_id(%barrier3A_42)
    %mul3A_43 = arith.constant 632 : i32
    %mul3A_44 = arith.muli %arg1, %mul3A_43 : i32
    %mul3A_45 = arith.constant 632 : i32
    %mul3A_46 = arith.muli %arg1, %mul3A_45 : i32
    "tpu.region"() ({
      %run_scoped3A = tpu.sem_alloc : memref<!tpu.dma_semaphore, #tpu.memory_space<semaphore_mem>>
      %dma_start3A = arith.constant 0 : i32
      %dma_start3A_47 = tpu.memref_slice %arg6[%arg0, %mul3A_46, %dma_start3A] : memref<2x10112x128xf32, #tpu.memory_space<hbm>> -> memref<1x632x128xf32, #tpu.memory_space<hbm>>
      %dma_start3A_48 = tpu.memref_squeeze %dma_start3A_47 : memref<1x632x128xf32, #tpu.memory_space<hbm>> -> memref<632x128xf32, #tpu.memory_space<hbm>>
      %dma_start3A_49 = arith.constant 0 : i32
      %dma_start3A_50 = tpu.memref_slice %arg7[%mul3A_44, %dma_start3A_49] : memref<10112x128xf32, #tpu.memory_space<vmem_shared>> -> memref<632x128xf32, #tpu.memory_space<vmem_shared>>
      tpu.enqueue_dma source(%dma_start3A_50 : memref<632x128xf32, #tpu.memory_space<vmem_shared>>) target(%dma_start3A_48 : memref<632x128xf32, #tpu.memory_space<hbm>>) target_semaphore(%run_scoped3A : memref<!tpu.dma_semaphore, #tpu.memory_space<semaphore_mem>>)
      %dma_wait3A = arith.constant 0 : i32
      %dma_wait3A_51 = tpu.memref_slice %arg6[%arg0, %mul3A_46, %dma_wait3A] : memref<2x10112x128xf32, #tpu.memory_space<hbm>> -> memref<1x632x128xf32, #tpu.memory_space<hbm>>
      %dma_wait3A_52 = tpu.memref_squeeze %dma_wait3A_51 : memref<1x632x128xf32, #tpu.memory_space<hbm>> -> memref<632x128xf32, #tpu.memory_space<hbm>>
      %dma_wait3A_53 = arith.constant 0 : i32
      %dma_wait3A_54 = tpu.memref_slice %arg7[%mul3A_44, %dma_wait3A_53] : memref<10112x128xf32, #tpu.memory_space<vmem_shared>> -> memref<632x128xf32, #tpu.memory_space<vmem_shared>>
      tpu.wait_dma2 semaphore(%run_scoped3A : memref<!tpu.dma_semaphore, #tpu.memory_space<semaphore_mem>>) src(%dma_wait3A_54 : memref<632x128xf32, #tpu.memory_space<vmem_shared>>) dst(%dma_wait3A_52 : memref<632x128xf32, #tpu.memory_space<hbm>>)
      tpu.yield
    }) : () -> ()
    return
  }
}

#map = affine_map<(d0, d1) -> (0, 0)>
#map1 = affine_map<(d0, d1) -> (0, 0, 0)>
module attributes {stable_mosaic.version = 14 : i64} {
  func.func @_agg_body(%arg0: i32, %arg1: i32, %arg2: memref<10000x128xf32, #tpu.memory_space<hbm>>, %arg3: memref<2560x128xi32, #tpu.memory_space<hbm>>, %arg4: memref<2560x128xi32, #tpu.memory_space<hbm>>, %arg5: memref<10112x128xf32, #tpu.memory_space<hbm>>, %arg6: memref<2x10112x128xf32, #tpu.memory_space<hbm>>, %arg7: memref<10112x128xf32, #tpu.memory_space<vmem_shared>>, %arg8: memref<2x2x8x128xi32, #tpu.memory_space<vmem>>, %arg9: memref<128x128xf32, #tpu.memory_space<vmem>>, %arg10: memref<128x128xf32, #tpu.memory_space<vmem>>, %arg11: memref<!tpu.dma_semaphore, #tpu.memory_space<semaphore_mem>>, %arg12: memref<!tpu.dma_semaphore, #tpu.memory_space<semaphore_mem>>, %arg13: memref<!tpu.dma_semaphore, #tpu.memory_space<semaphore_mem>>, %arg14: memref<!tpu.dma_semaphore, #tpu.memory_space<semaphore_mem>>, %arg15: memref<!tpu.dma_semaphore, #tpu.memory_space<semaphore_mem>>) attributes {dimension_semantics = [#tpu.dimension_semantics<core_parallel>, #tpu.dimension_semantics<subcore_parallel>], iteration_bounds = array<i64: 2, 16>, scalar_prefetch = 0 : i64, scratch_operands = 9 : i64, tpu.core_type = #tpu.core_type<sc_vector_subcore>, window_params = [{transform_indices = #map}, {transform_indices = #map}, {transform_indices = #map}, {transform_indices = #map}, {transform_indices = #map1}]} {
    %eq3A = arith.constant 0 : i32
    %eq3A_0 = arith.cmpi eq, %arg0, %eq3A : i32
    %jit3A = arith.constant 152 : i32
    %jit3A_1 = arith.constant 8 : i32
    %select_n3A = arith.select %eq3A_0, %jit3A, %jit3A_1 : i32
    %eq3A_2 = arith.constant 0 : i32
    %eq3A_3 = arith.cmpi eq, %arg0, %eq3A_2 : i32
    %mul3A = arith.constant 152 : i32
    %mul3A_4 = arith.muli %arg1, %mul3A : i32
    %mul3A_5 = arith.constant 8 : i32
    %mul3A_6 = arith.muli %arg1, %mul3A_5 : i32
    %add3A = arith.constant 2432 : i32
    %add3A_7 = arith.addi %add3A, %mul3A_6 : i32
    %select_n3A_8 = arith.select %eq3A_3, %mul3A_4, %add3A_7 : i32
    %jit3A_9 = arith.constant 8 : i32
    %div3A = arith.divsi %select_n3A, %jit3A_9 : i32
    %sign3A = arith.constant 0 : i32
    %sign3A_10 = arith.cmpi sgt, %select_n3A, %sign3A : i32
    %sign3A_11 = arith.extui %sign3A_10 : i1 to i32
    %sign3A_12 = arith.constant 0 : i32
    %sign3A_13 = arith.cmpi slt, %select_n3A, %sign3A_12 : i32
    %sign3A_14 = arith.extui %sign3A_13 : i1 to i32
    %sign3A_15 = arith.subi %sign3A_11, %sign3A_14 : i32
    %sign3A_16 = arith.constant 0 : i32
    %sign3A_17 = arith.cmpi sgt, %jit3A_9, %sign3A_16 : i32
    %sign3A_18 = arith.extui %sign3A_17 : i1 to i32
    %sign3A_19 = arith.constant 0 : i32
    %sign3A_20 = arith.cmpi slt, %jit3A_9, %sign3A_19 : i32
    %sign3A_21 = arith.extui %sign3A_20 : i1 to i32
    %sign3A_22 = arith.subi %sign3A_18, %sign3A_21 : i32
    %ne3A = arith.cmpi ne, %sign3A_15, %sign3A_22 : i32
    %rem3A = arith.remsi %select_n3A, %jit3A_9 : i32
    %ne3A_23 = arith.constant 0 : i32
    %ne3A_24 = arith.cmpi ne, %rem3A, %ne3A_23 : i32
    %and3A = arith.andi %ne3A, %ne3A_24 : i1
    %sub3A = arith.constant 1 : i32
    %sub3A_25 = arith.subi %div3A, %sub3A : i32
    %select_n3A_26 = arith.select %and3A, %sub3A_25, %div3A : i32
    %gt3A = arith.constant 0 : i32
    %gt3A_27 = arith.cmpi sgt, %select_n3A_26, %gt3A : i32
    %convert_element_type3A = arith.extui %gt3A_27 : i1 to i32
    %cond3A = arith.constant 0 : i32
    %cond3A_28 = arith.cmpi ne, %convert_element_type3A, %cond3A : i32
    scf.if %cond3A_28 {
      %dma_start3A = arith.constant 0 : i32
      %dma_start3A_47 = arith.constant 0 : i32
      %dma_start3A_48 = arith.constant 0 : i32
      %dma_start3A_49 = arith.constant 0 : i32
      %dma_start3A_50 = tpu.memref_slice %arg8[%dma_start3A, %dma_start3A_47, %dma_start3A_48, %dma_start3A_49] : memref<2x2x8x128xi32, #tpu.memory_space<vmem>> -> memref<1x1x8x128xi32, #tpu.memory_space<vmem>>
      %dma_start3A_51 = tpu.memref_squeeze %dma_start3A_50 : memref<1x1x8x128xi32, #tpu.memory_space<vmem>> -> memref<8x128xi32, #tpu.memory_space<vmem>>
      %dma_start3A_52 = arith.constant 0 : i32
      %dma_start3A_53 = tpu.memref_slice %arg3[%select_n3A_8, %dma_start3A_52] : memref<2560x128xi32, #tpu.memory_space<hbm>> -> memref<8x128xi32, #tpu.memory_space<hbm>>
      %dma_start3A_54 = arith.constant 0 : i32
      %dma_start3A_55 = arith.constant 0 : i32
      %dma_start3A_56 = tpu.memref_slice %arg8[%dma_start3A, %dma_start3A_47, %dma_start3A_54, %dma_start3A_55] : memref<2x2x8x128xi32, #tpu.memory_space<vmem>> -> memref<1x1x8x128xi32, #tpu.memory_space<vmem>>
      %dma_start3A_57 = tpu.memref_squeeze %dma_start3A_56 : memref<1x1x8x128xi32, #tpu.memory_space<vmem>> -> memref<8x128xi32, #tpu.memory_space<vmem>>
      %dma_start3A_58 = arith.constant 0 : i32
      %dma_start3A_59 = tpu.memref_slice %arg3[%select_n3A_8, %dma_start3A_58] : memref<2560x128xi32, #tpu.memory_space<hbm>> -> memref<8x128xi32, #tpu.memory_space<hbm>>
      tpu.enqueue_dma source(%dma_start3A_59 : memref<8x128xi32, #tpu.memory_space<hbm>>) target(%dma_start3A_57 : memref<8x128xi32, #tpu.memory_space<vmem>>) target_semaphore(%arg11 : memref<!tpu.dma_semaphore, #tpu.memory_space<semaphore_mem>>)
      %dma_start3A_60 = arith.constant 0 : i32
      %dma_start3A_61 = arith.constant 1 : i32
      %dma_start3A_62 = arith.constant 0 : i32
      %dma_start3A_63 = arith.constant 0 : i32
      %dma_start3A_64 = tpu.memref_slice %arg8[%dma_start3A_60, %dma_start3A_61, %dma_start3A_62, %dma_start3A_63] : memref<2x2x8x128xi32, #tpu.memory_space<vmem>> -> memref<1x1x8x128xi32, #tpu.memory_space<vmem>>
      %dma_start3A_65 = tpu.memref_squeeze %dma_start3A_64 : memref<1x1x8x128xi32, #tpu.memory_space<vmem>> -> memref<8x128xi32, #tpu.memory_space<vmem>>
      %dma_start3A_66 = arith.constant 0 : i32
      %dma_start3A_67 = tpu.memref_slice %arg4[%select_n3A_8, %dma_start3A_66] : memref<2560x128xi32, #tpu.memory_space<hbm>> -> memref<8x128xi32, #tpu.memory_space<hbm>>
      %dma_start3A_68 = arith.constant 0 : i32
      %dma_start3A_69 = arith.constant 0 : i32
      %dma_start3A_70 = tpu.memref_slice %arg8[%dma_start3A_60, %dma_start3A_61, %dma_start3A_68, %dma_start3A_69] : memref<2x2x8x128xi32, #tpu.memory_space<vmem>> -> memref<1x1x8x128xi32, #tpu.memory_space<vmem>>
      %dma_start3A_71 = tpu.memref_squeeze %dma_start3A_70 : memref<1x1x8x128xi32, #tpu.memory_space<vmem>> -> memref<8x128xi32, #tpu.memory_space<vmem>>
      %dma_start3A_72 = arith.constant 0 : i32
      %dma_start3A_73 = tpu.memref_slice %arg4[%select_n3A_8, %dma_start3A_72] : memref<2560x128xi32, #tpu.memory_space<hbm>> -> memref<8x128xi32, #tpu.memory_space<hbm>>
      tpu.enqueue_dma source(%dma_start3A_73 : memref<8x128xi32, #tpu.memory_space<hbm>>) target(%dma_start3A_71 : memref<8x128xi32, #tpu.memory_space<vmem>>) target_semaphore(%arg11 : memref<!tpu.dma_semaphore, #tpu.memory_space<semaphore_mem>>)
    } else {
    }
    %mul3A_29 = arith.constant 632 : i32
    %mul3A_30 = arith.muli %arg1, %mul3A_29 : i32
    %mul3A_31 = arith.constant 632 : i32
    %mul3A_32 = arith.muli %arg1, %mul3A_31 : i32
    "tpu.region"() ({
      %run_scoped3A = tpu.sem_alloc : memref<!tpu.dma_semaphore, #tpu.memory_space<semaphore_mem>>
      %dma_start3A = arith.constant 0 : i32
      %dma_start3A_47 = tpu.memref_slice %arg7[%mul3A_32, %dma_start3A] : memref<10112x128xf32, #tpu.memory_space<vmem_shared>> -> memref<632x128xf32, #tpu.memory_space<vmem_shared>>
      %dma_start3A_48 = arith.constant 0 : i32
      %dma_start3A_49 = tpu.memref_slice %arg5[%mul3A_30, %dma_start3A_48] : memref<10112x128xf32, #tpu.memory_space<hbm>> -> memref<632x128xf32, #tpu.memory_space<hbm>>
      tpu.enqueue_dma source(%dma_start3A_49 : memref<632x128xf32, #tpu.memory_space<hbm>>) target(%dma_start3A_47 : memref<632x128xf32, #tpu.memory_space<vmem_shared>>) target_semaphore(%run_scoped3A : memref<!tpu.dma_semaphore, #tpu.memory_space<semaphore_mem>>)
      %dma_wait3A = arith.constant 0 : i32
      %dma_wait3A_50 = tpu.memref_slice %arg7[%mul3A_32, %dma_wait3A] : memref<10112x128xf32, #tpu.memory_space<vmem_shared>> -> memref<632x128xf32, #tpu.memory_space<vmem_shared>>
      %dma_wait3A_51 = arith.constant 0 : i32
      %dma_wait3A_52 = tpu.memref_slice %arg5[%mul3A_30, %dma_wait3A_51] : memref<10112x128xf32, #tpu.memory_space<hbm>> -> memref<632x128xf32, #tpu.memory_space<hbm>>
      tpu.wait_dma2 semaphore(%run_scoped3A : memref<!tpu.dma_semaphore, #tpu.memory_space<semaphore_mem>>) src(%dma_wait3A_52 : memref<632x128xf32, #tpu.memory_space<hbm>>) dst(%dma_wait3A_50 : memref<632x128xf32, #tpu.memory_space<vmem_shared>>)
      tpu.yield
    }) : () -> ()
    %barrier3A = arith.constant 0 : index
    tpu.barrier barrier_id(%barrier3A)
    %while3A = arith.constant 0 : i32
    %while3A_33 = arith.constant 0 : i32
    %while3A_34 = arith.subi %select_n3A_26, %while3A_33 : i32
    %while3A_35 = arith.addi %while3A_33, %while3A_34 : i32
    %while3A_36 = arith.constant 1 : i32
    %while3A_37 = arith.divsi %while3A_34, %while3A_36 : i32
    %while3A_38 = arith.muli %while3A_37, %while3A_36 : i32
    %while3A_39 = arith.addi %while3A_33, %while3A_38 : i32
    %while3A_40 = arith.constant 1 : i32
    scf.for %while3A_47 = %while3A_33 to %while3A_39 step %while3A_40  : i32 {
      %jit3A_48 = arith.constant 2 : i32
      %eq3A_49 = arith.constant 0 : i32
      %eq3A_50 = arith.cmpi eq, %jit3A_48, %eq3A_49 : i32
      %jit3A_51 = arith.constant 1 : i32
      %select_n3A_52 = arith.select %eq3A_50, %jit3A_51, %jit3A_48 : i32
      %rem3A_53 = arith.remsi %while3A_47, %select_n3A_52 : i32
      %ne3A_54 = arith.constant 0 : i32
      %ne3A_55 = arith.cmpi ne, %rem3A_53, %ne3A_54 : i32
      %lt3A = arith.constant 0 : i32
      %lt3A_56 = arith.cmpi slt, %rem3A_53, %lt3A : i32
      %lt3A_57 = arith.constant 0 : i32
      %lt3A_58 = arith.cmpi slt, %select_n3A_52, %lt3A_57 : i32
      %ne3A_59 = arith.xori %lt3A_56, %lt3A_58 : i1
      %and3A_60 = arith.andi %ne3A_59, %ne3A_55 : i1
      %add3A_61 = arith.addi %rem3A_53, %select_n3A_52 : i32
      %select_n3A_62 = arith.select %and3A_60, %add3A_61, %rem3A_53 : i32
      %dma_wait3A = arith.constant 0 : i32
      %dma_wait3A_63 = arith.constant 0 : i32
      %dma_wait3A_64 = arith.constant 0 : i32
      %dma_wait3A_65 = arith.constant 0 : i32
      %dma_wait3A_66 = tpu.memref_slice %arg8[%dma_wait3A, %dma_wait3A_63, %dma_wait3A_64, %dma_wait3A_65] : memref<2x2x8x128xi32, #tpu.memory_space<vmem>> -> memref<1x1x8x128xi32, #tpu.memory_space<vmem>>
      %dma_wait3A_67 = tpu.memref_squeeze %dma_wait3A_66 : memref<1x1x8x128xi32, #tpu.memory_space<vmem>> -> memref<8x128xi32, #tpu.memory_space<vmem>>
      %dma_wait3A_68 = arith.constant 0 : i32
      %dma_wait3A_69 = tpu.memref_slice %arg3[%select_n3A_8, %dma_wait3A_68] : memref<2560x128xi32, #tpu.memory_space<hbm>> -> memref<8x128xi32, #tpu.memory_space<hbm>>
      %dma_wait3A_70 = arith.constant 0 : i32
      %dma_wait3A_71 = arith.constant 0 : i32
      %dma_wait3A_72 = tpu.memref_slice %arg8[%dma_wait3A, %dma_wait3A_63, %dma_wait3A_70, %dma_wait3A_71] : memref<2x2x8x128xi32, #tpu.memory_space<vmem>> -> memref<1x1x8x128xi32, #tpu.memory_space<vmem>>
      %dma_wait3A_73 = tpu.memref_squeeze %dma_wait3A_72 : memref<1x1x8x128xi32, #tpu.memory_space<vmem>> -> memref<8x128xi32, #tpu.memory_space<vmem>>
      %dma_wait3A_74 = arith.constant 0 : i32
      %dma_wait3A_75 = tpu.memref_slice %arg3[%select_n3A_8, %dma_wait3A_74] : memref<2560x128xi32, #tpu.memory_space<hbm>> -> memref<8x128xi32, #tpu.memory_space<hbm>>
      tpu.wait_dma2 semaphore(%arg11 : memref<!tpu.dma_semaphore, #tpu.memory_space<semaphore_mem>>) src(%dma_wait3A_75 : memref<8x128xi32, #tpu.memory_space<hbm>>) dst(%dma_wait3A_73 : memref<8x128xi32, #tpu.memory_space<vmem>>)
      %dma_wait3A_76 = arith.constant 0 : i32
      %dma_wait3A_77 = arith.constant 1 : i32
      %dma_wait3A_78 = arith.constant 0 : i32
      %dma_wait3A_79 = arith.constant 0 : i32
      %dma_wait3A_80 = tpu.memref_slice %arg8[%dma_wait3A_76, %dma_wait3A_77, %dma_wait3A_78, %dma_wait3A_79] : memref<2x2x8x128xi32, #tpu.memory_space<vmem>> -> memref<1x1x8x128xi32, #tpu.memory_space<vmem>>
      %dma_wait3A_81 = tpu.memref_squeeze %dma_wait3A_80 : memref<1x1x8x128xi32, #tpu.memory_space<vmem>> -> memref<8x128xi32, #tpu.memory_space<vmem>>
      %dma_wait3A_82 = arith.constant 0 : i32
      %dma_wait3A_83 = tpu.memref_slice %arg4[%select_n3A_8, %dma_wait3A_82] : memref<2560x128xi32, #tpu.memory_space<hbm>> -> memref<8x128xi32, #tpu.memory_space<hbm>>
      %dma_wait3A_84 = arith.constant 0 : i32
      %dma_wait3A_85 = arith.constant 0 : i32
      %dma_wait3A_86 = tpu.memref_slice %arg8[%dma_wait3A_76, %dma_wait3A_77, %dma_wait3A_84, %dma_wait3A_85] : memref<2x2x8x128xi32, #tpu.memory_space<vmem>> -> memref<1x1x8x128xi32, #tpu.memory_space<vmem>>
      %dma_wait3A_87 = tpu.memref_squeeze %dma_wait3A_86 : memref<1x1x8x128xi32, #tpu.memory_space<vmem>> -> memref<8x128xi32, #tpu.memory_space<vmem>>
      %dma_wait3A_88 = arith.constant 0 : i32
      %dma_wait3A_89 = tpu.memref_slice %arg4[%select_n3A_8, %dma_wait3A_88] : memref<2560x128xi32, #tpu.memory_space<hbm>> -> memref<8x128xi32, #tpu.memory_space<hbm>>
      tpu.wait_dma2 semaphore(%arg11 : memref<!tpu.dma_semaphore, #tpu.memory_space<semaphore_mem>>) src(%dma_wait3A_89 : memref<8x128xi32, #tpu.memory_space<hbm>>) dst(%dma_wait3A_87 : memref<8x128xi32, #tpu.memory_space<vmem>>)
      %add3A_90 = arith.constant 1 : i32
      %add3A_91 = arith.addi %while3A_47, %add3A_90 : i32
      %lt3A_92 = arith.cmpi slt, %add3A_91, %select_n3A_26 : i32
      %convert_element_type3A_93 = arith.extui %lt3A_92 : i1 to i32
      %cond3A_94 = arith.constant 0 : i32
      %cond3A_95 = arith.cmpi ne, %convert_element_type3A_93, %cond3A_94 : i32
      scf.if %cond3A_95 {
        %add3A_101 = arith.constant 1 : i32
        %add3A_102 = arith.addi %while3A_47, %add3A_101 : i32
        %jit3A_103 = arith.constant 2 : i32
        %eq3A_104 = arith.constant 0 : i32
        %eq3A_105 = arith.cmpi eq, %jit3A_103, %eq3A_104 : i32
        %jit3A_106 = arith.constant 1 : i32
        %select_n3A_107 = arith.select %eq3A_105, %jit3A_106, %jit3A_103 : i32
        %rem3A_108 = arith.remsi %add3A_102, %select_n3A_107 : i32
        %ne3A_109 = arith.constant 0 : i32
        %ne3A_110 = arith.cmpi ne, %rem3A_108, %ne3A_109 : i32
        %lt3A_111 = arith.constant 0 : i32
        %lt3A_112 = arith.cmpi slt, %rem3A_108, %lt3A_111 : i32
        %lt3A_113 = arith.constant 0 : i32
        %lt3A_114 = arith.cmpi slt, %select_n3A_107, %lt3A_113 : i32
        %ne3A_115 = arith.xori %lt3A_112, %lt3A_114 : i1
        %and3A_116 = arith.andi %ne3A_115, %ne3A_110 : i1
        %add3A_117 = arith.addi %rem3A_108, %select_n3A_107 : i32
        %select_n3A_118 = arith.select %and3A_116, %add3A_117, %rem3A_108 : i32
        %add3A_119 = arith.constant 1 : i32
        %add3A_120 = arith.addi %while3A_47, %add3A_119 : i32
        %mul3A_121 = arith.constant 8 : i32
        %mul3A_122 = arith.muli %add3A_120, %mul3A_121 : i32
        %add3A_123 = arith.addi %select_n3A_8, %mul3A_122 : i32
        %dma_start3A = arith.constant 0 : i32
        %dma_start3A_124 = arith.constant 0 : i32
        %dma_start3A_125 = arith.constant 0 : i32
        %dma_start3A_126 = tpu.memref_slice %arg8[%select_n3A_118, %dma_start3A, %dma_start3A_124, %dma_start3A_125] : memref<2x2x8x128xi32, #tpu.memory_space<vmem>> -> memref<1x1x8x128xi32, #tpu.memory_space<vmem>>
        %dma_start3A_127 = tpu.memref_squeeze %dma_start3A_126 : memref<1x1x8x128xi32, #tpu.memory_space<vmem>> -> memref<8x128xi32, #tpu.memory_space<vmem>>
        %dma_start3A_128 = arith.constant 0 : i32
        %dma_start3A_129 = tpu.memref_slice %arg3[%add3A_123, %dma_start3A_128] : memref<2560x128xi32, #tpu.memory_space<hbm>> -> memref<8x128xi32, #tpu.memory_space<hbm>>
        %dma_start3A_130 = arith.constant 0 : i32
        %dma_start3A_131 = arith.constant 0 : i32
        %dma_start3A_132 = tpu.memref_slice %arg8[%select_n3A_118, %dma_start3A, %dma_start3A_130, %dma_start3A_131] : memref<2x2x8x128xi32, #tpu.memory_space<vmem>> -> memref<1x1x8x128xi32, #tpu.memory_space<vmem>>
        %dma_start3A_133 = tpu.memref_squeeze %dma_start3A_132 : memref<1x1x8x128xi32, #tpu.memory_space<vmem>> -> memref<8x128xi32, #tpu.memory_space<vmem>>
        %dma_start3A_134 = arith.constant 0 : i32
        %dma_start3A_135 = tpu.memref_slice %arg3[%add3A_123, %dma_start3A_134] : memref<2560x128xi32, #tpu.memory_space<hbm>> -> memref<8x128xi32, #tpu.memory_space<hbm>>
        tpu.enqueue_dma source(%dma_start3A_135 : memref<8x128xi32, #tpu.memory_space<hbm>>) target(%dma_start3A_133 : memref<8x128xi32, #tpu.memory_space<vmem>>) target_semaphore(%arg11 : memref<!tpu.dma_semaphore, #tpu.memory_space<semaphore_mem>>)
        %dma_start3A_136 = arith.constant 1 : i32
        %dma_start3A_137 = arith.constant 0 : i32
        %dma_start3A_138 = arith.constant 0 : i32
        %dma_start3A_139 = tpu.memref_slice %arg8[%select_n3A_118, %dma_start3A_136, %dma_start3A_137, %dma_start3A_138] : memref<2x2x8x128xi32, #tpu.memory_space<vmem>> -> memref<1x1x8x128xi32, #tpu.memory_space<vmem>>
        %dma_start3A_140 = tpu.memref_squeeze %dma_start3A_139 : memref<1x1x8x128xi32, #tpu.memory_space<vmem>> -> memref<8x128xi32, #tpu.memory_space<vmem>>
        %dma_start3A_141 = arith.constant 0 : i32
        %dma_start3A_142 = tpu.memref_slice %arg4[%add3A_123, %dma_start3A_141] : memref<2560x128xi32, #tpu.memory_space<hbm>> -> memref<8x128xi32, #tpu.memory_space<hbm>>
        %dma_start3A_143 = arith.constant 0 : i32
        %dma_start3A_144 = arith.constant 0 : i32
        %dma_start3A_145 = tpu.memref_slice %arg8[%select_n3A_118, %dma_start3A_136, %dma_start3A_143, %dma_start3A_144] : memref<2x2x8x128xi32, #tpu.memory_space<vmem>> -> memref<1x1x8x128xi32, #tpu.memory_space<vmem>>
        %dma_start3A_146 = tpu.memref_squeeze %dma_start3A_145 : memref<1x1x8x128xi32, #tpu.memory_space<vmem>> -> memref<8x128xi32, #tpu.memory_space<vmem>>
        %dma_start3A_147 = arith.constant 0 : i32
        %dma_start3A_148 = tpu.memref_slice %arg4[%add3A_123, %dma_start3A_147] : memref<2560x128xi32, #tpu.memory_space<hbm>> -> memref<8x128xi32, #tpu.memory_space<hbm>>
        tpu.enqueue_dma source(%dma_start3A_148 : memref<8x128xi32, #tpu.memory_space<hbm>>) target(%dma_start3A_146 : memref<8x128xi32, #tpu.memory_space<vmem>>) target_semaphore(%arg11 : memref<!tpu.dma_semaphore, #tpu.memory_space<semaphore_mem>>)
      } else {
      }
      %scan3A = arith.constant 0 : i32
      %scan3A_96 = arith.constant 0 : i32
      %scan3A_97 = arith.constant 4 : i32
      %scan3A_98 = arith.addi %scan3A_96, %scan3A_97 : i32
      %scan3A_99 = arith.constant 1 : i32
      scf.for %scan3A_101 = %scan3A_96 to %scan3A_98 step %scan3A_99  : i32 {
        %mul3A_102 = arith.constant 2 : i32
        %mul3A_103 = arith.muli %scan3A_101, %mul3A_102 : i32
        %add3A_104 = arith.constant 0 : i32
        %add3A_105 = arith.addi %mul3A_103, %add3A_104 : i32
        %dma_start3A = arith.constant 0 : i32
        %dma_start3A_106 = arith.constant 0 : i32
        %dma_start3A_107 = tpu.memref_slice %arg8[%select_n3A_62, %dma_start3A, %add3A_105, %dma_start3A_106] : memref<2x2x8x128xi32, #tpu.memory_space<vmem>> -> memref<1x1x1x128xi32, #tpu.memory_space<vmem>>
        %dma_start3A_108 = tpu.memref_squeeze %dma_start3A_107 : memref<1x1x1x128xi32, #tpu.memory_space<vmem>> -> memref<128xi32, #tpu.memory_space<vmem>>
        %dma_start3A_109 = arith.constant 0 : i32
        %dma_start3A_110 = arith.constant 0 : i32
        %dma_start3A_111 = tpu.memref_slice %arg2[%dma_start3A_109, %dma_start3A_110] : memref<10000x128xf32, #tpu.memory_space<hbm>> -> memref<10000x128xf32, #tpu.memory_space<hbm>>
        tpu.enqueue_indirect_dma source(%dma_start3A_111 : memref<10000x128xf32, #tpu.memory_space<hbm>>) target(%arg9 : memref<128x128xf32, #tpu.memory_space<vmem>>) offsets(%dma_start3A_108 : memref<128xi32, #tpu.memory_space<vmem>>) semaphore(%arg12 : memref<!tpu.dma_semaphore, #tpu.memory_space<semaphore_mem>>)
        %add3A_112 = arith.constant 1 : i32
        %add3A_113 = arith.addi %mul3A_103, %add3A_112 : i32
        %dma_start3A_114 = arith.constant 0 : i32
        %dma_start3A_115 = arith.constant 0 : i32
        %dma_start3A_116 = tpu.memref_slice %arg8[%select_n3A_62, %dma_start3A_114, %add3A_113, %dma_start3A_115] : memref<2x2x8x128xi32, #tpu.memory_space<vmem>> -> memref<1x1x1x128xi32, #tpu.memory_space<vmem>>
        %dma_start3A_117 = tpu.memref_squeeze %dma_start3A_116 : memref<1x1x1x128xi32, #tpu.memory_space<vmem>> -> memref<128xi32, #tpu.memory_space<vmem>>
        %dma_start3A_118 = arith.constant 0 : i32
        %dma_start3A_119 = arith.constant 0 : i32
        %dma_start3A_120 = tpu.memref_slice %arg2[%dma_start3A_118, %dma_start3A_119] : memref<10000x128xf32, #tpu.memory_space<hbm>> -> memref<10000x128xf32, #tpu.memory_space<hbm>>
        tpu.enqueue_indirect_dma source(%dma_start3A_120 : memref<10000x128xf32, #tpu.memory_space<hbm>>) target(%arg10 : memref<128x128xf32, #tpu.memory_space<vmem>>) offsets(%dma_start3A_117 : memref<128xi32, #tpu.memory_space<vmem>>) semaphore(%arg13 : memref<!tpu.dma_semaphore, #tpu.memory_space<semaphore_mem>>)
        %dma_wait3A_121 = arith.constant 0 : i32
        %dma_wait3A_122 = arith.constant 0 : i32
        %dma_wait3A_123 = tpu.memref_slice %arg8[%select_n3A_62, %dma_wait3A_121, %add3A_105, %dma_wait3A_122] : memref<2x2x8x128xi32, #tpu.memory_space<vmem>> -> memref<1x1x1x128xi32, #tpu.memory_space<vmem>>
        %dma_wait3A_124 = tpu.memref_squeeze %dma_wait3A_123 : memref<1x1x1x128xi32, #tpu.memory_space<vmem>> -> memref<128xi32, #tpu.memory_space<vmem>>
        %dma_wait3A_125 = arith.constant 0 : i32
        %dma_wait3A_126 = arith.constant 0 : i32
        %dma_wait3A_127 = tpu.memref_slice %arg2[%dma_wait3A_125, %dma_wait3A_126] : memref<10000x128xf32, #tpu.memory_space<hbm>> -> memref<10000x128xf32, #tpu.memory_space<hbm>>
        tpu.wait_indirect_dma semaphore(%arg12 : memref<!tpu.dma_semaphore, #tpu.memory_space<semaphore_mem>>) src(%dma_wait3A_127 : memref<10000x128xf32, #tpu.memory_space<hbm>>) dst(%arg9 : memref<128x128xf32, #tpu.memory_space<vmem>>)
        %add3A_128 = arith.constant 0 : i32
        %add3A_129 = arith.addi %mul3A_103, %add3A_128 : i32
        %dma_start3A_130 = arith.constant 1 : i32
        %dma_start3A_131 = arith.constant 0 : i32
        %dma_start3A_132 = tpu.memref_slice %arg8[%select_n3A_62, %dma_start3A_130, %add3A_129, %dma_start3A_131] : memref<2x2x8x128xi32, #tpu.memory_space<vmem>> -> memref<1x1x1x128xi32, #tpu.memory_space<vmem>>
        %dma_start3A_133 = tpu.memref_squeeze %dma_start3A_132 : memref<1x1x1x128xi32, #tpu.memory_space<vmem>> -> memref<128xi32, #tpu.memory_space<vmem>>
        %dma_start3A_134 = arith.constant 0 : i32
        %dma_start3A_135 = arith.constant 0 : i32
        %dma_start3A_136 = tpu.memref_slice %arg7[%dma_start3A_134, %dma_start3A_135] : memref<10112x128xf32, #tpu.memory_space<vmem_shared>> -> memref<10112x128xf32, #tpu.memory_space<vmem_shared>>
        tpu.enqueue_indirect_dma source(%arg9 : memref<128x128xf32, #tpu.memory_space<vmem>>) target(%dma_start3A_136 : memref<10112x128xf32, #tpu.memory_space<vmem_shared>>) offsets(%dma_start3A_133 : memref<128xi32, #tpu.memory_space<vmem>>) semaphore(%arg14 : memref<!tpu.dma_semaphore, #tpu.memory_space<semaphore_mem>>) {add = true}
        %dma_wait3A_137 = arith.constant 0 : i32
        %dma_wait3A_138 = arith.constant 0 : i32
        %dma_wait3A_139 = tpu.memref_slice %arg8[%select_n3A_62, %dma_wait3A_137, %add3A_113, %dma_wait3A_138] : memref<2x2x8x128xi32, #tpu.memory_space<vmem>> -> memref<1x1x1x128xi32, #tpu.memory_space<vmem>>
        %dma_wait3A_140 = tpu.memref_squeeze %dma_wait3A_139 : memref<1x1x1x128xi32, #tpu.memory_space<vmem>> -> memref<128xi32, #tpu.memory_space<vmem>>
        %dma_wait3A_141 = arith.constant 0 : i32
        %dma_wait3A_142 = arith.constant 0 : i32
        %dma_wait3A_143 = tpu.memref_slice %arg2[%dma_wait3A_141, %dma_wait3A_142] : memref<10000x128xf32, #tpu.memory_space<hbm>> -> memref<10000x128xf32, #tpu.memory_space<hbm>>
        tpu.wait_indirect_dma semaphore(%arg13 : memref<!tpu.dma_semaphore, #tpu.memory_space<semaphore_mem>>) src(%dma_wait3A_143 : memref<10000x128xf32, #tpu.memory_space<hbm>>) dst(%arg10 : memref<128x128xf32, #tpu.memory_space<vmem>>)
        %add3A_144 = arith.constant 1 : i32
        %add3A_145 = arith.addi %mul3A_103, %add3A_144 : i32
        %dma_start3A_146 = arith.constant 1 : i32
        %dma_start3A_147 = arith.constant 0 : i32
        %dma_start3A_148 = tpu.memref_slice %arg8[%select_n3A_62, %dma_start3A_146, %add3A_145, %dma_start3A_147] : memref<2x2x8x128xi32, #tpu.memory_space<vmem>> -> memref<1x1x1x128xi32, #tpu.memory_space<vmem>>
        %dma_start3A_149 = tpu.memref_squeeze %dma_start3A_148 : memref<1x1x1x128xi32, #tpu.memory_space<vmem>> -> memref<128xi32, #tpu.memory_space<vmem>>
        %dma_start3A_150 = arith.constant 0 : i32
        %dma_start3A_151 = arith.constant 0 : i32
        %dma_start3A_152 = tpu.memref_slice %arg7[%dma_start3A_150, %dma_start3A_151] : memref<10112x128xf32, #tpu.memory_space<vmem_shared>> -> memref<10112x128xf32, #tpu.memory_space<vmem_shared>>
        tpu.enqueue_indirect_dma source(%arg10 : memref<128x128xf32, #tpu.memory_space<vmem>>) target(%dma_start3A_152 : memref<10112x128xf32, #tpu.memory_space<vmem_shared>>) offsets(%dma_start3A_149 : memref<128xi32, #tpu.memory_space<vmem>>) semaphore(%arg15 : memref<!tpu.dma_semaphore, #tpu.memory_space<semaphore_mem>>) {add = true}
        %dma_wait3A_153 = arith.constant 1 : i32
        %dma_wait3A_154 = arith.constant 0 : i32
        %dma_wait3A_155 = tpu.memref_slice %arg8[%select_n3A_62, %dma_wait3A_153, %add3A_129, %dma_wait3A_154] : memref<2x2x8x128xi32, #tpu.memory_space<vmem>> -> memref<1x1x1x128xi32, #tpu.memory_space<vmem>>
        %dma_wait3A_156 = tpu.memref_squeeze %dma_wait3A_155 : memref<1x1x1x128xi32, #tpu.memory_space<vmem>> -> memref<128xi32, #tpu.memory_space<vmem>>
        %dma_wait3A_157 = arith.constant 0 : i32
        %dma_wait3A_158 = arith.constant 0 : i32
        %dma_wait3A_159 = tpu.memref_slice %arg7[%dma_wait3A_157, %dma_wait3A_158] : memref<10112x128xf32, #tpu.memory_space<vmem_shared>> -> memref<10112x128xf32, #tpu.memory_space<vmem_shared>>
        tpu.wait_indirect_dma semaphore(%arg14 : memref<!tpu.dma_semaphore, #tpu.memory_space<semaphore_mem>>) src(%arg9 : memref<128x128xf32, #tpu.memory_space<vmem>>) dst(%dma_wait3A_159 : memref<10112x128xf32, #tpu.memory_space<vmem_shared>>)
        %dma_wait3A_160 = arith.constant 1 : i32
        %dma_wait3A_161 = arith.constant 0 : i32
        %dma_wait3A_162 = tpu.memref_slice %arg8[%select_n3A_62, %dma_wait3A_160, %add3A_145, %dma_wait3A_161] : memref<2x2x8x128xi32, #tpu.memory_space<vmem>> -> memref<1x1x1x128xi32, #tpu.memory_space<vmem>>
        %dma_wait3A_163 = tpu.memref_squeeze %dma_wait3A_162 : memref<1x1x1x128xi32, #tpu.memory_space<vmem>> -> memref<128xi32, #tpu.memory_space<vmem>>
        %dma_wait3A_164 = arith.constant 0 : i32
        %dma_wait3A_165 = arith.constant 0 : i32
        %dma_wait3A_166 = tpu.memref_slice %arg7[%dma_wait3A_164, %dma_wait3A_165] : memref<10112x128xf32, #tpu.memory_space<vmem_shared>> -> memref<10112x128xf32, #tpu.memory_space<vmem_shared>>
        tpu.wait_indirect_dma semaphore(%arg15 : memref<!tpu.dma_semaphore, #tpu.memory_space<semaphore_mem>>) src(%arg10 : memref<128x128xf32, #tpu.memory_space<vmem>>) dst(%dma_wait3A_166 : memref<10112x128xf32, #tpu.memory_space<vmem_shared>>)
      }
      %scan3A_100 = arith.constant 4 : i32
    }
    %while3A_41 = arith.constant 1 : i32
    scf.for %while3A_47 = %while3A_39 to %while3A_35 step %while3A_41  : i32 {
      %jit3A_48 = arith.constant 2 : i32
      %eq3A_49 = arith.constant 0 : i32
      %eq3A_50 = arith.cmpi eq, %jit3A_48, %eq3A_49 : i32
      %jit3A_51 = arith.constant 1 : i32
      %select_n3A_52 = arith.select %eq3A_50, %jit3A_51, %jit3A_48 : i32
      %rem3A_53 = arith.remsi %while3A_47, %select_n3A_52 : i32
      %ne3A_54 = arith.constant 0 : i32
      %ne3A_55 = arith.cmpi ne, %rem3A_53, %ne3A_54 : i32
      %lt3A = arith.constant 0 : i32
      %lt3A_56 = arith.cmpi slt, %rem3A_53, %lt3A : i32
      %lt3A_57 = arith.constant 0 : i32
      %lt3A_58 = arith.cmpi slt, %select_n3A_52, %lt3A_57 : i32
      %ne3A_59 = arith.xori %lt3A_56, %lt3A_58 : i1
      %and3A_60 = arith.andi %ne3A_59, %ne3A_55 : i1
      %add3A_61 = arith.addi %rem3A_53, %select_n3A_52 : i32
      %select_n3A_62 = arith.select %and3A_60, %add3A_61, %rem3A_53 : i32
      %dma_wait3A = arith.constant 0 : i32
      %dma_wait3A_63 = arith.constant 0 : i32
      %dma_wait3A_64 = arith.constant 0 : i32
      %dma_wait3A_65 = arith.constant 0 : i32
      %dma_wait3A_66 = tpu.memref_slice %arg8[%dma_wait3A, %dma_wait3A_63, %dma_wait3A_64, %dma_wait3A_65] : memref<2x2x8x128xi32, #tpu.memory_space<vmem>> -> memref<1x1x8x128xi32, #tpu.memory_space<vmem>>
      %dma_wait3A_67 = tpu.memref_squeeze %dma_wait3A_66 : memref<1x1x8x128xi32, #tpu.memory_space<vmem>> -> memref<8x128xi32, #tpu.memory_space<vmem>>
      %dma_wait3A_68 = arith.constant 0 : i32
      %dma_wait3A_69 = tpu.memref_slice %arg3[%select_n3A_8, %dma_wait3A_68] : memref<2560x128xi32, #tpu.memory_space<hbm>> -> memref<8x128xi32, #tpu.memory_space<hbm>>
      %dma_wait3A_70 = arith.constant 0 : i32
      %dma_wait3A_71 = arith.constant 0 : i32
      %dma_wait3A_72 = tpu.memref_slice %arg8[%dma_wait3A, %dma_wait3A_63, %dma_wait3A_70, %dma_wait3A_71] : memref<2x2x8x128xi32, #tpu.memory_space<vmem>> -> memref<1x1x8x128xi32, #tpu.memory_space<vmem>>
      %dma_wait3A_73 = tpu.memref_squeeze %dma_wait3A_72 : memref<1x1x8x128xi32, #tpu.memory_space<vmem>> -> memref<8x128xi32, #tpu.memory_space<vmem>>
      %dma_wait3A_74 = arith.constant 0 : i32
      %dma_wait3A_75 = tpu.memref_slice %arg3[%select_n3A_8, %dma_wait3A_74] : memref<2560x128xi32, #tpu.memory_space<hbm>> -> memref<8x128xi32, #tpu.memory_space<hbm>>
      tpu.wait_dma2 semaphore(%arg11 : memref<!tpu.dma_semaphore, #tpu.memory_space<semaphore_mem>>) src(%dma_wait3A_75 : memref<8x128xi32, #tpu.memory_space<hbm>>) dst(%dma_wait3A_73 : memref<8x128xi32, #tpu.memory_space<vmem>>)
      %dma_wait3A_76 = arith.constant 0 : i32
      %dma_wait3A_77 = arith.constant 1 : i32
      %dma_wait3A_78 = arith.constant 0 : i32
      %dma_wait3A_79 = arith.constant 0 : i32
      %dma_wait3A_80 = tpu.memref_slice %arg8[%dma_wait3A_76, %dma_wait3A_77, %dma_wait3A_78, %dma_wait3A_79] : memref<2x2x8x128xi32, #tpu.memory_space<vmem>> -> memref<1x1x8x128xi32, #tpu.memory_space<vmem>>
      %dma_wait3A_81 = tpu.memref_squeeze %dma_wait3A_80 : memref<1x1x8x128xi32, #tpu.memory_space<vmem>> -> memref<8x128xi32, #tpu.memory_space<vmem>>
      %dma_wait3A_82 = arith.constant 0 : i32
      %dma_wait3A_83 = tpu.memref_slice %arg4[%select_n3A_8, %dma_wait3A_82] : memref<2560x128xi32, #tpu.memory_space<hbm>> -> memref<8x128xi32, #tpu.memory_space<hbm>>
      %dma_wait3A_84 = arith.constant 0 : i32
      %dma_wait3A_85 = arith.constant 0 : i32
      %dma_wait3A_86 = tpu.memref_slice %arg8[%dma_wait3A_76, %dma_wait3A_77, %dma_wait3A_84, %dma_wait3A_85] : memref<2x2x8x128xi32, #tpu.memory_space<vmem>> -> memref<1x1x8x128xi32, #tpu.memory_space<vmem>>
      %dma_wait3A_87 = tpu.memref_squeeze %dma_wait3A_86 : memref<1x1x8x128xi32, #tpu.memory_space<vmem>> -> memref<8x128xi32, #tpu.memory_space<vmem>>
      %dma_wait3A_88 = arith.constant 0 : i32
      %dma_wait3A_89 = tpu.memref_slice %arg4[%select_n3A_8, %dma_wait3A_88] : memref<2560x128xi32, #tpu.memory_space<hbm>> -> memref<8x128xi32, #tpu.memory_space<hbm>>
      tpu.wait_dma2 semaphore(%arg11 : memref<!tpu.dma_semaphore, #tpu.memory_space<semaphore_mem>>) src(%dma_wait3A_89 : memref<8x128xi32, #tpu.memory_space<hbm>>) dst(%dma_wait3A_87 : memref<8x128xi32, #tpu.memory_space<vmem>>)
      %add3A_90 = arith.constant 1 : i32
      %add3A_91 = arith.addi %while3A_47, %add3A_90 : i32
      %lt3A_92 = arith.cmpi slt, %add3A_91, %select_n3A_26 : i32
      %convert_element_type3A_93 = arith.extui %lt3A_92 : i1 to i32
      %cond3A_94 = arith.constant 0 : i32
      %cond3A_95 = arith.cmpi ne, %convert_element_type3A_93, %cond3A_94 : i32
      scf.if %cond3A_95 {
        %add3A_101 = arith.constant 1 : i32
        %add3A_102 = arith.addi %while3A_47, %add3A_101 : i32
        %jit3A_103 = arith.constant 2 : i32
        %eq3A_104 = arith.constant 0 : i32
        %eq3A_105 = arith.cmpi eq, %jit3A_103, %eq3A_104 : i32
        %jit3A_106 = arith.constant 1 : i32
        %select_n3A_107 = arith.select %eq3A_105, %jit3A_106, %jit3A_103 : i32
        %rem3A_108 = arith.remsi %add3A_102, %select_n3A_107 : i32
        %ne3A_109 = arith.constant 0 : i32
        %ne3A_110 = arith.cmpi ne, %rem3A_108, %ne3A_109 : i32
        %lt3A_111 = arith.constant 0 : i32
        %lt3A_112 = arith.cmpi slt, %rem3A_108, %lt3A_111 : i32
        %lt3A_113 = arith.constant 0 : i32
        %lt3A_114 = arith.cmpi slt, %select_n3A_107, %lt3A_113 : i32
        %ne3A_115 = arith.xori %lt3A_112, %lt3A_114 : i1
        %and3A_116 = arith.andi %ne3A_115, %ne3A_110 : i1
        %add3A_117 = arith.addi %rem3A_108, %select_n3A_107 : i32
        %select_n3A_118 = arith.select %and3A_116, %add3A_117, %rem3A_108 : i32
        %add3A_119 = arith.constant 1 : i32
        %add3A_120 = arith.addi %while3A_47, %add3A_119 : i32
        %mul3A_121 = arith.constant 8 : i32
        %mul3A_122 = arith.muli %add3A_120, %mul3A_121 : i32
        %add3A_123 = arith.addi %select_n3A_8, %mul3A_122 : i32
        %dma_start3A = arith.constant 0 : i32
        %dma_start3A_124 = arith.constant 0 : i32
        %dma_start3A_125 = arith.constant 0 : i32
        %dma_start3A_126 = tpu.memref_slice %arg8[%select_n3A_118, %dma_start3A, %dma_start3A_124, %dma_start3A_125] : memref<2x2x8x128xi32, #tpu.memory_space<vmem>> -> memref<1x1x8x128xi32, #tpu.memory_space<vmem>>
        %dma_start3A_127 = tpu.memref_squeeze %dma_start3A_126 : memref<1x1x8x128xi32, #tpu.memory_space<vmem>> -> memref<8x128xi32, #tpu.memory_space<vmem>>
        %dma_start3A_128 = arith.constant 0 : i32
        %dma_start3A_129 = tpu.memref_slice %arg3[%add3A_123, %dma_start3A_128] : memref<2560x128xi32, #tpu.memory_space<hbm>> -> memref<8x128xi32, #tpu.memory_space<hbm>>
        %dma_start3A_130 = arith.constant 0 : i32
        %dma_start3A_131 = arith.constant 0 : i32
        %dma_start3A_132 = tpu.memref_slice %arg8[%select_n3A_118, %dma_start3A, %dma_start3A_130, %dma_start3A_131] : memref<2x2x8x128xi32, #tpu.memory_space<vmem>> -> memref<1x1x8x128xi32, #tpu.memory_space<vmem>>
        %dma_start3A_133 = tpu.memref_squeeze %dma_start3A_132 : memref<1x1x8x128xi32, #tpu.memory_space<vmem>> -> memref<8x128xi32, #tpu.memory_space<vmem>>
        %dma_start3A_134 = arith.constant 0 : i32
        %dma_start3A_135 = tpu.memref_slice %arg3[%add3A_123, %dma_start3A_134] : memref<2560x128xi32, #tpu.memory_space<hbm>> -> memref<8x128xi32, #tpu.memory_space<hbm>>
        tpu.enqueue_dma source(%dma_start3A_135 : memref<8x128xi32, #tpu.memory_space<hbm>>) target(%dma_start3A_133 : memref<8x128xi32, #tpu.memory_space<vmem>>) target_semaphore(%arg11 : memref<!tpu.dma_semaphore, #tpu.memory_space<semaphore_mem>>)
        %dma_start3A_136 = arith.constant 1 : i32
        %dma_start3A_137 = arith.constant 0 : i32
        %dma_start3A_138 = arith.constant 0 : i32
        %dma_start3A_139 = tpu.memref_slice %arg8[%select_n3A_118, %dma_start3A_136, %dma_start3A_137, %dma_start3A_138] : memref<2x2x8x128xi32, #tpu.memory_space<vmem>> -> memref<1x1x8x128xi32, #tpu.memory_space<vmem>>
        %dma_start3A_140 = tpu.memref_squeeze %dma_start3A_139 : memref<1x1x8x128xi32, #tpu.memory_space<vmem>> -> memref<8x128xi32, #tpu.memory_space<vmem>>
        %dma_start3A_141 = arith.constant 0 : i32
        %dma_start3A_142 = tpu.memref_slice %arg4[%add3A_123, %dma_start3A_141] : memref<2560x128xi32, #tpu.memory_space<hbm>> -> memref<8x128xi32, #tpu.memory_space<hbm>>
        %dma_start3A_143 = arith.constant 0 : i32
        %dma_start3A_144 = arith.constant 0 : i32
        %dma_start3A_145 = tpu.memref_slice %arg8[%select_n3A_118, %dma_start3A_136, %dma_start3A_143, %dma_start3A_144] : memref<2x2x8x128xi32, #tpu.memory_space<vmem>> -> memref<1x1x8x128xi32, #tpu.memory_space<vmem>>
        %dma_start3A_146 = tpu.memref_squeeze %dma_start3A_145 : memref<1x1x8x128xi32, #tpu.memory_space<vmem>> -> memref<8x128xi32, #tpu.memory_space<vmem>>
        %dma_start3A_147 = arith.constant 0 : i32
        %dma_start3A_148 = tpu.memref_slice %arg4[%add3A_123, %dma_start3A_147] : memref<2560x128xi32, #tpu.memory_space<hbm>> -> memref<8x128xi32, #tpu.memory_space<hbm>>
        tpu.enqueue_dma source(%dma_start3A_148 : memref<8x128xi32, #tpu.memory_space<hbm>>) target(%dma_start3A_146 : memref<8x128xi32, #tpu.memory_space<vmem>>) target_semaphore(%arg11 : memref<!tpu.dma_semaphore, #tpu.memory_space<semaphore_mem>>)
      } else {
      }
      %scan3A = arith.constant 0 : i32
      %scan3A_96 = arith.constant 0 : i32
      %scan3A_97 = arith.constant 4 : i32
      %scan3A_98 = arith.addi %scan3A_96, %scan3A_97 : i32
      %scan3A_99 = arith.constant 1 : i32
      scf.for %scan3A_101 = %scan3A_96 to %scan3A_98 step %scan3A_99  : i32 {
        %mul3A_102 = arith.constant 2 : i32
        %mul3A_103 = arith.muli %scan3A_101, %mul3A_102 : i32
        %add3A_104 = arith.constant 0 : i32
        %add3A_105 = arith.addi %mul3A_103, %add3A_104 : i32
        %dma_start3A = arith.constant 0 : i32
        %dma_start3A_106 = arith.constant 0 : i32
        %dma_start3A_107 = tpu.memref_slice %arg8[%select_n3A_62, %dma_start3A, %add3A_105, %dma_start3A_106] : memref<2x2x8x128xi32, #tpu.memory_space<vmem>> -> memref<1x1x1x128xi32, #tpu.memory_space<vmem>>
        %dma_start3A_108 = tpu.memref_squeeze %dma_start3A_107 : memref<1x1x1x128xi32, #tpu.memory_space<vmem>> -> memref<128xi32, #tpu.memory_space<vmem>>
        %dma_start3A_109 = arith.constant 0 : i32
        %dma_start3A_110 = arith.constant 0 : i32
        %dma_start3A_111 = tpu.memref_slice %arg2[%dma_start3A_109, %dma_start3A_110] : memref<10000x128xf32, #tpu.memory_space<hbm>> -> memref<10000x128xf32, #tpu.memory_space<hbm>>
        tpu.enqueue_indirect_dma source(%dma_start3A_111 : memref<10000x128xf32, #tpu.memory_space<hbm>>) target(%arg9 : memref<128x128xf32, #tpu.memory_space<vmem>>) offsets(%dma_start3A_108 : memref<128xi32, #tpu.memory_space<vmem>>) semaphore(%arg12 : memref<!tpu.dma_semaphore, #tpu.memory_space<semaphore_mem>>)
        %add3A_112 = arith.constant 1 : i32
        %add3A_113 = arith.addi %mul3A_103, %add3A_112 : i32
        %dma_start3A_114 = arith.constant 0 : i32
        %dma_start3A_115 = arith.constant 0 : i32
        %dma_start3A_116 = tpu.memref_slice %arg8[%select_n3A_62, %dma_start3A_114, %add3A_113, %dma_start3A_115] : memref<2x2x8x128xi32, #tpu.memory_space<vmem>> -> memref<1x1x1x128xi32, #tpu.memory_space<vmem>>
        %dma_start3A_117 = tpu.memref_squeeze %dma_start3A_116 : memref<1x1x1x128xi32, #tpu.memory_space<vmem>> -> memref<128xi32, #tpu.memory_space<vmem>>
        %dma_start3A_118 = arith.constant 0 : i32
        %dma_start3A_119 = arith.constant 0 : i32
        %dma_start3A_120 = tpu.memref_slice %arg2[%dma_start3A_118, %dma_start3A_119] : memref<10000x128xf32, #tpu.memory_space<hbm>> -> memref<10000x128xf32, #tpu.memory_space<hbm>>
        tpu.enqueue_indirect_dma source(%dma_start3A_120 : memref<10000x128xf32, #tpu.memory_space<hbm>>) target(%arg10 : memref<128x128xf32, #tpu.memory_space<vmem>>) offsets(%dma_start3A_117 : memref<128xi32, #tpu.memory_space<vmem>>) semaphore(%arg13 : memref<!tpu.dma_semaphore, #tpu.memory_space<semaphore_mem>>)
        %dma_wait3A_121 = arith.constant 0 : i32
        %dma_wait3A_122 = arith.constant 0 : i32
        %dma_wait3A_123 = tpu.memref_slice %arg8[%select_n3A_62, %dma_wait3A_121, %add3A_105, %dma_wait3A_122] : memref<2x2x8x128xi32, #tpu.memory_space<vmem>> -> memref<1x1x1x128xi32, #tpu.memory_space<vmem>>
        %dma_wait3A_124 = tpu.memref_squeeze %dma_wait3A_123 : memref<1x1x1x128xi32, #tpu.memory_space<vmem>> -> memref<128xi32, #tpu.memory_space<vmem>>
        %dma_wait3A_125 = arith.constant 0 : i32
        %dma_wait3A_126 = arith.constant 0 : i32
        %dma_wait3A_127 = tpu.memref_slice %arg2[%dma_wait3A_125, %dma_wait3A_126] : memref<10000x128xf32, #tpu.memory_space<hbm>> -> memref<10000x128xf32, #tpu.memory_space<hbm>>
        tpu.wait_indirect_dma semaphore(%arg12 : memref<!tpu.dma_semaphore, #tpu.memory_space<semaphore_mem>>) src(%dma_wait3A_127 : memref<10000x128xf32, #tpu.memory_space<hbm>>) dst(%arg9 : memref<128x128xf32, #tpu.memory_space<vmem>>)
        %add3A_128 = arith.constant 0 : i32
        %add3A_129 = arith.addi %mul3A_103, %add3A_128 : i32
        %dma_start3A_130 = arith.constant 1 : i32
        %dma_start3A_131 = arith.constant 0 : i32
        %dma_start3A_132 = tpu.memref_slice %arg8[%select_n3A_62, %dma_start3A_130, %add3A_129, %dma_start3A_131] : memref<2x2x8x128xi32, #tpu.memory_space<vmem>> -> memref<1x1x1x128xi32, #tpu.memory_space<vmem>>
        %dma_start3A_133 = tpu.memref_squeeze %dma_start3A_132 : memref<1x1x1x128xi32, #tpu.memory_space<vmem>> -> memref<128xi32, #tpu.memory_space<vmem>>
        %dma_start3A_134 = arith.constant 0 : i32
        %dma_start3A_135 = arith.constant 0 : i32
        %dma_start3A_136 = tpu.memref_slice %arg7[%dma_start3A_134, %dma_start3A_135] : memref<10112x128xf32, #tpu.memory_space<vmem_shared>> -> memref<10112x128xf32, #tpu.memory_space<vmem_shared>>
        tpu.enqueue_indirect_dma source(%arg9 : memref<128x128xf32, #tpu.memory_space<vmem>>) target(%dma_start3A_136 : memref<10112x128xf32, #tpu.memory_space<vmem_shared>>) offsets(%dma_start3A_133 : memref<128xi32, #tpu.memory_space<vmem>>) semaphore(%arg14 : memref<!tpu.dma_semaphore, #tpu.memory_space<semaphore_mem>>) {add = true}
        %dma_wait3A_137 = arith.constant 0 : i32
        %dma_wait3A_138 = arith.constant 0 : i32
        %dma_wait3A_139 = tpu.memref_slice %arg8[%select_n3A_62, %dma_wait3A_137, %add3A_113, %dma_wait3A_138] : memref<2x2x8x128xi32, #tpu.memory_space<vmem>> -> memref<1x1x1x128xi32, #tpu.memory_space<vmem>>
        %dma_wait3A_140 = tpu.memref_squeeze %dma_wait3A_139 : memref<1x1x1x128xi32, #tpu.memory_space<vmem>> -> memref<128xi32, #tpu.memory_space<vmem>>
        %dma_wait3A_141 = arith.constant 0 : i32
        %dma_wait3A_142 = arith.constant 0 : i32
        %dma_wait3A_143 = tpu.memref_slice %arg2[%dma_wait3A_141, %dma_wait3A_142] : memref<10000x128xf32, #tpu.memory_space<hbm>> -> memref<10000x128xf32, #tpu.memory_space<hbm>>
        tpu.wait_indirect_dma semaphore(%arg13 : memref<!tpu.dma_semaphore, #tpu.memory_space<semaphore_mem>>) src(%dma_wait3A_143 : memref<10000x128xf32, #tpu.memory_space<hbm>>) dst(%arg10 : memref<128x128xf32, #tpu.memory_space<vmem>>)
        %add3A_144 = arith.constant 1 : i32
        %add3A_145 = arith.addi %mul3A_103, %add3A_144 : i32
        %dma_start3A_146 = arith.constant 1 : i32
        %dma_start3A_147 = arith.constant 0 : i32
        %dma_start3A_148 = tpu.memref_slice %arg8[%select_n3A_62, %dma_start3A_146, %add3A_145, %dma_start3A_147] : memref<2x2x8x128xi32, #tpu.memory_space<vmem>> -> memref<1x1x1x128xi32, #tpu.memory_space<vmem>>
        %dma_start3A_149 = tpu.memref_squeeze %dma_start3A_148 : memref<1x1x1x128xi32, #tpu.memory_space<vmem>> -> memref<128xi32, #tpu.memory_space<vmem>>
        %dma_start3A_150 = arith.constant 0 : i32
        %dma_start3A_151 = arith.constant 0 : i32
        %dma_start3A_152 = tpu.memref_slice %arg7[%dma_start3A_150, %dma_start3A_151] : memref<10112x128xf32, #tpu.memory_space<vmem_shared>> -> memref<10112x128xf32, #tpu.memory_space<vmem_shared>>
        tpu.enqueue_indirect_dma source(%arg10 : memref<128x128xf32, #tpu.memory_space<vmem>>) target(%dma_start3A_152 : memref<10112x128xf32, #tpu.memory_space<vmem_shared>>) offsets(%dma_start3A_149 : memref<128xi32, #tpu.memory_space<vmem>>) semaphore(%arg15 : memref<!tpu.dma_semaphore, #tpu.memory_space<semaphore_mem>>) {add = true}
        %dma_wait3A_153 = arith.constant 1 : i32
        %dma_wait3A_154 = arith.constant 0 : i32
        %dma_wait3A_155 = tpu.memref_slice %arg8[%select_n3A_62, %dma_wait3A_153, %add3A_129, %dma_wait3A_154] : memref<2x2x8x128xi32, #tpu.memory_space<vmem>> -> memref<1x1x1x128xi32, #tpu.memory_space<vmem>>
        %dma_wait3A_156 = tpu.memref_squeeze %dma_wait3A_155 : memref<1x1x1x128xi32, #tpu.memory_space<vmem>> -> memref<128xi32, #tpu.memory_space<vmem>>
        %dma_wait3A_157 = arith.constant 0 : i32
        %dma_wait3A_158 = arith.constant 0 : i32
        %dma_wait3A_159 = tpu.memref_slice %arg7[%dma_wait3A_157, %dma_wait3A_158] : memref<10112x128xf32, #tpu.memory_space<vmem_shared>> -> memref<10112x128xf32, #tpu.memory_space<vmem_shared>>
        tpu.wait_indirect_dma semaphore(%arg14 : memref<!tpu.dma_semaphore, #tpu.memory_space<semaphore_mem>>) src(%arg9 : memref<128x128xf32, #tpu.memory_space<vmem>>) dst(%dma_wait3A_159 : memref<10112x128xf32, #tpu.memory_space<vmem_shared>>)
        %dma_wait3A_160 = arith.constant 1 : i32
        %dma_wait3A_161 = arith.constant 0 : i32
        %dma_wait3A_162 = tpu.memref_slice %arg8[%select_n3A_62, %dma_wait3A_160, %add3A_145, %dma_wait3A_161] : memref<2x2x8x128xi32, #tpu.memory_space<vmem>> -> memref<1x1x1x128xi32, #tpu.memory_space<vmem>>
        %dma_wait3A_163 = tpu.memref_squeeze %dma_wait3A_162 : memref<1x1x1x128xi32, #tpu.memory_space<vmem>> -> memref<128xi32, #tpu.memory_space<vmem>>
        %dma_wait3A_164 = arith.constant 0 : i32
        %dma_wait3A_165 = arith.constant 0 : i32
        %dma_wait3A_166 = tpu.memref_slice %arg7[%dma_wait3A_164, %dma_wait3A_165] : memref<10112x128xf32, #tpu.memory_space<vmem_shared>> -> memref<10112x128xf32, #tpu.memory_space<vmem_shared>>
        tpu.wait_indirect_dma semaphore(%arg15 : memref<!tpu.dma_semaphore, #tpu.memory_space<semaphore_mem>>) src(%arg10 : memref<128x128xf32, #tpu.memory_space<vmem>>) dst(%dma_wait3A_166 : memref<10112x128xf32, #tpu.memory_space<vmem_shared>>)
      }
      %scan3A_100 = arith.constant 4 : i32
    }
    %barrier3A_42 = arith.constant 0 : index
    tpu.barrier barrier_id(%barrier3A_42)
    %mul3A_43 = arith.constant 632 : i32
    %mul3A_44 = arith.muli %arg1, %mul3A_43 : i32
    %mul3A_45 = arith.constant 632 : i32
    %mul3A_46 = arith.muli %arg1, %mul3A_45 : i32
    "tpu.region"() ({
      %run_scoped3A = tpu.sem_alloc : memref<!tpu.dma_semaphore, #tpu.memory_space<semaphore_mem>>
      %dma_start3A = arith.constant 0 : i32
      %dma_start3A_47 = tpu.memref_slice %arg6[%arg0, %mul3A_46, %dma_start3A] : memref<2x10112x128xf32, #tpu.memory_space<hbm>> -> memref<1x632x128xf32, #tpu.memory_space<hbm>>
      %dma_start3A_48 = tpu.memref_squeeze %dma_start3A_47 : memref<1x632x128xf32, #tpu.memory_space<hbm>> -> memref<632x128xf32, #tpu.memory_space<hbm>>
      %dma_start3A_49 = arith.constant 0 : i32
      %dma_start3A_50 = tpu.memref_slice %arg7[%mul3A_44, %dma_start3A_49] : memref<10112x128xf32, #tpu.memory_space<vmem_shared>> -> memref<632x128xf32, #tpu.memory_space<vmem_shared>>
      tpu.enqueue_dma source(%dma_start3A_50 : memref<632x128xf32, #tpu.memory_space<vmem_shared>>) target(%dma_start3A_48 : memref<632x128xf32, #tpu.memory_space<hbm>>) target_semaphore(%run_scoped3A : memref<!tpu.dma_semaphore, #tpu.memory_space<semaphore_mem>>)
      %dma_wait3A = arith.constant 0 : i32
      %dma_wait3A_51 = tpu.memref_slice %arg6[%arg0, %mul3A_46, %dma_wait3A] : memref<2x10112x128xf32, #tpu.memory_space<hbm>> -> memref<1x632x128xf32, #tpu.memory_space<hbm>>
      %dma_wait3A_52 = tpu.memref_squeeze %dma_wait3A_51 : memref<1x632x128xf32, #tpu.memory_space<hbm>> -> memref<632x128xf32, #tpu.memory_space<hbm>>
      %dma_wait3A_53 = arith.constant 0 : i32
      %dma_wait3A_54 = tpu.memref_slice %arg7[%mul3A_44, %dma_wait3A_53] : memref<10112x128xf32, #tpu.memory_space<vmem_shared>> -> memref<632x128xf32, #tpu.memory_space<vmem_shared>>
      tpu.wait_dma2 semaphore(%run_scoped3A : memref<!tpu.dma_semaphore, #tpu.memory_space<semaphore_mem>>) src(%dma_wait3A_54 : memref<632x128xf32, #tpu.memory_space<vmem_shared>>) dst(%dma_wait3A_52 : memref<632x128xf32, #tpu.memory_space<hbm>>)
      tpu.yield
    }) : () -> ()
    return
  }
}

#map = affine_map<(d0, d1) -> (0, 0)>
#map1 = affine_map<(d0, d1) -> (0, 0, 0)>
module attributes {stable_mosaic.version = 14 : i64} {
  func.func @_agg_body(%arg0: i32, %arg1: i32, %arg2: memref<10000x128xf32, #tpu.memory_space<hbm>>, %arg3: memref<2560x128xi32, #tpu.memory_space<hbm>>, %arg4: memref<2560x128xi32, #tpu.memory_space<hbm>>, %arg5: memref<10112x128xf32, #tpu.memory_space<hbm>>, %arg6: memref<2x10112x128xf32, #tpu.memory_space<hbm>>, %arg7: memref<10112x128xf32, #tpu.memory_space<vmem_shared>>, %arg8: memref<2x2x8x128xi32, #tpu.memory_space<vmem>>, %arg9: memref<128x128xf32, #tpu.memory_space<vmem>>, %arg10: memref<128x128xf32, #tpu.memory_space<vmem>>, %arg11: memref<!tpu.dma_semaphore, #tpu.memory_space<semaphore_mem>>, %arg12: memref<!tpu.dma_semaphore, #tpu.memory_space<semaphore_mem>>, %arg13: memref<!tpu.dma_semaphore, #tpu.memory_space<semaphore_mem>>, %arg14: memref<!tpu.dma_semaphore, #tpu.memory_space<semaphore_mem>>, %arg15: memref<!tpu.dma_semaphore, #tpu.memory_space<semaphore_mem>>) attributes {dimension_semantics = [#tpu.dimension_semantics<core_parallel>, #tpu.dimension_semantics<subcore_parallel>], iteration_bounds = array<i64: 2, 16>, scalar_prefetch = 0 : i64, scratch_operands = 9 : i64, tpu.core_type = #tpu.core_type<sc_vector_subcore>, window_params = [{transform_indices = #map}, {transform_indices = #map}, {transform_indices = #map}, {transform_indices = #map}, {transform_indices = #map1}]} {
    %eq3A = arith.constant 0 : i32
    %eq3A_0 = arith.cmpi eq, %arg0, %eq3A : i32
    %jit3A = arith.constant 152 : i32
    %jit3A_1 = arith.constant 8 : i32
    %select_n3A = arith.select %eq3A_0, %jit3A, %jit3A_1 : i32
    %eq3A_2 = arith.constant 0 : i32
    %eq3A_3 = arith.cmpi eq, %arg0, %eq3A_2 : i32
    %mul3A = arith.constant 152 : i32
    %mul3A_4 = arith.muli %arg1, %mul3A : i32
    %mul3A_5 = arith.constant 8 : i32
    %mul3A_6 = arith.muli %arg1, %mul3A_5 : i32
    %add3A = arith.constant 2432 : i32
    %add3A_7 = arith.addi %add3A, %mul3A_6 : i32
    %select_n3A_8 = arith.select %eq3A_3, %mul3A_4, %add3A_7 : i32
    %jit3A_9 = arith.constant 8 : i32
    %div3A = arith.divsi %select_n3A, %jit3A_9 : i32
    %sign3A = arith.constant 0 : i32
    %sign3A_10 = arith.cmpi sgt, %select_n3A, %sign3A : i32
    %sign3A_11 = arith.extui %sign3A_10 : i1 to i32
    %sign3A_12 = arith.constant 0 : i32
    %sign3A_13 = arith.cmpi slt, %select_n3A, %sign3A_12 : i32
    %sign3A_14 = arith.extui %sign3A_13 : i1 to i32
    %sign3A_15 = arith.subi %sign3A_11, %sign3A_14 : i32
    %sign3A_16 = arith.constant 0 : i32
    %sign3A_17 = arith.cmpi sgt, %jit3A_9, %sign3A_16 : i32
    %sign3A_18 = arith.extui %sign3A_17 : i1 to i32
    %sign3A_19 = arith.constant 0 : i32
    %sign3A_20 = arith.cmpi slt, %jit3A_9, %sign3A_19 : i32
    %sign3A_21 = arith.extui %sign3A_20 : i1 to i32
    %sign3A_22 = arith.subi %sign3A_18, %sign3A_21 : i32
    %ne3A = arith.cmpi ne, %sign3A_15, %sign3A_22 : i32
    %rem3A = arith.remsi %select_n3A, %jit3A_9 : i32
    %ne3A_23 = arith.constant 0 : i32
    %ne3A_24 = arith.cmpi ne, %rem3A, %ne3A_23 : i32
    %and3A = arith.andi %ne3A, %ne3A_24 : i1
    %sub3A = arith.constant 1 : i32
    %sub3A_25 = arith.subi %div3A, %sub3A : i32
    %select_n3A_26 = arith.select %and3A, %sub3A_25, %div3A : i32
    %gt3A = arith.constant 0 : i32
    %gt3A_27 = arith.cmpi sgt, %select_n3A_26, %gt3A : i32
    %convert_element_type3A = arith.extui %gt3A_27 : i1 to i32
    %cond3A = arith.constant 0 : i32
    %cond3A_28 = arith.cmpi ne, %convert_element_type3A, %cond3A : i32
    scf.if %cond3A_28 {
      %dma_start3A = arith.constant 0 : i32
      %dma_start3A_47 = arith.constant 0 : i32
      %dma_start3A_48 = arith.constant 0 : i32
      %dma_start3A_49 = arith.constant 0 : i32
      %dma_start3A_50 = tpu.memref_slice %arg8[%dma_start3A, %dma_start3A_47, %dma_start3A_48, %dma_start3A_49] : memref<2x2x8x128xi32, #tpu.memory_space<vmem>> -> memref<1x1x8x128xi32, #tpu.memory_space<vmem>>
      %dma_start3A_51 = tpu.memref_squeeze %dma_start3A_50 : memref<1x1x8x128xi32, #tpu.memory_space<vmem>> -> memref<8x128xi32, #tpu.memory_space<vmem>>
      %dma_start3A_52 = arith.constant 0 : i32
      %dma_start3A_53 = tpu.memref_slice %arg3[%select_n3A_8, %dma_start3A_52] : memref<2560x128xi32, #tpu.memory_space<hbm>> -> memref<8x128xi32, #tpu.memory_space<hbm>>
      %dma_start3A_54 = arith.constant 0 : i32
      %dma_start3A_55 = arith.constant 0 : i32
      %dma_start3A_56 = tpu.memref_slice %arg8[%dma_start3A, %dma_start3A_47, %dma_start3A_54, %dma_start3A_55] : memref<2x2x8x128xi32, #tpu.memory_space<vmem>> -> memref<1x1x8x128xi32, #tpu.memory_space<vmem>>
      %dma_start3A_57 = tpu.memref_squeeze %dma_start3A_56 : memref<1x1x8x128xi32, #tpu.memory_space<vmem>> -> memref<8x128xi32, #tpu.memory_space<vmem>>
      %dma_start3A_58 = arith.constant 0 : i32
      %dma_start3A_59 = tpu.memref_slice %arg3[%select_n3A_8, %dma_start3A_58] : memref<2560x128xi32, #tpu.memory_space<hbm>> -> memref<8x128xi32, #tpu.memory_space<hbm>>
      tpu.enqueue_dma source(%dma_start3A_59 : memref<8x128xi32, #tpu.memory_space<hbm>>) target(%dma_start3A_57 : memref<8x128xi32, #tpu.memory_space<vmem>>) target_semaphore(%arg11 : memref<!tpu.dma_semaphore, #tpu.memory_space<semaphore_mem>>)
      %dma_start3A_60 = arith.constant 0 : i32
      %dma_start3A_61 = arith.constant 1 : i32
      %dma_start3A_62 = arith.constant 0 : i32
      %dma_start3A_63 = arith.constant 0 : i32
      %dma_start3A_64 = tpu.memref_slice %arg8[%dma_start3A_60, %dma_start3A_61, %dma_start3A_62, %dma_start3A_63] : memref<2x2x8x128xi32, #tpu.memory_space<vmem>> -> memref<1x1x8x128xi32, #tpu.memory_space<vmem>>
      %dma_start3A_65 = tpu.memref_squeeze %dma_start3A_64 : memref<1x1x8x128xi32, #tpu.memory_space<vmem>> -> memref<8x128xi32, #tpu.memory_space<vmem>>
      %dma_start3A_66 = arith.constant 0 : i32
      %dma_start3A_67 = tpu.memref_slice %arg4[%select_n3A_8, %dma_start3A_66] : memref<2560x128xi32, #tpu.memory_space<hbm>> -> memref<8x128xi32, #tpu.memory_space<hbm>>
      %dma_start3A_68 = arith.constant 0 : i32
      %dma_start3A_69 = arith.constant 0 : i32
      %dma_start3A_70 = tpu.memref_slice %arg8[%dma_start3A_60, %dma_start3A_61, %dma_start3A_68, %dma_start3A_69] : memref<2x2x8x128xi32, #tpu.memory_space<vmem>> -> memref<1x1x8x128xi32, #tpu.memory_space<vmem>>
      %dma_start3A_71 = tpu.memref_squeeze %dma_start3A_70 : memref<1x1x8x128xi32, #tpu.memory_space<vmem>> -> memref<8x128xi32, #tpu.memory_space<vmem>>
      %dma_start3A_72 = arith.constant 0 : i32
      %dma_start3A_73 = tpu.memref_slice %arg4[%select_n3A_8, %dma_start3A_72] : memref<2560x128xi32, #tpu.memory_space<hbm>> -> memref<8x128xi32, #tpu.memory_space<hbm>>
      tpu.enqueue_dma source(%dma_start3A_73 : memref<8x128xi32, #tpu.memory_space<hbm>>) target(%dma_start3A_71 : memref<8x128xi32, #tpu.memory_space<vmem>>) target_semaphore(%arg11 : memref<!tpu.dma_semaphore, #tpu.memory_space<semaphore_mem>>)
    } else {
    }
    %mul3A_29 = arith.constant 632 : i32
    %mul3A_30 = arith.muli %arg1, %mul3A_29 : i32
    %mul3A_31 = arith.constant 632 : i32
    %mul3A_32 = arith.muli %arg1, %mul3A_31 : i32
    "tpu.region"() ({
      %run_scoped3A = tpu.sem_alloc : memref<!tpu.dma_semaphore, #tpu.memory_space<semaphore_mem>>
      %dma_start3A = arith.constant 0 : i32
      %dma_start3A_47 = tpu.memref_slice %arg7[%mul3A_32, %dma_start3A] : memref<10112x128xf32, #tpu.memory_space<vmem_shared>> -> memref<632x128xf32, #tpu.memory_space<vmem_shared>>
      %dma_start3A_48 = arith.constant 0 : i32
      %dma_start3A_49 = tpu.memref_slice %arg5[%mul3A_30, %dma_start3A_48] : memref<10112x128xf32, #tpu.memory_space<hbm>> -> memref<632x128xf32, #tpu.memory_space<hbm>>
      tpu.enqueue_dma source(%dma_start3A_49 : memref<632x128xf32, #tpu.memory_space<hbm>>) target(%dma_start3A_47 : memref<632x128xf32, #tpu.memory_space<vmem_shared>>) target_semaphore(%run_scoped3A : memref<!tpu.dma_semaphore, #tpu.memory_space<semaphore_mem>>)
      %dma_wait3A = arith.constant 0 : i32
      %dma_wait3A_50 = tpu.memref_slice %arg7[%mul3A_32, %dma_wait3A] : memref<10112x128xf32, #tpu.memory_space<vmem_shared>> -> memref<632x128xf32, #tpu.memory_space<vmem_shared>>
      %dma_wait3A_51 = arith.constant 0 : i32
      %dma_wait3A_52 = tpu.memref_slice %arg5[%mul3A_30, %dma_wait3A_51] : memref<10112x128xf32, #tpu.memory_space<hbm>> -> memref<632x128xf32, #tpu.memory_space<hbm>>
      tpu.wait_dma2 semaphore(%run_scoped3A : memref<!tpu.dma_semaphore, #tpu.memory_space<semaphore_mem>>) src(%dma_wait3A_52 : memref<632x128xf32, #tpu.memory_space<hbm>>) dst(%dma_wait3A_50 : memref<632x128xf32, #tpu.memory_space<vmem_shared>>)
      tpu.yield
    }) : () -> ()
    %barrier3A = arith.constant 0 : index
    tpu.barrier barrier_id(%barrier3A)
    %while3A = arith.constant 0 : i32
    %while3A_33 = arith.constant 0 : i32
    %while3A_34 = arith.subi %select_n3A_26, %while3A_33 : i32
    %while3A_35 = arith.addi %while3A_33, %while3A_34 : i32
    %while3A_36 = arith.constant 1 : i32
    %while3A_37 = arith.divsi %while3A_34, %while3A_36 : i32
    %while3A_38 = arith.muli %while3A_37, %while3A_36 : i32
    %while3A_39 = arith.addi %while3A_33, %while3A_38 : i32
    %while3A_40 = arith.constant 1 : i32
    scf.for %while3A_47 = %while3A_33 to %while3A_39 step %while3A_40  : i32 {
      %jit3A_48 = arith.constant 2 : i32
      %eq3A_49 = arith.constant 0 : i32
      %eq3A_50 = arith.cmpi eq, %jit3A_48, %eq3A_49 : i32
      %jit3A_51 = arith.constant 1 : i32
      %select_n3A_52 = arith.select %eq3A_50, %jit3A_51, %jit3A_48 : i32
      %rem3A_53 = arith.remsi %while3A_47, %select_n3A_52 : i32
      %ne3A_54 = arith.constant 0 : i32
      %ne3A_55 = arith.cmpi ne, %rem3A_53, %ne3A_54 : i32
      %lt3A = arith.constant 0 : i32
      %lt3A_56 = arith.cmpi slt, %rem3A_53, %lt3A : i32
      %lt3A_57 = arith.constant 0 : i32
      %lt3A_58 = arith.cmpi slt, %select_n3A_52, %lt3A_57 : i32
      %ne3A_59 = arith.xori %lt3A_56, %lt3A_58 : i1
      %and3A_60 = arith.andi %ne3A_59, %ne3A_55 : i1
      %add3A_61 = arith.addi %rem3A_53, %select_n3A_52 : i32
      %select_n3A_62 = arith.select %and3A_60, %add3A_61, %rem3A_53 : i32
      %dma_wait3A = arith.constant 0 : i32
      %dma_wait3A_63 = arith.constant 0 : i32
      %dma_wait3A_64 = arith.constant 0 : i32
      %dma_wait3A_65 = arith.constant 0 : i32
      %dma_wait3A_66 = tpu.memref_slice %arg8[%dma_wait3A, %dma_wait3A_63, %dma_wait3A_64, %dma_wait3A_65] : memref<2x2x8x128xi32, #tpu.memory_space<vmem>> -> memref<1x1x8x128xi32, #tpu.memory_space<vmem>>
      %dma_wait3A_67 = tpu.memref_squeeze %dma_wait3A_66 : memref<1x1x8x128xi32, #tpu.memory_space<vmem>> -> memref<8x128xi32, #tpu.memory_space<vmem>>
      %dma_wait3A_68 = arith.constant 0 : i32
      %dma_wait3A_69 = tpu.memref_slice %arg3[%select_n3A_8, %dma_wait3A_68] : memref<2560x128xi32, #tpu.memory_space<hbm>> -> memref<8x128xi32, #tpu.memory_space<hbm>>
      %dma_wait3A_70 = arith.constant 0 : i32
      %dma_wait3A_71 = arith.constant 0 : i32
      %dma_wait3A_72 = tpu.memref_slice %arg8[%dma_wait3A, %dma_wait3A_63, %dma_wait3A_70, %dma_wait3A_71] : memref<2x2x8x128xi32, #tpu.memory_space<vmem>> -> memref<1x1x8x128xi32, #tpu.memory_space<vmem>>
      %dma_wait3A_73 = tpu.memref_squeeze %dma_wait3A_72 : memref<1x1x8x128xi32, #tpu.memory_space<vmem>> -> memref<8x128xi32, #tpu.memory_space<vmem>>
      %dma_wait3A_74 = arith.constant 0 : i32
      %dma_wait3A_75 = tpu.memref_slice %arg3[%select_n3A_8, %dma_wait3A_74] : memref<2560x128xi32, #tpu.memory_space<hbm>> -> memref<8x128xi32, #tpu.memory_space<hbm>>
      tpu.wait_dma2 semaphore(%arg11 : memref<!tpu.dma_semaphore, #tpu.memory_space<semaphore_mem>>) src(%dma_wait3A_75 : memref<8x128xi32, #tpu.memory_space<hbm>>) dst(%dma_wait3A_73 : memref<8x128xi32, #tpu.memory_space<vmem>>)
      %dma_wait3A_76 = arith.constant 0 : i32
      %dma_wait3A_77 = arith.constant 1 : i32
      %dma_wait3A_78 = arith.constant 0 : i32
      %dma_wait3A_79 = arith.constant 0 : i32
      %dma_wait3A_80 = tpu.memref_slice %arg8[%dma_wait3A_76, %dma_wait3A_77, %dma_wait3A_78, %dma_wait3A_79] : memref<2x2x8x128xi32, #tpu.memory_space<vmem>> -> memref<1x1x8x128xi32, #tpu.memory_space<vmem>>
      %dma_wait3A_81 = tpu.memref_squeeze %dma_wait3A_80 : memref<1x1x8x128xi32, #tpu.memory_space<vmem>> -> memref<8x128xi32, #tpu.memory_space<vmem>>
      %dma_wait3A_82 = arith.constant 0 : i32
      %dma_wait3A_83 = tpu.memref_slice %arg4[%select_n3A_8, %dma_wait3A_82] : memref<2560x128xi32, #tpu.memory_space<hbm>> -> memref<8x128xi32, #tpu.memory_space<hbm>>
      %dma_wait3A_84 = arith.constant 0 : i32
      %dma_wait3A_85 = arith.constant 0 : i32
      %dma_wait3A_86 = tpu.memref_slice %arg8[%dma_wait3A_76, %dma_wait3A_77, %dma_wait3A_84, %dma_wait3A_85] : memref<2x2x8x128xi32, #tpu.memory_space<vmem>> -> memref<1x1x8x128xi32, #tpu.memory_space<vmem>>
      %dma_wait3A_87 = tpu.memref_squeeze %dma_wait3A_86 : memref<1x1x8x128xi32, #tpu.memory_space<vmem>> -> memref<8x128xi32, #tpu.memory_space<vmem>>
      %dma_wait3A_88 = arith.constant 0 : i32
      %dma_wait3A_89 = tpu.memref_slice %arg4[%select_n3A_8, %dma_wait3A_88] : memref<2560x128xi32, #tpu.memory_space<hbm>> -> memref<8x128xi32, #tpu.memory_space<hbm>>
      tpu.wait_dma2 semaphore(%arg11 : memref<!tpu.dma_semaphore, #tpu.memory_space<semaphore_mem>>) src(%dma_wait3A_89 : memref<8x128xi32, #tpu.memory_space<hbm>>) dst(%dma_wait3A_87 : memref<8x128xi32, #tpu.memory_space<vmem>>)
      %add3A_90 = arith.constant 1 : i32
      %add3A_91 = arith.addi %while3A_47, %add3A_90 : i32
      %lt3A_92 = arith.cmpi slt, %add3A_91, %select_n3A_26 : i32
      %convert_element_type3A_93 = arith.extui %lt3A_92 : i1 to i32
      %cond3A_94 = arith.constant 0 : i32
      %cond3A_95 = arith.cmpi ne, %convert_element_type3A_93, %cond3A_94 : i32
      scf.if %cond3A_95 {
        %add3A_101 = arith.constant 1 : i32
        %add3A_102 = arith.addi %while3A_47, %add3A_101 : i32
        %jit3A_103 = arith.constant 2 : i32
        %eq3A_104 = arith.constant 0 : i32
        %eq3A_105 = arith.cmpi eq, %jit3A_103, %eq3A_104 : i32
        %jit3A_106 = arith.constant 1 : i32
        %select_n3A_107 = arith.select %eq3A_105, %jit3A_106, %jit3A_103 : i32
        %rem3A_108 = arith.remsi %add3A_102, %select_n3A_107 : i32
        %ne3A_109 = arith.constant 0 : i32
        %ne3A_110 = arith.cmpi ne, %rem3A_108, %ne3A_109 : i32
        %lt3A_111 = arith.constant 0 : i32
        %lt3A_112 = arith.cmpi slt, %rem3A_108, %lt3A_111 : i32
        %lt3A_113 = arith.constant 0 : i32
        %lt3A_114 = arith.cmpi slt, %select_n3A_107, %lt3A_113 : i32
        %ne3A_115 = arith.xori %lt3A_112, %lt3A_114 : i1
        %and3A_116 = arith.andi %ne3A_115, %ne3A_110 : i1
        %add3A_117 = arith.addi %rem3A_108, %select_n3A_107 : i32
        %select_n3A_118 = arith.select %and3A_116, %add3A_117, %rem3A_108 : i32
        %add3A_119 = arith.constant 1 : i32
        %add3A_120 = arith.addi %while3A_47, %add3A_119 : i32
        %mul3A_121 = arith.constant 8 : i32
        %mul3A_122 = arith.muli %add3A_120, %mul3A_121 : i32
        %add3A_123 = arith.addi %select_n3A_8, %mul3A_122 : i32
        %dma_start3A = arith.constant 0 : i32
        %dma_start3A_124 = arith.constant 0 : i32
        %dma_start3A_125 = arith.constant 0 : i32
        %dma_start3A_126 = tpu.memref_slice %arg8[%select_n3A_118, %dma_start3A, %dma_start3A_124, %dma_start3A_125] : memref<2x2x8x128xi32, #tpu.memory_space<vmem>> -> memref<1x1x8x128xi32, #tpu.memory_space<vmem>>
        %dma_start3A_127 = tpu.memref_squeeze %dma_start3A_126 : memref<1x1x8x128xi32, #tpu.memory_space<vmem>> -> memref<8x128xi32, #tpu.memory_space<vmem>>
        %dma_start3A_128 = arith.constant 0 : i32
        %dma_start3A_129 = tpu.memref_slice %arg3[%add3A_123, %dma_start3A_128] : memref<2560x128xi32, #tpu.memory_space<hbm>> -> memref<8x128xi32, #tpu.memory_space<hbm>>
        %dma_start3A_130 = arith.constant 0 : i32
        %dma_start3A_131 = arith.constant 0 : i32
        %dma_start3A_132 = tpu.memref_slice %arg8[%select_n3A_118, %dma_start3A, %dma_start3A_130, %dma_start3A_131] : memref<2x2x8x128xi32, #tpu.memory_space<vmem>> -> memref<1x1x8x128xi32, #tpu.memory_space<vmem>>
        %dma_start3A_133 = tpu.memref_squeeze %dma_start3A_132 : memref<1x1x8x128xi32, #tpu.memory_space<vmem>> -> memref<8x128xi32, #tpu.memory_space<vmem>>
        %dma_start3A_134 = arith.constant 0 : i32
        %dma_start3A_135 = tpu.memref_slice %arg3[%add3A_123, %dma_start3A_134] : memref<2560x128xi32, #tpu.memory_space<hbm>> -> memref<8x128xi32, #tpu.memory_space<hbm>>
        tpu.enqueue_dma source(%dma_start3A_135 : memref<8x128xi32, #tpu.memory_space<hbm>>) target(%dma_start3A_133 : memref<8x128xi32, #tpu.memory_space<vmem>>) target_semaphore(%arg11 : memref<!tpu.dma_semaphore, #tpu.memory_space<semaphore_mem>>)
        %dma_start3A_136 = arith.constant 1 : i32
        %dma_start3A_137 = arith.constant 0 : i32
        %dma_start3A_138 = arith.constant 0 : i32
        %dma_start3A_139 = tpu.memref_slice %arg8[%select_n3A_118, %dma_start3A_136, %dma_start3A_137, %dma_start3A_138] : memref<2x2x8x128xi32, #tpu.memory_space<vmem>> -> memref<1x1x8x128xi32, #tpu.memory_space<vmem>>
        %dma_start3A_140 = tpu.memref_squeeze %dma_start3A_139 : memref<1x1x8x128xi32, #tpu.memory_space<vmem>> -> memref<8x128xi32, #tpu.memory_space<vmem>>
        %dma_start3A_141 = arith.constant 0 : i32
        %dma_start3A_142 = tpu.memref_slice %arg4[%add3A_123, %dma_start3A_141] : memref<2560x128xi32, #tpu.memory_space<hbm>> -> memref<8x128xi32, #tpu.memory_space<hbm>>
        %dma_start3A_143 = arith.constant 0 : i32
        %dma_start3A_144 = arith.constant 0 : i32
        %dma_start3A_145 = tpu.memref_slice %arg8[%select_n3A_118, %dma_start3A_136, %dma_start3A_143, %dma_start3A_144] : memref<2x2x8x128xi32, #tpu.memory_space<vmem>> -> memref<1x1x8x128xi32, #tpu.memory_space<vmem>>
        %dma_start3A_146 = tpu.memref_squeeze %dma_start3A_145 : memref<1x1x8x128xi32, #tpu.memory_space<vmem>> -> memref<8x128xi32, #tpu.memory_space<vmem>>
        %dma_start3A_147 = arith.constant 0 : i32
        %dma_start3A_148 = tpu.memref_slice %arg4[%add3A_123, %dma_start3A_147] : memref<2560x128xi32, #tpu.memory_space<hbm>> -> memref<8x128xi32, #tpu.memory_space<hbm>>
        tpu.enqueue_dma source(%dma_start3A_148 : memref<8x128xi32, #tpu.memory_space<hbm>>) target(%dma_start3A_146 : memref<8x128xi32, #tpu.memory_space<vmem>>) target_semaphore(%arg11 : memref<!tpu.dma_semaphore, #tpu.memory_space<semaphore_mem>>)
      } else {
      }
      %scan3A = arith.constant 0 : i32
      %scan3A_96 = arith.constant 0 : i32
      %scan3A_97 = arith.constant 4 : i32
      %scan3A_98 = arith.addi %scan3A_96, %scan3A_97 : i32
      %scan3A_99 = arith.constant 1 : i32
      scf.for %scan3A_101 = %scan3A_96 to %scan3A_98 step %scan3A_99  : i32 {
        %mul3A_102 = arith.constant 2 : i32
        %mul3A_103 = arith.muli %scan3A_101, %mul3A_102 : i32
        %add3A_104 = arith.constant 0 : i32
        %add3A_105 = arith.addi %mul3A_103, %add3A_104 : i32
        %dma_start3A = arith.constant 0 : i32
        %dma_start3A_106 = arith.constant 0 : i32
        %dma_start3A_107 = tpu.memref_slice %arg8[%select_n3A_62, %dma_start3A, %add3A_105, %dma_start3A_106] : memref<2x2x8x128xi32, #tpu.memory_space<vmem>> -> memref<1x1x1x128xi32, #tpu.memory_space<vmem>>
        %dma_start3A_108 = tpu.memref_squeeze %dma_start3A_107 : memref<1x1x1x128xi32, #tpu.memory_space<vmem>> -> memref<128xi32, #tpu.memory_space<vmem>>
        %dma_start3A_109 = arith.constant 0 : i32
        %dma_start3A_110 = arith.constant 0 : i32
        %dma_start3A_111 = tpu.memref_slice %arg2[%dma_start3A_109, %dma_start3A_110] : memref<10000x128xf32, #tpu.memory_space<hbm>> -> memref<10000x128xf32, #tpu.memory_space<hbm>>
        tpu.enqueue_indirect_dma source(%dma_start3A_111 : memref<10000x128xf32, #tpu.memory_space<hbm>>) target(%arg9 : memref<128x128xf32, #tpu.memory_space<vmem>>) offsets(%dma_start3A_108 : memref<128xi32, #tpu.memory_space<vmem>>) semaphore(%arg12 : memref<!tpu.dma_semaphore, #tpu.memory_space<semaphore_mem>>)
        %add3A_112 = arith.constant 1 : i32
        %add3A_113 = arith.addi %mul3A_103, %add3A_112 : i32
        %dma_start3A_114 = arith.constant 0 : i32
        %dma_start3A_115 = arith.constant 0 : i32
        %dma_start3A_116 = tpu.memref_slice %arg8[%select_n3A_62, %dma_start3A_114, %add3A_113, %dma_start3A_115] : memref<2x2x8x128xi32, #tpu.memory_space<vmem>> -> memref<1x1x1x128xi32, #tpu.memory_space<vmem>>
        %dma_start3A_117 = tpu.memref_squeeze %dma_start3A_116 : memref<1x1x1x128xi32, #tpu.memory_space<vmem>> -> memref<128xi32, #tpu.memory_space<vmem>>
        %dma_start3A_118 = arith.constant 0 : i32
        %dma_start3A_119 = arith.constant 0 : i32
        %dma_start3A_120 = tpu.memref_slice %arg2[%dma_start3A_118, %dma_start3A_119] : memref<10000x128xf32, #tpu.memory_space<hbm>> -> memref<10000x128xf32, #tpu.memory_space<hbm>>
        tpu.enqueue_indirect_dma source(%dma_start3A_120 : memref<10000x128xf32, #tpu.memory_space<hbm>>) target(%arg10 : memref<128x128xf32, #tpu.memory_space<vmem>>) offsets(%dma_start3A_117 : memref<128xi32, #tpu.memory_space<vmem>>) semaphore(%arg13 : memref<!tpu.dma_semaphore, #tpu.memory_space<semaphore_mem>>)
        %dma_wait3A_121 = arith.constant 0 : i32
        %dma_wait3A_122 = arith.constant 0 : i32
        %dma_wait3A_123 = tpu.memref_slice %arg8[%select_n3A_62, %dma_wait3A_121, %add3A_105, %dma_wait3A_122] : memref<2x2x8x128xi32, #tpu.memory_space<vmem>> -> memref<1x1x1x128xi32, #tpu.memory_space<vmem>>
        %dma_wait3A_124 = tpu.memref_squeeze %dma_wait3A_123 : memref<1x1x1x128xi32, #tpu.memory_space<vmem>> -> memref<128xi32, #tpu.memory_space<vmem>>
        %dma_wait3A_125 = arith.constant 0 : i32
        %dma_wait3A_126 = arith.constant 0 : i32
        %dma_wait3A_127 = tpu.memref_slice %arg2[%dma_wait3A_125, %dma_wait3A_126] : memref<10000x128xf32, #tpu.memory_space<hbm>> -> memref<10000x128xf32, #tpu.memory_space<hbm>>
        tpu.wait_indirect_dma semaphore(%arg12 : memref<!tpu.dma_semaphore, #tpu.memory_space<semaphore_mem>>) src(%dma_wait3A_127 : memref<10000x128xf32, #tpu.memory_space<hbm>>) dst(%arg9 : memref<128x128xf32, #tpu.memory_space<vmem>>)
        %add3A_128 = arith.constant 0 : i32
        %add3A_129 = arith.addi %mul3A_103, %add3A_128 : i32
        %dma_start3A_130 = arith.constant 1 : i32
        %dma_start3A_131 = arith.constant 0 : i32
        %dma_start3A_132 = tpu.memref_slice %arg8[%select_n3A_62, %dma_start3A_130, %add3A_129, %dma_start3A_131] : memref<2x2x8x128xi32, #tpu.memory_space<vmem>> -> memref<1x1x1x128xi32, #tpu.memory_space<vmem>>
        %dma_start3A_133 = tpu.memref_squeeze %dma_start3A_132 : memref<1x1x1x128xi32, #tpu.memory_space<vmem>> -> memref<128xi32, #tpu.memory_space<vmem>>
        %dma_start3A_134 = arith.constant 0 : i32
        %dma_start3A_135 = arith.constant 0 : i32
        %dma_start3A_136 = tpu.memref_slice %arg7[%dma_start3A_134, %dma_start3A_135] : memref<10112x128xf32, #tpu.memory_space<vmem_shared>> -> memref<10112x128xf32, #tpu.memory_space<vmem_shared>>
        tpu.enqueue_indirect_dma source(%arg9 : memref<128x128xf32, #tpu.memory_space<vmem>>) target(%dma_start3A_136 : memref<10112x128xf32, #tpu.memory_space<vmem_shared>>) offsets(%dma_start3A_133 : memref<128xi32, #tpu.memory_space<vmem>>) semaphore(%arg14 : memref<!tpu.dma_semaphore, #tpu.memory_space<semaphore_mem>>) {add = true}
        %dma_wait3A_137 = arith.constant 0 : i32
        %dma_wait3A_138 = arith.constant 0 : i32
        %dma_wait3A_139 = tpu.memref_slice %arg8[%select_n3A_62, %dma_wait3A_137, %add3A_113, %dma_wait3A_138] : memref<2x2x8x128xi32, #tpu.memory_space<vmem>> -> memref<1x1x1x128xi32, #tpu.memory_space<vmem>>
        %dma_wait3A_140 = tpu.memref_squeeze %dma_wait3A_139 : memref<1x1x1x128xi32, #tpu.memory_space<vmem>> -> memref<128xi32, #tpu.memory_space<vmem>>
        %dma_wait3A_141 = arith.constant 0 : i32
        %dma_wait3A_142 = arith.constant 0 : i32
        %dma_wait3A_143 = tpu.memref_slice %arg2[%dma_wait3A_141, %dma_wait3A_142] : memref<10000x128xf32, #tpu.memory_space<hbm>> -> memref<10000x128xf32, #tpu.memory_space<hbm>>
        tpu.wait_indirect_dma semaphore(%arg13 : memref<!tpu.dma_semaphore, #tpu.memory_space<semaphore_mem>>) src(%dma_wait3A_143 : memref<10000x128xf32, #tpu.memory_space<hbm>>) dst(%arg10 : memref<128x128xf32, #tpu.memory_space<vmem>>)
        %add3A_144 = arith.constant 1 : i32
        %add3A_145 = arith.addi %mul3A_103, %add3A_144 : i32
        %dma_start3A_146 = arith.constant 1 : i32
        %dma_start3A_147 = arith.constant 0 : i32
        %dma_start3A_148 = tpu.memref_slice %arg8[%select_n3A_62, %dma_start3A_146, %add3A_145, %dma_start3A_147] : memref<2x2x8x128xi32, #tpu.memory_space<vmem>> -> memref<1x1x1x128xi32, #tpu.memory_space<vmem>>
        %dma_start3A_149 = tpu.memref_squeeze %dma_start3A_148 : memref<1x1x1x128xi32, #tpu.memory_space<vmem>> -> memref<128xi32, #tpu.memory_space<vmem>>
        %dma_start3A_150 = arith.constant 0 : i32
        %dma_start3A_151 = arith.constant 0 : i32
        %dma_start3A_152 = tpu.memref_slice %arg7[%dma_start3A_150, %dma_start3A_151] : memref<10112x128xf32, #tpu.memory_space<vmem_shared>> -> memref<10112x128xf32, #tpu.memory_space<vmem_shared>>
        tpu.enqueue_indirect_dma source(%arg10 : memref<128x128xf32, #tpu.memory_space<vmem>>) target(%dma_start3A_152 : memref<10112x128xf32, #tpu.memory_space<vmem_shared>>) offsets(%dma_start3A_149 : memref<128xi32, #tpu.memory_space<vmem>>) semaphore(%arg15 : memref<!tpu.dma_semaphore, #tpu.memory_space<semaphore_mem>>) {add = true}
        %dma_wait3A_153 = arith.constant 1 : i32
        %dma_wait3A_154 = arith.constant 0 : i32
        %dma_wait3A_155 = tpu.memref_slice %arg8[%select_n3A_62, %dma_wait3A_153, %add3A_129, %dma_wait3A_154] : memref<2x2x8x128xi32, #tpu.memory_space<vmem>> -> memref<1x1x1x128xi32, #tpu.memory_space<vmem>>
        %dma_wait3A_156 = tpu.memref_squeeze %dma_wait3A_155 : memref<1x1x1x128xi32, #tpu.memory_space<vmem>> -> memref<128xi32, #tpu.memory_space<vmem>>
        %dma_wait3A_157 = arith.constant 0 : i32
        %dma_wait3A_158 = arith.constant 0 : i32
        %dma_wait3A_159 = tpu.memref_slice %arg7[%dma_wait3A_157, %dma_wait3A_158] : memref<10112x128xf32, #tpu.memory_space<vmem_shared>> -> memref<10112x128xf32, #tpu.memory_space<vmem_shared>>
        tpu.wait_indirect_dma semaphore(%arg14 : memref<!tpu.dma_semaphore, #tpu.memory_space<semaphore_mem>>) src(%arg9 : memref<128x128xf32, #tpu.memory_space<vmem>>) dst(%dma_wait3A_159 : memref<10112x128xf32, #tpu.memory_space<vmem_shared>>)
        %dma_wait3A_160 = arith.constant 1 : i32
        %dma_wait3A_161 = arith.constant 0 : i32
        %dma_wait3A_162 = tpu.memref_slice %arg8[%select_n3A_62, %dma_wait3A_160, %add3A_145, %dma_wait3A_161] : memref<2x2x8x128xi32, #tpu.memory_space<vmem>> -> memref<1x1x1x128xi32, #tpu.memory_space<vmem>>
        %dma_wait3A_163 = tpu.memref_squeeze %dma_wait3A_162 : memref<1x1x1x128xi32, #tpu.memory_space<vmem>> -> memref<128xi32, #tpu.memory_space<vmem>>
        %dma_wait3A_164 = arith.constant 0 : i32
        %dma_wait3A_165 = arith.constant 0 : i32
        %dma_wait3A_166 = tpu.memref_slice %arg7[%dma_wait3A_164, %dma_wait3A_165] : memref<10112x128xf32, #tpu.memory_space<vmem_shared>> -> memref<10112x128xf32, #tpu.memory_space<vmem_shared>>
        tpu.wait_indirect_dma semaphore(%arg15 : memref<!tpu.dma_semaphore, #tpu.memory_space<semaphore_mem>>) src(%arg10 : memref<128x128xf32, #tpu.memory_space<vmem>>) dst(%dma_wait3A_166 : memref<10112x128xf32, #tpu.memory_space<vmem_shared>>)
      }
      %scan3A_100 = arith.constant 4 : i32
    }
    %while3A_41 = arith.constant 1 : i32
    scf.for %while3A_47 = %while3A_39 to %while3A_35 step %while3A_41  : i32 {
      %jit3A_48 = arith.constant 2 : i32
      %eq3A_49 = arith.constant 0 : i32
      %eq3A_50 = arith.cmpi eq, %jit3A_48, %eq3A_49 : i32
      %jit3A_51 = arith.constant 1 : i32
      %select_n3A_52 = arith.select %eq3A_50, %jit3A_51, %jit3A_48 : i32
      %rem3A_53 = arith.remsi %while3A_47, %select_n3A_52 : i32
      %ne3A_54 = arith.constant 0 : i32
      %ne3A_55 = arith.cmpi ne, %rem3A_53, %ne3A_54 : i32
      %lt3A = arith.constant 0 : i32
      %lt3A_56 = arith.cmpi slt, %rem3A_53, %lt3A : i32
      %lt3A_57 = arith.constant 0 : i32
      %lt3A_58 = arith.cmpi slt, %select_n3A_52, %lt3A_57 : i32
      %ne3A_59 = arith.xori %lt3A_56, %lt3A_58 : i1
      %and3A_60 = arith.andi %ne3A_59, %ne3A_55 : i1
      %add3A_61 = arith.addi %rem3A_53, %select_n3A_52 : i32
      %select_n3A_62 = arith.select %and3A_60, %add3A_61, %rem3A_53 : i32
      %dma_wait3A = arith.constant 0 : i32
      %dma_wait3A_63 = arith.constant 0 : i32
      %dma_wait3A_64 = arith.constant 0 : i32
      %dma_wait3A_65 = arith.constant 0 : i32
      %dma_wait3A_66 = tpu.memref_slice %arg8[%dma_wait3A, %dma_wait3A_63, %dma_wait3A_64, %dma_wait3A_65] : memref<2x2x8x128xi32, #tpu.memory_space<vmem>> -> memref<1x1x8x128xi32, #tpu.memory_space<vmem>>
      %dma_wait3A_67 = tpu.memref_squeeze %dma_wait3A_66 : memref<1x1x8x128xi32, #tpu.memory_space<vmem>> -> memref<8x128xi32, #tpu.memory_space<vmem>>
      %dma_wait3A_68 = arith.constant 0 : i32
      %dma_wait3A_69 = tpu.memref_slice %arg3[%select_n3A_8, %dma_wait3A_68] : memref<2560x128xi32, #tpu.memory_space<hbm>> -> memref<8x128xi32, #tpu.memory_space<hbm>>
      %dma_wait3A_70 = arith.constant 0 : i32
      %dma_wait3A_71 = arith.constant 0 : i32
      %dma_wait3A_72 = tpu.memref_slice %arg8[%dma_wait3A, %dma_wait3A_63, %dma_wait3A_70, %dma_wait3A_71] : memref<2x2x8x128xi32, #tpu.memory_space<vmem>> -> memref<1x1x8x128xi32, #tpu.memory_space<vmem>>
      %dma_wait3A_73 = tpu.memref_squeeze %dma_wait3A_72 : memref<1x1x8x128xi32, #tpu.memory_space<vmem>> -> memref<8x128xi32, #tpu.memory_space<vmem>>
      %dma_wait3A_74 = arith.constant 0 : i32
      %dma_wait3A_75 = tpu.memref_slice %arg3[%select_n3A_8, %dma_wait3A_74] : memref<2560x128xi32, #tpu.memory_space<hbm>> -> memref<8x128xi32, #tpu.memory_space<hbm>>
      tpu.wait_dma2 semaphore(%arg11 : memref<!tpu.dma_semaphore, #tpu.memory_space<semaphore_mem>>) src(%dma_wait3A_75 : memref<8x128xi32, #tpu.memory_space<hbm>>) dst(%dma_wait3A_73 : memref<8x128xi32, #tpu.memory_space<vmem>>)
      %dma_wait3A_76 = arith.constant 0 : i32
      %dma_wait3A_77 = arith.constant 1 : i32
      %dma_wait3A_78 = arith.constant 0 : i32
      %dma_wait3A_79 = arith.constant 0 : i32
      %dma_wait3A_80 = tpu.memref_slice %arg8[%dma_wait3A_76, %dma_wait3A_77, %dma_wait3A_78, %dma_wait3A_79] : memref<2x2x8x128xi32, #tpu.memory_space<vmem>> -> memref<1x1x8x128xi32, #tpu.memory_space<vmem>>
      %dma_wait3A_81 = tpu.memref_squeeze %dma_wait3A_80 : memref<1x1x8x128xi32, #tpu.memory_space<vmem>> -> memref<8x128xi32, #tpu.memory_space<vmem>>
      %dma_wait3A_82 = arith.constant 0 : i32
      %dma_wait3A_83 = tpu.memref_slice %arg4[%select_n3A_8, %dma_wait3A_82] : memref<2560x128xi32, #tpu.memory_space<hbm>> -> memref<8x128xi32, #tpu.memory_space<hbm>>
      %dma_wait3A_84 = arith.constant 0 : i32
      %dma_wait3A_85 = arith.constant 0 : i32
      %dma_wait3A_86 = tpu.memref_slice %arg8[%dma_wait3A_76, %dma_wait3A_77, %dma_wait3A_84, %dma_wait3A_85] : memref<2x2x8x128xi32, #tpu.memory_space<vmem>> -> memref<1x1x8x128xi32, #tpu.memory_space<vmem>>
      %dma_wait3A_87 = tpu.memref_squeeze %dma_wait3A_86 : memref<1x1x8x128xi32, #tpu.memory_space<vmem>> -> memref<8x128xi32, #tpu.memory_space<vmem>>
      %dma_wait3A_88 = arith.constant 0 : i32
      %dma_wait3A_89 = tpu.memref_slice %arg4[%select_n3A_8, %dma_wait3A_88] : memref<2560x128xi32, #tpu.memory_space<hbm>> -> memref<8x128xi32, #tpu.memory_space<hbm>>
      tpu.wait_dma2 semaphore(%arg11 : memref<!tpu.dma_semaphore, #tpu.memory_space<semaphore_mem>>) src(%dma_wait3A_89 : memref<8x128xi32, #tpu.memory_space<hbm>>) dst(%dma_wait3A_87 : memref<8x128xi32, #tpu.memory_space<vmem>>)
      %add3A_90 = arith.constant 1 : i32
      %add3A_91 = arith.addi %while3A_47, %add3A_90 : i32
      %lt3A_92 = arith.cmpi slt, %add3A_91, %select_n3A_26 : i32
      %convert_element_type3A_93 = arith.extui %lt3A_92 : i1 to i32
      %cond3A_94 = arith.constant 0 : i32
      %cond3A_95 = arith.cmpi ne, %convert_element_type3A_93, %cond3A_94 : i32
      scf.if %cond3A_95 {
        %add3A_101 = arith.constant 1 : i32
        %add3A_102 = arith.addi %while3A_47, %add3A_101 : i32
        %jit3A_103 = arith.constant 2 : i32
        %eq3A_104 = arith.constant 0 : i32
        %eq3A_105 = arith.cmpi eq, %jit3A_103, %eq3A_104 : i32
        %jit3A_106 = arith.constant 1 : i32
        %select_n3A_107 = arith.select %eq3A_105, %jit3A_106, %jit3A_103 : i32
        %rem3A_108 = arith.remsi %add3A_102, %select_n3A_107 : i32
        %ne3A_109 = arith.constant 0 : i32
        %ne3A_110 = arith.cmpi ne, %rem3A_108, %ne3A_109 : i32
        %lt3A_111 = arith.constant 0 : i32
        %lt3A_112 = arith.cmpi slt, %rem3A_108, %lt3A_111 : i32
        %lt3A_113 = arith.constant 0 : i32
        %lt3A_114 = arith.cmpi slt, %select_n3A_107, %lt3A_113 : i32
        %ne3A_115 = arith.xori %lt3A_112, %lt3A_114 : i1
        %and3A_116 = arith.andi %ne3A_115, %ne3A_110 : i1
        %add3A_117 = arith.addi %rem3A_108, %select_n3A_107 : i32
        %select_n3A_118 = arith.select %and3A_116, %add3A_117, %rem3A_108 : i32
        %add3A_119 = arith.constant 1 : i32
        %add3A_120 = arith.addi %while3A_47, %add3A_119 : i32
        %mul3A_121 = arith.constant 8 : i32
        %mul3A_122 = arith.muli %add3A_120, %mul3A_121 : i32
        %add3A_123 = arith.addi %select_n3A_8, %mul3A_122 : i32
        %dma_start3A = arith.constant 0 : i32
        %dma_start3A_124 = arith.constant 0 : i32
        %dma_start3A_125 = arith.constant 0 : i32
        %dma_start3A_126 = tpu.memref_slice %arg8[%select_n3A_118, %dma_start3A, %dma_start3A_124, %dma_start3A_125] : memref<2x2x8x128xi32, #tpu.memory_space<vmem>> -> memref<1x1x8x128xi32, #tpu.memory_space<vmem>>
        %dma_start3A_127 = tpu.memref_squeeze %dma_start3A_126 : memref<1x1x8x128xi32, #tpu.memory_space<vmem>> -> memref<8x128xi32, #tpu.memory_space<vmem>>
        %dma_start3A_128 = arith.constant 0 : i32
        %dma_start3A_129 = tpu.memref_slice %arg3[%add3A_123, %dma_start3A_128] : memref<2560x128xi32, #tpu.memory_space<hbm>> -> memref<8x128xi32, #tpu.memory_space<hbm>>
        %dma_start3A_130 = arith.constant 0 : i32
        %dma_start3A_131 = arith.constant 0 : i32
        %dma_start3A_132 = tpu.memref_slice %arg8[%select_n3A_118, %dma_start3A, %dma_start3A_130, %dma_start3A_131] : memref<2x2x8x128xi32, #tpu.memory_space<vmem>> -> memref<1x1x8x128xi32, #tpu.memory_space<vmem>>
        %dma_start3A_133 = tpu.memref_squeeze %dma_start3A_132 : memref<1x1x8x128xi32, #tpu.memory_space<vmem>> -> memref<8x128xi32, #tpu.memory_space<vmem>>
        %dma_start3A_134 = arith.constant 0 : i32
        %dma_start3A_135 = tpu.memref_slice %arg3[%add3A_123, %dma_start3A_134] : memref<2560x128xi32, #tpu.memory_space<hbm>> -> memref<8x128xi32, #tpu.memory_space<hbm>>
        tpu.enqueue_dma source(%dma_start3A_135 : memref<8x128xi32, #tpu.memory_space<hbm>>) target(%dma_start3A_133 : memref<8x128xi32, #tpu.memory_space<vmem>>) target_semaphore(%arg11 : memref<!tpu.dma_semaphore, #tpu.memory_space<semaphore_mem>>)
        %dma_start3A_136 = arith.constant 1 : i32
        %dma_start3A_137 = arith.constant 0 : i32
        %dma_start3A_138 = arith.constant 0 : i32
        %dma_start3A_139 = tpu.memref_slice %arg8[%select_n3A_118, %dma_start3A_136, %dma_start3A_137, %dma_start3A_138] : memref<2x2x8x128xi32, #tpu.memory_space<vmem>> -> memref<1x1x8x128xi32, #tpu.memory_space<vmem>>
        %dma_start3A_140 = tpu.memref_squeeze %dma_start3A_139 : memref<1x1x8x128xi32, #tpu.memory_space<vmem>> -> memref<8x128xi32, #tpu.memory_space<vmem>>
        %dma_start3A_141 = arith.constant 0 : i32
        %dma_start3A_142 = tpu.memref_slice %arg4[%add3A_123, %dma_start3A_141] : memref<2560x128xi32, #tpu.memory_space<hbm>> -> memref<8x128xi32, #tpu.memory_space<hbm>>
        %dma_start3A_143 = arith.constant 0 : i32
        %dma_start3A_144 = arith.constant 0 : i32
        %dma_start3A_145 = tpu.memref_slice %arg8[%select_n3A_118, %dma_start3A_136, %dma_start3A_143, %dma_start3A_144] : memref<2x2x8x128xi32, #tpu.memory_space<vmem>> -> memref<1x1x8x128xi32, #tpu.memory_space<vmem>>
        %dma_start3A_146 = tpu.memref_squeeze %dma_start3A_145 : memref<1x1x8x128xi32, #tpu.memory_space<vmem>> -> memref<8x128xi32, #tpu.memory_space<vmem>>
        %dma_start3A_147 = arith.constant 0 : i32
        %dma_start3A_148 = tpu.memref_slice %arg4[%add3A_123, %dma_start3A_147] : memref<2560x128xi32, #tpu.memory_space<hbm>> -> memref<8x128xi32, #tpu.memory_space<hbm>>
        tpu.enqueue_dma source(%dma_start3A_148 : memref<8x128xi32, #tpu.memory_space<hbm>>) target(%dma_start3A_146 : memref<8x128xi32, #tpu.memory_space<vmem>>) target_semaphore(%arg11 : memref<!tpu.dma_semaphore, #tpu.memory_space<semaphore_mem>>)
      } else {
      }
      %scan3A = arith.constant 0 : i32
      %scan3A_96 = arith.constant 0 : i32
      %scan3A_97 = arith.constant 4 : i32
      %scan3A_98 = arith.addi %scan3A_96, %scan3A_97 : i32
      %scan3A_99 = arith.constant 1 : i32
      scf.for %scan3A_101 = %scan3A_96 to %scan3A_98 step %scan3A_99  : i32 {
        %mul3A_102 = arith.constant 2 : i32
        %mul3A_103 = arith.muli %scan3A_101, %mul3A_102 : i32
        %add3A_104 = arith.constant 0 : i32
        %add3A_105 = arith.addi %mul3A_103, %add3A_104 : i32
        %dma_start3A = arith.constant 0 : i32
        %dma_start3A_106 = arith.constant 0 : i32
        %dma_start3A_107 = tpu.memref_slice %arg8[%select_n3A_62, %dma_start3A, %add3A_105, %dma_start3A_106] : memref<2x2x8x128xi32, #tpu.memory_space<vmem>> -> memref<1x1x1x128xi32, #tpu.memory_space<vmem>>
        %dma_start3A_108 = tpu.memref_squeeze %dma_start3A_107 : memref<1x1x1x128xi32, #tpu.memory_space<vmem>> -> memref<128xi32, #tpu.memory_space<vmem>>
        %dma_start3A_109 = arith.constant 0 : i32
        %dma_start3A_110 = arith.constant 0 : i32
        %dma_start3A_111 = tpu.memref_slice %arg2[%dma_start3A_109, %dma_start3A_110] : memref<10000x128xf32, #tpu.memory_space<hbm>> -> memref<10000x128xf32, #tpu.memory_space<hbm>>
        tpu.enqueue_indirect_dma source(%dma_start3A_111 : memref<10000x128xf32, #tpu.memory_space<hbm>>) target(%arg9 : memref<128x128xf32, #tpu.memory_space<vmem>>) offsets(%dma_start3A_108 : memref<128xi32, #tpu.memory_space<vmem>>) semaphore(%arg12 : memref<!tpu.dma_semaphore, #tpu.memory_space<semaphore_mem>>)
        %add3A_112 = arith.constant 1 : i32
        %add3A_113 = arith.addi %mul3A_103, %add3A_112 : i32
        %dma_start3A_114 = arith.constant 0 : i32
        %dma_start3A_115 = arith.constant 0 : i32
        %dma_start3A_116 = tpu.memref_slice %arg8[%select_n3A_62, %dma_start3A_114, %add3A_113, %dma_start3A_115] : memref<2x2x8x128xi32, #tpu.memory_space<vmem>> -> memref<1x1x1x128xi32, #tpu.memory_space<vmem>>
        %dma_start3A_117 = tpu.memref_squeeze %dma_start3A_116 : memref<1x1x1x128xi32, #tpu.memory_space<vmem>> -> memref<128xi32, #tpu.memory_space<vmem>>
        %dma_start3A_118 = arith.constant 0 : i32
        %dma_start3A_119 = arith.constant 0 : i32
        %dma_start3A_120 = tpu.memref_slice %arg2[%dma_start3A_118, %dma_start3A_119] : memref<10000x128xf32, #tpu.memory_space<hbm>> -> memref<10000x128xf32, #tpu.memory_space<hbm>>
        tpu.enqueue_indirect_dma source(%dma_start3A_120 : memref<10000x128xf32, #tpu.memory_space<hbm>>) target(%arg10 : memref<128x128xf32, #tpu.memory_space<vmem>>) offsets(%dma_start3A_117 : memref<128xi32, #tpu.memory_space<vmem>>) semaphore(%arg13 : memref<!tpu.dma_semaphore, #tpu.memory_space<semaphore_mem>>)
        %dma_wait3A_121 = arith.constant 0 : i32
        %dma_wait3A_122 = arith.constant 0 : i32
        %dma_wait3A_123 = tpu.memref_slice %arg8[%select_n3A_62, %dma_wait3A_121, %add3A_105, %dma_wait3A_122] : memref<2x2x8x128xi32, #tpu.memory_space<vmem>> -> memref<1x1x1x128xi32, #tpu.memory_space<vmem>>
        %dma_wait3A_124 = tpu.memref_squeeze %dma_wait3A_123 : memref<1x1x1x128xi32, #tpu.memory_space<vmem>> -> memref<128xi32, #tpu.memory_space<vmem>>
        %dma_wait3A_125 = arith.constant 0 : i32
        %dma_wait3A_126 = arith.constant 0 : i32
        %dma_wait3A_127 = tpu.memref_slice %arg2[%dma_wait3A_125, %dma_wait3A_126] : memref<10000x128xf32, #tpu.memory_space<hbm>> -> memref<10000x128xf32, #tpu.memory_space<hbm>>
        tpu.wait_indirect_dma semaphore(%arg12 : memref<!tpu.dma_semaphore, #tpu.memory_space<semaphore_mem>>) src(%dma_wait3A_127 : memref<10000x128xf32, #tpu.memory_space<hbm>>) dst(%arg9 : memref<128x128xf32, #tpu.memory_space<vmem>>)
        %add3A_128 = arith.constant 0 : i32
        %add3A_129 = arith.addi %mul3A_103, %add3A_128 : i32
        %dma_start3A_130 = arith.constant 1 : i32
        %dma_start3A_131 = arith.constant 0 : i32
        %dma_start3A_132 = tpu.memref_slice %arg8[%select_n3A_62, %dma_start3A_130, %add3A_129, %dma_start3A_131] : memref<2x2x8x128xi32, #tpu.memory_space<vmem>> -> memref<1x1x1x128xi32, #tpu.memory_space<vmem>>
        %dma_start3A_133 = tpu.memref_squeeze %dma_start3A_132 : memref<1x1x1x128xi32, #tpu.memory_space<vmem>> -> memref<128xi32, #tpu.memory_space<vmem>>
        %dma_start3A_134 = arith.constant 0 : i32
        %dma_start3A_135 = arith.constant 0 : i32
        %dma_start3A_136 = tpu.memref_slice %arg7[%dma_start3A_134, %dma_start3A_135] : memref<10112x128xf32, #tpu.memory_space<vmem_shared>> -> memref<10112x128xf32, #tpu.memory_space<vmem_shared>>
        tpu.enqueue_indirect_dma source(%arg9 : memref<128x128xf32, #tpu.memory_space<vmem>>) target(%dma_start3A_136 : memref<10112x128xf32, #tpu.memory_space<vmem_shared>>) offsets(%dma_start3A_133 : memref<128xi32, #tpu.memory_space<vmem>>) semaphore(%arg14 : memref<!tpu.dma_semaphore, #tpu.memory_space<semaphore_mem>>) {add = true}
        %dma_wait3A_137 = arith.constant 0 : i32
        %dma_wait3A_138 = arith.constant 0 : i32
        %dma_wait3A_139 = tpu.memref_slice %arg8[%select_n3A_62, %dma_wait3A_137, %add3A_113, %dma_wait3A_138] : memref<2x2x8x128xi32, #tpu.memory_space<vmem>> -> memref<1x1x1x128xi32, #tpu.memory_space<vmem>>
        %dma_wait3A_140 = tpu.memref_squeeze %dma_wait3A_139 : memref<1x1x1x128xi32, #tpu.memory_space<vmem>> -> memref<128xi32, #tpu.memory_space<vmem>>
        %dma_wait3A_141 = arith.constant 0 : i32
        %dma_wait3A_142 = arith.constant 0 : i32
        %dma_wait3A_143 = tpu.memref_slice %arg2[%dma_wait3A_141, %dma_wait3A_142] : memref<10000x128xf32, #tpu.memory_space<hbm>> -> memref<10000x128xf32, #tpu.memory_space<hbm>>
        tpu.wait_indirect_dma semaphore(%arg13 : memref<!tpu.dma_semaphore, #tpu.memory_space<semaphore_mem>>) src(%dma_wait3A_143 : memref<10000x128xf32, #tpu.memory_space<hbm>>) dst(%arg10 : memref<128x128xf32, #tpu.memory_space<vmem>>)
        %add3A_144 = arith.constant 1 : i32
        %add3A_145 = arith.addi %mul3A_103, %add3A_144 : i32
        %dma_start3A_146 = arith.constant 1 : i32
        %dma_start3A_147 = arith.constant 0 : i32
        %dma_start3A_148 = tpu.memref_slice %arg8[%select_n3A_62, %dma_start3A_146, %add3A_145, %dma_start3A_147] : memref<2x2x8x128xi32, #tpu.memory_space<vmem>> -> memref<1x1x1x128xi32, #tpu.memory_space<vmem>>
        %dma_start3A_149 = tpu.memref_squeeze %dma_start3A_148 : memref<1x1x1x128xi32, #tpu.memory_space<vmem>> -> memref<128xi32, #tpu.memory_space<vmem>>
        %dma_start3A_150 = arith.constant 0 : i32
        %dma_start3A_151 = arith.constant 0 : i32
        %dma_start3A_152 = tpu.memref_slice %arg7[%dma_start3A_150, %dma_start3A_151] : memref<10112x128xf32, #tpu.memory_space<vmem_shared>> -> memref<10112x128xf32, #tpu.memory_space<vmem_shared>>
        tpu.enqueue_indirect_dma source(%arg10 : memref<128x128xf32, #tpu.memory_space<vmem>>) target(%dma_start3A_152 : memref<10112x128xf32, #tpu.memory_space<vmem_shared>>) offsets(%dma_start3A_149 : memref<128xi32, #tpu.memory_space<vmem>>) semaphore(%arg15 : memref<!tpu.dma_semaphore, #tpu.memory_space<semaphore_mem>>) {add = true}
        %dma_wait3A_153 = arith.constant 1 : i32
        %dma_wait3A_154 = arith.constant 0 : i32
        %dma_wait3A_155 = tpu.memref_slice %arg8[%select_n3A_62, %dma_wait3A_153, %add3A_129, %dma_wait3A_154] : memref<2x2x8x128xi32, #tpu.memory_space<vmem>> -> memref<1x1x1x128xi32, #tpu.memory_space<vmem>>
        %dma_wait3A_156 = tpu.memref_squeeze %dma_wait3A_155 : memref<1x1x1x128xi32, #tpu.memory_space<vmem>> -> memref<128xi32, #tpu.memory_space<vmem>>
        %dma_wait3A_157 = arith.constant 0 : i32
        %dma_wait3A_158 = arith.constant 0 : i32
        %dma_wait3A_159 = tpu.memref_slice %arg7[%dma_wait3A_157, %dma_wait3A_158] : memref<10112x128xf32, #tpu.memory_space<vmem_shared>> -> memref<10112x128xf32, #tpu.memory_space<vmem_shared>>
        tpu.wait_indirect_dma semaphore(%arg14 : memref<!tpu.dma_semaphore, #tpu.memory_space<semaphore_mem>>) src(%arg9 : memref<128x128xf32, #tpu.memory_space<vmem>>) dst(%dma_wait3A_159 : memref<10112x128xf32, #tpu.memory_space<vmem_shared>>)
        %dma_wait3A_160 = arith.constant 1 : i32
        %dma_wait3A_161 = arith.constant 0 : i32
        %dma_wait3A_162 = tpu.memref_slice %arg8[%select_n3A_62, %dma_wait3A_160, %add3A_145, %dma_wait3A_161] : memref<2x2x8x128xi32, #tpu.memory_space<vmem>> -> memref<1x1x1x128xi32, #tpu.memory_space<vmem>>
        %dma_wait3A_163 = tpu.memref_squeeze %dma_wait3A_162 : memref<1x1x1x128xi32, #tpu.memory_space<vmem>> -> memref<128xi32, #tpu.memory_space<vmem>>
        %dma_wait3A_164 = arith.constant 0 : i32
        %dma_wait3A_165 = arith.constant 0 : i32
        %dma_wait3A_166 = tpu.memref_slice %arg7[%dma_wait3A_164, %dma_wait3A_165] : memref<10112x128xf32, #tpu.memory_space<vmem_shared>> -> memref<10112x128xf32, #tpu.memory_space<vmem_shared>>
        tpu.wait_indirect_dma semaphore(%arg15 : memref<!tpu.dma_semaphore, #tpu.memory_space<semaphore_mem>>) src(%arg10 : memref<128x128xf32, #tpu.memory_space<vmem>>) dst(%dma_wait3A_166 : memref<10112x128xf32, #tpu.memory_space<vmem_shared>>)
      }
      %scan3A_100 = arith.constant 4 : i32
    }
    %barrier3A_42 = arith.constant 0 : index
    tpu.barrier barrier_id(%barrier3A_42)
    %mul3A_43 = arith.constant 632 : i32
    %mul3A_44 = arith.muli %arg1, %mul3A_43 : i32
    %mul3A_45 = arith.constant 632 : i32
    %mul3A_46 = arith.muli %arg1, %mul3A_45 : i32
    "tpu.region"() ({
      %run_scoped3A = tpu.sem_alloc : memref<!tpu.dma_semaphore, #tpu.memory_space<semaphore_mem>>
      %dma_start3A = arith.constant 0 : i32
      %dma_start3A_47 = tpu.memref_slice %arg6[%arg0, %mul3A_46, %dma_start3A] : memref<2x10112x128xf32, #tpu.memory_space<hbm>> -> memref<1x632x128xf32, #tpu.memory_space<hbm>>
      %dma_start3A_48 = tpu.memref_squeeze %dma_start3A_47 : memref<1x632x128xf32, #tpu.memory_space<hbm>> -> memref<632x128xf32, #tpu.memory_space<hbm>>
      %dma_start3A_49 = arith.constant 0 : i32
      %dma_start3A_50 = tpu.memref_slice %arg7[%mul3A_44, %dma_start3A_49] : memref<10112x128xf32, #tpu.memory_space<vmem_shared>> -> memref<632x128xf32, #tpu.memory_space<vmem_shared>>
      tpu.enqueue_dma source(%dma_start3A_50 : memref<632x128xf32, #tpu.memory_space<vmem_shared>>) target(%dma_start3A_48 : memref<632x128xf32, #tpu.memory_space<hbm>>) target_semaphore(%run_scoped3A : memref<!tpu.dma_semaphore, #tpu.memory_space<semaphore_mem>>)
      %dma_wait3A = arith.constant 0 : i32
      %dma_wait3A_51 = tpu.memref_slice %arg6[%arg0, %mul3A_46, %dma_wait3A] : memref<2x10112x128xf32, #tpu.memory_space<hbm>> -> memref<1x632x128xf32, #tpu.memory_space<hbm>>
      %dma_wait3A_52 = tpu.memref_squeeze %dma_wait3A_51 : memref<1x632x128xf32, #tpu.memory_space<hbm>> -> memref<632x128xf32, #tpu.memory_space<hbm>>
      %dma_wait3A_53 = arith.constant 0 : i32
      %dma_wait3A_54 = tpu.memref_slice %arg7[%mul3A_44, %dma_wait3A_53] : memref<10112x128xf32, #tpu.memory_space<vmem_shared>> -> memref<632x128xf32, #tpu.memory_space<vmem_shared>>
      tpu.wait_dma2 semaphore(%run_scoped3A : memref<!tpu.dma_semaphore, #tpu.memory_space<semaphore_mem>>) src(%dma_wait3A_54 : memref<632x128xf32, #tpu.memory_space<vmem_shared>>) dst(%dma_wait3A_52 : memref<632x128xf32, #tpu.memory_space<hbm>>)
      tpu.yield
    }) : () -> ()
    return
  }
}

#map = affine_map<(d0, d1) -> (0, 0)>
#map1 = affine_map<(d0, d1) -> (0, 0, 0)>
module attributes {stable_mosaic.version = 14 : i64} {
  func.func @_agg_body(%arg0: i32, %arg1: i32, %arg2: memref<10000x128xf32, #tpu.memory_space<hbm>>, %arg3: memref<2560x128xi32, #tpu.memory_space<hbm>>, %arg4: memref<2560x128xi32, #tpu.memory_space<hbm>>, %arg5: memref<10112x128xf32, #tpu.memory_space<hbm>>, %arg6: memref<2x10112x128xf32, #tpu.memory_space<hbm>>, %arg7: memref<10112x128xf32, #tpu.memory_space<vmem_shared>>, %arg8: memref<2x2x8x128xi32, #tpu.memory_space<vmem>>, %arg9: memref<128x128xf32, #tpu.memory_space<vmem>>, %arg10: memref<128x128xf32, #tpu.memory_space<vmem>>, %arg11: memref<!tpu.dma_semaphore, #tpu.memory_space<semaphore_mem>>, %arg12: memref<!tpu.dma_semaphore, #tpu.memory_space<semaphore_mem>>, %arg13: memref<!tpu.dma_semaphore, #tpu.memory_space<semaphore_mem>>, %arg14: memref<!tpu.dma_semaphore, #tpu.memory_space<semaphore_mem>>, %arg15: memref<!tpu.dma_semaphore, #tpu.memory_space<semaphore_mem>>) attributes {dimension_semantics = [#tpu.dimension_semantics<core_parallel>, #tpu.dimension_semantics<subcore_parallel>], iteration_bounds = array<i64: 2, 16>, scalar_prefetch = 0 : i64, scratch_operands = 9 : i64, tpu.core_type = #tpu.core_type<sc_vector_subcore>, window_params = [{transform_indices = #map}, {transform_indices = #map}, {transform_indices = #map}, {transform_indices = #map}, {transform_indices = #map1}]} {
    %eq3A = arith.constant 0 : i32
    %eq3A_0 = arith.cmpi eq, %arg0, %eq3A : i32
    %jit3A = arith.constant 152 : i32
    %jit3A_1 = arith.constant 8 : i32
    %select_n3A = arith.select %eq3A_0, %jit3A, %jit3A_1 : i32
    %eq3A_2 = arith.constant 0 : i32
    %eq3A_3 = arith.cmpi eq, %arg0, %eq3A_2 : i32
    %mul3A = arith.constant 152 : i32
    %mul3A_4 = arith.muli %arg1, %mul3A : i32
    %mul3A_5 = arith.constant 8 : i32
    %mul3A_6 = arith.muli %arg1, %mul3A_5 : i32
    %add3A = arith.constant 2432 : i32
    %add3A_7 = arith.addi %add3A, %mul3A_6 : i32
    %select_n3A_8 = arith.select %eq3A_3, %mul3A_4, %add3A_7 : i32
    %jit3A_9 = arith.constant 8 : i32
    %div3A = arith.divsi %select_n3A, %jit3A_9 : i32
    %sign3A = arith.constant 0 : i32
    %sign3A_10 = arith.cmpi sgt, %select_n3A, %sign3A : i32
    %sign3A_11 = arith.extui %sign3A_10 : i1 to i32
    %sign3A_12 = arith.constant 0 : i32
    %sign3A_13 = arith.cmpi slt, %select_n3A, %sign3A_12 : i32
    %sign3A_14 = arith.extui %sign3A_13 : i1 to i32
    %sign3A_15 = arith.subi %sign3A_11, %sign3A_14 : i32
    %sign3A_16 = arith.constant 0 : i32
    %sign3A_17 = arith.cmpi sgt, %jit3A_9, %sign3A_16 : i32
    %sign3A_18 = arith.extui %sign3A_17 : i1 to i32
    %sign3A_19 = arith.constant 0 : i32
    %sign3A_20 = arith.cmpi slt, %jit3A_9, %sign3A_19 : i32
    %sign3A_21 = arith.extui %sign3A_20 : i1 to i32
    %sign3A_22 = arith.subi %sign3A_18, %sign3A_21 : i32
    %ne3A = arith.cmpi ne, %sign3A_15, %sign3A_22 : i32
    %rem3A = arith.remsi %select_n3A, %jit3A_9 : i32
    %ne3A_23 = arith.constant 0 : i32
    %ne3A_24 = arith.cmpi ne, %rem3A, %ne3A_23 : i32
    %and3A = arith.andi %ne3A, %ne3A_24 : i1
    %sub3A = arith.constant 1 : i32
    %sub3A_25 = arith.subi %div3A, %sub3A : i32
    %select_n3A_26 = arith.select %and3A, %sub3A_25, %div3A : i32
    %gt3A = arith.constant 0 : i32
    %gt3A_27 = arith.cmpi sgt, %select_n3A_26, %gt3A : i32
    %convert_element_type3A = arith.extui %gt3A_27 : i1 to i32
    %cond3A = arith.constant 0 : i32
    %cond3A_28 = arith.cmpi ne, %convert_element_type3A, %cond3A : i32
    scf.if %cond3A_28 {
      %dma_start3A = arith.constant 0 : i32
      %dma_start3A_47 = arith.constant 0 : i32
      %dma_start3A_48 = arith.constant 0 : i32
      %dma_start3A_49 = arith.constant 0 : i32
      %dma_start3A_50 = tpu.memref_slice %arg8[%dma_start3A, %dma_start3A_47, %dma_start3A_48, %dma_start3A_49] : memref<2x2x8x128xi32, #tpu.memory_space<vmem>> -> memref<1x1x8x128xi32, #tpu.memory_space<vmem>>
      %dma_start3A_51 = tpu.memref_squeeze %dma_start3A_50 : memref<1x1x8x128xi32, #tpu.memory_space<vmem>> -> memref<8x128xi32, #tpu.memory_space<vmem>>
      %dma_start3A_52 = arith.constant 0 : i32
      %dma_start3A_53 = tpu.memref_slice %arg3[%select_n3A_8, %dma_start3A_52] : memref<2560x128xi32, #tpu.memory_space<hbm>> -> memref<8x128xi32, #tpu.memory_space<hbm>>
      %dma_start3A_54 = arith.constant 0 : i32
      %dma_start3A_55 = arith.constant 0 : i32
      %dma_start3A_56 = tpu.memref_slice %arg8[%dma_start3A, %dma_start3A_47, %dma_start3A_54, %dma_start3A_55] : memref<2x2x8x128xi32, #tpu.memory_space<vmem>> -> memref<1x1x8x128xi32, #tpu.memory_space<vmem>>
      %dma_start3A_57 = tpu.memref_squeeze %dma_start3A_56 : memref<1x1x8x128xi32, #tpu.memory_space<vmem>> -> memref<8x128xi32, #tpu.memory_space<vmem>>
      %dma_start3A_58 = arith.constant 0 : i32
      %dma_start3A_59 = tpu.memref_slice %arg3[%select_n3A_8, %dma_start3A_58] : memref<2560x128xi32, #tpu.memory_space<hbm>> -> memref<8x128xi32, #tpu.memory_space<hbm>>
      tpu.enqueue_dma source(%dma_start3A_59 : memref<8x128xi32, #tpu.memory_space<hbm>>) target(%dma_start3A_57 : memref<8x128xi32, #tpu.memory_space<vmem>>) target_semaphore(%arg11 : memref<!tpu.dma_semaphore, #tpu.memory_space<semaphore_mem>>)
      %dma_start3A_60 = arith.constant 0 : i32
      %dma_start3A_61 = arith.constant 1 : i32
      %dma_start3A_62 = arith.constant 0 : i32
      %dma_start3A_63 = arith.constant 0 : i32
      %dma_start3A_64 = tpu.memref_slice %arg8[%dma_start3A_60, %dma_start3A_61, %dma_start3A_62, %dma_start3A_63] : memref<2x2x8x128xi32, #tpu.memory_space<vmem>> -> memref<1x1x8x128xi32, #tpu.memory_space<vmem>>
      %dma_start3A_65 = tpu.memref_squeeze %dma_start3A_64 : memref<1x1x8x128xi32, #tpu.memory_space<vmem>> -> memref<8x128xi32, #tpu.memory_space<vmem>>
      %dma_start3A_66 = arith.constant 0 : i32
      %dma_start3A_67 = tpu.memref_slice %arg4[%select_n3A_8, %dma_start3A_66] : memref<2560x128xi32, #tpu.memory_space<hbm>> -> memref<8x128xi32, #tpu.memory_space<hbm>>
      %dma_start3A_68 = arith.constant 0 : i32
      %dma_start3A_69 = arith.constant 0 : i32
      %dma_start3A_70 = tpu.memref_slice %arg8[%dma_start3A_60, %dma_start3A_61, %dma_start3A_68, %dma_start3A_69] : memref<2x2x8x128xi32, #tpu.memory_space<vmem>> -> memref<1x1x8x128xi32, #tpu.memory_space<vmem>>
      %dma_start3A_71 = tpu.memref_squeeze %dma_start3A_70 : memref<1x1x8x128xi32, #tpu.memory_space<vmem>> -> memref<8x128xi32, #tpu.memory_space<vmem>>
      %dma_start3A_72 = arith.constant 0 : i32
      %dma_start3A_73 = tpu.memref_slice %arg4[%select_n3A_8, %dma_start3A_72] : memref<2560x128xi32, #tpu.memory_space<hbm>> -> memref<8x128xi32, #tpu.memory_space<hbm>>
      tpu.enqueue_dma source(%dma_start3A_73 : memref<8x128xi32, #tpu.memory_space<hbm>>) target(%dma_start3A_71 : memref<8x128xi32, #tpu.memory_space<vmem>>) target_semaphore(%arg11 : memref<!tpu.dma_semaphore, #tpu.memory_space<semaphore_mem>>)
    } else {
    }
    %mul3A_29 = arith.constant 632 : i32
    %mul3A_30 = arith.muli %arg1, %mul3A_29 : i32
    %mul3A_31 = arith.constant 632 : i32
    %mul3A_32 = arith.muli %arg1, %mul3A_31 : i32
    "tpu.region"() ({
      %run_scoped3A = tpu.sem_alloc : memref<!tpu.dma_semaphore, #tpu.memory_space<semaphore_mem>>
      %dma_start3A = arith.constant 0 : i32
      %dma_start3A_47 = tpu.memref_slice %arg7[%mul3A_32, %dma_start3A] : memref<10112x128xf32, #tpu.memory_space<vmem_shared>> -> memref<632x128xf32, #tpu.memory_space<vmem_shared>>
      %dma_start3A_48 = arith.constant 0 : i32
      %dma_start3A_49 = tpu.memref_slice %arg5[%mul3A_30, %dma_start3A_48] : memref<10112x128xf32, #tpu.memory_space<hbm>> -> memref<632x128xf32, #tpu.memory_space<hbm>>
      tpu.enqueue_dma source(%dma_start3A_49 : memref<632x128xf32, #tpu.memory_space<hbm>>) target(%dma_start3A_47 : memref<632x128xf32, #tpu.memory_space<vmem_shared>>) target_semaphore(%run_scoped3A : memref<!tpu.dma_semaphore, #tpu.memory_space<semaphore_mem>>)
      %dma_wait3A = arith.constant 0 : i32
      %dma_wait3A_50 = tpu.memref_slice %arg7[%mul3A_32, %dma_wait3A] : memref<10112x128xf32, #tpu.memory_space<vmem_shared>> -> memref<632x128xf32, #tpu.memory_space<vmem_shared>>
      %dma_wait3A_51 = arith.constant 0 : i32
      %dma_wait3A_52 = tpu.memref_slice %arg5[%mul3A_30, %dma_wait3A_51] : memref<10112x128xf32, #tpu.memory_space<hbm>> -> memref<632x128xf32, #tpu.memory_space<hbm>>
      tpu.wait_dma2 semaphore(%run_scoped3A : memref<!tpu.dma_semaphore, #tpu.memory_space<semaphore_mem>>) src(%dma_wait3A_52 : memref<632x128xf32, #tpu.memory_space<hbm>>) dst(%dma_wait3A_50 : memref<632x128xf32, #tpu.memory_space<vmem_shared>>)
      tpu.yield
    }) : () -> ()
    %barrier3A = arith.constant 0 : index
    tpu.barrier barrier_id(%barrier3A)
    %while3A = arith.constant 0 : i32
    %while3A_33 = arith.constant 0 : i32
    %while3A_34 = arith.subi %select_n3A_26, %while3A_33 : i32
    %while3A_35 = arith.addi %while3A_33, %while3A_34 : i32
    %while3A_36 = arith.constant 1 : i32
    %while3A_37 = arith.divsi %while3A_34, %while3A_36 : i32
    %while3A_38 = arith.muli %while3A_37, %while3A_36 : i32
    %while3A_39 = arith.addi %while3A_33, %while3A_38 : i32
    %while3A_40 = arith.constant 1 : i32
    scf.for %while3A_47 = %while3A_33 to %while3A_39 step %while3A_40  : i32 {
      %jit3A_48 = arith.constant 2 : i32
      %eq3A_49 = arith.constant 0 : i32
      %eq3A_50 = arith.cmpi eq, %jit3A_48, %eq3A_49 : i32
      %jit3A_51 = arith.constant 1 : i32
      %select_n3A_52 = arith.select %eq3A_50, %jit3A_51, %jit3A_48 : i32
      %rem3A_53 = arith.remsi %while3A_47, %select_n3A_52 : i32
      %ne3A_54 = arith.constant 0 : i32
      %ne3A_55 = arith.cmpi ne, %rem3A_53, %ne3A_54 : i32
      %lt3A = arith.constant 0 : i32
      %lt3A_56 = arith.cmpi slt, %rem3A_53, %lt3A : i32
      %lt3A_57 = arith.constant 0 : i32
      %lt3A_58 = arith.cmpi slt, %select_n3A_52, %lt3A_57 : i32
      %ne3A_59 = arith.xori %lt3A_56, %lt3A_58 : i1
      %and3A_60 = arith.andi %ne3A_59, %ne3A_55 : i1
      %add3A_61 = arith.addi %rem3A_53, %select_n3A_52 : i32
      %select_n3A_62 = arith.select %and3A_60, %add3A_61, %rem3A_53 : i32
      %dma_wait3A = arith.constant 0 : i32
      %dma_wait3A_63 = arith.constant 0 : i32
      %dma_wait3A_64 = arith.constant 0 : i32
      %dma_wait3A_65 = arith.constant 0 : i32
      %dma_wait3A_66 = tpu.memref_slice %arg8[%dma_wait3A, %dma_wait3A_63, %dma_wait3A_64, %dma_wait3A_65] : memref<2x2x8x128xi32, #tpu.memory_space<vmem>> -> memref<1x1x8x128xi32, #tpu.memory_space<vmem>>
      %dma_wait3A_67 = tpu.memref_squeeze %dma_wait3A_66 : memref<1x1x8x128xi32, #tpu.memory_space<vmem>> -> memref<8x128xi32, #tpu.memory_space<vmem>>
      %dma_wait3A_68 = arith.constant 0 : i32
      %dma_wait3A_69 = tpu.memref_slice %arg3[%select_n3A_8, %dma_wait3A_68] : memref<2560x128xi32, #tpu.memory_space<hbm>> -> memref<8x128xi32, #tpu.memory_space<hbm>>
      %dma_wait3A_70 = arith.constant 0 : i32
      %dma_wait3A_71 = arith.constant 0 : i32
      %dma_wait3A_72 = tpu.memref_slice %arg8[%dma_wait3A, %dma_wait3A_63, %dma_wait3A_70, %dma_wait3A_71] : memref<2x2x8x128xi32, #tpu.memory_space<vmem>> -> memref<1x1x8x128xi32, #tpu.memory_space<vmem>>
      %dma_wait3A_73 = tpu.memref_squeeze %dma_wait3A_72 : memref<1x1x8x128xi32, #tpu.memory_space<vmem>> -> memref<8x128xi32, #tpu.memory_space<vmem>>
      %dma_wait3A_74 = arith.constant 0 : i32
      %dma_wait3A_75 = tpu.memref_slice %arg3[%select_n3A_8, %dma_wait3A_74] : memref<2560x128xi32, #tpu.memory_space<hbm>> -> memref<8x128xi32, #tpu.memory_space<hbm>>
      tpu.wait_dma2 semaphore(%arg11 : memref<!tpu.dma_semaphore, #tpu.memory_space<semaphore_mem>>) src(%dma_wait3A_75 : memref<8x128xi32, #tpu.memory_space<hbm>>) dst(%dma_wait3A_73 : memref<8x128xi32, #tpu.memory_space<vmem>>)
      %dma_wait3A_76 = arith.constant 0 : i32
      %dma_wait3A_77 = arith.constant 1 : i32
      %dma_wait3A_78 = arith.constant 0 : i32
      %dma_wait3A_79 = arith.constant 0 : i32
      %dma_wait3A_80 = tpu.memref_slice %arg8[%dma_wait3A_76, %dma_wait3A_77, %dma_wait3A_78, %dma_wait3A_79] : memref<2x2x8x128xi32, #tpu.memory_space<vmem>> -> memref<1x1x8x128xi32, #tpu.memory_space<vmem>>
      %dma_wait3A_81 = tpu.memref_squeeze %dma_wait3A_80 : memref<1x1x8x128xi32, #tpu.memory_space<vmem>> -> memref<8x128xi32, #tpu.memory_space<vmem>>
      %dma_wait3A_82 = arith.constant 0 : i32
      %dma_wait3A_83 = tpu.memref_slice %arg4[%select_n3A_8, %dma_wait3A_82] : memref<2560x128xi32, #tpu.memory_space<hbm>> -> memref<8x128xi32, #tpu.memory_space<hbm>>
      %dma_wait3A_84 = arith.constant 0 : i32
      %dma_wait3A_85 = arith.constant 0 : i32
      %dma_wait3A_86 = tpu.memref_slice %arg8[%dma_wait3A_76, %dma_wait3A_77, %dma_wait3A_84, %dma_wait3A_85] : memref<2x2x8x128xi32, #tpu.memory_space<vmem>> -> memref<1x1x8x128xi32, #tpu.memory_space<vmem>>
      %dma_wait3A_87 = tpu.memref_squeeze %dma_wait3A_86 : memref<1x1x8x128xi32, #tpu.memory_space<vmem>> -> memref<8x128xi32, #tpu.memory_space<vmem>>
      %dma_wait3A_88 = arith.constant 0 : i32
      %dma_wait3A_89 = tpu.memref_slice %arg4[%select_n3A_8, %dma_wait3A_88] : memref<2560x128xi32, #tpu.memory_space<hbm>> -> memref<8x128xi32, #tpu.memory_space<hbm>>
      tpu.wait_dma2 semaphore(%arg11 : memref<!tpu.dma_semaphore, #tpu.memory_space<semaphore_mem>>) src(%dma_wait3A_89 : memref<8x128xi32, #tpu.memory_space<hbm>>) dst(%dma_wait3A_87 : memref<8x128xi32, #tpu.memory_space<vmem>>)
      %add3A_90 = arith.constant 1 : i32
      %add3A_91 = arith.addi %while3A_47, %add3A_90 : i32
      %lt3A_92 = arith.cmpi slt, %add3A_91, %select_n3A_26 : i32
      %convert_element_type3A_93 = arith.extui %lt3A_92 : i1 to i32
      %cond3A_94 = arith.constant 0 : i32
      %cond3A_95 = arith.cmpi ne, %convert_element_type3A_93, %cond3A_94 : i32
      scf.if %cond3A_95 {
        %add3A_101 = arith.constant 1 : i32
        %add3A_102 = arith.addi %while3A_47, %add3A_101 : i32
        %jit3A_103 = arith.constant 2 : i32
        %eq3A_104 = arith.constant 0 : i32
        %eq3A_105 = arith.cmpi eq, %jit3A_103, %eq3A_104 : i32
        %jit3A_106 = arith.constant 1 : i32
        %select_n3A_107 = arith.select %eq3A_105, %jit3A_106, %jit3A_103 : i32
        %rem3A_108 = arith.remsi %add3A_102, %select_n3A_107 : i32
        %ne3A_109 = arith.constant 0 : i32
        %ne3A_110 = arith.cmpi ne, %rem3A_108, %ne3A_109 : i32
        %lt3A_111 = arith.constant 0 : i32
        %lt3A_112 = arith.cmpi slt, %rem3A_108, %lt3A_111 : i32
        %lt3A_113 = arith.constant 0 : i32
        %lt3A_114 = arith.cmpi slt, %select_n3A_107, %lt3A_113 : i32
        %ne3A_115 = arith.xori %lt3A_112, %lt3A_114 : i1
        %and3A_116 = arith.andi %ne3A_115, %ne3A_110 : i1
        %add3A_117 = arith.addi %rem3A_108, %select_n3A_107 : i32
        %select_n3A_118 = arith.select %and3A_116, %add3A_117, %rem3A_108 : i32
        %add3A_119 = arith.constant 1 : i32
        %add3A_120 = arith.addi %while3A_47, %add3A_119 : i32
        %mul3A_121 = arith.constant 8 : i32
        %mul3A_122 = arith.muli %add3A_120, %mul3A_121 : i32
        %add3A_123 = arith.addi %select_n3A_8, %mul3A_122 : i32
        %dma_start3A = arith.constant 0 : i32
        %dma_start3A_124 = arith.constant 0 : i32
        %dma_start3A_125 = arith.constant 0 : i32
        %dma_start3A_126 = tpu.memref_slice %arg8[%select_n3A_118, %dma_start3A, %dma_start3A_124, %dma_start3A_125] : memref<2x2x8x128xi32, #tpu.memory_space<vmem>> -> memref<1x1x8x128xi32, #tpu.memory_space<vmem>>
        %dma_start3A_127 = tpu.memref_squeeze %dma_start3A_126 : memref<1x1x8x128xi32, #tpu.memory_space<vmem>> -> memref<8x128xi32, #tpu.memory_space<vmem>>
        %dma_start3A_128 = arith.constant 0 : i32
        %dma_start3A_129 = tpu.memref_slice %arg3[%add3A_123, %dma_start3A_128] : memref<2560x128xi32, #tpu.memory_space<hbm>> -> memref<8x128xi32, #tpu.memory_space<hbm>>
        %dma_start3A_130 = arith.constant 0 : i32
        %dma_start3A_131 = arith.constant 0 : i32
        %dma_start3A_132 = tpu.memref_slice %arg8[%select_n3A_118, %dma_start3A, %dma_start3A_130, %dma_start3A_131] : memref<2x2x8x128xi32, #tpu.memory_space<vmem>> -> memref<1x1x8x128xi32, #tpu.memory_space<vmem>>
        %dma_start3A_133 = tpu.memref_squeeze %dma_start3A_132 : memref<1x1x8x128xi32, #tpu.memory_space<vmem>> -> memref<8x128xi32, #tpu.memory_space<vmem>>
        %dma_start3A_134 = arith.constant 0 : i32
        %dma_start3A_135 = tpu.memref_slice %arg3[%add3A_123, %dma_start3A_134] : memref<2560x128xi32, #tpu.memory_space<hbm>> -> memref<8x128xi32, #tpu.memory_space<hbm>>
        tpu.enqueue_dma source(%dma_start3A_135 : memref<8x128xi32, #tpu.memory_space<hbm>>) target(%dma_start3A_133 : memref<8x128xi32, #tpu.memory_space<vmem>>) target_semaphore(%arg11 : memref<!tpu.dma_semaphore, #tpu.memory_space<semaphore_mem>>)
        %dma_start3A_136 = arith.constant 1 : i32
        %dma_start3A_137 = arith.constant 0 : i32
        %dma_start3A_138 = arith.constant 0 : i32
        %dma_start3A_139 = tpu.memref_slice %arg8[%select_n3A_118, %dma_start3A_136, %dma_start3A_137, %dma_start3A_138] : memref<2x2x8x128xi32, #tpu.memory_space<vmem>> -> memref<1x1x8x128xi32, #tpu.memory_space<vmem>>
        %dma_start3A_140 = tpu.memref_squeeze %dma_start3A_139 : memref<1x1x8x128xi32, #tpu.memory_space<vmem>> -> memref<8x128xi32, #tpu.memory_space<vmem>>
        %dma_start3A_141 = arith.constant 0 : i32
        %dma_start3A_142 = tpu.memref_slice %arg4[%add3A_123, %dma_start3A_141] : memref<2560x128xi32, #tpu.memory_space<hbm>> -> memref<8x128xi32, #tpu.memory_space<hbm>>
        %dma_start3A_143 = arith.constant 0 : i32
        %dma_start3A_144 = arith.constant 0 : i32
        %dma_start3A_145 = tpu.memref_slice %arg8[%select_n3A_118, %dma_start3A_136, %dma_start3A_143, %dma_start3A_144] : memref<2x2x8x128xi32, #tpu.memory_space<vmem>> -> memref<1x1x8x128xi32, #tpu.memory_space<vmem>>
        %dma_start3A_146 = tpu.memref_squeeze %dma_start3A_145 : memref<1x1x8x128xi32, #tpu.memory_space<vmem>> -> memref<8x128xi32, #tpu.memory_space<vmem>>
        %dma_start3A_147 = arith.constant 0 : i32
        %dma_start3A_148 = tpu.memref_slice %arg4[%add3A_123, %dma_start3A_147] : memref<2560x128xi32, #tpu.memory_space<hbm>> -> memref<8x128xi32, #tpu.memory_space<hbm>>
        tpu.enqueue_dma source(%dma_start3A_148 : memref<8x128xi32, #tpu.memory_space<hbm>>) target(%dma_start3A_146 : memref<8x128xi32, #tpu.memory_space<vmem>>) target_semaphore(%arg11 : memref<!tpu.dma_semaphore, #tpu.memory_space<semaphore_mem>>)
      } else {
      }
      %scan3A = arith.constant 0 : i32
      %scan3A_96 = arith.constant 0 : i32
      %scan3A_97 = arith.constant 4 : i32
      %scan3A_98 = arith.addi %scan3A_96, %scan3A_97 : i32
      %scan3A_99 = arith.constant 1 : i32
      scf.for %scan3A_101 = %scan3A_96 to %scan3A_98 step %scan3A_99  : i32 {
        %mul3A_102 = arith.constant 2 : i32
        %mul3A_103 = arith.muli %scan3A_101, %mul3A_102 : i32
        %add3A_104 = arith.constant 0 : i32
        %add3A_105 = arith.addi %mul3A_103, %add3A_104 : i32
        %dma_start3A = arith.constant 0 : i32
        %dma_start3A_106 = arith.constant 0 : i32
        %dma_start3A_107 = tpu.memref_slice %arg8[%select_n3A_62, %dma_start3A, %add3A_105, %dma_start3A_106] : memref<2x2x8x128xi32, #tpu.memory_space<vmem>> -> memref<1x1x1x128xi32, #tpu.memory_space<vmem>>
        %dma_start3A_108 = tpu.memref_squeeze %dma_start3A_107 : memref<1x1x1x128xi32, #tpu.memory_space<vmem>> -> memref<128xi32, #tpu.memory_space<vmem>>
        %dma_start3A_109 = arith.constant 0 : i32
        %dma_start3A_110 = arith.constant 0 : i32
        %dma_start3A_111 = tpu.memref_slice %arg2[%dma_start3A_109, %dma_start3A_110] : memref<10000x128xf32, #tpu.memory_space<hbm>> -> memref<10000x128xf32, #tpu.memory_space<hbm>>
        tpu.enqueue_indirect_dma source(%dma_start3A_111 : memref<10000x128xf32, #tpu.memory_space<hbm>>) target(%arg9 : memref<128x128xf32, #tpu.memory_space<vmem>>) offsets(%dma_start3A_108 : memref<128xi32, #tpu.memory_space<vmem>>) semaphore(%arg12 : memref<!tpu.dma_semaphore, #tpu.memory_space<semaphore_mem>>)
        %add3A_112 = arith.constant 1 : i32
        %add3A_113 = arith.addi %mul3A_103, %add3A_112 : i32
        %dma_start3A_114 = arith.constant 0 : i32
        %dma_start3A_115 = arith.constant 0 : i32
        %dma_start3A_116 = tpu.memref_slice %arg8[%select_n3A_62, %dma_start3A_114, %add3A_113, %dma_start3A_115] : memref<2x2x8x128xi32, #tpu.memory_space<vmem>> -> memref<1x1x1x128xi32, #tpu.memory_space<vmem>>
        %dma_start3A_117 = tpu.memref_squeeze %dma_start3A_116 : memref<1x1x1x128xi32, #tpu.memory_space<vmem>> -> memref<128xi32, #tpu.memory_space<vmem>>
        %dma_start3A_118 = arith.constant 0 : i32
        %dma_start3A_119 = arith.constant 0 : i32
        %dma_start3A_120 = tpu.memref_slice %arg2[%dma_start3A_118, %dma_start3A_119] : memref<10000x128xf32, #tpu.memory_space<hbm>> -> memref<10000x128xf32, #tpu.memory_space<hbm>>
        tpu.enqueue_indirect_dma source(%dma_start3A_120 : memref<10000x128xf32, #tpu.memory_space<hbm>>) target(%arg10 : memref<128x128xf32, #tpu.memory_space<vmem>>) offsets(%dma_start3A_117 : memref<128xi32, #tpu.memory_space<vmem>>) semaphore(%arg13 : memref<!tpu.dma_semaphore, #tpu.memory_space<semaphore_mem>>)
        %dma_wait3A_121 = arith.constant 0 : i32
        %dma_wait3A_122 = arith.constant 0 : i32
        %dma_wait3A_123 = tpu.memref_slice %arg8[%select_n3A_62, %dma_wait3A_121, %add3A_105, %dma_wait3A_122] : memref<2x2x8x128xi32, #tpu.memory_space<vmem>> -> memref<1x1x1x128xi32, #tpu.memory_space<vmem>>
        %dma_wait3A_124 = tpu.memref_squeeze %dma_wait3A_123 : memref<1x1x1x128xi32, #tpu.memory_space<vmem>> -> memref<128xi32, #tpu.memory_space<vmem>>
        %dma_wait3A_125 = arith.constant 0 : i32
        %dma_wait3A_126 = arith.constant 0 : i32
        %dma_wait3A_127 = tpu.memref_slice %arg2[%dma_wait3A_125, %dma_wait3A_126] : memref<10000x128xf32, #tpu.memory_space<hbm>> -> memref<10000x128xf32, #tpu.memory_space<hbm>>
        tpu.wait_indirect_dma semaphore(%arg12 : memref<!tpu.dma_semaphore, #tpu.memory_space<semaphore_mem>>) src(%dma_wait3A_127 : memref<10000x128xf32, #tpu.memory_space<hbm>>) dst(%arg9 : memref<128x128xf32, #tpu.memory_space<vmem>>)
        %add3A_128 = arith.constant 0 : i32
        %add3A_129 = arith.addi %mul3A_103, %add3A_128 : i32
        %dma_start3A_130 = arith.constant 1 : i32
        %dma_start3A_131 = arith.constant 0 : i32
        %dma_start3A_132 = tpu.memref_slice %arg8[%select_n3A_62, %dma_start3A_130, %add3A_129, %dma_start3A_131] : memref<2x2x8x128xi32, #tpu.memory_space<vmem>> -> memref<1x1x1x128xi32, #tpu.memory_space<vmem>>
        %dma_start3A_133 = tpu.memref_squeeze %dma_start3A_132 : memref<1x1x1x128xi32, #tpu.memory_space<vmem>> -> memref<128xi32, #tpu.memory_space<vmem>>
        %dma_start3A_134 = arith.constant 0 : i32
        %dma_start3A_135 = arith.constant 0 : i32
        %dma_start3A_136 = tpu.memref_slice %arg7[%dma_start3A_134, %dma_start3A_135] : memref<10112x128xf32, #tpu.memory_space<vmem_shared>> -> memref<10112x128xf32, #tpu.memory_space<vmem_shared>>
        tpu.enqueue_indirect_dma source(%arg9 : memref<128x128xf32, #tpu.memory_space<vmem>>) target(%dma_start3A_136 : memref<10112x128xf32, #tpu.memory_space<vmem_shared>>) offsets(%dma_start3A_133 : memref<128xi32, #tpu.memory_space<vmem>>) semaphore(%arg14 : memref<!tpu.dma_semaphore, #tpu.memory_space<semaphore_mem>>) {add = true}
        %dma_wait3A_137 = arith.constant 0 : i32
        %dma_wait3A_138 = arith.constant 0 : i32
        %dma_wait3A_139 = tpu.memref_slice %arg8[%select_n3A_62, %dma_wait3A_137, %add3A_113, %dma_wait3A_138] : memref<2x2x8x128xi32, #tpu.memory_space<vmem>> -> memref<1x1x1x128xi32, #tpu.memory_space<vmem>>
        %dma_wait3A_140 = tpu.memref_squeeze %dma_wait3A_139 : memref<1x1x1x128xi32, #tpu.memory_space<vmem>> -> memref<128xi32, #tpu.memory_space<vmem>>
        %dma_wait3A_141 = arith.constant 0 : i32
        %dma_wait3A_142 = arith.constant 0 : i32
        %dma_wait3A_143 = tpu.memref_slice %arg2[%dma_wait3A_141, %dma_wait3A_142] : memref<10000x128xf32, #tpu.memory_space<hbm>> -> memref<10000x128xf32, #tpu.memory_space<hbm>>
        tpu.wait_indirect_dma semaphore(%arg13 : memref<!tpu.dma_semaphore, #tpu.memory_space<semaphore_mem>>) src(%dma_wait3A_143 : memref<10000x128xf32, #tpu.memory_space<hbm>>) dst(%arg10 : memref<128x128xf32, #tpu.memory_space<vmem>>)
        %add3A_144 = arith.constant 1 : i32
        %add3A_145 = arith.addi %mul3A_103, %add3A_144 : i32
        %dma_start3A_146 = arith.constant 1 : i32
        %dma_start3A_147 = arith.constant 0 : i32
        %dma_start3A_148 = tpu.memref_slice %arg8[%select_n3A_62, %dma_start3A_146, %add3A_145, %dma_start3A_147] : memref<2x2x8x128xi32, #tpu.memory_space<vmem>> -> memref<1x1x1x128xi32, #tpu.memory_space<vmem>>
        %dma_start3A_149 = tpu.memref_squeeze %dma_start3A_148 : memref<1x1x1x128xi32, #tpu.memory_space<vmem>> -> memref<128xi32, #tpu.memory_space<vmem>>
        %dma_start3A_150 = arith.constant 0 : i32
        %dma_start3A_151 = arith.constant 0 : i32
        %dma_start3A_152 = tpu.memref_slice %arg7[%dma_start3A_150, %dma_start3A_151] : memref<10112x128xf32, #tpu.memory_space<vmem_shared>> -> memref<10112x128xf32, #tpu.memory_space<vmem_shared>>
        tpu.enqueue_indirect_dma source(%arg10 : memref<128x128xf32, #tpu.memory_space<vmem>>) target(%dma_start3A_152 : memref<10112x128xf32, #tpu.memory_space<vmem_shared>>) offsets(%dma_start3A_149 : memref<128xi32, #tpu.memory_space<vmem>>) semaphore(%arg15 : memref<!tpu.dma_semaphore, #tpu.memory_space<semaphore_mem>>) {add = true}
        %dma_wait3A_153 = arith.constant 1 : i32
        %dma_wait3A_154 = arith.constant 0 : i32
        %dma_wait3A_155 = tpu.memref_slice %arg8[%select_n3A_62, %dma_wait3A_153, %add3A_129, %dma_wait3A_154] : memref<2x2x8x128xi32, #tpu.memory_space<vmem>> -> memref<1x1x1x128xi32, #tpu.memory_space<vmem>>
        %dma_wait3A_156 = tpu.memref_squeeze %dma_wait3A_155 : memref<1x1x1x128xi32, #tpu.memory_space<vmem>> -> memref<128xi32, #tpu.memory_space<vmem>>
        %dma_wait3A_157 = arith.constant 0 : i32
        %dma_wait3A_158 = arith.constant 0 : i32
        %dma_wait3A_159 = tpu.memref_slice %arg7[%dma_wait3A_157, %dma_wait3A_158] : memref<10112x128xf32, #tpu.memory_space<vmem_shared>> -> memref<10112x128xf32, #tpu.memory_space<vmem_shared>>
        tpu.wait_indirect_dma semaphore(%arg14 : memref<!tpu.dma_semaphore, #tpu.memory_space<semaphore_mem>>) src(%arg9 : memref<128x128xf32, #tpu.memory_space<vmem>>) dst(%dma_wait3A_159 : memref<10112x128xf32, #tpu.memory_space<vmem_shared>>)
        %dma_wait3A_160 = arith.constant 1 : i32
        %dma_wait3A_161 = arith.constant 0 : i32
        %dma_wait3A_162 = tpu.memref_slice %arg8[%select_n3A_62, %dma_wait3A_160, %add3A_145, %dma_wait3A_161] : memref<2x2x8x128xi32, #tpu.memory_space<vmem>> -> memref<1x1x1x128xi32, #tpu.memory_space<vmem>>
        %dma_wait3A_163 = tpu.memref_squeeze %dma_wait3A_162 : memref<1x1x1x128xi32, #tpu.memory_space<vmem>> -> memref<128xi32, #tpu.memory_space<vmem>>
        %dma_wait3A_164 = arith.constant 0 : i32
        %dma_wait3A_165 = arith.constant 0 : i32
        %dma_wait3A_166 = tpu.memref_slice %arg7[%dma_wait3A_164, %dma_wait3A_165] : memref<10112x128xf32, #tpu.memory_space<vmem_shared>> -> memref<10112x128xf32, #tpu.memory_space<vmem_shared>>
        tpu.wait_indirect_dma semaphore(%arg15 : memref<!tpu.dma_semaphore, #tpu.memory_space<semaphore_mem>>) src(%arg10 : memref<128x128xf32, #tpu.memory_space<vmem>>) dst(%dma_wait3A_166 : memref<10112x128xf32, #tpu.memory_space<vmem_shared>>)
      }
      %scan3A_100 = arith.constant 4 : i32
    }
    %while3A_41 = arith.constant 1 : i32
    scf.for %while3A_47 = %while3A_39 to %while3A_35 step %while3A_41  : i32 {
      %jit3A_48 = arith.constant 2 : i32
      %eq3A_49 = arith.constant 0 : i32
      %eq3A_50 = arith.cmpi eq, %jit3A_48, %eq3A_49 : i32
      %jit3A_51 = arith.constant 1 : i32
      %select_n3A_52 = arith.select %eq3A_50, %jit3A_51, %jit3A_48 : i32
      %rem3A_53 = arith.remsi %while3A_47, %select_n3A_52 : i32
      %ne3A_54 = arith.constant 0 : i32
      %ne3A_55 = arith.cmpi ne, %rem3A_53, %ne3A_54 : i32
      %lt3A = arith.constant 0 : i32
      %lt3A_56 = arith.cmpi slt, %rem3A_53, %lt3A : i32
      %lt3A_57 = arith.constant 0 : i32
      %lt3A_58 = arith.cmpi slt, %select_n3A_52, %lt3A_57 : i32
      %ne3A_59 = arith.xori %lt3A_56, %lt3A_58 : i1
      %and3A_60 = arith.andi %ne3A_59, %ne3A_55 : i1
      %add3A_61 = arith.addi %rem3A_53, %select_n3A_52 : i32
      %select_n3A_62 = arith.select %and3A_60, %add3A_61, %rem3A_53 : i32
      %dma_wait3A = arith.constant 0 : i32
      %dma_wait3A_63 = arith.constant 0 : i32
      %dma_wait3A_64 = arith.constant 0 : i32
      %dma_wait3A_65 = arith.constant 0 : i32
      %dma_wait3A_66 = tpu.memref_slice %arg8[%dma_wait3A, %dma_wait3A_63, %dma_wait3A_64, %dma_wait3A_65] : memref<2x2x8x128xi32, #tpu.memory_space<vmem>> -> memref<1x1x8x128xi32, #tpu.memory_space<vmem>>
      %dma_wait3A_67 = tpu.memref_squeeze %dma_wait3A_66 : memref<1x1x8x128xi32, #tpu.memory_space<vmem>> -> memref<8x128xi32, #tpu.memory_space<vmem>>
      %dma_wait3A_68 = arith.constant 0 : i32
      %dma_wait3A_69 = tpu.memref_slice %arg3[%select_n3A_8, %dma_wait3A_68] : memref<2560x128xi32, #tpu.memory_space<hbm>> -> memref<8x128xi32, #tpu.memory_space<hbm>>
      %dma_wait3A_70 = arith.constant 0 : i32
      %dma_wait3A_71 = arith.constant 0 : i32
      %dma_wait3A_72 = tpu.memref_slice %arg8[%dma_wait3A, %dma_wait3A_63, %dma_wait3A_70, %dma_wait3A_71] : memref<2x2x8x128xi32, #tpu.memory_space<vmem>> -> memref<1x1x8x128xi32, #tpu.memory_space<vmem>>
      %dma_wait3A_73 = tpu.memref_squeeze %dma_wait3A_72 : memref<1x1x8x128xi32, #tpu.memory_space<vmem>> -> memref<8x128xi32, #tpu.memory_space<vmem>>
      %dma_wait3A_74 = arith.constant 0 : i32
      %dma_wait3A_75 = tpu.memref_slice %arg3[%select_n3A_8, %dma_wait3A_74] : memref<2560x128xi32, #tpu.memory_space<hbm>> -> memref<8x128xi32, #tpu.memory_space<hbm>>
      tpu.wait_dma2 semaphore(%arg11 : memref<!tpu.dma_semaphore, #tpu.memory_space<semaphore_mem>>) src(%dma_wait3A_75 : memref<8x128xi32, #tpu.memory_space<hbm>>) dst(%dma_wait3A_73 : memref<8x128xi32, #tpu.memory_space<vmem>>)
      %dma_wait3A_76 = arith.constant 0 : i32
      %dma_wait3A_77 = arith.constant 1 : i32
      %dma_wait3A_78 = arith.constant 0 : i32
      %dma_wait3A_79 = arith.constant 0 : i32
      %dma_wait3A_80 = tpu.memref_slice %arg8[%dma_wait3A_76, %dma_wait3A_77, %dma_wait3A_78, %dma_wait3A_79] : memref<2x2x8x128xi32, #tpu.memory_space<vmem>> -> memref<1x1x8x128xi32, #tpu.memory_space<vmem>>
      %dma_wait3A_81 = tpu.memref_squeeze %dma_wait3A_80 : memref<1x1x8x128xi32, #tpu.memory_space<vmem>> -> memref<8x128xi32, #tpu.memory_space<vmem>>
      %dma_wait3A_82 = arith.constant 0 : i32
      %dma_wait3A_83 = tpu.memref_slice %arg4[%select_n3A_8, %dma_wait3A_82] : memref<2560x128xi32, #tpu.memory_space<hbm>> -> memref<8x128xi32, #tpu.memory_space<hbm>>
      %dma_wait3A_84 = arith.constant 0 : i32
      %dma_wait3A_85 = arith.constant 0 : i32
      %dma_wait3A_86 = tpu.memref_slice %arg8[%dma_wait3A_76, %dma_wait3A_77, %dma_wait3A_84, %dma_wait3A_85] : memref<2x2x8x128xi32, #tpu.memory_space<vmem>> -> memref<1x1x8x128xi32, #tpu.memory_space<vmem>>
      %dma_wait3A_87 = tpu.memref_squeeze %dma_wait3A_86 : memref<1x1x8x128xi32, #tpu.memory_space<vmem>> -> memref<8x128xi32, #tpu.memory_space<vmem>>
      %dma_wait3A_88 = arith.constant 0 : i32
      %dma_wait3A_89 = tpu.memref_slice %arg4[%select_n3A_8, %dma_wait3A_88] : memref<2560x128xi32, #tpu.memory_space<hbm>> -> memref<8x128xi32, #tpu.memory_space<hbm>>
      tpu.wait_dma2 semaphore(%arg11 : memref<!tpu.dma_semaphore, #tpu.memory_space<semaphore_mem>>) src(%dma_wait3A_89 : memref<8x128xi32, #tpu.memory_space<hbm>>) dst(%dma_wait3A_87 : memref<8x128xi32, #tpu.memory_space<vmem>>)
      %add3A_90 = arith.constant 1 : i32
      %add3A_91 = arith.addi %while3A_47, %add3A_90 : i32
      %lt3A_92 = arith.cmpi slt, %add3A_91, %select_n3A_26 : i32
      %convert_element_type3A_93 = arith.extui %lt3A_92 : i1 to i32
      %cond3A_94 = arith.constant 0 : i32
      %cond3A_95 = arith.cmpi ne, %convert_element_type3A_93, %cond3A_94 : i32
      scf.if %cond3A_95 {
        %add3A_101 = arith.constant 1 : i32
        %add3A_102 = arith.addi %while3A_47, %add3A_101 : i32
        %jit3A_103 = arith.constant 2 : i32
        %eq3A_104 = arith.constant 0 : i32
        %eq3A_105 = arith.cmpi eq, %jit3A_103, %eq3A_104 : i32
        %jit3A_106 = arith.constant 1 : i32
        %select_n3A_107 = arith.select %eq3A_105, %jit3A_106, %jit3A_103 : i32
        %rem3A_108 = arith.remsi %add3A_102, %select_n3A_107 : i32
        %ne3A_109 = arith.constant 0 : i32
        %ne3A_110 = arith.cmpi ne, %rem3A_108, %ne3A_109 : i32
        %lt3A_111 = arith.constant 0 : i32
        %lt3A_112 = arith.cmpi slt, %rem3A_108, %lt3A_111 : i32
        %lt3A_113 = arith.constant 0 : i32
        %lt3A_114 = arith.cmpi slt, %select_n3A_107, %lt3A_113 : i32
        %ne3A_115 = arith.xori %lt3A_112, %lt3A_114 : i1
        %and3A_116 = arith.andi %ne3A_115, %ne3A_110 : i1
        %add3A_117 = arith.addi %rem3A_108, %select_n3A_107 : i32
        %select_n3A_118 = arith.select %and3A_116, %add3A_117, %rem3A_108 : i32
        %add3A_119 = arith.constant 1 : i32
        %add3A_120 = arith.addi %while3A_47, %add3A_119 : i32
        %mul3A_121 = arith.constant 8 : i32
        %mul3A_122 = arith.muli %add3A_120, %mul3A_121 : i32
        %add3A_123 = arith.addi %select_n3A_8, %mul3A_122 : i32
        %dma_start3A = arith.constant 0 : i32
        %dma_start3A_124 = arith.constant 0 : i32
        %dma_start3A_125 = arith.constant 0 : i32
        %dma_start3A_126 = tpu.memref_slice %arg8[%select_n3A_118, %dma_start3A, %dma_start3A_124, %dma_start3A_125] : memref<2x2x8x128xi32, #tpu.memory_space<vmem>> -> memref<1x1x8x128xi32, #tpu.memory_space<vmem>>
        %dma_start3A_127 = tpu.memref_squeeze %dma_start3A_126 : memref<1x1x8x128xi32, #tpu.memory_space<vmem>> -> memref<8x128xi32, #tpu.memory_space<vmem>>
        %dma_start3A_128 = arith.constant 0 : i32
        %dma_start3A_129 = tpu.memref_slice %arg3[%add3A_123, %dma_start3A_128] : memref<2560x128xi32, #tpu.memory_space<hbm>> -> memref<8x128xi32, #tpu.memory_space<hbm>>
        %dma_start3A_130 = arith.constant 0 : i32
        %dma_start3A_131 = arith.constant 0 : i32
        %dma_start3A_132 = tpu.memref_slice %arg8[%select_n3A_118, %dma_start3A, %dma_start3A_130, %dma_start3A_131] : memref<2x2x8x128xi32, #tpu.memory_space<vmem>> -> memref<1x1x8x128xi32, #tpu.memory_space<vmem>>
        %dma_start3A_133 = tpu.memref_squeeze %dma_start3A_132 : memref<1x1x8x128xi32, #tpu.memory_space<vmem>> -> memref<8x128xi32, #tpu.memory_space<vmem>>
        %dma_start3A_134 = arith.constant 0 : i32
        %dma_start3A_135 = tpu.memref_slice %arg3[%add3A_123, %dma_start3A_134] : memref<2560x128xi32, #tpu.memory_space<hbm>> -> memref<8x128xi32, #tpu.memory_space<hbm>>
        tpu.enqueue_dma source(%dma_start3A_135 : memref<8x128xi32, #tpu.memory_space<hbm>>) target(%dma_start3A_133 : memref<8x128xi32, #tpu.memory_space<vmem>>) target_semaphore(%arg11 : memref<!tpu.dma_semaphore, #tpu.memory_space<semaphore_mem>>)
        %dma_start3A_136 = arith.constant 1 : i32
        %dma_start3A_137 = arith.constant 0 : i32
        %dma_start3A_138 = arith.constant 0 : i32
        %dma_start3A_139 = tpu.memref_slice %arg8[%select_n3A_118, %dma_start3A_136, %dma_start3A_137, %dma_start3A_138] : memref<2x2x8x128xi32, #tpu.memory_space<vmem>> -> memref<1x1x8x128xi32, #tpu.memory_space<vmem>>
        %dma_start3A_140 = tpu.memref_squeeze %dma_start3A_139 : memref<1x1x8x128xi32, #tpu.memory_space<vmem>> -> memref<8x128xi32, #tpu.memory_space<vmem>>
        %dma_start3A_141 = arith.constant 0 : i32
        %dma_start3A_142 = tpu.memref_slice %arg4[%add3A_123, %dma_start3A_141] : memref<2560x128xi32, #tpu.memory_space<hbm>> -> memref<8x128xi32, #tpu.memory_space<hbm>>
        %dma_start3A_143 = arith.constant 0 : i32
        %dma_start3A_144 = arith.constant 0 : i32
        %dma_start3A_145 = tpu.memref_slice %arg8[%select_n3A_118, %dma_start3A_136, %dma_start3A_143, %dma_start3A_144] : memref<2x2x8x128xi32, #tpu.memory_space<vmem>> -> memref<1x1x8x128xi32, #tpu.memory_space<vmem>>
        %dma_start3A_146 = tpu.memref_squeeze %dma_start3A_145 : memref<1x1x8x128xi32, #tpu.memory_space<vmem>> -> memref<8x128xi32, #tpu.memory_space<vmem>>
        %dma_start3A_147 = arith.constant 0 : i32
        %dma_start3A_148 = tpu.memref_slice %arg4[%add3A_123, %dma_start3A_147] : memref<2560x128xi32, #tpu.memory_space<hbm>> -> memref<8x128xi32, #tpu.memory_space<hbm>>
        tpu.enqueue_dma source(%dma_start3A_148 : memref<8x128xi32, #tpu.memory_space<hbm>>) target(%dma_start3A_146 : memref<8x128xi32, #tpu.memory_space<vmem>>) target_semaphore(%arg11 : memref<!tpu.dma_semaphore, #tpu.memory_space<semaphore_mem>>)
      } else {
      }
      %scan3A = arith.constant 0 : i32
      %scan3A_96 = arith.constant 0 : i32
      %scan3A_97 = arith.constant 4 : i32
      %scan3A_98 = arith.addi %scan3A_96, %scan3A_97 : i32
      %scan3A_99 = arith.constant 1 : i32
      scf.for %scan3A_101 = %scan3A_96 to %scan3A_98 step %scan3A_99  : i32 {
        %mul3A_102 = arith.constant 2 : i32
        %mul3A_103 = arith.muli %scan3A_101, %mul3A_102 : i32
        %add3A_104 = arith.constant 0 : i32
        %add3A_105 = arith.addi %mul3A_103, %add3A_104 : i32
        %dma_start3A = arith.constant 0 : i32
        %dma_start3A_106 = arith.constant 0 : i32
        %dma_start3A_107 = tpu.memref_slice %arg8[%select_n3A_62, %dma_start3A, %add3A_105, %dma_start3A_106] : memref<2x2x8x128xi32, #tpu.memory_space<vmem>> -> memref<1x1x1x128xi32, #tpu.memory_space<vmem>>
        %dma_start3A_108 = tpu.memref_squeeze %dma_start3A_107 : memref<1x1x1x128xi32, #tpu.memory_space<vmem>> -> memref<128xi32, #tpu.memory_space<vmem>>
        %dma_start3A_109 = arith.constant 0 : i32
        %dma_start3A_110 = arith.constant 0 : i32
        %dma_start3A_111 = tpu.memref_slice %arg2[%dma_start3A_109, %dma_start3A_110] : memref<10000x128xf32, #tpu.memory_space<hbm>> -> memref<10000x128xf32, #tpu.memory_space<hbm>>
        tpu.enqueue_indirect_dma source(%dma_start3A_111 : memref<10000x128xf32, #tpu.memory_space<hbm>>) target(%arg9 : memref<128x128xf32, #tpu.memory_space<vmem>>) offsets(%dma_start3A_108 : memref<128xi32, #tpu.memory_space<vmem>>) semaphore(%arg12 : memref<!tpu.dma_semaphore, #tpu.memory_space<semaphore_mem>>)
        %add3A_112 = arith.constant 1 : i32
        %add3A_113 = arith.addi %mul3A_103, %add3A_112 : i32
        %dma_start3A_114 = arith.constant 0 : i32
        %dma_start3A_115 = arith.constant 0 : i32
        %dma_start3A_116 = tpu.memref_slice %arg8[%select_n3A_62, %dma_start3A_114, %add3A_113, %dma_start3A_115] : memref<2x2x8x128xi32, #tpu.memory_space<vmem>> -> memref<1x1x1x128xi32, #tpu.memory_space<vmem>>
        %dma_start3A_117 = tpu.memref_squeeze %dma_start3A_116 : memref<1x1x1x128xi32, #tpu.memory_space<vmem>> -> memref<128xi32, #tpu.memory_space<vmem>>
        %dma_start3A_118 = arith.constant 0 : i32
        %dma_start3A_119 = arith.constant 0 : i32
        %dma_start3A_120 = tpu.memref_slice %arg2[%dma_start3A_118, %dma_start3A_119] : memref<10000x128xf32, #tpu.memory_space<hbm>> -> memref<10000x128xf32, #tpu.memory_space<hbm>>
        tpu.enqueue_indirect_dma source(%dma_start3A_120 : memref<10000x128xf32, #tpu.memory_space<hbm>>) target(%arg10 : memref<128x128xf32, #tpu.memory_space<vmem>>) offsets(%dma_start3A_117 : memref<128xi32, #tpu.memory_space<vmem>>) semaphore(%arg13 : memref<!tpu.dma_semaphore, #tpu.memory_space<semaphore_mem>>)
        %dma_wait3A_121 = arith.constant 0 : i32
        %dma_wait3A_122 = arith.constant 0 : i32
        %dma_wait3A_123 = tpu.memref_slice %arg8[%select_n3A_62, %dma_wait3A_121, %add3A_105, %dma_wait3A_122] : memref<2x2x8x128xi32, #tpu.memory_space<vmem>> -> memref<1x1x1x128xi32, #tpu.memory_space<vmem>>
        %dma_wait3A_124 = tpu.memref_squeeze %dma_wait3A_123 : memref<1x1x1x128xi32, #tpu.memory_space<vmem>> -> memref<128xi32, #tpu.memory_space<vmem>>
        %dma_wait3A_125 = arith.constant 0 : i32
        %dma_wait3A_126 = arith.constant 0 : i32
        %dma_wait3A_127 = tpu.memref_slice %arg2[%dma_wait3A_125, %dma_wait3A_126] : memref<10000x128xf32, #tpu.memory_space<hbm>> -> memref<10000x128xf32, #tpu.memory_space<hbm>>
        tpu.wait_indirect_dma semaphore(%arg12 : memref<!tpu.dma_semaphore, #tpu.memory_space<semaphore_mem>>) src(%dma_wait3A_127 : memref<10000x128xf32, #tpu.memory_space<hbm>>) dst(%arg9 : memref<128x128xf32, #tpu.memory_space<vmem>>)
        %add3A_128 = arith.constant 0 : i32
        %add3A_129 = arith.addi %mul3A_103, %add3A_128 : i32
        %dma_start3A_130 = arith.constant 1 : i32
        %dma_start3A_131 = arith.constant 0 : i32
        %dma_start3A_132 = tpu.memref_slice %arg8[%select_n3A_62, %dma_start3A_130, %add3A_129, %dma_start3A_131] : memref<2x2x8x128xi32, #tpu.memory_space<vmem>> -> memref<1x1x1x128xi32, #tpu.memory_space<vmem>>
        %dma_start3A_133 = tpu.memref_squeeze %dma_start3A_132 : memref<1x1x1x128xi32, #tpu.memory_space<vmem>> -> memref<128xi32, #tpu.memory_space<vmem>>
        %dma_start3A_134 = arith.constant 0 : i32
        %dma_start3A_135 = arith.constant 0 : i32
        %dma_start3A_136 = tpu.memref_slice %arg7[%dma_start3A_134, %dma_start3A_135] : memref<10112x128xf32, #tpu.memory_space<vmem_shared>> -> memref<10112x128xf32, #tpu.memory_space<vmem_shared>>
        tpu.enqueue_indirect_dma source(%arg9 : memref<128x128xf32, #tpu.memory_space<vmem>>) target(%dma_start3A_136 : memref<10112x128xf32, #tpu.memory_space<vmem_shared>>) offsets(%dma_start3A_133 : memref<128xi32, #tpu.memory_space<vmem>>) semaphore(%arg14 : memref<!tpu.dma_semaphore, #tpu.memory_space<semaphore_mem>>) {add = true}
        %dma_wait3A_137 = arith.constant 0 : i32
        %dma_wait3A_138 = arith.constant 0 : i32
        %dma_wait3A_139 = tpu.memref_slice %arg8[%select_n3A_62, %dma_wait3A_137, %add3A_113, %dma_wait3A_138] : memref<2x2x8x128xi32, #tpu.memory_space<vmem>> -> memref<1x1x1x128xi32, #tpu.memory_space<vmem>>
        %dma_wait3A_140 = tpu.memref_squeeze %dma_wait3A_139 : memref<1x1x1x128xi32, #tpu.memory_space<vmem>> -> memref<128xi32, #tpu.memory_space<vmem>>
        %dma_wait3A_141 = arith.constant 0 : i32
        %dma_wait3A_142 = arith.constant 0 : i32
        %dma_wait3A_143 = tpu.memref_slice %arg2[%dma_wait3A_141, %dma_wait3A_142] : memref<10000x128xf32, #tpu.memory_space<hbm>> -> memref<10000x128xf32, #tpu.memory_space<hbm>>
        tpu.wait_indirect_dma semaphore(%arg13 : memref<!tpu.dma_semaphore, #tpu.memory_space<semaphore_mem>>) src(%dma_wait3A_143 : memref<10000x128xf32, #tpu.memory_space<hbm>>) dst(%arg10 : memref<128x128xf32, #tpu.memory_space<vmem>>)
        %add3A_144 = arith.constant 1 : i32
        %add3A_145 = arith.addi %mul3A_103, %add3A_144 : i32
        %dma_start3A_146 = arith.constant 1 : i32
        %dma_start3A_147 = arith.constant 0 : i32
        %dma_start3A_148 = tpu.memref_slice %arg8[%select_n3A_62, %dma_start3A_146, %add3A_145, %dma_start3A_147] : memref<2x2x8x128xi32, #tpu.memory_space<vmem>> -> memref<1x1x1x128xi32, #tpu.memory_space<vmem>>
        %dma_start3A_149 = tpu.memref_squeeze %dma_start3A_148 : memref<1x1x1x128xi32, #tpu.memory_space<vmem>> -> memref<128xi32, #tpu.memory_space<vmem>>
        %dma_start3A_150 = arith.constant 0 : i32
        %dma_start3A_151 = arith.constant 0 : i32
        %dma_start3A_152 = tpu.memref_slice %arg7[%dma_start3A_150, %dma_start3A_151] : memref<10112x128xf32, #tpu.memory_space<vmem_shared>> -> memref<10112x128xf32, #tpu.memory_space<vmem_shared>>
        tpu.enqueue_indirect_dma source(%arg10 : memref<128x128xf32, #tpu.memory_space<vmem>>) target(%dma_start3A_152 : memref<10112x128xf32, #tpu.memory_space<vmem_shared>>) offsets(%dma_start3A_149 : memref<128xi32, #tpu.memory_space<vmem>>) semaphore(%arg15 : memref<!tpu.dma_semaphore, #tpu.memory_space<semaphore_mem>>) {add = true}
        %dma_wait3A_153 = arith.constant 1 : i32
        %dma_wait3A_154 = arith.constant 0 : i32
        %dma_wait3A_155 = tpu.memref_slice %arg8[%select_n3A_62, %dma_wait3A_153, %add3A_129, %dma_wait3A_154] : memref<2x2x8x128xi32, #tpu.memory_space<vmem>> -> memref<1x1x1x128xi32, #tpu.memory_space<vmem>>
        %dma_wait3A_156 = tpu.memref_squeeze %dma_wait3A_155 : memref<1x1x1x128xi32, #tpu.memory_space<vmem>> -> memref<128xi32, #tpu.memory_space<vmem>>
        %dma_wait3A_157 = arith.constant 0 : i32
        %dma_wait3A_158 = arith.constant 0 : i32
        %dma_wait3A_159 = tpu.memref_slice %arg7[%dma_wait3A_157, %dma_wait3A_158] : memref<10112x128xf32, #tpu.memory_space<vmem_shared>> -> memref<10112x128xf32, #tpu.memory_space<vmem_shared>>
        tpu.wait_indirect_dma semaphore(%arg14 : memref<!tpu.dma_semaphore, #tpu.memory_space<semaphore_mem>>) src(%arg9 : memref<128x128xf32, #tpu.memory_space<vmem>>) dst(%dma_wait3A_159 : memref<10112x128xf32, #tpu.memory_space<vmem_shared>>)
        %dma_wait3A_160 = arith.constant 1 : i32
        %dma_wait3A_161 = arith.constant 0 : i32
        %dma_wait3A_162 = tpu.memref_slice %arg8[%select_n3A_62, %dma_wait3A_160, %add3A_145, %dma_wait3A_161] : memref<2x2x8x128xi32, #tpu.memory_space<vmem>> -> memref<1x1x1x128xi32, #tpu.memory_space<vmem>>
        %dma_wait3A_163 = tpu.memref_squeeze %dma_wait3A_162 : memref<1x1x1x128xi32, #tpu.memory_space<vmem>> -> memref<128xi32, #tpu.memory_space<vmem>>
        %dma_wait3A_164 = arith.constant 0 : i32
        %dma_wait3A_165 = arith.constant 0 : i32
        %dma_wait3A_166 = tpu.memref_slice %arg7[%dma_wait3A_164, %dma_wait3A_165] : memref<10112x128xf32, #tpu.memory_space<vmem_shared>> -> memref<10112x128xf32, #tpu.memory_space<vmem_shared>>
        tpu.wait_indirect_dma semaphore(%arg15 : memref<!tpu.dma_semaphore, #tpu.memory_space<semaphore_mem>>) src(%arg10 : memref<128x128xf32, #tpu.memory_space<vmem>>) dst(%dma_wait3A_166 : memref<10112x128xf32, #tpu.memory_space<vmem_shared>>)
      }
      %scan3A_100 = arith.constant 4 : i32
    }
    %barrier3A_42 = arith.constant 0 : index
    tpu.barrier barrier_id(%barrier3A_42)
    %mul3A_43 = arith.constant 632 : i32
    %mul3A_44 = arith.muli %arg1, %mul3A_43 : i32
    %mul3A_45 = arith.constant 632 : i32
    %mul3A_46 = arith.muli %arg1, %mul3A_45 : i32
    "tpu.region"() ({
      %run_scoped3A = tpu.sem_alloc : memref<!tpu.dma_semaphore, #tpu.memory_space<semaphore_mem>>
      %dma_start3A = arith.constant 0 : i32
      %dma_start3A_47 = tpu.memref_slice %arg6[%arg0, %mul3A_46, %dma_start3A] : memref<2x10112x128xf32, #tpu.memory_space<hbm>> -> memref<1x632x128xf32, #tpu.memory_space<hbm>>
      %dma_start3A_48 = tpu.memref_squeeze %dma_start3A_47 : memref<1x632x128xf32, #tpu.memory_space<hbm>> -> memref<632x128xf32, #tpu.memory_space<hbm>>
      %dma_start3A_49 = arith.constant 0 : i32
      %dma_start3A_50 = tpu.memref_slice %arg7[%mul3A_44, %dma_start3A_49] : memref<10112x128xf32, #tpu.memory_space<vmem_shared>> -> memref<632x128xf32, #tpu.memory_space<vmem_shared>>
      tpu.enqueue_dma source(%dma_start3A_50 : memref<632x128xf32, #tpu.memory_space<vmem_shared>>) target(%dma_start3A_48 : memref<632x128xf32, #tpu.memory_space<hbm>>) target_semaphore(%run_scoped3A : memref<!tpu.dma_semaphore, #tpu.memory_space<semaphore_mem>>)
      %dma_wait3A = arith.constant 0 : i32
      %dma_wait3A_51 = tpu.memref_slice %arg6[%arg0, %mul3A_46, %dma_wait3A] : memref<2x10112x128xf32, #tpu.memory_space<hbm>> -> memref<1x632x128xf32, #tpu.memory_space<hbm>>
      %dma_wait3A_52 = tpu.memref_squeeze %dma_wait3A_51 : memref<1x632x128xf32, #tpu.memory_space<hbm>> -> memref<632x128xf32, #tpu.memory_space<hbm>>
      %dma_wait3A_53 = arith.constant 0 : i32
      %dma_wait3A_54 = tpu.memref_slice %arg7[%mul3A_44, %dma_wait3A_53] : memref<10112x128xf32, #tpu.memory_space<vmem_shared>> -> memref<632x128xf32, #tpu.memory_space<vmem_shared>>
      tpu.wait_dma2 semaphore(%run_scoped3A : memref<!tpu.dma_semaphore, #tpu.memory_space<semaphore_mem>>) src(%dma_wait3A_54 : memref<632x128xf32, #tpu.memory_space<vmem_shared>>) dst(%dma_wait3A_52 : memref<632x128xf32, #tpu.memory_space<hbm>>)
      tpu.yield
    }) : () -> ()
    return
  }
}

module attributes {stable_mosaic.version = 14 : i64} {
  func.func @_narrow_body(%arg0: i32, %arg1: memref<2x632x128xf32, #tpu.memory_space<vmem>>, %arg2: memref<632x16xf32, #tpu.memory_space<vmem>>) attributes {dimension_semantics = [#tpu.dimension_semantics<arbitrary>], iteration_bounds = array<i64: 16>, scalar_prefetch = 0 : i64, scratch_operands = 0 : i64, tpu.core_type = #tpu.core_type<tc>, window_params = [{transform_indices = @transform_0, window_bounds = array<i64: 2, 632, 128>}, {transform_indices = @transform_1, window_bounds = array<i64: 632, 16>}]} {
    %get3A = arith.constant 0 : index
    %get3A_0 = arith.constant 0 : index
    %get3A_1 = arith.constant 0 : index
    %get3A_2 = vector.load %arg1[%get3A, %get3A_0, %get3A_1] : memref<2x632x128xf32, #tpu.memory_space<vmem>>, vector<1x632x16xf32>
    %get3A_3 = vector.shape_cast %get3A_2 : vector<1x632x16xf32> to vector<632x16xf32>
    %get3A_4 = arith.constant 1 : index
    %get3A_5 = arith.constant 0 : index
    %get3A_6 = arith.constant 0 : index
    %get3A_7 = vector.load %arg1[%get3A_4, %get3A_5, %get3A_6] : memref<2x632x128xf32, #tpu.memory_space<vmem>>, vector<1x632x16xf32>
    %get3A_8 = vector.shape_cast %get3A_7 : vector<1x632x16xf32> to vector<632x16xf32>
    %add3A = arith.addf %get3A_3, %get3A_8 : vector<632x16xf32>
    %swap3A = arith.constant 0 : index
    %swap3A_9 = arith.constant 0 : index
    %swap3A_10 = vector.load %arg2[%swap3A, %swap3A_9] : memref<632x16xf32, #tpu.memory_space<vmem>>, vector<632x16xf32>
    tpu.vector_store %arg2[%swap3A, %swap3A_9], %add3A {strides = array<i32>} : memref<632x16xf32, #tpu.memory_space<vmem>>, vector<632x16xf32>,
    return
  }
  func.func @transform_0(%arg0: i32) -> (i32, i32, i32) {
    %c0_i32 = arith.constant 0 : i32
    %c0_i32_0 = arith.constant 0 : i32
    %c0_i32_1 = arith.constant 0 : i32
    return %c0_i32, %arg0, %c0_i32_0 : i32, i32, i32
  }
  func.func @transform_1(%arg0: i32) -> (i32, i32) {
    %c0_i32 = arith.constant 0 : i32
    %c0_i32_0 = arith.constant 0 : i32
    return %arg0, %c0_i32 : i32, i32
  }
}

module attributes {stable_mosaic.version = 14 : i64} {
  func.func @_dense_body(%arg0: i32, %arg1: memref<2x400x128xf32, #tpu.memory_space<vmem>>, %arg2: memref<400x16xf32, #tpu.memory_space<vmem>>, %arg3: memref<400x128xf32, #tpu.memory_space<vmem>>, %arg4: memref<128x128xf32, #tpu.memory_space<vmem>>, %arg5: memref<1x128xf32, #tpu.memory_space<vmem>>, %arg6: memref<128x128xf32, #tpu.memory_space<vmem>>, %arg7: memref<1x128xf32, #tpu.memory_space<vmem>>, %arg8: memref<1x128xf32, #tpu.memory_space<vmem>>, %arg9: memref<400x128xf32, #tpu.memory_space<vmem>>) attributes {dimension_semantics = [#tpu.dimension_semantics<arbitrary>], iteration_bounds = array<i64: 25>, scalar_prefetch = 0 : i64, scratch_operands = 0 : i64, tpu.core_type = #tpu.core_type<tc>, window_params = [{transform_indices = @transform_0, window_bounds = array<i64: 2, 400, 128>}, {transform_indices = @transform_1, window_bounds = array<i64: 400, 16>}, {transform_indices = @transform_2, window_bounds = array<i64: 400, 128>}, {pipeline_mode = #tpu.pipeline_mode<synchronous>, transform_indices = @transform_3, window_bounds = array<i64: 128, 128>}, {pipeline_mode = #tpu.pipeline_mode<synchronous>, transform_indices = @transform_4, window_bounds = array<i64: 1, 128>}, {pipeline_mode = #tpu.pipeline_mode<synchronous>, transform_indices = @transform_5, window_bounds = array<i64: 128, 128>}, {pipeline_mode = #tpu.pipeline_mode<synchronous>, transform_indices = @transform_6, window_bounds = array<i64: 1, 128>}, {pipeline_mode = #tpu.pipeline_mode<synchronous>, transform_indices = @transform_7, window_bounds = array<i64: 1, 128>}, {transform_indices = @transform_8, window_bounds = array<i64: 400, 128>}]} {
    %get3A = arith.constant 0 : index
    %get3A_0 = arith.constant 0 : index
    %get3A_1 = arith.constant 0 : index
    %get3A_2 = vector.load %arg1[%get3A, %get3A_0, %get3A_1] : memref<2x400x128xf32, #tpu.memory_space<vmem>>, vector<1x400x128xf32>
    %get3A_3 = vector.shape_cast %get3A_2 : vector<1x400x128xf32> to vector<400x128xf32>
    %get3A_4 = arith.constant 1 : index
    %get3A_5 = arith.constant 0 : index
    %get3A_6 = arith.constant 0 : index
    %get3A_7 = vector.load %arg1[%get3A_4, %get3A_5, %get3A_6] : memref<2x400x128xf32, #tpu.memory_space<vmem>>, vector<1x400x128xf32>
    %get3A_8 = vector.shape_cast %get3A_7 : vector<1x400x128xf32> to vector<400x128xf32>
    %add3A = arith.addf %get3A_3, %get3A_8 : vector<400x128xf32>
    %get3A_9 = arith.constant 0 : index
    %get3A_10 = arith.constant 0 : index
    %get3A_11 = vector.load %arg2[%get3A_9, %get3A_10] : memref<400x16xf32, #tpu.memory_space<vmem>>, vector<400x1xf32>
    %max3A = arith.constant 1.000000e+00 : f32
    %max3A_12 = vector.broadcast %max3A : f32 to vector<400x1xf32>
    %max3A_13 = arith.maximumf %get3A_11, %max3A_12 : vector<400x1xf32>
    %div3A = vector.broadcast %max3A_13 : vector<400x1xf32> to vector<400x128xf32>
    %div3A_14 = arith.divf %add3A, %div3A : vector<400x128xf32>
    %get3A_15 = arith.constant 0 : index
    %get3A_16 = arith.constant 0 : index
    %get3A_17 = vector.load %arg4[%get3A_15, %get3A_16] : memref<128x128xf32, #tpu.memory_space<vmem>>, vector<128x128xf32>
    %dot_general3A = arith.constant dense<0.000000e+00> : vector<400x128xf32>
    %dot_general3A_18 = tpu.matmul %div3A_14, %get3A_17, %dot_general3A {dimension_numbers = #tpu.dot_dimension_numbers<[1], [1], [0], [0], [0, 0, 1, 0], [], []>, transpose_lhs_hint = false} : vector<400x128xf32>, vector<128x128xf32>, vector<400x128xf32> -> vector<400x128xf32>
    %get3A_19 = arith.constant 0 : index
    %get3A_20 = arith.constant 0 : index
    %get3A_21 = vector.load %arg5[%get3A_19, %get3A_20] : memref<1x128xf32, #tpu.memory_space<vmem>>, vector<1x128xf32>
    %add3A_22 = vector.broadcast %get3A_21 : vector<1x128xf32> to vector<400x128xf32>
    %add3A_23 = arith.addf %dot_general3A_18, %add3A_22 : vector<400x128xf32>
    %get3A_24 = arith.constant 0 : index
    %get3A_25 = arith.constant 0 : index
    %get3A_26 = vector.load %arg3[%get3A_24, %get3A_25] : memref<400x128xf32, #tpu.memory_space<vmem>>, vector<400x128xf32>
    %get3A_27 = arith.constant 0 : index
    %get3A_28 = arith.constant 0 : index
    %get3A_29 = vector.load %arg6[%get3A_27, %get3A_28] : memref<128x128xf32, #tpu.memory_space<vmem>>, vector<128x128xf32>
    %dot_general3A_30 = arith.constant dense<0.000000e+00> : vector<400x128xf32>
    %dot_general3A_31 = tpu.matmul %get3A_26, %get3A_29, %dot_general3A_30 {dimension_numbers = #tpu.dot_dimension_numbers<[1], [1], [0], [0], [0, 0, 1, 0], [], []>, transpose_lhs_hint = false} : vector<400x128xf32>, vector<128x128xf32>, vector<400x128xf32> -> vector<400x128xf32>
    %add3A_32 = arith.addf %add3A_23, %dot_general3A_31 : vector<400x128xf32>
    %reduce_sum3A = arith.constant dense<0.000000e+00> : vector<400xf32>
    %reduce_sum3A_33 = vector.multi_reduction <add>, %add3A_32, %reduce_sum3A [1] : vector<400x128xf32> to vector<400xf32>
    %broadcast_in_dim3A = vector.shape_cast %reduce_sum3A_33 : vector<400xf32> to vector<400x1xf32>
    %div3A_34 = arith.constant 1.280000e+02 : f32
    %div3A_35 = vector.broadcast %div3A_34 : f32 to vector<400x1xf32>
    %div3A_36 = arith.divf %broadcast_in_dim3A, %div3A_35 : vector<400x1xf32>
    %sub3A = vector.broadcast %div3A_36 : vector<400x1xf32> to vector<400x128xf32>
    %sub3A_37 = arith.subf %add3A_32, %sub3A : vector<400x128xf32>
    %integer_pow3A = arith.mulf %sub3A_37, %sub3A_37 : vector<400x128xf32>
    %reduce_sum3A_38 = arith.constant dense<0.000000e+00> : vector<400xf32>
    %reduce_sum3A_39 = vector.multi_reduction <add>, %integer_pow3A, %reduce_sum3A_38 [1] : vector<400x128xf32> to vector<400xf32>
    %broadcast_in_dim3A_40 = vector.shape_cast %reduce_sum3A_39 : vector<400xf32> to vector<400x1xf32>
    %div3A_41 = arith.constant 1.280000e+02 : f32
    %div3A_42 = vector.broadcast %div3A_41 : f32 to vector<400x1xf32>
    %div3A_43 = arith.divf %broadcast_in_dim3A_40, %div3A_42 : vector<400x1xf32>
    %sub3A_44 = vector.broadcast %div3A_36 : vector<400x1xf32> to vector<400x128xf32>
    %sub3A_45 = arith.subf %add3A_32, %sub3A_44 : vector<400x128xf32>
    %add3A_46 = arith.constant 9.99999974E-6 : f32
    %add3A_47 = vector.broadcast %add3A_46 : f32 to vector<400x1xf32>
    %add3A_48 = arith.addf %div3A_43, %add3A_47 : vector<400x1xf32>
    %rsqrt3A = math.rsqrt %add3A_48 : vector<400x1xf32>
    %mul3A = vector.broadcast %rsqrt3A : vector<400x1xf32> to vector<400x128xf32>
    %mul3A_49 = arith.mulf %sub3A_45, %mul3A : vector<400x128xf32>
    %get3A_50 = arith.constant 0 : index
    %get3A_51 = arith.constant 0 : index
    %get3A_52 = vector.load %arg7[%get3A_50, %get3A_51] : memref<1x128xf32, #tpu.memory_space<vmem>>, vector<1x128xf32>
    %mul3A_53 = vector.broadcast %get3A_52 : vector<1x128xf32> to vector<400x128xf32>
    %mul3A_54 = arith.mulf %mul3A_49, %mul3A_53 : vector<400x128xf32>
    %get3A_55 = arith.constant 0 : index
    %get3A_56 = arith.constant 0 : index
    %get3A_57 = vector.load %arg8[%get3A_55, %get3A_56] : memref<1x128xf32, #tpu.memory_space<vmem>>, vector<1x128xf32>
    %add3A_58 = vector.broadcast %get3A_57 : vector<1x128xf32> to vector<400x128xf32>
    %add3A_59 = arith.addf %mul3A_54, %add3A_58 : vector<400x128xf32>
    %max3A_60 = arith.constant 0.000000e+00 : f32
    %max3A_61 = vector.broadcast %max3A_60 : f32 to vector<400x128xf32>
    %max3A_62 = arith.maximumf %add3A_59, %max3A_61 : vector<400x128xf32>
    %swap3A = arith.constant 0 : index
    %swap3A_63 = arith.constant 0 : index
    %swap3A_64 = vector.load %arg9[%swap3A, %swap3A_63] : memref<400x128xf32, #tpu.memory_space<vmem>>, vector<400x128xf32>
    tpu.vector_store %arg9[%swap3A, %swap3A_63], %max3A_62 {strides = array<i32>} : memref<400x128xf32, #tpu.memory_space<vmem>>, vector<400x128xf32>,
    return
  }
  func.func @transform_0(%arg0: i32) -> (i32, i32, i32) {
    %c0_i32 = arith.constant 0 : i32
    %c0_i32_0 = arith.constant 0 : i32
    %c0_i32_1 = arith.constant 0 : i32
    return %c0_i32, %arg0, %c0_i32_0 : i32, i32, i32
  }
  func.func @transform_1(%arg0: i32) -> (i32, i32) {
    %c0_i32 = arith.constant 0 : i32
    %c0_i32_0 = arith.constant 0 : i32
    return %arg0, %c0_i32 : i32, i32
  }
  func.func @transform_2(%arg0: i32) -> (i32, i32) {
    %c0_i32 = arith.constant 0 : i32
    %c0_i32_0 = arith.constant 0 : i32
    return %arg0, %c0_i32 : i32, i32
  }
  func.func @transform_3(%arg0: i32) -> (i32, i32) {
    %c0_i32 = arith.constant 0 : i32
    %c0_i32_0 = arith.constant 0 : i32
    %c0_i32_1 = arith.constant 0 : i32
    return %c0_i32, %c0_i32_0 : i32, i32
  }
  func.func @transform_4(%arg0: i32) -> (i32, i32) {
    %c0_i32 = arith.constant 0 : i32
    %c0_i32_0 = arith.constant 0 : i32
    %c0_i32_1 = arith.constant 0 : i32
    return %c0_i32, %c0_i32_0 : i32, i32
  }
  func.func @transform_5(%arg0: i32) -> (i32, i32) {
    %c0_i32 = arith.constant 0 : i32
    %c0_i32_0 = arith.constant 0 : i32
    %c0_i32_1 = arith.constant 0 : i32
    return %c0_i32, %c0_i32_0 : i32, i32
  }
  func.func @transform_6(%arg0: i32) -> (i32, i32) {
    %c0_i32 = arith.constant 0 : i32
    %c0_i32_0 = arith.constant 0 : i32
    %c0_i32_1 = arith.constant 0 : i32
    return %c0_i32, %c0_i32_0 : i32, i32
  }
  func.func @transform_7(%arg0: i32) -> (i32, i32) {
    %c0_i32 = arith.constant 0 : i32
    %c0_i32_0 = arith.constant 0 : i32
    %c0_i32_1 = arith.constant 0 : i32
    return %c0_i32, %c0_i32_0 : i32, i32
  }
  func.func @transform_8(%arg0: i32) -> (i32, i32) {
    %c0_i32 = arith.constant 0 : i32
    %c0_i32_0 = arith.constant 0 : i32
    return %arg0, %c0_i32 : i32, i32
  }
}

module attributes {stable_mosaic.version = 14 : i64} {
  func.func @_dense_body(%arg0: i32, %arg1: memref<2x400x128xf32, #tpu.memory_space<vmem>>, %arg2: memref<400x16xf32, #tpu.memory_space<vmem>>, %arg3: memref<400x128xf32, #tpu.memory_space<vmem>>, %arg4: memref<128x128xf32, #tpu.memory_space<vmem>>, %arg5: memref<1x128xf32, #tpu.memory_space<vmem>>, %arg6: memref<128x128xf32, #tpu.memory_space<vmem>>, %arg7: memref<1x128xf32, #tpu.memory_space<vmem>>, %arg8: memref<1x128xf32, #tpu.memory_space<vmem>>, %arg9: memref<400x128xf32, #tpu.memory_space<vmem>>) attributes {dimension_semantics = [#tpu.dimension_semantics<arbitrary>], iteration_bounds = array<i64: 25>, scalar_prefetch = 0 : i64, scratch_operands = 0 : i64, tpu.core_type = #tpu.core_type<tc>, window_params = [{transform_indices = @transform_0, window_bounds = array<i64: 2, 400, 128>}, {transform_indices = @transform_1, window_bounds = array<i64: 400, 16>}, {transform_indices = @transform_2, window_bounds = array<i64: 400, 128>}, {pipeline_mode = #tpu.pipeline_mode<synchronous>, transform_indices = @transform_3, window_bounds = array<i64: 128, 128>}, {pipeline_mode = #tpu.pipeline_mode<synchronous>, transform_indices = @transform_4, window_bounds = array<i64: 1, 128>}, {pipeline_mode = #tpu.pipeline_mode<synchronous>, transform_indices = @transform_5, window_bounds = array<i64: 128, 128>}, {pipeline_mode = #tpu.pipeline_mode<synchronous>, transform_indices = @transform_6, window_bounds = array<i64: 1, 128>}, {pipeline_mode = #tpu.pipeline_mode<synchronous>, transform_indices = @transform_7, window_bounds = array<i64: 1, 128>}, {transform_indices = @transform_8, window_bounds = array<i64: 400, 128>}]} {
    %get3A = arith.constant 0 : index
    %get3A_0 = arith.constant 0 : index
    %get3A_1 = arith.constant 0 : index
    %get3A_2 = vector.load %arg1[%get3A, %get3A_0, %get3A_1] : memref<2x400x128xf32, #tpu.memory_space<vmem>>, vector<1x400x128xf32>
    %get3A_3 = vector.shape_cast %get3A_2 : vector<1x400x128xf32> to vector<400x128xf32>
    %get3A_4 = arith.constant 1 : index
    %get3A_5 = arith.constant 0 : index
    %get3A_6 = arith.constant 0 : index
    %get3A_7 = vector.load %arg1[%get3A_4, %get3A_5, %get3A_6] : memref<2x400x128xf32, #tpu.memory_space<vmem>>, vector<1x400x128xf32>
    %get3A_8 = vector.shape_cast %get3A_7 : vector<1x400x128xf32> to vector<400x128xf32>
    %add3A = arith.addf %get3A_3, %get3A_8 : vector<400x128xf32>
    %get3A_9 = arith.constant 0 : index
    %get3A_10 = arith.constant 0 : index
    %get3A_11 = vector.load %arg2[%get3A_9, %get3A_10] : memref<400x16xf32, #tpu.memory_space<vmem>>, vector<400x1xf32>
    %max3A = arith.constant 1.000000e+00 : f32
    %max3A_12 = vector.broadcast %max3A : f32 to vector<400x1xf32>
    %max3A_13 = arith.maximumf %get3A_11, %max3A_12 : vector<400x1xf32>
    %div3A = vector.broadcast %max3A_13 : vector<400x1xf32> to vector<400x128xf32>
    %div3A_14 = arith.divf %add3A, %div3A : vector<400x128xf32>
    %get3A_15 = arith.constant 0 : index
    %get3A_16 = arith.constant 0 : index
    %get3A_17 = vector.load %arg4[%get3A_15, %get3A_16] : memref<128x128xf32, #tpu.memory_space<vmem>>, vector<128x128xf32>
    %dot_general3A = arith.constant dense<0.000000e+00> : vector<400x128xf32>
    %dot_general3A_18 = tpu.matmul %div3A_14, %get3A_17, %dot_general3A {dimension_numbers = #tpu.dot_dimension_numbers<[1], [1], [0], [0], [0, 0, 1, 0], [], []>, transpose_lhs_hint = false} : vector<400x128xf32>, vector<128x128xf32>, vector<400x128xf32> -> vector<400x128xf32>
    %get3A_19 = arith.constant 0 : index
    %get3A_20 = arith.constant 0 : index
    %get3A_21 = vector.load %arg5[%get3A_19, %get3A_20] : memref<1x128xf32, #tpu.memory_space<vmem>>, vector<1x128xf32>
    %add3A_22 = vector.broadcast %get3A_21 : vector<1x128xf32> to vector<400x128xf32>
    %add3A_23 = arith.addf %dot_general3A_18, %add3A_22 : vector<400x128xf32>
    %get3A_24 = arith.constant 0 : index
    %get3A_25 = arith.constant 0 : index
    %get3A_26 = vector.load %arg3[%get3A_24, %get3A_25] : memref<400x128xf32, #tpu.memory_space<vmem>>, vector<400x128xf32>
    %get3A_27 = arith.constant 0 : index
    %get3A_28 = arith.constant 0 : index
    %get3A_29 = vector.load %arg6[%get3A_27, %get3A_28] : memref<128x128xf32, #tpu.memory_space<vmem>>, vector<128x128xf32>
    %dot_general3A_30 = arith.constant dense<0.000000e+00> : vector<400x128xf32>
    %dot_general3A_31 = tpu.matmul %get3A_26, %get3A_29, %dot_general3A_30 {dimension_numbers = #tpu.dot_dimension_numbers<[1], [1], [0], [0], [0, 0, 1, 0], [], []>, transpose_lhs_hint = false} : vector<400x128xf32>, vector<128x128xf32>, vector<400x128xf32> -> vector<400x128xf32>
    %add3A_32 = arith.addf %add3A_23, %dot_general3A_31 : vector<400x128xf32>
    %swap3A = arith.constant 0 : index
    %swap3A_33 = arith.constant 0 : index
    %swap3A_34 = vector.load %arg9[%swap3A, %swap3A_33] : memref<400x128xf32, #tpu.memory_space<vmem>>, vector<400x128xf32>
    tpu.vector_store %arg9[%swap3A, %swap3A_33], %add3A_32 {strides = array<i32>} : memref<400x128xf32, #tpu.memory_space<vmem>>, vector<400x128xf32>,
    return
  }
  func.func @transform_0(%arg0: i32) -> (i32, i32, i32) {
    %c0_i32 = arith.constant 0 : i32
    %c0_i32_0 = arith.constant 0 : i32
    %c0_i32_1 = arith.constant 0 : i32
    return %c0_i32, %arg0, %c0_i32_0 : i32, i32, i32
  }
  func.func @transform_1(%arg0: i32) -> (i32, i32) {
    %c0_i32 = arith.constant 0 : i32
    %c0_i32_0 = arith.constant 0 : i32
    return %arg0, %c0_i32 : i32, i32
  }
  func.func @transform_2(%arg0: i32) -> (i32, i32) {
    %c0_i32 = arith.constant 0 : i32
    %c0_i32_0 = arith.constant 0 : i32
    return %arg0, %c0_i32 : i32, i32
  }
  func.func @transform_3(%arg0: i32) -> (i32, i32) {
    %c0_i32 = arith.constant 0 : i32
    %c0_i32_0 = arith.constant 0 : i32
    %c0_i32_1 = arith.constant 0 : i32
    return %c0_i32, %c0_i32_0 : i32, i32
  }
  func.func @transform_4(%arg0: i32) -> (i32, i32) {
    %c0_i32 = arith.constant 0 : i32
    %c0_i32_0 = arith.constant 0 : i32
    %c0_i32_1 = arith.constant 0 : i32
    return %c0_i32, %c0_i32_0 : i32, i32
  }
  func.func @transform_5(%arg0: i32) -> (i32, i32) {
    %c0_i32 = arith.constant 0 : i32
    %c0_i32_0 = arith.constant 0 : i32
    %c0_i32_1 = arith.constant 0 : i32
    return %c0_i32, %c0_i32_0 : i32, i32
  }
  func.func @transform_6(%arg0: i32) -> (i32, i32) {
    %c0_i32 = arith.constant 0 : i32
    %c0_i32_0 = arith.constant 0 : i32
    %c0_i32_1 = arith.constant 0 : i32
    return %c0_i32, %c0_i32_0 : i32, i32
  }
  func.func @transform_7(%arg0: i32) -> (i32, i32) {
    %c0_i32 = arith.constant 0 : i32
    %c0_i32_0 = arith.constant 0 : i32
    %c0_i32_1 = arith.constant 0 : i32
    return %c0_i32, %c0_i32_0 : i32, i32
  }
  func.func @transform_8(%arg0: i32) -> (i32, i32) {
    %c0_i32 = arith.constant 0 : i32
    %c0_i32_0 = arith.constant 0 : i32
    return %arg0, %c0_i32 : i32, i32
  }
}

</mosaic_0001>

<sc_bundles>
// kernel: kernel.14.cloned.1.call-start
scs
__scs_entry_jumppad:
0x0: {  	(pc) =	sbr.rel $0x88, $3  }
0x1: {  	(tag) =	ssettag $0x0;
	lr =	simm.s32 $0x1  }
0x2: {  	[smem:$0x3F88] =	sst lr;
	_ =	strace $0xD0000000  }
0x3: {  	_ = 	snop  }
0x4: {  	_ = 	snop  }
0x5: {  	_ = 	snop  }
0x6: {  	_ = 	snop  }
0x7: {  	_ = 	snop  }
__scs_overlays_trampoline_lowered:
0x8: {  	[smem:$0x3F97] =	sst s0  }
0x9: {  	[smem:$0x3F98] =	sst s1  }
0xa: {  	[smem:$0x3F99] =	sst s2  }
0xb: {  	[smem:$0x3F9A] =	sst s3  }
0xc: {  	[smem:$0x3F9B] =	sst s4  }
0xd: {  	[smem:$0x3F9C] =	sst s5  }
0xe: {  	[smem:$0x3F9D] =	sst s6  }
0xf: {  	[smem:$0x3F9E] =	sst s7  }
0x10: {  	[smem:$0x3F9F] =	sst s8  }
0x11: {  	[smem:$0x3FA0] =	sst s9;
	s0 =	simm.s32 @!p0 $0x0  }
0x12: {  	s1 =	sld [smem:$0x3F86];
	s0 =	simm.s32 @p0 $0x1  }
0x13: {  	[smem:$0x3FA1] =	sst s0;
	s0 =	simm.s32 @!p1 $0x0  }
0x14: {  	s2 =	sld [smem:$0x3F85];
	s0 =	simm.s32 @p1 $0x1  }
0x15: {  	[smem:$0x3FA2] =	sst s0;
	s0 =	simm.s32 @!p2 $0x0  }
0x16: {  	s3 =	sld [smem:$0x3FDB];
	s0 =	simm.s32 @p2 $0x1  }
0x17: {  	s4 =	simm.s32 $0x1BF5;
	[smem:$0x3FA4] =	sst s0  }
0x18: {  	s0 =	sld [smem:$0x3F87];
	_ =	swait.ge [sflag:s4], $0x0  }
0x19: {  	s7 =	sld [smem:$0x3F88]  }
0x1a: {  	s8 =	sadd.s32 $0xFFFFE003, lr  }
0x1b: {  	s9 =	sadd.s32 $0xFFFFFEF7, lr;
	s5 =	simm.s32 $0xFFFFFFFF;
	p2 =	slt.u32 s8, $0xFFFFF086  }
0x1c: {  	p1 =	slt.u32 s9, $0xF7A;
	s5 =	simm.s32 @!p2 $0x0  }
0x1d: {  	s5 =	simm.s32 @p1 $0x1;
	p0 =	seq.s32 s7, s2  }
0x1e: {  	s7 =	smul.u32 @!p0 $0xF7A, s2;
	p2 =	seq.s32 @!p0 s5, $0x0  }
0x1f: {  	s9 =	smul.u32 $0xF7A, s1;
	s8 =	simm.s32 @!p0 $0x1BF5;
	p2 =	por !p2, p0  }
0x20: {  	[sflag:s8] =	ssyncset.s32 @!p0 $0xFFFFF086;
	s6 =	sadd.s32 @!p0 s3, s7;
	s7 =	simm.s32 @!p0 $0x108  }
0x21: {  	s3 =	sadd.s32 s3, s9;
	s6 =	sadd.s32 @!p0 $0x88, s6;
	s7 =	simm.s32 @p2 $0x1082  }
0x22: {  	[simem:s7], [sflag:s8] =	dma.local @!p0 [hbm:s6], $0xF7A  }
0x23: {  	s9 =	sor.u32 $0xD0000000, s2;
	s6 =	simm.s32 $0x108;
	_ =	swait.ge @!p0 [sflag:s8], $0x0  }
0x24: {  	s3 =	sadd.s32 $0x88, s3;
	s6 =	simm.s32 @!p1 $0x1082;
	[sflag:s4] =	ssyncset.s32 $0xFFFFF086  }
0x25: {  	[simem:s6], [sflag:s4] =	dma.local [hbm:s3], $0xF7A  }
0x26: {  	[smem:$0x3F88] =	sst s1;
	(tag) =	ssettag s2;
	_ =	strace s9  }
0x27: {  	s1 =	sld [smem:$0x3F98]  }
0x28: {  	s2 =	sld [smem:$0x3F99]  }
0x29: {  	s4 =	sld [smem:$0x3F9B]  }
0x2a: {  	p0 =	seq.s32 s5, $0x0;
	s5 =	sld [smem:$0x3F9C]  }
0x2b: {  	s6 =	sld [smem:$0x3F9D]  }
0x2c: {  	s7 =	sld [smem:$0x3F9E]  }
0x2d: {  	s3 =	simm.s32 $0x108;
	s8 =	sld [smem:$0x3F9F]  }
0x2e: {  	s3 =	simm.s32 @!p0 $0x1082;
	s9 =	sld [smem:$0x3FA0]  }
0x2f: {  	lr =	sadd.s32 s0, s3;
	s0 =	sld [smem:$0x3F97]  }
0x30: {  	s3 =	sld [smem:$0x3F9A]  }
0x31: {  	[smem:$0x3FA3] =	sst s10  }
0x32: {  	s10 =	sld [smem:$0x3FA1];
	_ =	sdelay $0x3  }
0x33: {  	p0 =	seq.s32 s10, $0x1;
	s10 =	sld [smem:$0x3FA3];
	_ =	sdelay $0x3  }
0x34: {  	[smem:$0x3FA3] =	sst s10  }
0x35: {  	s10 =	sld [smem:$0x3FA2];
	_ =	sdelay $0x3  }
0x36: {  	p1 =	seq.s32 s10, $0x1;
	s10 =	sld [smem:$0x3FA3];
	_ =	sdelay $0x3  }
0x37: {  	[smem:$0x3FA3] =	sst s10  }
0x38: {  	s10 =	sld [smem:$0x3FA4]  }
0x39: {  	_ = 	snop;
	(pc) =	sbr.ind lr, $3  }
0x3a: {  	_ = 	snop  }
0x3b: {  	_ = 	snop  }
0x3c: {  	p2 =	seq.s32 s10, $0x1;
	s10 =	sld [smem:$0x3FA3]  }
0x3d: {  	_ =	shalt  }
0x3e: {  	_ =	shalt  }
0x3f: {  	_ =	shalt  }
0x40: {  	_ =	shalt  }
0x41: {  	_ =	shalt  }
0x42: {  	_ =	shalt  }
0x43: {  	_ =	shalt  }
0x44: {  	_ =	shalt  }
0x45: {  	_ =	shalt  }
0x46: {  	_ =	shalt  }
0x47: {  	_ =	shalt  }
0x48: {  	_ =	shalt  }
0x49: {  	_ =	shalt  }
0x4a: {  	_ =	shalt  }
0x4b: {  	_ =	shalt  }
0x4c: {  	_ =	shalt  }
0x4d: {  	_ =	shalt  }
0x4e: {  	_ =	shalt  }
0x4f: {  	_ =	shalt  }
0x50: {  	_ =	shalt  }
0x51: {  	_ =	shalt  }
0x52: {  	_ =	shalt  }
0x53: {  	_ =	shalt  }
0x54: {  	_ =	shalt  }
0x55: {  	_ =	shalt  }
0x56: {  	_ =	shalt  }
0x57: {  	_ =	shalt  }
0x58: {  	_ =	shalt  }
0x59: {  	_ =	shalt  }
0x5a: {  	_ =	shalt  }
0x5b: {  	_ =	shalt  }
0x5c: {  	_ =	shalt  }
0x5d: {  	_ =	shalt  }
0x5e: {  	_ =	shalt  }
0x5f: {  	_ =	shalt  }
0x60: {  	_ =	shalt  }
0x61: {  	_ =	shalt  }
0x62: {  	_ =	shalt  }
0x63: {  	_ =	shalt  }
0x64: {  	_ =	shalt  }
0x65: {  	_ =	shalt  }
0x66: {  	_ =	shalt  }
0x67: {  	_ =	shalt  }
0x68: {  	_ =	shalt  }
0x69: {  	_ =	shalt  }
0x6a: {  	_ =	shalt  }
0x6b: {  	_ =	shalt  }
0x6c: {  	_ =	shalt  }
0x6d: {  	_ =	shalt  }
0x6e: {  	_ =	shalt  }
0x6f: {  	_ =	shalt  }
0x70: {  	_ =	shalt  }
0x71: {  	_ =	shalt  }
0x72: {  	_ =	shalt  }
0x73: {  	_ =	shalt  }
0x74: {  	_ =	shalt  }
0x75: {  	_ =	shalt  }
0x76: {  	_ =	shalt  }
0x77: {  	_ =	shalt  }
0x78: {  	_ =	shalt  }
0x79: {  	_ =	shalt  }
0x7a: {  	_ =	shalt  }
0x7b: {  	_ =	shalt  }
0x7c: {  	_ =	shalt  }
0x7d: {  	_ =	shalt  }
0x7e: {  	_ =	shalt  }
0x7f: {  	_ =	shalt  }
0x80: {  	_ =	shalt  }
0x81: {  	_ =	shalt  }
0x82: {  	_ =	shalt  }
0x83: {  	_ =	shalt  }
0x84: {  	_ =	shalt  }
0x85: {  	_ =	shalt  }
0x86: {  	_ =	shalt  }
0x87: {  	_ =	shalt  }
.Lfunc_end0:
.L_simem_size_0:
called_computation_lowered:
.L_overlay_start_0:
0x88: {  	s2 =	sld [smem:$0x3FD9]  }
0x89: {  	s3 =	sld [smem:$0x3FFE];
	_ =	sdelay $0x1  }
0x8a: {  	s1 =	srdreg.scid  }
0x8b: {  	s0 =	sand.u32 $0x1, s1  }
0x8c: {  	s17 =	sshll.u32 s0, $0xA;
	s2 =	sadd.s32 s3, s2  }
0x8d: {  	s2 =	sadd.s32 s2, s17  }
0x8e: {  	[smem:$0x3FAF] =	sst s2  }
0x8f: {  	_ = 	snop  }
0x90: {  	s2 =	sld [smem:$0x3FD0];
	(tm) =	ssettm $0x1  }
0x91: {  	s18 =	sld [smem:$0x3FFB];
	_ =	sdelay $0x3  }
0x92: {  	_ =	strace s18  }
0x93: {  	s3 =	sld [smem:$0x3FFC];
	_ =	sdelay $0x3  }
0x94: {  	_ =	strace s3  }
0x95: {  	s3 =	sld [smem:$0x3FFD];
	_ =	sdelay $0x3  }
0x96: {  	_ =	strace s3  }
0x97: {  	_ =	strace $0x8FFFFFFF  }
0x98: {  	s19 =	sld [smem:$0x3FDB];
	_ =	sdelay $0x1  }
0x99: {  	s4 =	simm.s32 $_scs_section_size  }
0x9a: {  	s5 =	simm.s32 $_size__tile_overlayer_lowered;
	s6 =	simm.s32 $_tile_overlayer_lowered  }
0x9b: {  	s22 =	simm.s32 $0x1BFF;
	s21 =	sshll.u32 s6, $0x1;
	s3 =	sadd.s32 s4, s19  }
0x9c: {  	s7 =	simm.s32 $0x0;
	s20 =	sshll.u32 s5, $0x1;
	s5 =	sadd.s32 s21, s3  }
0x9d: {  	[timem:s7], [sflag:s22] =	dma.local [hbm:s5], s20  }
0x9e: {  	_ =	swait.ge [sflag:s22], s20  }
0x9f: {  	s4 =	ssub.s32 $0x0, s20;
	[sflag:s22] =	ssyncset.done $0x0  }
0xa0: {  	[sflag:s22] =	ssyncadd.s32 s4;
	_ =	sdelay $0x1  }
0xa1: {  	s23 =	simm.s32 $0x1B8B  }
0xa2: {  	_ =	swait.ge [sflag:s23], $0x1  }
0xa3: {  	[sflag:s23] =	ssyncset.done $0x0  }
0xa4: {  	s25 =	simm.s32 $0x1B8E;
	s24 =	sld [smem:$0x3FFE];
	[sflag:s23] =	ssyncadd.s32 $0xFFFFFFFF  }
0xa5: {  	s26 =	simm.s32 $execute0_lowered;
	[smem:$0x3FD2] =	sst s25  }
0xa6: {  	s5 =	sshll.u32 s26, $0x1;
	_ =	strace $0x80000046;
	[dreg:$0x1] =	wrdreg $0xFFFFFFFF  }
0xa7: {  	s28 =	simm.s32 $_size_execute0_lowered;
	s3 =	sadd.s32 s3, s5;
	[dreg:$0x0] =	wrdreg $0x0  }
0xa8: {  	s5 =	sshll.u32 s28, $0x1;
	[dreg:$0x2] =	wrdreg s3  }
0xa9: {  	[dreg:$0x3] =	wrdreg s5  }
0xaa: {  	[dreg:$0x4] =	wrdreg $0xC0  }
0xab: {  	_ =	task [dreg:s7], $0x5FFFF  }
0xac: {  	[dreg:$0x1] =	wrdreg $0xFFFFFFFF  }
0xad: {  	[dreg:$0x0] =	wrdreg $0x60  }
0xae: {  	[dreg:$0x2] =	wrdreg s24  }
0xaf: {  	[dreg:$0x3] =	wrdreg s2  }
0xb0: {  	[dreg:$0x4] =	wrdreg $0x0  }
0xb1: {  	[dreg:$0x5] =	wrdreg $0x9  }
0xb2: {  	_ =	task.clear_ibuf [dreg:s7], $0x6FFFF;
	_ =	strace $0x90000046  }
0xb3: {  	s29 =	simm.s32 $0x9;
	_ =	strace $0x80000048  }
0xb4: {  	_ =	swait.ge [sflag:s29], $0x1  }
0xb5: {  	[sflag:s29] =	ssyncadd.s32 $0xFFFFFFFF  }
0xb6: {  	_ =	strace $0x90000048  }
0xb7: {  	_ =	sfence  }
0xb8: {  	s30 =	sld [smem:$0x0];
	_ =	sdelay $0x2  }
0xb9: {  	s31 =	sshll.u32 s1, $0xD;
	s1 =	sshrl.u32 s1, $0x2  }
0xba: {  	s3 =	sand.u32 $0x4000, s31;
	s1 =	sadd.s32 s1, s30  }
0xbb: {  	s0 =	sor.u32 s3, s0;
	s1 =	sshll.u32 s1, $0x11  }
0xbc: {  	s0 =	sor.u32 s1, s0  }
0xbd: {  	s0 =	sadd.s32 $0x8F2B, s0  }
0xbe: {  	[sflag:s0] =	ssyncadd.remote.s32 $0x1  }
0xbf: {  	_ =	sfence.sel $0xFFFF  }
0xc0: {  	[dreg:$0x0] =	wrdreg $0xFFFFFFFF;
	(pc) =	sbr.abs _section_cstart, $3  }
0xc1: {  	[dreg:$0x1] =	wrdreg $0xFFFFFFFF  }
0xc2: {  	_ =	task.clear_ibuf [dreg:s7], $0x2FFFF;
	_ =	strace $0x9FFFFFFF  }
0xc3: {  	(tm) =	ssettm $0x7FFFFFFF  }
tec
execute0_lowered:
.L_overlay_start_1:
0x0: {  	(tag) =	ssettag $0x1  }
0x1: {  	s5 =	rddreg [dreg:$0x0]  }
0x2: {  	s1 =	srdreg.scid;
	s2 =	rddreg [dreg:$0x1]  }
0x3: {  	s0 =	stileid.u32;
	s3 =	rddreg [dreg:$0x2];
	s4 =	simm.s32 $0x0  }
0x4: {  	s13 =	simm.s32 $0x13C00;
	s14 =	simm.s32 $0x80;
	s15 =	simm.s32 $0x0  }
0x5: {  	s6 =	sand.u32 $0x1, s1;
	s26 =	sshll.u32 s0, $0x1;
	s8 =	smul.u32 $0x13C00, s0  }
0x6: {  	[smem:$0x7FF] =	sst s4;
	s28 =	smul.u32 $0x4F000, s0;
	s31 =	sshll.u32 s0, $0x6  }
0x7: {  	s1 =	sor.u32 s6, s26;
	s9 =	smul.u32 $0x13C000, s6;
	s6 =	ssub.s32 $0x2, s6  }
0x8: {  	s7 =	smul.u32 $0x500, s1;
	s1 =	rddreg [dreg:$0x3];
	_ =	strace $0x80000047  }
0x9: {  	s10 =	sshrl.u32 s8, $0x3;
	s29 =	sshrl.u32 s6, $0x1;
	s30 =	sshrl.u32 s28, $0x2  }
0xa: {  	s8 =	sadd.s32 s8, s9;
	s10 =	sadd.s32 s10, s5;
	s11 =	ssub.s32 s6, s29  }
0xb: {  	s12 =	sadd.s32 s30, s3;
	s6 =	sor.u32 $0x1C01, s31;
	s7 =	sadd.s32 s7, s5  }
0xc: {  	s8 =	sshrl.u32 s8, $0x3;
	s9 =	smax.u32 s11, $0x1;
	s11 =	simm.s32 $0x1  }
0xd: {  	s8 =	sadd.s32 s8, s5;
	s5 =	sadd.s32 $0x19C00, s10;
	s7 =	sadd.s32 $0x5C00, s7  }
0xe: {  	s10 =	sshrl.u32 s12, $0x3;
	s12 =	simm.s32 $0x16400;
	s8 =	sadd.s32 $0x41400, s8  }
.LBB2_1:
0xf: {  	[spmem:s10], [sflag:s6] =	dma.local [hbm:s5], $0x2780  }
0x10: {  	_ =	swait.ge [sflag:s11], $0x2780  }
0x11: {  	[sflag:s11] =	ssyncset.done $0x0  }
0x12: {  	[sflag:s11] =	ssyncadd.s32 $0xFFFFD880  }
0x13: {  	[tilespmem:s12], [sflag:$0x1] =	stream.linear.gather [hbm4b:s2+s4], $0x4000, $0x38;
	[tilespmem:$0x1A400] =	vst v63  }
0x14: {  	_ =	swait.ge [sflag:s11], $0x4000  }
0x15: {  	[sflag:s11] =	ssyncset.done $0x0  }
0x16: {  	[sflag:s11] =	ssyncadd.s32 $0xFFFFC000  }
0x17: {  	[tilespmem:s13], [sflag:$0x1] =	stream.linear.gather [hbm4b:s7+s4], $0x2800, $0x38;
	[tilespmem:$0x1A400] =	vst v63  }
0x18: {  	_ =	swait.ge [sflag:s11], $0x2800  }
0x19: {  	[sflag:s11] =	ssyncset.done $0x0  }
0x1a: {  	[sflag:s11] =	ssyncadd.s32 $0xFFFFD800  }
0x1b: {  	s16 =	simm.s32 $0x13C00;
	[bflag:$0x0] =	sbarrier.arrive $0xFFFF  }
0x1c: {  	[spmem:s3] =	stream.indirect.scatter.add.f32 [tilespmem:s12], [sflag:$0x1], $0x80, s16, s14, $0xb8;
	[tilespmem:$0x1A400] =	vst v63  }
0x1d: {  	s16 =	simm.s32 $0x200;
	_ =	swait.ge [sflag:s11], $0x4000  }
.LBB2_2:
0x1e: {  	s17 =	sshra.s32 s16, $0x2;
	[sflag:s11] =	ssyncset.done $0x0;
	p0 =	sne.s32 s16, $0x9E00  }
.Ltmp0:
0x1f: {  	s17 =	sadd.s32 $0x13C00, s17;
	[sflag:s11] =	ssyncadd.s32 $0xFFFFC000;
	(pc) =	sbr.rel @p0 .LBB2_2-.Ltmp0, $3  }
0x20: {  	[spmem:s3] =	stream.indirect.scatter.add.f32 [tilespmem:s12], [sflag:$0x1], $0x80, s17, s14, $0xb8;
	[tilespmem:$0x1A400] =	vst v63  }
0x21: {  	s16 =	sadd.s32 $0x200, s16;
	_ =	sdelay $0x1  }
0x22: {  	_ =	swait.ge [sflag:s11], $0x4000  }
0x23: {  	[sflag:s11] =	ssyncset.done $0x0;
	s15 =	sadd.s32 $0x1, s15  }
0x24: {  	[sflag:s11] =	ssyncadd.s32 $0xFFFFC000;
	p0 =	sne.s32 s15, s9  }
.Ltmp1:
0x25: {  	[bflag:$0x0] =	sbarrier.arrive $0xFFFF;
	(pc) =	sbr.rel @p0 .LBB2_1-.Ltmp1, $4  }
0x26: {  	[hbm:s8], [sflag:s6] =	dma.local [spmem:s10], $0x2780  }
0x27: {  	_ =	swait.ge [sflag:s11], $0x2780  }
0x28: {  	[sflag:s11] =	ssyncset.done $0x0  }
0x29: {  	[sflag:s11] =	ssyncadd.s32 $0xFFFFD880  }
0x2a: {  	_ =	sfence.sel $0x180000  }
0x2b: {  	[bflag:$0x0] =	sbarrier.arrive $0xFFFF  }
0x2c: {  	p0 =	sne.s32 s0, $0x0;
	_ =	strace $0x90000047  }
0x2d: {  	s0 =	sadd.s32 @!p0 $0x100000, s1;
	[bflag:$0x2] =	sbarrier.arrive $0xFFFF  }
0x2e: {  	[sflag:s0] =	ssyncadd.tile.s32 @!p0 $0x1;
	_ =	shalt  }
.Lfunc_end2:
_tile_overlayer_lowered:
.L_overlay_start_2:
0x2f: {  	(tag) =	ssettag $0x2  }
0x30: {  	s0 =	rddreg [dreg:$0x0];
	s2 =	stileid.u32  }
0x31: {  	s1 =	rddreg [dreg:$0x1];
	p0 =	sne.s32 s2, $0x0  }
0x32: {  	s3 =	rddreg [dreg:$0x2];
	[bflag:$0x3] =	sbarrier.arrive $0xFFFF;
	s2 =	simm.s32 @!p0 $0x1C01  }
0x33: {  	[timem:s3], [sflag:s2] =	dma.local @!p0 [hbm:s0], s1  }
0x34: {  	s0 =	simm.s32 @!p0 $0x1  }
0x35: {  	_ =	swait.ge @!p0 [sflag:s0], s1  }
0x36: {  	s1 =	ssub.s32 @!p0 $0x0, s1;
	[sflag:s0] =	ssyncset.done @!p0 $0x0  }
0x37: {  	[sflag:s0] =	ssyncadd.s32 @!p0 s1  }
0x38: {  	[bflag:$0x3] =	sbarrier.arrive $0xFFFF  }
0x39: {  	_ =	shalt  }

// kernel: kernel.17.cloned.1.call-start
scs
__scs_entry_jumppad:
0x0: {  	(pc) =	sbr.rel $0x88, $3  }
0x1: {  	(tag) =	ssettag $0x0;
	lr =	simm.s32 $0x1  }
0x2: {  	[smem:$0x3F88] =	sst lr;
	_ =	strace $0xD0000000  }
0x3: {  	_ = 	snop  }
0x4: {  	_ = 	snop  }
0x5: {  	_ = 	snop  }
0x6: {  	_ = 	snop  }
0x7: {  	_ = 	snop  }
__scs_overlays_trampoline_lowered:
0x8: {  	[smem:$0x3F97] =	sst s0  }
0x9: {  	[smem:$0x3F98] =	sst s1  }
0xa: {  	[smem:$0x3F99] =	sst s2  }
0xb: {  	[smem:$0x3F9A] =	sst s3  }
0xc: {  	[smem:$0x3F9B] =	sst s4  }
0xd: {  	[smem:$0x3F9C] =	sst s5  }
0xe: {  	[smem:$0x3F9D] =	sst s6  }
0xf: {  	[smem:$0x3F9E] =	sst s7  }
0x10: {  	[smem:$0x3F9F] =	sst s8  }
0x11: {  	[smem:$0x3FA0] =	sst s9;
	s0 =	simm.s32 @!p0 $0x0  }
0x12: {  	s1 =	sld [smem:$0x3F86];
	s0 =	simm.s32 @p0 $0x1  }
0x13: {  	[smem:$0x3FA1] =	sst s0;
	s0 =	simm.s32 @!p1 $0x0  }
0x14: {  	s2 =	sld [smem:$0x3F85];
	s0 =	simm.s32 @p1 $0x1  }
0x15: {  	[smem:$0x3FA2] =	sst s0;
	s0 =	simm.s32 @!p2 $0x0  }
0x16: {  	s3 =	sld [smem:$0x3FDB];
	s0 =	simm.s32 @p2 $0x1  }
0x17: {  	s4 =	simm.s32 $0x1BF5;
	[smem:$0x3FA4] =	sst s0  }
0x18: {  	s0 =	sld [smem:$0x3F87];
	_ =	swait.ge [sflag:s4], $0x0  }
0x19: {  	s7 =	sld [smem:$0x3F88]  }
0x1a: {  	s8 =	sadd.s32 $0xFFFFE003, lr  }
0x1b: {  	s9 =	sadd.s32 $0xFFFFFEF7, lr;
	s5 =	simm.s32 $0xFFFFFFFF;
	p2 =	slt.u32 s8, $0xFFFFF086  }
0x1c: {  	p1 =	slt.u32 s9, $0xF7A;
	s5 =	simm.s32 @!p2 $0x0  }
0x1d: {  	s5 =	simm.s32 @p1 $0x1;
	p0 =	seq.s32 s7, s2  }
0x1e: {  	s7 =	smul.u32 @!p0 $0xF7A, s2;
	p2 =	seq.s32 @!p0 s5, $0x0  }
0x1f: {  	s9 =	smul.u32 $0xF7A, s1;
	s8 =	simm.s32 @!p0 $0x1BF5;
	p2 =	por !p2, p0  }
0x20: {  	[sflag:s8] =	ssyncset.s32 @!p0 $0xFFFFF086;
	s6 =	sadd.s32 @!p0 s3, s7;
	s7 =	simm.s32 @!p0 $0x108  }
0x21: {  	s3 =	sadd.s32 s3, s9;
	s6 =	sadd.s32 @!p0 $0x88, s6;
	s7 =	simm.s32 @p2 $0x1082  }
0x22: {  	[simem:s7], [sflag:s8] =	dma.local @!p0 [hbm:s6], $0xF7A  }
0x23: {  	s9 =	sor.u32 $0xD0000000, s2;
	s6 =	simm.s32 $0x108;
	_ =	swait.ge @!p0 [sflag:s8], $0x0  }
0x24: {  	s3 =	sadd.s32 $0x88, s3;
	s6 =	simm.s32 @!p1 $0x1082;
	[sflag:s4] =	ssyncset.s32 $0xFFFFF086  }
0x25: {  	[simem:s6], [sflag:s4] =	dma.local [hbm:s3], $0xF7A  }
0x26: {  	[smem:$0x3F88] =	sst s1;
	(tag) =	ssettag s2;
	_ =	strace s9  }
0x27: {  	s1 =	sld [smem:$0x3F98]  }
0x28: {  	s2 =	sld [smem:$0x3F99]  }
0x29: {  	s4 =	sld [smem:$0x3F9B]  }
0x2a: {  	p0 =	seq.s32 s5, $0x0;
	s5 =	sld [smem:$0x3F9C]  }
0x2b: {  	s6 =	sld [smem:$0x3F9D]  }
0x2c: {  	s7 =	sld [smem:$0x3F9E]  }
0x2d: {  	s3 =	simm.s32 $0x108;
	s8 =	sld [smem:$0x3F9F]  }
0x2e: {  	s3 =	simm.s32 @!p0 $0x1082;
	s9 =	sld [smem:$0x3FA0]  }
0x2f: {  	lr =	sadd.s32 s0, s3;
	s0 =	sld [smem:$0x3F97]  }
0x30: {  	s3 =	sld [smem:$0x3F9A]  }
0x31: {  	[smem:$0x3FA3] =	sst s10  }
0x32: {  	s10 =	sld [smem:$0x3FA1];
	_ =	sdelay $0x3  }
0x33: {  	p0 =	seq.s32 s10, $0x1;
	s10 =	sld [smem:$0x3FA3];
	_ =	sdelay $0x3  }
0x34: {  	[smem:$0x3FA3] =	sst s10  }
0x35: {  	s10 =	sld [smem:$0x3FA2];
	_ =	sdelay $0x3  }
0x36: {  	p1 =	seq.s32 s10, $0x1;
	s10 =	sld [smem:$0x3FA3];
	_ =	sdelay $0x3  }
0x37: {  	[smem:$0x3FA3] =	sst s10  }
0x38: {  	s10 =	sld [smem:$0x3FA4]  }
0x39: {  	_ = 	snop;
	(pc) =	sbr.ind lr, $3  }
0x3a: {  	_ = 	snop  }
0x3b: {  	_ = 	snop  }
0x3c: {  	p2 =	seq.s32 s10, $0x1;
	s10 =	sld [smem:$0x3FA3]  }
0x3d: {  	_ =	shalt  }
0x3e: {  	_ =	shalt  }
0x3f: {  	_ =	shalt  }
0x40: {  	_ =	shalt  }
0x41: {  	_ =	shalt  }
0x42: {  	_ =	shalt  }
0x43: {  	_ =	shalt  }
0x44: {  	_ =	shalt  }
0x45: {  	_ =	shalt  }
0x46: {  	_ =	shalt  }
0x47: {  	_ =	shalt  }
0x48: {  	_ =	shalt  }
0x49: {  	_ =	shalt  }
0x4a: {  	_ =	shalt  }
0x4b: {  	_ =	shalt  }
0x4c: {  	_ =	shalt  }
0x4d: {  	_ =	shalt  }
0x4e: {  	_ =	shalt  }
0x4f: {  	_ =	shalt  }
0x50: {  	_ =	shalt  }
0x51: {  	_ =	shalt  }
0x52: {  	_ =	shalt  }
0x53: {  	_ =	shalt  }
0x54: {  	_ =	shalt  }
0x55: {  	_ =	shalt  }
0x56: {  	_ =	shalt  }
0x57: {  	_ =	shalt  }
0x58: {  	_ =	shalt  }
0x59: {  	_ =	shalt  }
0x5a: {  	_ =	shalt  }
0x5b: {  	_ =	shalt  }
0x5c: {  	_ =	shalt  }
0x5d: {  	_ =	shalt  }
0x5e: {  	_ =	shalt  }
0x5f: {  	_ =	shalt  }
0x60: {  	_ =	shalt  }
0x61: {  	_ =	shalt  }
0x62: {  	_ =	shalt  }
0x63: {  	_ =	shalt  }
0x64: {  	_ =	shalt  }
0x65: {  	_ =	shalt  }
0x66: {  	_ =	shalt  }
0x67: {  	_ =	shalt  }
0x68: {  	_ =	shalt  }
0x69: {  	_ =	shalt  }
0x6a: {  	_ =	shalt  }
0x6b: {  	_ =	shalt  }
0x6c: {  	_ =	shalt  }
0x6d: {  	_ =	shalt  }
0x6e: {  	_ =	shalt  }
0x6f: {  	_ =	shalt  }
0x70: {  	_ =	shalt  }
0x71: {  	_ =	shalt  }
0x72: {  	_ =	shalt  }
0x73: {  	_ =	shalt  }
0x74: {  	_ =	shalt  }
0x75: {  	_ =	shalt  }
0x76: {  	_ =	shalt  }
0x77: {  	_ =	shalt  }
0x78: {  	_ =	shalt  }
0x79: {  	_ =	shalt  }
0x7a: {  	_ =	shalt  }
0x7b: {  	_ =	shalt  }
0x7c: {  	_ =	shalt  }
0x7d: {  	_ =	shalt  }
0x7e: {  	_ =	shalt  }
0x7f: {  	_ =	shalt  }
0x80: {  	_ =	shalt  }
0x81: {  	_ =	shalt  }
0x82: {  	_ =	shalt  }
0x83: {  	_ =	shalt  }
0x84: {  	_ =	shalt  }
0x85: {  	_ =	shalt  }
0x86: {  	_ =	shalt  }
0x87: {  	_ =	shalt  }
.Lfunc_end0:
.L_simem_size_0:
called_computation.1_lowered:
.L_overlay_start_0:
0x88: {  	s2 =	sld [smem:$0x3FD9]  }
0x89: {  	s3 =	sld [smem:$0x3FFE];
	_ =	sdelay $0x1  }
0x8a: {  	s1 =	srdreg.scid  }
0x8b: {  	s0 =	sand.u32 $0x1, s1  }
0x8c: {  	s17 =	sshll.u32 s0, $0xA;
	s2 =	sadd.s32 s3, s2  }
0x8d: {  	s2 =	sadd.s32 s2, s17  }
0x8e: {  	[smem:$0x3FAF] =	sst s2  }
0x8f: {  	_ = 	snop  }
0x90: {  	s18 =	sld [smem:$0x3FC9];
	(tm) =	ssettm $0x1  }
0x91: {  	s19 =	sld [smem:$0x3FFB];
	_ =	sdelay $0x3  }
0x92: {  	_ =	strace s19  }
0x93: {  	s2 =	sld [smem:$0x3FFC];
	_ =	sdelay $0x3  }
0x94: {  	_ =	strace s2  }
0x95: {  	s2 =	sld [smem:$0x3FFD];
	_ =	sdelay $0x3  }
0x96: {  	_ =	strace s2  }
0x97: {  	_ =	strace $0x8FFFFFFF  }
0x98: {  	s20 =	sld [smem:$0x3FDB];
	_ =	sdelay $0x1  }
0x99: {  	s4 =	simm.s32 $_scs_section_size  }
0x9a: {  	s5 =	simm.s32 $_size__tile_overlayer_lowered;
	s6 =	simm.s32 $_tile_overlayer_lowered  }
0x9b: {  	s7 =	simm.s32 $0x1BFF;
	s21 =	sshll.u32 s6, $0x1;
	s4 =	sadd.s32 s4, s20  }
0x9c: {  	s22 =	simm.s32 $0x0;
	s5 =	sshll.u32 s5, $0x1;
	s6 =	sadd.s32 s21, s4  }
0x9d: {  	[timem:s22], [sflag:s7] =	dma.local [hbm:s6], s5  }
0x9e: {  	_ =	swait.ge [sflag:s7], s5  }
0x9f: {  	s5 =	ssub.s32 $0x0, s5;
	[sflag:s7] =	ssyncset.done $0x0  }
0xa0: {  	[sflag:s7] =	ssyncadd.s32 s5;
	_ =	sdelay $0x1  }
0xa1: {  	s23 =	simm.s32 $0x1B8B  }
0xa2: {  	_ =	swait.ge [sflag:s23], $0x1  }
0xa3: {  	[sflag:s23] =	ssyncset.done $0x0  }
0xa4: {  	[sflag:s23] =	ssyncadd.s32 $0xFFFFFFFF  }
0xa5: {  	s5 =	sld [smem:$0x0]  }
0xa6: {  	s6 =	sand.u32 $0xFFFFFFFE, s1  }
0xa7: {  	p0 =	sne.s32 s1, s6  }
0xa8: {  	s6 =	sshll.u32 @p0 s6, $0xE  }
0xa9: {  	s6 =	sadd.s32 @p0 $0x11B8D, s6;
	s7 =	sshll.u32 @p0 s5, $0x11  }
0xaa: {  	s6 =	sor.u32 @p0 s7, s6  }
0xab: {  	[sflag:s6] =	ssyncadd.remote.s32 @p0 $0x1;
	_ =	sdelay $0x1  }
0xac: {  	s6 =	simm.s32 @p0 $0x1B8D  }
0xad: {  	_ =	swait.eq @p0 [sflag:s6], $0x1  }
0xae: {  	[sflag:s6] =	ssyncadd.s32 @p0 $0xFFFFFFFF  }
0xaf: {  	s7 =	sshll.u32 @!p0 s1, $0xE  }
0xb0: {  	s7 =	sor.u32 @!p0 $0x4000, s7;
	s6 =	simm.s32 @!p0 $0x1B8D  }
0xb1: {  	s5 =	sshll.u32 @!p0 s5, $0x11;
	s7 =	sadd.s32 @!p0 $0x11B8D, s7;
	_ =	swait.eq @!p0 [sflag:s6], $0x1  }
0xb2: {  	s5 =	sor.u32 @!p0 s5, s7;
	[sflag:s6] =	ssyncadd.s32 @!p0 $0xFFFFFFFF  }
0xb3: {  	s25 =	simm.s32 $0x1B8E;
	s24 =	sld [smem:$0x3FFE];
	[sflag:s5] =	ssyncadd.remote.s32 @!p0 $0x1  }
0xb4: {  	s26 =	simm.s32 $execute0_lowered;
	[smem:$0x3FD2] =	sst s25  }
0xb5: {  	s6 =	sshll.u32 s26, $0x1;
	_ =	strace $0x80000049;
	[dreg:$0x1] =	wrdreg $0xFFFFFFFF  }
0xb6: {  	s28 =	simm.s32 $_size_execute0_lowered;
	s4 =	sadd.s32 s4, s6;
	[dreg:$0x0] =	wrdreg $0x0  }
0xb7: {  	s6 =	sshll.u32 s28, $0x1;
	[dreg:$0x2] =	wrdreg s4  }
0xb8: {  	[dreg:$0x3] =	wrdreg s6  }
0xb9: {  	[dreg:$0x4] =	wrdreg $0xC0  }
0xba: {  	_ =	task [dreg:s22], $0x5FFFF  }
0xbb: {  	[dreg:$0x1] =	wrdreg $0xFFFFFFFF  }
0xbc: {  	[dreg:$0x0] =	wrdreg $0x60  }
0xbd: {  	[dreg:$0x2] =	wrdreg s18  }
0xbe: {  	[dreg:$0x3] =	wrdreg s24  }
0xbf: {  	[dreg:$0x4] =	wrdreg $0x0  }
0xc0: {  	[dreg:$0x5] =	wrdreg $0xA  }
0xc1: {  	_ =	task.clear_ibuf [dreg:s22], $0x6FFFF;
	_ =	strace $0x90000049  }
0xc2: {  	s29 =	simm.s32 $0xA;
	_ =	strace $0x8000004B  }
0xc3: {  	_ =	swait.ge [sflag:s29], $0x1  }
0xc4: {  	[sflag:s29] =	ssyncadd.s32 $0xFFFFFFFF  }
0xc5: {  	_ =	strace $0x9000004B  }
0xc6: {  	_ =	sfence  }
0xc7: {  	s30 =	sld [smem:$0x0];
	_ =	sdelay $0x2  }
0xc8: {  	s31 =	sshll.u32 s1, $0xD;
	s1 =	sshrl.u32 s1, $0x2  }
0xc9: {  	s4 =	sand.u32 $0x4000, s31;
	s1 =	sadd.s32 s1, s30  }
0xca: {  	s0 =	sor.u32 s4, s0;
	s1 =	sshll.u32 s1, $0x11  }
0xcb: {  	s0 =	sor.u32 s1, s0  }
0xcc: {  	s0 =	sadd.s32 $0x8F2B, s0  }
0xcd: {  	[sflag:s0] =	ssyncadd.remote.s32 $0x1  }
0xce: {  	_ =	sfence.sel $0xFFFF  }
0xcf: {  	[dreg:$0x0] =	wrdreg $0xFFFFFFFF;
	(pc) =	sbr.abs _section_cstart, $3  }
0xd0: {  	[dreg:$0x1] =	wrdreg $0xFFFFFFFF  }
0xd1: {  	_ =	task.clear_ibuf [dreg:s22], $0x2FFFF;
	_ =	strace $0x9FFFFFFF  }
0xd2: {  	(tm) =	ssettm $0x7FFFFFFF  }
0xd3: {  	_ =	shalt  }
tec
execute0_lowered:
.L_overlay_start_1:
0x0: {  	(tag) =	ssettag $0x1  }
0x1: {  	s1 =	rddreg [dreg:$0x0]  }
0x2: {  	s2 =	rddreg [dreg:$0x1]  }
0x3: {  	s3 =	rddreg [dreg:$0x2]  }
0x4: {  	s4 =	srdreg.scid;
	s0 =	stileid.u32;
	s15 =	simm.s32 $0x14000  }
0x5: {  	s17 =	simm.s32 $0x6;
	s18 =	simm.s32 $0x1;
	s19 =	simm.s32 $0x80  }
0x6: {  	s20 =	simm.s32 $0x14C00;
	s21 =	simm.s32 $0x18C00;
	s22 =	simm.s32 $0x2  }
0x7: {  	s23 =	simm.s32 $0x3;
	s24 =	simm.s32 $0x4;
	s6 =	smul.u32 $0x98, s0  }
0x8: {  	s5 =	sand.u32 $0x1, s4;
	s25 =	sshll.u32 s0, $0x3;
	s26 =	smul.u32 $0x13C00, s0  }
0x9: {  	s4 =	simm.s32 $0x0;
	s30 =	smul.u32 $0x4F000, s0;
	s10 =	sshll.u32 s0, $0x6  }
0xa: {  	p0 =	seq.s32 s5, $0x0;
	s7 =	sor.u32 $0x980, s25;
	[smem:$0x7FF] =	sst s4  }
0xb: {  	s8 =	smul.u32 $0x13C000, s5;
	s5 =	ssub.s32 $0x2, s5;
	s25 =	simm.s32 $0x5  }
0xc: {  	s7 =	smov.u32 @p0 s6;
	_ =	strace $0x8000004A;
	s28 =	sshrl.u32 s26, $0x3  }
0xd: {  	s29 =	sshrl.u32 s5, $0x1;
	s7 =	sshll.u32 s7, $0x4;
	s9 =	sadd.s32 s28, s2  }
0xe: {  	s6 =	sadd.s32 s26, s8;
	s11 =	ssub.s32 s5, s29;
	s5 =	simm.s32 $0x13  }
0xf: {  	s8 =	sshrl.u32 s30, $0x2;
	s26 =	simm.s32 $0x0;
	s13 =	sadd.s32 s7, s2  }
0x10: {  	s6 =	sshrl.u32 s6, $0x3;
	s5 =	simm.s32 @!p0 $0x1;
	s16 =	sadd.s32 s8, s3  }
0x11: {  	s8 =	sadd.s32 $0x19C00, s9;
	s9 =	sor.u32 $0x1C06, s10;
	s11 =	smax.u32 s11, $0x1  }
0x12: {  	s2 =	sadd.s32 s6, s2;
	s6 =	sadd.s32 $0xFC00, s13;
	s7 =	sadd.s32 $0x5C00, s13  }
0x13: {  	s12 =	sadd.s32 $0x5C80, s13;
	s31 =	sshll.u32 s5, $0xB;
	s13 =	sadd.s32 $0xFC80, s13  }
0x14: {  	s16 =	sshrl.u32 s16, $0x3;
	s10 =	sadd.s32 $0x90400, s2;
	[dreg:$0x4] =	wrdreg s31  }
.LBB2_1:
0x15: {  	s0 =	simm.s32 $0x13C00  }
0x16: {  	[tilespmem:s0], [sflag:$0x1] =	stream.linear.gather [hbm4b:s6+s4], $0x400, $0x38;
	[tilespmem:$0x1CC00] =	vst v63  }
0x17: {  	_ = 	snop  }
0x18: {  	[tilespmem:s15], [sflag:$0x1] =	stream.linear.gather [hbm4b:s7+s4], $0x400, $0x38;
	[tilespmem:$0x1CC00] =	vst v63  }
0x19: {  	[spmem:s16], [sflag:s9] =	dma.local [hbm:s8], $0x2780  }
0x1a: {  	_ =	swait.ge [sflag:s17], $0x2780  }
0x1b: {  	[sflag:s17] =	ssyncset.done $0x0  }
0x1c: {  	s28 =	simm.s32 $0x1;
	s29 =	smov.u32 s13;
	[sflag:s17] =	ssyncadd.s32 $0xFFFFD880  }
0x1d: {  	s30 =	smov.u32 s12;
	s31 =	simm.s32 $0x0;
	[bflag:$0x0] =	sbarrier.arrive $0xFFFF  }
.LBB2_2:
0x1e: {  	_ =	swait.ge [sflag:s18], $0x400  }
0x1f: {  	[sflag:s18] =	ssyncset.done $0x0  }
0x20: {  	p0 =	sge.u32 s28, s5;
	[sflag:s18] =	ssyncadd.s32 $0xFFFFFC00  }
0x21: {  	s2 =	sxor.u32 @!p0 $0xFFFFFFFF, s31;
	_ =	swait.ge [sflag:s18], $0x400  }
0x22: {  	s2 =	sand.u32 @!p0 $0x800, s2;
	[sflag:s18] =	ssyncset.done $0x0  }
0x23: {  	s14 =	simm.s32 @!p0 $0x0;
	s0 =	sadd.s32 @!p0 $0x13C00, s2;
	[sflag:s18] =	ssyncadd.s32 $0xFFFFFC00  }
0x24: {  	[tilespmem:s0], [sflag:$0x1] =	stream.linear.gather @!p0 [hbm4b:s29+s14], $0x400, $0x38;
	[tilespmem:$0x1CC00] =	vst v63  }
0x25: {  	s0 =	sor.u32 @!p0 $0x14000, s2;
	s2 =	sand.u32 $0x800, s31  }
0x26: {  	[tilespmem:s0], [sflag:$0x1] =	stream.linear.gather @!p0 [hbm4b:s30+s14], $0x400, $0x38;
	[tilespmem:$0x1CC00] =	vst v63  }
0x27: {  	s14 =	sadd.s32 $0x13C00, s2  }
0x28: {  	[tilespmem:s20], [sflag:$0x2] =	stream.indirect.gather [hbm4b:s1+s19], $0x80, s14, s19, $0xb8;
	[tilespmem:$0x1CC00] =	vst v63  }
0x29: {  	s14 =	sadd.s32 $0x13C80, s2  }
0x2a: {  	[tilespmem:s21], [sflag:$0x3] =	stream.indirect.gather [hbm4b:s1+s19], $0x80, s14, s19, $0xb8;
	[tilespmem:$0x1CC00] =	vst v63  }
0x2b: {  	_ =	swait.ge [sflag:s22], $0x4000  }
0x2c: {  	[sflag:s22] =	ssyncset.done $0x0  }
0x2d: {  	s14 =	sor.u32 $0x14000, s2;
	[sflag:s22] =	ssyncadd.s32 $0xFFFFC000  }
0x2e: {  	[spmem:s3] =	stream.indirect.scatter.add.f32 [tilespmem:s20], [sflag:$0x4], $0x80, s14, s19, $0xb8;
	[tilespmem:$0x1CC00] =	vst v63  }
0x2f: {  	_ =	swait.ge [sflag:s23], $0x4000  }
0x30: {  	[sflag:s23] =	ssyncset.done $0x0  }
0x31: {  	s14 =	sor.u32 $0x14080, s2;
	[sflag:s23] =	ssyncadd.s32 $0xFFFFC000  }
0x32: {  	[spmem:s3] =	stream.indirect.scatter.add.f32 [tilespmem:s21], [sflag:$0x5], $0x80, s14, s19, $0xb8;
	[tilespmem:$0x1CC00] =	vst v63  }
0x33: {  	_ =	swait.ge [sflag:s24], $0x4000  }
0x34: {  	[sflag:s24] =	ssyncset.done $0x0  }
0x35: {  	[sflag:s24] =	ssyncadd.s32 $0xFFFFC000  }
0x36: {  	_ =	swait.ge [sflag:s25], $0x4000  }
0x37: {  	[sflag:s25] =	ssyncset.done $0x0  }
0x38: {  	s14 =	sadd.s32 $0x13D00, s2;
	[sflag:s25] =	ssyncadd.s32 $0xFFFFC000  }
0x39: {  	[tilespmem:s20], [sflag:$0x2] =	stream.indirect.gather [hbm4b:s1+s19], $0x80, s14, s19, $0xb8;
	[tilespmem:$0x1CC00] =	vst v63  }
0x3a: {  	s14 =	sadd.s32 $0x13D80, s2  }
0x3b: {  	[tilespmem:s21], [sflag:$0x3] =	stream.indirect.gather [hbm4b:s1+s19], $0x80, s14, s19, $0xb8;
	[tilespmem:$0x1CC00] =	vst v63  }
0x3c: {  	_ =	swait.ge [sflag:s22], $0x4000  }
0x3d: {  	[sflag:s22] =	ssyncset.done $0x0  }
0x3e: {  	s14 =	sor.u32 $0x14100, s2;
	[sflag:s22] =	ssyncadd.s32 $0xFFFFC000  }
0x3f: {  	[spmem:s3] =	stream.indirect.scatter.add.f32 [tilespmem:s20], [sflag:$0x4], $0x80, s14, s19, $0xb8;
	[tilespmem:$0x1CC00] =	vst v63  }
0x40: {  	_ =	swait.ge [sflag:s23], $0x4000  }
0x41: {  	[sflag:s23] =	ssyncset.done $0x0  }
0x42: {  	s14 =	sor.u32 $0x14180, s2;
	[sflag:s23] =	ssyncadd.s32 $0xFFFFC000  }
0x43: {  	[spmem:s3] =	stream.indirect.scatter.add.f32 [tilespmem:s21], [sflag:$0x5], $0x80, s14, s19, $0xb8;
	[tilespmem:$0x1CC00] =	vst v63  }
0x44: {  	_ =	swait.ge [sflag:s24], $0x4000  }
0x45: {  	[sflag:s24] =	ssyncset.done $0x0  }
0x46: {  	[sflag:s24] =	ssyncadd.s32 $0xFFFFC000  }
0x47: {  	_ =	swait.ge [sflag:s25], $0x4000  }
0x48: {  	[sflag:s25] =	ssyncset.done $0x0  }
0x49: {  	s14 =	sadd.s32 $0x13E00, s2;
	[sflag:s25] =	ssyncadd.s32 $0xFFFFC000  }
0x4a: {  	[tilespmem:s20], [sflag:$0x2] =	stream.indirect.gather [hbm4b:s1+s19], $0x80, s14, s19, $0xb8;
	[tilespmem:$0x1CC00] =	vst v63  }
0x4b: {  	s14 =	sadd.s32 $0x13E80, s2  }
0x4c: {  	[tilespmem:s21], [sflag:$0x3] =	stream.indirect.gather [hbm4b:s1+s19], $0x80, s14, s19, $0xb8;
	[tilespmem:$0x1CC00] =	vst v63  }
0x4d: {  	_ =	swait.ge [sflag:s22], $0x4000  }
0x4e: {  	[sflag:s22] =	ssyncset.done $0x0  }
0x4f: {  	s14 =	sor.u32 $0x14200, s2;
	[sflag:s22] =	ssyncadd.s32 $0xFFFFC000  }
0x50: {  	[spmem:s3] =	stream.indirect.scatter.add.f32 [tilespmem:s20], [sflag:$0x4], $0x80, s14, s19, $0xb8;
	[tilespmem:$0x1CC00] =	vst v63  }
0x51: {  	_ =	swait.ge [sflag:s23], $0x4000  }
0x52: {  	[sflag:s23] =	ssyncset.done $0x0  }
0x53: {  	s14 =	sor.u32 $0x14280, s2;
	[sflag:s23] =	ssyncadd.s32 $0xFFFFC000  }
0x54: {  	[spmem:s3] =	stream.indirect.scatter.add.f32 [tilespmem:s21], [sflag:$0x5], $0x80, s14, s19, $0xb8;
	[tilespmem:$0x1CC00] =	vst v63  }
0x55: {  	_ =	swait.ge [sflag:s24], $0x4000  }
0x56: {  	[sflag:s24] =	ssyncset.done $0x0  }
0x57: {  	[sflag:s24] =	ssyncadd.s32 $0xFFFFC000  }
0x58: {  	_ =	swait.ge [sflag:s25], $0x4000  }
0x59: {  	[sflag:s25] =	ssyncset.done $0x0  }
0x5a: {  	s14 =	sadd.s32 $0x13F00, s2;
	[sflag:s25] =	ssyncadd.s32 $0xFFFFC000  }
0x5b: {  	[tilespmem:s20], [sflag:$0x2] =	stream.indirect.gather [hbm4b:s1+s19], $0x80, s14, s19, $0xb8;
	[tilespmem:$0x1CC00] =	vst v63  }
0x5c: {  	s14 =	sadd.s32 $0x13F80, s2  }
0x5d: {  	[tilespmem:s21], [sflag:$0x3] =	stream.indirect.gather [hbm4b:s1+s19], $0x80, s14, s19, $0xb8;
	[tilespmem:$0x1CC00] =	vst v63  }
0x5e: {  	_ =	swait.ge [sflag:s22], $0x4000  }
0x5f: {  	[sflag:s22] =	ssyncset.done $0x0  }
0x60: {  	s14 =	sor.u32 $0x14300, s2;
	[sflag:s22] =	ssyncadd.s32 $0xFFFFC000  }
0x61: {  	[spmem:s3] =	stream.indirect.scatter.add.f32 [tilespmem:s20], [sflag:$0x4], $0x80, s14, s19, $0xb8;
	[tilespmem:$0x1CC00] =	vst v63  }
0x62: {  	_ =	swait.ge [sflag:s23], $0x4000  }
0x63: {  	[sflag:s23] =	ssyncset.done $0x0  }
0x64: {  	s2 =	sor.u32 $0x14380, s2;
	[sflag:s23] =	ssyncadd.s32 $0xFFFFC000  }
0x65: {  	[spmem:s3] =	stream.indirect.scatter.add.f32 [tilespmem:s21], [sflag:$0x5], $0x80, s2, s19, $0xb8;
	[tilespmem:$0x1CC00] =	vst v63  }
0x66: {  	_ =	swait.ge [sflag:s24], $0x4000  }
0x67: {  	[sflag:s24] =	ssyncset.done $0x0  }
0x68: {  	[sflag:s24] =	ssyncadd.s32 $0xFFFFC000  }
0x69: {  	_ =	swait.ge [sflag:s25], $0x4000  }
0x6a: {  	s31 =	sadd.s32 $0x800, s31;
	s14 =	rddreg [dreg:$0x4]  }
0x6b: {  	p0 =	sne.s32 s14, s31  }
.Ltmp0:
0x6c: {  	_ = 	snop;
	(pc) =	sbr.rel @p0 .LBB2_2-.Ltmp0, $3  }
0x6d: {  	_ =	sdelay $0x1  }
0x6e: {  	s28 =	sadd.s32 $0x1, s28;
	[sflag:s25] =	ssyncset.done $0x0  }
0x6f: {  	s29 =	sadd.s32 $0x80, s29;
	s30 =	sadd.s32 $0x80, s30;
	[sflag:s25] =	ssyncadd.s32 $0xFFFFC000  }
0x70: {  	s26 =	sadd.s32 $0x1, s26  }
0x71: {  	p0 =	sne.s32 s26, s11  }
.Ltmp1:
0x72: {  	[bflag:$0x0] =	sbarrier.arrive $0xFFFF;
	(pc) =	sbr.rel @p0 .LBB2_1-.Ltmp1, $4  }
0x73: {  	[hbm:s10], [sflag:s9] =	dma.local [spmem:s16], $0x2780  }
0x74: {  	_ =	swait.ge [sflag:s17], $0x2780  }
0x75: {  	[sflag:s17] =	ssyncset.done $0x0  }
0x76: {  	[sflag:s17] =	ssyncadd.s32 $0xFFFFD880  }
0x77: {  	_ =	sfence.sel $0x180000  }
0x78: {  	[bflag:$0x0] =	sbarrier.arrive $0xFFFF  }
0x79: {  	_ =	strace $0x9000004A  }
0x7a: {  	s0 =	stileid.u32;
	[bflag:$0x2] =	sbarrier.arrive $0xFFFF  }
0x7b: {  	p0 =	sne.s32 s0, $0x0;
	s0 =	rddreg [dreg:$0x3]  }
0x7c: {  	s0 =	sadd.s32 @!p0 $0x100000, s0  }
0x7d: {  	[sflag:s0] =	ssyncadd.tile.s32 @!p0 $0x1;
	_ =	shalt  }
.Lfunc_end2:
_tile_overlayer_lowered:
.L_overlay_start_2:
0x7e: {  	(tag) =	ssettag $0x2  }
0x7f: {  	s0 =	rddreg [dreg:$0x0];
	s2 =	stileid.u32  }
0x80: {  	s1 =	rddreg [dreg:$0x1];
	p0 =	sne.s32 s2, $0x0  }
0x81: {  	s3 =	rddreg [dreg:$0x2];
	[bflag:$0x3] =	sbarrier.arrive $0xFFFF;
	s2 =	simm.s32 @!p0 $0x1C06  }
0x82: {  	[timem:s3], [sflag:s2] =	dma.local @!p0 [hbm:s0], s1  }
0x83: {  	s0 =	simm.s32 @!p0 $0x6  }
0x84: {  	_ =	swait.ge @!p0 [sflag:s0], s1  }
0x85: {  	s1 =	ssub.s32 @!p0 $0x0, s1;
	[sflag:s0] =	ssyncset.done @!p0 $0x0  }
0x86: {  	[sflag:s0] =	ssyncadd.s32 @!p0 s1  }
0x87: {  	[bflag:$0x3] =	sbarrier.arrive $0xFFFF  }
0x88: {  	_ =	shalt  }

// kernel: kernel.20.cloned.1.call-start
scs
__scs_entry_jumppad:
0x0: {  	(pc) =	sbr.rel $0x88, $3  }
0x1: {  	(tag) =	ssettag $0x0;
	lr =	simm.s32 $0x1  }
0x2: {  	[smem:$0x3F88] =	sst lr;
	_ =	strace $0xD0000000  }
0x3: {  	_ = 	snop  }
0x4: {  	_ = 	snop  }
0x5: {  	_ = 	snop  }
0x6: {  	_ = 	snop  }
0x7: {  	_ = 	snop  }
__scs_overlays_trampoline_lowered:
0x8: {  	[smem:$0x3F97] =	sst s0  }
0x9: {  	[smem:$0x3F98] =	sst s1  }
0xa: {  	[smem:$0x3F99] =	sst s2  }
0xb: {  	[smem:$0x3F9A] =	sst s3  }
0xc: {  	[smem:$0x3F9B] =	sst s4  }
0xd: {  	[smem:$0x3F9C] =	sst s5  }
0xe: {  	[smem:$0x3F9D] =	sst s6  }
0xf: {  	[smem:$0x3F9E] =	sst s7  }
0x10: {  	[smem:$0x3F9F] =	sst s8  }
0x11: {  	[smem:$0x3FA0] =	sst s9;
	s0 =	simm.s32 @!p0 $0x0  }
0x12: {  	s1 =	sld [smem:$0x3F86];
	s0 =	simm.s32 @p0 $0x1  }
0x13: {  	[smem:$0x3FA1] =	sst s0;
	s0 =	simm.s32 @!p1 $0x0  }
0x14: {  	s2 =	sld [smem:$0x3F85];
	s0 =	simm.s32 @p1 $0x1  }
0x15: {  	[smem:$0x3FA2] =	sst s0;
	s0 =	simm.s32 @!p2 $0x0  }
0x16: {  	s3 =	sld [smem:$0x3FDB];
	s0 =	simm.s32 @p2 $0x1  }
0x17: {  	s4 =	simm.s32 $0x1BF5;
	[smem:$0x3FA4] =	sst s0  }
0x18: {  	s0 =	sld [smem:$0x3F87];
	_ =	swait.ge [sflag:s4], $0x0  }
0x19: {  	s7 =	sld [smem:$0x3F88]  }
0x1a: {  	s8 =	sadd.s32 $0xFFFFE003, lr  }
0x1b: {  	s9 =	sadd.s32 $0xFFFFFEF7, lr;
	s5 =	simm.s32 $0xFFFFFFFF;
	p2 =	slt.u32 s8, $0xFFFFF086  }
0x1c: {  	p1 =	slt.u32 s9, $0xF7A;
	s5 =	simm.s32 @!p2 $0x0  }
0x1d: {  	s5 =	simm.s32 @p1 $0x1;
	p0 =	seq.s32 s7, s2  }
0x1e: {  	s7 =	smul.u32 @!p0 $0xF7A, s2;
	p2 =	seq.s32 @!p0 s5, $0x0  }
0x1f: {  	s9 =	smul.u32 $0xF7A, s1;
	s8 =	simm.s32 @!p0 $0x1BF5;
	p2 =	por !p2, p0  }
0x20: {  	[sflag:s8] =	ssyncset.s32 @!p0 $0xFFFFF086;
	s6 =	sadd.s32 @!p0 s3, s7;
	s7 =	simm.s32 @!p0 $0x108  }
0x21: {  	s3 =	sadd.s32 s3, s9;
	s6 =	sadd.s32 @!p0 $0x88, s6;
	s7 =	simm.s32 @p2 $0x1082  }
0x22: {  	[simem:s7], [sflag:s8] =	dma.local @!p0 [hbm:s6], $0xF7A  }
0x23: {  	s9 =	sor.u32 $0xD0000000, s2;
	s6 =	simm.s32 $0x108;
	_ =	swait.ge @!p0 [sflag:s8], $0x0  }
0x24: {  	s3 =	sadd.s32 $0x88, s3;
	s6 =	simm.s32 @!p1 $0x1082;
	[sflag:s4] =	ssyncset.s32 $0xFFFFF086  }
0x25: {  	[simem:s6], [sflag:s4] =	dma.local [hbm:s3], $0xF7A  }
0x26: {  	[smem:$0x3F88] =	sst s1;
	(tag) =	ssettag s2;
	_ =	strace s9  }
0x27: {  	s1 =	sld [smem:$0x3F98]  }
0x28: {  	s2 =	sld [smem:$0x3F99]  }
0x29: {  	s4 =	sld [smem:$0x3F9B]  }
0x2a: {  	p0 =	seq.s32 s5, $0x0;
	s5 =	sld [smem:$0x3F9C]  }
0x2b: {  	s6 =	sld [smem:$0x3F9D]  }
0x2c: {  	s7 =	sld [smem:$0x3F9E]  }
0x2d: {  	s3 =	simm.s32 $0x108;
	s8 =	sld [smem:$0x3F9F]  }
0x2e: {  	s3 =	simm.s32 @!p0 $0x1082;
	s9 =	sld [smem:$0x3FA0]  }
0x2f: {  	lr =	sadd.s32 s0, s3;
	s0 =	sld [smem:$0x3F97]  }
0x30: {  	s3 =	sld [smem:$0x3F9A]  }
0x31: {  	[smem:$0x3FA3] =	sst s10  }
0x32: {  	s10 =	sld [smem:$0x3FA1];
	_ =	sdelay $0x3  }
0x33: {  	p0 =	seq.s32 s10, $0x1;
	s10 =	sld [smem:$0x3FA3];
	_ =	sdelay $0x3  }
0x34: {  	[smem:$0x3FA3] =	sst s10  }
0x35: {  	s10 =	sld [smem:$0x3FA2];
	_ =	sdelay $0x3  }
0x36: {  	p1 =	seq.s32 s10, $0x1;
	s10 =	sld [smem:$0x3FA3];
	_ =	sdelay $0x3  }
0x37: {  	[smem:$0x3FA3] =	sst s10  }
0x38: {  	s10 =	sld [smem:$0x3FA4]  }
0x39: {  	_ = 	snop;
	(pc) =	sbr.ind lr, $3  }
0x3a: {  	_ = 	snop  }
0x3b: {  	_ = 	snop  }
0x3c: {  	p2 =	seq.s32 s10, $0x1;
	s10 =	sld [smem:$0x3FA3]  }
0x3d: {  	_ =	shalt  }
0x3e: {  	_ =	shalt  }
0x3f: {  	_ =	shalt  }
0x40: {  	_ =	shalt  }
0x41: {  	_ =	shalt  }
0x42: {  	_ =	shalt  }
0x43: {  	_ =	shalt  }
0x44: {  	_ =	shalt  }
0x45: {  	_ =	shalt  }
0x46: {  	_ =	shalt  }
0x47: {  	_ =	shalt  }
0x48: {  	_ =	shalt  }
0x49: {  	_ =	shalt  }
0x4a: {  	_ =	shalt  }
0x4b: {  	_ =	shalt  }
0x4c: {  	_ =	shalt  }
0x4d: {  	_ =	shalt  }
0x4e: {  	_ =	shalt  }
0x4f: {  	_ =	shalt  }
0x50: {  	_ =	shalt  }
0x51: {  	_ =	shalt  }
0x52: {  	_ =	shalt  }
0x53: {  	_ =	shalt  }
0x54: {  	_ =	shalt  }
0x55: {  	_ =	shalt  }
0x56: {  	_ =	shalt  }
0x57: {  	_ =	shalt  }
0x58: {  	_ =	shalt  }
0x59: {  	_ =	shalt  }
0x5a: {  	_ =	shalt  }
0x5b: {  	_ =	shalt  }
0x5c: {  	_ =	shalt  }
0x5d: {  	_ =	shalt  }
0x5e: {  	_ =	shalt  }
0x5f: {  	_ =	shalt  }
0x60: {  	_ =	shalt  }
0x61: {  	_ =	shalt  }
0x62: {  	_ =	shalt  }
0x63: {  	_ =	shalt  }
0x64: {  	_ =	shalt  }
0x65: {  	_ =	shalt  }
0x66: {  	_ =	shalt  }
0x67: {  	_ =	shalt  }
0x68: {  	_ =	shalt  }
0x69: {  	_ =	shalt  }
0x6a: {  	_ =	shalt  }
0x6b: {  	_ =	shalt  }
0x6c: {  	_ =	shalt  }
0x6d: {  	_ =	shalt  }
0x6e: {  	_ =	shalt  }
0x6f: {  	_ =	shalt  }
0x70: {  	_ =	shalt  }
0x71: {  	_ =	shalt  }
0x72: {  	_ =	shalt  }
0x73: {  	_ =	shalt  }
0x74: {  	_ =	shalt  }
0x75: {  	_ =	shalt  }
0x76: {  	_ =	shalt  }
0x77: {  	_ =	shalt  }
0x78: {  	_ =	shalt  }
0x79: {  	_ =	shalt  }
0x7a: {  	_ =	shalt  }
0x7b: {  	_ =	shalt  }
0x7c: {  	_ =	shalt  }
0x7d: {  	_ =	shalt  }
0x7e: {  	_ =	shalt  }
0x7f: {  	_ =	shalt  }
0x80: {  	_ =	shalt  }
0x81: {  	_ =	shalt  }
0x82: {  	_ =	shalt  }
0x83: {  	_ =	shalt  }
0x84: {  	_ =	shalt  }
0x85: {  	_ =	shalt  }
0x86: {  	_ =	shalt  }
0x87: {  	_ =	shalt  }
.Lfunc_end0:
.L_simem_size_0:
called_computation.2_lowered:
.L_overlay_start_0:
0x88: {  	s2 =	sld [smem:$0x3FD9]  }
0x89: {  	s3 =	sld [smem:$0x3FFE];
	_ =	sdelay $0x1  }
0x8a: {  	s1 =	srdreg.scid  }
0x8b: {  	s0 =	sand.u32 $0x1, s1  }
0x8c: {  	s17 =	sshll.u32 s0, $0xA;
	s2 =	sadd.s32 s3, s2  }
0x8d: {  	s2 =	sadd.s32 s2, s17  }
0x8e: {  	[smem:$0x3FAF] =	sst s2  }
0x8f: {  	_ = 	snop  }
0x90: {  	s2 =	sld [smem:$0x3FD0];
	(tm) =	ssettm $0x1  }
0x91: {  	s18 =	sld [smem:$0x3FFB];
	_ =	sdelay $0x3  }
0x92: {  	_ =	strace s18  }
0x93: {  	s3 =	sld [smem:$0x3FFC];
	_ =	sdelay $0x3  }
0x94: {  	_ =	strace s3  }
0x95: {  	s3 =	sld [smem:$0x3FFD];
	_ =	sdelay $0x3  }
0x96: {  	_ =	strace s3  }
0x97: {  	_ =	strace $0x8FFFFFFF  }
0x98: {  	s19 =	sld [smem:$0x3FDB];
	_ =	sdelay $0x1  }
0x99: {  	s4 =	simm.s32 $_scs_section_size  }
0x9a: {  	s5 =	simm.s32 $_size__tile_overlayer_lowered;
	s6 =	simm.s32 $_tile_overlayer_lowered  }
0x9b: {  	s22 =	simm.s32 $0x1BFF;
	s21 =	sshll.u32 s6, $0x1;
	s3 =	sadd.s32 s4, s19  }
0x9c: {  	s7 =	simm.s32 $0x0;
	s20 =	sshll.u32 s5, $0x1;
	s5 =	sadd.s32 s21, s3  }
0x9d: {  	[timem:s7], [sflag:s22] =	dma.local [hbm:s5], s20  }
0x9e: {  	_ =	swait.ge [sflag:s22], s20  }
0x9f: {  	s4 =	ssub.s32 $0x0, s20;
	[sflag:s22] =	ssyncset.done $0x0  }
0xa0: {  	[sflag:s22] =	ssyncadd.s32 s4;
	_ =	sdelay $0x1  }
0xa1: {  	s23 =	simm.s32 $0x1B8B  }
0xa2: {  	_ =	swait.ge [sflag:s23], $0x1  }
0xa3: {  	[sflag:s23] =	ssyncset.done $0x0  }
0xa4: {  	s25 =	simm.s32 $0x1B8E;
	s24 =	sld [smem:$0x3FFE];
	[sflag:s23] =	ssyncadd.s32 $0xFFFFFFFF  }
0xa5: {  	s26 =	simm.s32 $execute0_lowered;
	[smem:$0x3FD2] =	sst s25  }
0xa6: {  	s5 =	sshll.u32 s26, $0x1;
	_ =	strace $0x8000004C;
	[dreg:$0x1] =	wrdreg $0xFFFFFFFF  }
0xa7: {  	s28 =	simm.s32 $_size_execute0_lowered;
	s3 =	sadd.s32 s3, s5;
	[dreg:$0x0] =	wrdreg $0x0  }
0xa8: {  	s5 =	sshll.u32 s28, $0x1;
	[dreg:$0x2] =	wrdreg s3  }
0xa9: {  	[dreg:$0x3] =	wrdreg s5  }
0xaa: {  	[dreg:$0x4] =	wrdreg $0xC0  }
0xab: {  	_ =	task [dreg:s7], $0x5FFFF  }
0xac: {  	[dreg:$0x1] =	wrdreg $0xFFFFFFFF  }
0xad: {  	[dreg:$0x0] =	wrdreg $0x60  }
0xae: {  	[dreg:$0x2] =	wrdreg s2  }
0xaf: {  	[dreg:$0x3] =	wrdreg s24  }
0xb0: {  	[dreg:$0x4] =	wrdreg $0x0  }
0xb1: {  	[dreg:$0x5] =	wrdreg $0x9  }
0xb2: {  	_ =	task.clear_ibuf [dreg:s7], $0x6FFFF;
	_ =	strace $0x9000004C  }
0xb3: {  	s29 =	simm.s32 $0x9;
	_ =	strace $0x8000004E  }
0xb4: {  	_ =	swait.ge [sflag:s29], $0x1  }
0xb5: {  	[sflag:s29] =	ssyncadd.s32 $0xFFFFFFFF  }
0xb6: {  	_ =	strace $0x9000004E  }
0xb7: {  	_ =	sfence  }
0xb8: {  	s30 =	sld [smem:$0x0];
	_ =	sdelay $0x2  }
0xb9: {  	s31 =	sshll.u32 s1, $0xD;
	s1 =	sshrl.u32 s1, $0x2  }
0xba: {  	s3 =	sand.u32 $0x4000, s31;
	s1 =	sadd.s32 s1, s30  }
0xbb: {  	s0 =	sor.u32 s3, s0;
	s1 =	sshll.u32 s1, $0x11  }
0xbc: {  	s0 =	sor.u32 s1, s0  }
0xbd: {  	s0 =	sadd.s32 $0x8F2B, s0  }
0xbe: {  	[sflag:s0] =	ssyncadd.remote.s32 $0x1  }
0xbf: {  	_ =	sfence.sel $0xFFFF  }
0xc0: {  	[dreg:$0x0] =	wrdreg $0xFFFFFFFF;
	(pc) =	sbr.abs _section_cstart, $3  }
0xc1: {  	[dreg:$0x1] =	wrdreg $0xFFFFFFFF  }
0xc2: {  	_ =	task.clear_ibuf [dreg:s7], $0x2FFFF;
	_ =	strace $0x9FFFFFFF  }
0xc3: {  	(tm) =	ssettm $0x7FFFFFFF  }
tec
execute0_lowered:
.L_overlay_start_1:
0x0: {  	(tag) =	ssettag $0x1  }
0x1: {  	s1 =	rddreg [dreg:$0x0]  }
0x2: {  	s2 =	rddreg [dreg:$0x1]  }
0x3: {  	s3 =	rddreg [dreg:$0x2]  }
0x4: {  	s4 =	srdreg.scid;
	s0 =	stileid.u32;
	s15 =	simm.s32 $0x14000  }
0x5: {  	s17 =	simm.s32 $0x6;
	s18 =	simm.s32 $0x1;
	s19 =	simm.s32 $0x80  }
0x6: {  	s20 =	simm.s32 $0x14C00;
	s21 =	simm.s32 $0x18C00;
	s22 =	simm.s32 $0x2  }
0x7: {  	s23 =	simm.s32 $0x3;
	s24 =	simm.s32 $0x4;
	s6 =	smul.u32 $0x98, s0  }
0x8: {  	s5 =	sand.u32 $0x1, s4;
	s25 =	sshll.u32 s0, $0x3;
	s26 =	smul.u32 $0x13C00, s0  }
0x9: {  	s4 =	simm.s32 $0x0;
	s30 =	smul.u32 $0x4F000, s0;
	s10 =	sshll.u32 s0, $0x6  }
0xa: {  	p0 =	seq.s32 s5, $0x0;
	s7 =	sor.u32 $0x980, s25;
	[smem:$0x7FF] =	sst s4  }
0xb: {  	s8 =	smul.u32 $0x13C000, s5;
	s5 =	ssub.s32 $0x2, s5;
	s25 =	simm.s32 $0x5  }
0xc: {  	s7 =	smov.u32 @p0 s6;
	_ =	strace $0x8000004D;
	s28 =	sshrl.u32 s26, $0x3  }
0xd: {  	s29 =	sshrl.u32 s5, $0x1;
	s7 =	sshll.u32 s7, $0x4;
	s9 =	sadd.s32 s28, s2  }
0xe: {  	s6 =	sadd.s32 s26, s8;
	s11 =	ssub.s32 s5, s29;
	s5 =	simm.s32 $0x13  }
0xf: {  	s8 =	sshrl.u32 s30, $0x2;
	s26 =	simm.s32 $0x0;
	s13 =	sadd.s32 s7, s2  }
0x10: {  	s6 =	sshrl.u32 s6, $0x3;
	s5 =	simm.s32 @!p0 $0x1;
	s16 =	sadd.s32 s8, s3  }
0x11: {  	s8 =	sadd.s32 $0x19C00, s9;
	s9 =	sor.u32 $0x1C06, s10;
	s11 =	smax.u32 s11, $0x1  }
0x12: {  	s2 =	sadd.s32 s6, s2;
	s6 =	sadd.s32 $0xFC00, s13;
	s7 =	sadd.s32 $0x5C00, s13  }
0x13: {  	s12 =	sadd.s32 $0x5C80, s13;
	s31 =	sshll.u32 s5, $0xB;
	s13 =	sadd.s32 $0xFC80, s13  }
0x14: {  	s16 =	sshrl.u32 s16, $0x3;
	s10 =	sadd.s32 $0x41400, s2;
	[dreg:$0x4] =	wrdreg s31  }
.LBB2_1:
0x15: {  	s0 =	simm.s32 $0x13C00  }
0x16: {  	[tilespmem:s0], [sflag:$0x1] =	stream.linear.gather [hbm4b:s6+s4], $0x400, $0x38;
	[tilespmem:$0x1CC00] =	vst v63  }
0x17: {  	_ = 	snop  }
0x18: {  	[tilespmem:s15], [sflag:$0x1] =	stream.linear.gather [hbm4b:s7+s4], $0x400, $0x38;
	[tilespmem:$0x1CC00] =	vst v63  }
0x19: {  	[spmem:s16], [sflag:s9] =	dma.local [hbm:s8], $0x2780  }
0x1a: {  	_ =	swait.ge [sflag:s17], $0x2780  }
0x1b: {  	[sflag:s17] =	ssyncset.done $0x0  }
0x1c: {  	s28 =	simm.s32 $0x1;
	s29 =	smov.u32 s13;
	[sflag:s17] =	ssyncadd.s32 $0xFFFFD880  }
0x1d: {  	s30 =	smov.u32 s12;
	s31 =	simm.s32 $0x0;
	[bflag:$0x0] =	sbarrier.arrive $0xFFFF  }
.LBB2_2:
0x1e: {  	_ =	swait.ge [sflag:s18], $0x400  }
0x1f: {  	[sflag:s18] =	ssyncset.done $0x0  }
0x20: {  	p0 =	sge.u32 s28, s5;
	[sflag:s18] =	ssyncadd.s32 $0xFFFFFC00  }
0x21: {  	s2 =	sxor.u32 @!p0 $0xFFFFFFFF, s31;
	_ =	swait.ge [sflag:s18], $0x400  }
0x22: {  	s2 =	sand.u32 @!p0 $0x800, s2;
	[sflag:s18] =	ssyncset.done $0x0  }
0x23: {  	s14 =	simm.s32 @!p0 $0x0;
	s0 =	sadd.s32 @!p0 $0x13C00, s2;
	[sflag:s18] =	ssyncadd.s32 $0xFFFFFC00  }
0x24: {  	[tilespmem:s0], [sflag:$0x1] =	stream.linear.gather @!p0 [hbm4b:s29+s14], $0x400, $0x38;
	[tilespmem:$0x1CC00] =	vst v63  }
0x25: {  	s0 =	sor.u32 @!p0 $0x14000, s2;
	s2 =	sand.u32 $0x800, s31  }
0x26: {  	[tilespmem:s0], [sflag:$0x1] =	stream.linear.gather @!p0 [hbm4b:s30+s14], $0x400, $0x38;
	[tilespmem:$0x1CC00] =	vst v63  }
0x27: {  	s14 =	sadd.s32 $0x13C00, s2  }
0x28: {  	[tilespmem:s20], [sflag:$0x2] =	stream.indirect.gather [hbm4b:s1+s19], $0x80, s14, s19, $0xb8;
	[tilespmem:$0x1CC00] =	vst v63  }
0x29: {  	s14 =	sadd.s32 $0x13C80, s2  }
0x2a: {  	[tilespmem:s21], [sflag:$0x3] =	stream.indirect.gather [hbm4b:s1+s19], $0x80, s14, s19, $0xb8;
	[tilespmem:$0x1CC00] =	vst v63  }
0x2b: {  	_ =	swait.ge [sflag:s22], $0x4000  }
0x2c: {  	[sflag:s22] =	ssyncset.done $0x0  }
0x2d: {  	s14 =	sor.u32 $0x14000, s2;
	[sflag:s22] =	ssyncadd.s32 $0xFFFFC000  }
0x2e: {  	[spmem:s3] =	stream.indirect.scatter.add.f32 [tilespmem:s20], [sflag:$0x4], $0x80, s14, s19, $0xb8;
	[tilespmem:$0x1CC00] =	vst v63  }
0x2f: {  	_ =	swait.ge [sflag:s23], $0x4000  }
0x30: {  	[sflag:s23] =	ssyncset.done $0x0  }
0x31: {  	s14 =	sor.u32 $0x14080, s2;
	[sflag:s23] =	ssyncadd.s32 $0xFFFFC000  }
0x32: {  	[spmem:s3] =	stream.indirect.scatter.add.f32 [tilespmem:s21], [sflag:$0x5], $0x80, s14, s19, $0xb8;
	[tilespmem:$0x1CC00] =	vst v63  }
0x33: {  	_ =	swait.ge [sflag:s24], $0x4000  }
0x34: {  	[sflag:s24] =	ssyncset.done $0x0  }
0x35: {  	[sflag:s24] =	ssyncadd.s32 $0xFFFFC000  }
0x36: {  	_ =	swait.ge [sflag:s25], $0x4000  }
0x37: {  	[sflag:s25] =	ssyncset.done $0x0  }
0x38: {  	s14 =	sadd.s32 $0x13D00, s2;
	[sflag:s25] =	ssyncadd.s32 $0xFFFFC000  }
0x39: {  	[tilespmem:s20], [sflag:$0x2] =	stream.indirect.gather [hbm4b:s1+s19], $0x80, s14, s19, $0xb8;
	[tilespmem:$0x1CC00] =	vst v63  }
0x3a: {  	s14 =	sadd.s32 $0x13D80, s2  }
0x3b: {  	[tilespmem:s21], [sflag:$0x3] =	stream.indirect.gather [hbm4b:s1+s19], $0x80, s14, s19, $0xb8;
	[tilespmem:$0x1CC00] =	vst v63  }
0x3c: {  	_ =	swait.ge [sflag:s22], $0x4000  }
0x3d: {  	[sflag:s22] =	ssyncset.done $0x0  }
0x3e: {  	s14 =	sor.u32 $0x14100, s2;
	[sflag:s22] =	ssyncadd.s32 $0xFFFFC000  }
0x3f: {  	[spmem:s3] =	stream.indirect.scatter.add.f32 [tilespmem:s20], [sflag:$0x4], $0x80, s14, s19, $0xb8;
	[tilespmem:$0x1CC00] =	vst v63  }
0x40: {  	_ =	swait.ge [sflag:s23], $0x4000  }
0x41: {  	[sflag:s23] =	ssyncset.done $0x0  }
0x42: {  	s14 =	sor.u32 $0x14180, s2;
	[sflag:s23] =	ssyncadd.s32 $0xFFFFC000  }
0x43: {  	[spmem:s3] =	stream.indirect.scatter.add.f32 [tilespmem:s21], [sflag:$0x5], $0x80, s14, s19, $0xb8;
	[tilespmem:$0x1CC00] =	vst v63  }
0x44: {  	_ =	swait.ge [sflag:s24], $0x4000  }
0x45: {  	[sflag:s24] =	ssyncset.done $0x0  }
0x46: {  	[sflag:s24] =	ssyncadd.s32 $0xFFFFC000  }
0x47: {  	_ =	swait.ge [sflag:s25], $0x4000  }
0x48: {  	[sflag:s25] =	ssyncset.done $0x0  }
0x49: {  	s14 =	sadd.s32 $0x13E00, s2;
	[sflag:s25] =	ssyncadd.s32 $0xFFFFC000  }
0x4a: {  	[tilespmem:s20], [sflag:$0x2] =	stream.indirect.gather [hbm4b:s1+s19], $0x80, s14, s19, $0xb8;
	[tilespmem:$0x1CC00] =	vst v63  }
0x4b: {  	s14 =	sadd.s32 $0x13E80, s2  }
0x4c: {  	[tilespmem:s21], [sflag:$0x3] =	stream.indirect.gather [hbm4b:s1+s19], $0x80, s14, s19, $0xb8;
	[tilespmem:$0x1CC00] =	vst v63  }
0x4d: {  	_ =	swait.ge [sflag:s22], $0x4000  }
0x4e: {  	[sflag:s22] =	ssyncset.done $0x0  }
0x4f: {  	s14 =	sor.u32 $0x14200, s2;
	[sflag:s22] =	ssyncadd.s32 $0xFFFFC000  }
0x50: {  	[spmem:s3] =	stream.indirect.scatter.add.f32 [tilespmem:s20], [sflag:$0x4], $0x80, s14, s19, $0xb8;
	[tilespmem:$0x1CC00] =	vst v63  }
0x51: {  	_ =	swait.ge [sflag:s23], $0x4000  }
0x52: {  	[sflag:s23] =	ssyncset.done $0x0  }
0x53: {  	s14 =	sor.u32 $0x14280, s2;
	[sflag:s23] =	ssyncadd.s32 $0xFFFFC000  }
0x54: {  	[spmem:s3] =	stream.indirect.scatter.add.f32 [tilespmem:s21], [sflag:$0x5], $0x80, s14, s19, $0xb8;
	[tilespmem:$0x1CC00] =	vst v63  }
0x55: {  	_ =	swait.ge [sflag:s24], $0x4000  }
0x56: {  	[sflag:s24] =	ssyncset.done $0x0  }
0x57: {  	[sflag:s24] =	ssyncadd.s32 $0xFFFFC000  }
0x58: {  	_ =	swait.ge [sflag:s25], $0x4000  }
0x59: {  	[sflag:s25] =	ssyncset.done $0x0  }
0x5a: {  	s14 =	sadd.s32 $0x13F00, s2;
	[sflag:s25] =	ssyncadd.s32 $0xFFFFC000  }
0x5b: {  	[tilespmem:s20], [sflag:$0x2] =	stream.indirect.gather [hbm4b:s1+s19], $0x80, s14, s19, $0xb8;
	[tilespmem:$0x1CC00] =	vst v63  }
0x5c: {  	s14 =	sadd.s32 $0x13F80, s2  }
0x5d: {  	[tilespmem:s21], [sflag:$0x3] =	stream.indirect.gather [hbm4b:s1+s19], $0x80, s14, s19, $0xb8;
	[tilespmem:$0x1CC00] =	vst v63  }
0x5e: {  	_ =	swait.ge [sflag:s22], $0x4000  }
0x5f: {  	[sflag:s22] =	ssyncset.done $0x0  }
0x60: {  	s14 =	sor.u32 $0x14300, s2;
	[sflag:s22] =	ssyncadd.s32 $0xFFFFC000  }
0x61: {  	[spmem:s3] =	stream.indirect.scatter.add.f32 [tilespmem:s20], [sflag:$0x4], $0x80, s14, s19, $0xb8;
	[tilespmem:$0x1CC00] =	vst v63  }
0x62: {  	_ =	swait.ge [sflag:s23], $0x4000  }
0x63: {  	[sflag:s23] =	ssyncset.done $0x0  }
0x64: {  	s2 =	sor.u32 $0x14380, s2;
	[sflag:s23] =	ssyncadd.s32 $0xFFFFC000  }
0x65: {  	[spmem:s3] =	stream.indirect.scatter.add.f32 [tilespmem:s21], [sflag:$0x5], $0x80, s2, s19, $0xb8;
	[tilespmem:$0x1CC00] =	vst v63  }
0x66: {  	_ =	swait.ge [sflag:s24], $0x4000  }
0x67: {  	[sflag:s24] =	ssyncset.done $0x0  }
0x68: {  	[sflag:s24] =	ssyncadd.s32 $0xFFFFC000  }
0x69: {  	_ =	swait.ge [sflag:s25], $0x4000  }
0x6a: {  	s31 =	sadd.s32 $0x800, s31;
	s14 =	rddreg [dreg:$0x4]  }
0x6b: {  	p0 =	sne.s32 s14, s31  }
.Ltmp0:
0x6c: {  	_ = 	snop;
	(pc) =	sbr.rel @p0 .LBB2_2-.Ltmp0, $3  }
0x6d: {  	_ =	sdelay $0x1  }
0x6e: {  	s28 =	sadd.s32 $0x1, s28;
	[sflag:s25] =	ssyncset.done $0x0  }
0x6f: {  	s29 =	sadd.s32 $0x80, s29;
	s30 =	sadd.s32 $0x80, s30;
	[sflag:s25] =	ssyncadd.s32 $0xFFFFC000  }
0x70: {  	s26 =	sadd.s32 $0x1, s26  }
0x71: {  	p0 =	sne.s32 s26, s11  }
.Ltmp1:
0x72: {  	[bflag:$0x0] =	sbarrier.arrive $0xFFFF;
	(pc) =	sbr.rel @p0 .LBB2_1-.Ltmp1, $4  }
0x73: {  	[hbm:s10], [sflag:s9] =	dma.local [spmem:s16], $0x2780  }
0x74: {  	_ =	swait.ge [sflag:s17], $0x2780  }
0x75: {  	[sflag:s17] =	ssyncset.done $0x0  }
0x76: {  	[sflag:s17] =	ssyncadd.s32 $0xFFFFD880  }
0x77: {  	_ =	sfence.sel $0x180000  }
0x78: {  	[bflag:$0x0] =	sbarrier.arrive $0xFFFF  }
0x79: {  	_ =	strace $0x9000004D  }
0x7a: {  	s0 =	stileid.u32;
	[bflag:$0x2] =	sbarrier.arrive $0xFFFF  }
0x7b: {  	p0 =	sne.s32 s0, $0x0;
	s0 =	rddreg [dreg:$0x3]  }
0x7c: {  	s0 =	sadd.s32 @!p0 $0x100000, s0  }
0x7d: {  	[sflag:s0] =	ssyncadd.tile.s32 @!p0 $0x1;
	_ =	shalt  }
.Lfunc_end2:
_tile_overlayer_lowered:
.L_overlay_start_2:
0x7e: {  	(tag) =	ssettag $0x2  }
0x7f: {  	s0 =	rddreg [dreg:$0x0];
	s2 =	stileid.u32  }
0x80: {  	s1 =	rddreg [dreg:$0x1];
	p0 =	sne.s32 s2, $0x0  }
0x81: {  	s3 =	rddreg [dreg:$0x2];
	[bflag:$0x3] =	sbarrier.arrive $0xFFFF;
	s2 =	simm.s32 @!p0 $0x1C06  }
0x82: {  	[timem:s3], [sflag:s2] =	dma.local @!p0 [hbm:s0], s1  }
0x83: {  	s0 =	simm.s32 @!p0 $0x6  }
0x84: {  	_ =	swait.ge @!p0 [sflag:s0], s1  }
0x85: {  	s1 =	ssub.s32 @!p0 $0x0, s1;
	[sflag:s0] =	ssyncset.done @!p0 $0x0  }
0x86: {  	[sflag:s0] =	ssyncadd.s32 @!p0 s1  }
0x87: {  	[bflag:$0x3] =	sbarrier.arrive $0xFFFF  }
0x88: {  	_ =	shalt  }

// kernel: kernel.23.cloned.1.call-start
scs
__scs_entry_jumppad:
0x0: {  	(pc) =	sbr.rel $0x88, $3  }
0x1: {  	(tag) =	ssettag $0x0;
	lr =	simm.s32 $0x1  }
0x2: {  	[smem:$0x3F88] =	sst lr;
	_ =	strace $0xD0000000  }
0x3: {  	_ = 	snop  }
0x4: {  	_ = 	snop  }
0x5: {  	_ = 	snop  }
0x6: {  	_ = 	snop  }
0x7: {  	_ = 	snop  }
__scs_overlays_trampoline_lowered:
0x8: {  	[smem:$0x3F97] =	sst s0  }
0x9: {  	[smem:$0x3F98] =	sst s1  }
0xa: {  	[smem:$0x3F99] =	sst s2  }
0xb: {  	[smem:$0x3F9A] =	sst s3  }
0xc: {  	[smem:$0x3F9B] =	sst s4  }
0xd: {  	[smem:$0x3F9C] =	sst s5  }
0xe: {  	[smem:$0x3F9D] =	sst s6  }
0xf: {  	[smem:$0x3F9E] =	sst s7  }
0x10: {  	[smem:$0x3F9F] =	sst s8  }
0x11: {  	[smem:$0x3FA0] =	sst s9;
	s0 =	simm.s32 @!p0 $0x0  }
0x12: {  	s1 =	sld [smem:$0x3F86];
	s0 =	simm.s32 @p0 $0x1  }
0x13: {  	[smem:$0x3FA1] =	sst s0;
	s0 =	simm.s32 @!p1 $0x0  }
0x14: {  	s2 =	sld [smem:$0x3F85];
	s0 =	simm.s32 @p1 $0x1  }
0x15: {  	[smem:$0x3FA2] =	sst s0;
	s0 =	simm.s32 @!p2 $0x0  }
0x16: {  	s3 =	sld [smem:$0x3FDB];
	s0 =	simm.s32 @p2 $0x1  }
0x17: {  	s4 =	simm.s32 $0x1BF5;
	[smem:$0x3FA4] =	sst s0  }
0x18: {  	s0 =	sld [smem:$0x3F87];
	_ =	swait.ge [sflag:s4], $0x0  }
0x19: {  	s7 =	sld [smem:$0x3F88]  }
0x1a: {  	s8 =	sadd.s32 $0xFFFFE003, lr  }
0x1b: {  	s9 =	sadd.s32 $0xFFFFFEF7, lr;
	s5 =	simm.s32 $0xFFFFFFFF;
	p2 =	slt.u32 s8, $0xFFFFF086  }
0x1c: {  	p1 =	slt.u32 s9, $0xF7A;
	s5 =	simm.s32 @!p2 $0x0  }
0x1d: {  	s5 =	simm.s32 @p1 $0x1;
	p0 =	seq.s32 s7, s2  }
0x1e: {  	s7 =	smul.u32 @!p0 $0xF7A, s2;
	p2 =	seq.s32 @!p0 s5, $0x0  }
0x1f: {  	s9 =	smul.u32 $0xF7A, s1;
	s8 =	simm.s32 @!p0 $0x1BF5;
	p2 =	por !p2, p0  }
0x20: {  	[sflag:s8] =	ssyncset.s32 @!p0 $0xFFFFF086;
	s6 =	sadd.s32 @!p0 s3, s7;
	s7 =	simm.s32 @!p0 $0x108  }
0x21: {  	s3 =	sadd.s32 s3, s9;
	s6 =	sadd.s32 @!p0 $0x88, s6;
	s7 =	simm.s32 @p2 $0x1082  }
0x22: {  	[simem:s7], [sflag:s8] =	dma.local @!p0 [hbm:s6], $0xF7A  }
0x23: {  	s9 =	sor.u32 $0xD0000000, s2;
	s6 =	simm.s32 $0x108;
	_ =	swait.ge @!p0 [sflag:s8], $0x0  }
0x24: {  	s3 =	sadd.s32 $0x88, s3;
	s6 =	simm.s32 @!p1 $0x1082;
	[sflag:s4] =	ssyncset.s32 $0xFFFFF086  }
0x25: {  	[simem:s6], [sflag:s4] =	dma.local [hbm:s3], $0xF7A  }
0x26: {  	[smem:$0x3F88] =	sst s1;
	(tag) =	ssettag s2;
	_ =	strace s9  }
0x27: {  	s1 =	sld [smem:$0x3F98]  }
0x28: {  	s2 =	sld [smem:$0x3F99]  }
0x29: {  	s4 =	sld [smem:$0x3F9B]  }
0x2a: {  	p0 =	seq.s32 s5, $0x0;
	s5 =	sld [smem:$0x3F9C]  }
0x2b: {  	s6 =	sld [smem:$0x3F9D]  }
0x2c: {  	s7 =	sld [smem:$0x3F9E]  }
0x2d: {  	s3 =	simm.s32 $0x108;
	s8 =	sld [smem:$0x3F9F]  }
0x2e: {  	s3 =	simm.s32 @!p0 $0x1082;
	s9 =	sld [smem:$0x3FA0]  }
0x2f: {  	lr =	sadd.s32 s0, s3;
	s0 =	sld [smem:$0x3F97]  }
0x30: {  	s3 =	sld [smem:$0x3F9A]  }
0x31: {  	[smem:$0x3FA3] =	sst s10  }
0x32: {  	s10 =	sld [smem:$0x3FA1];
	_ =	sdelay $0x3  }
0x33: {  	p0 =	seq.s32 s10, $0x1;
	s10 =	sld [smem:$0x3FA3];
	_ =	sdelay $0x3  }
0x34: {  	[smem:$0x3FA3] =	sst s10  }
0x35: {  	s10 =	sld [smem:$0x3FA2];
	_ =	sdelay $0x3  }
0x36: {  	p1 =	seq.s32 s10, $0x1;
	s10 =	sld [smem:$0x3FA3];
	_ =	sdelay $0x3  }
0x37: {  	[smem:$0x3FA3] =	sst s10  }
0x38: {  	s10 =	sld [smem:$0x3FA4]  }
0x39: {  	_ = 	snop;
	(pc) =	sbr.ind lr, $3  }
0x3a: {  	_ = 	snop  }
0x3b: {  	_ = 	snop  }
0x3c: {  	p2 =	seq.s32 s10, $0x1;
	s10 =	sld [smem:$0x3FA3]  }
0x3d: {  	_ =	shalt  }
0x3e: {  	_ =	shalt  }
0x3f: {  	_ =	shalt  }
0x40: {  	_ =	shalt  }
0x41: {  	_ =	shalt  }
0x42: {  	_ =	shalt  }
0x43: {  	_ =	shalt  }
0x44: {  	_ =	shalt  }
0x45: {  	_ =	shalt  }
0x46: {  	_ =	shalt  }
0x47: {  	_ =	shalt  }
0x48: {  	_ =	shalt  }
0x49: {  	_ =	shalt  }
0x4a: {  	_ =	shalt  }
0x4b: {  	_ =	shalt  }
0x4c: {  	_ =	shalt  }
0x4d: {  	_ =	shalt  }
0x4e: {  	_ =	shalt  }
0x4f: {  	_ =	shalt  }
0x50: {  	_ =	shalt  }
0x51: {  	_ =	shalt  }
0x52: {  	_ =	shalt  }
0x53: {  	_ =	shalt  }
0x54: {  	_ =	shalt  }
0x55: {  	_ =	shalt  }
0x56: {  	_ =	shalt  }
0x57: {  	_ =	shalt  }
0x58: {  	_ =	shalt  }
0x59: {  	_ =	shalt  }
0x5a: {  	_ =	shalt  }
0x5b: {  	_ =	shalt  }
0x5c: {  	_ =	shalt  }
0x5d: {  	_ =	shalt  }
0x5e: {  	_ =	shalt  }
0x5f: {  	_ =	shalt  }
0x60: {  	_ =	shalt  }
0x61: {  	_ =	shalt  }
0x62: {  	_ =	shalt  }
0x63: {  	_ =	shalt  }
0x64: {  	_ =	shalt  }
0x65: {  	_ =	shalt  }
0x66: {  	_ =	shalt  }
0x67: {  	_ =	shalt  }
0x68: {  	_ =	shalt  }
0x69: {  	_ =	shalt  }
0x6a: {  	_ =	shalt  }
0x6b: {  	_ =	shalt  }
0x6c: {  	_ =	shalt  }
0x6d: {  	_ =	shalt  }
0x6e: {  	_ =	shalt  }
0x6f: {  	_ =	shalt  }
0x70: {  	_ =	shalt  }
0x71: {  	_ =	shalt  }
0x72: {  	_ =	shalt  }
0x73: {  	_ =	shalt  }
0x74: {  	_ =	shalt  }
0x75: {  	_ =	shalt  }
0x76: {  	_ =	shalt  }
0x77: {  	_ =	shalt  }
0x78: {  	_ =	shalt  }
0x79: {  	_ =	shalt  }
0x7a: {  	_ =	shalt  }
0x7b: {  	_ =	shalt  }
0x7c: {  	_ =	shalt  }
0x7d: {  	_ =	shalt  }
0x7e: {  	_ =	shalt  }
0x7f: {  	_ =	shalt  }
0x80: {  	_ =	shalt  }
0x81: {  	_ =	shalt  }
0x82: {  	_ =	shalt  }
0x83: {  	_ =	shalt  }
0x84: {  	_ =	shalt  }
0x85: {  	_ =	shalt  }
0x86: {  	_ =	shalt  }
0x87: {  	_ =	shalt  }
.Lfunc_end0:
.L_simem_size_0:
called_computation.3_lowered:
.L_overlay_start_0:
0x88: {  	s2 =	sld [smem:$0x3FD9]  }
0x89: {  	s3 =	sld [smem:$0x3FFE];
	_ =	sdelay $0x1  }
0x8a: {  	s1 =	srdreg.scid  }
0x8b: {  	s0 =	sand.u32 $0x1, s1  }
0x8c: {  	s17 =	sshll.u32 s0, $0xA;
	s2 =	sadd.s32 s3, s2  }
0x8d: {  	s2 =	sadd.s32 s2, s17  }
0x8e: {  	[smem:$0x3FAF] =	sst s2  }
0x8f: {  	_ = 	snop  }
0x90: {  	s2 =	sld [smem:$0x3FD0];
	(tm) =	ssettm $0x1  }
0x91: {  	s18 =	sld [smem:$0x3FFB];
	_ =	sdelay $0x3  }
0x92: {  	_ =	strace s18  }
0x93: {  	s3 =	sld [smem:$0x3FFC];
	_ =	sdelay $0x3  }
0x94: {  	_ =	strace s3  }
0x95: {  	s3 =	sld [smem:$0x3FFD];
	_ =	sdelay $0x3  }
0x96: {  	_ =	strace s3  }
0x97: {  	_ =	strace $0x8FFFFFFF  }
0x98: {  	s19 =	sld [smem:$0x3FDB];
	_ =	sdelay $0x1  }
0x99: {  	s4 =	simm.s32 $_scs_section_size  }
0x9a: {  	s5 =	simm.s32 $_size__tile_overlayer_lowered;
	s6 =	simm.s32 $_tile_overlayer_lowered  }
0x9b: {  	s22 =	simm.s32 $0x1BFF;
	s21 =	sshll.u32 s6, $0x1;
	s3 =	sadd.s32 s4, s19  }
0x9c: {  	s7 =	simm.s32 $0x0;
	s20 =	sshll.u32 s5, $0x1;
	s5 =	sadd.s32 s21, s3  }
0x9d: {  	[timem:s7], [sflag:s22] =	dma.local [hbm:s5], s20  }
0x9e: {  	_ =	swait.ge [sflag:s22], s20  }
0x9f: {  	s4 =	ssub.s32 $0x0, s20;
	[sflag:s22] =	ssyncset.done $0x0  }
0xa0: {  	[sflag:s22] =	ssyncadd.s32 s4;
	_ =	sdelay $0x1  }
0xa1: {  	s23 =	simm.s32 $0x1B8B  }
0xa2: {  	_ =	swait.ge [sflag:s23], $0x1  }
0xa3: {  	[sflag:s23] =	ssyncset.done $0x0  }
0xa4: {  	s25 =	simm.s32 $0x1B8E;
	s24 =	sld [smem:$0x3FFE];
	[sflag:s23] =	ssyncadd.s32 $0xFFFFFFFF  }
0xa5: {  	s26 =	simm.s32 $execute0_lowered;
	[smem:$0x3FD2] =	sst s25  }
0xa6: {  	s5 =	sshll.u32 s26, $0x1;
	_ =	strace $0x8000004F;
	[dreg:$0x1] =	wrdreg $0xFFFFFFFF  }
0xa7: {  	s28 =	simm.s32 $_size_execute0_lowered;
	s3 =	sadd.s32 s3, s5;
	[dreg:$0x0] =	wrdreg $0x0  }
0xa8: {  	s5 =	sshll.u32 s28, $0x1;
	[dreg:$0x2] =	wrdreg s3  }
0xa9: {  	[dreg:$0x3] =	wrdreg s5  }
0xaa: {  	[dreg:$0x4] =	wrdreg $0xC0  }
0xab: {  	_ =	task [dreg:s7], $0x5FFFF  }
0xac: {  	[dreg:$0x1] =	wrdreg $0xFFFFFFFF  }
0xad: {  	[dreg:$0x0] =	wrdreg $0x60  }
0xae: {  	[dreg:$0x2] =	wrdreg s2  }
0xaf: {  	[dreg:$0x3] =	wrdreg s24  }
0xb0: {  	[dreg:$0x4] =	wrdreg $0x0  }
0xb1: {  	[dreg:$0x5] =	wrdreg $0x9  }
0xb2: {  	_ =	task.clear_ibuf [dreg:s7], $0x6FFFF;
	_ =	strace $0x9000004F  }
0xb3: {  	s29 =	simm.s32 $0x9;
	_ =	strace $0x80000051  }
0xb4: {  	_ =	swait.ge [sflag:s29], $0x1  }
0xb5: {  	[sflag:s29] =	ssyncadd.s32 $0xFFFFFFFF  }
0xb6: {  	_ =	strace $0x90000051  }
0xb7: {  	_ =	sfence  }
0xb8: {  	s30 =	sld [smem:$0x0];
	_ =	sdelay $0x2  }
0xb9: {  	s31 =	sshll.u32 s1, $0xD;
	s1 =	sshrl.u32 s1, $0x2  }
0xba: {  	s3 =	sand.u32 $0x4000, s31;
	s1 =	sadd.s32 s1, s30  }
0xbb: {  	s0 =	sor.u32 s3, s0;
	s1 =	sshll.u32 s1, $0x11  }
0xbc: {  	s0 =	sor.u32 s1, s0  }
0xbd: {  	s0 =	sadd.s32 $0x8F2B, s0  }
0xbe: {  	[sflag:s0] =	ssyncadd.remote.s32 $0x1  }
0xbf: {  	_ =	sfence.sel $0xFFFF  }
0xc0: {  	[dreg:$0x0] =	wrdreg $0xFFFFFFFF;
	(pc) =	sbr.abs _section_cstart, $3  }
0xc1: {  	[dreg:$0x1] =	wrdreg $0xFFFFFFFF  }
0xc2: {  	_ =	task.clear_ibuf [dreg:s7], $0x2FFFF;
	_ =	strace $0x9FFFFFFF  }
0xc3: {  	(tm) =	ssettm $0x7FFFFFFF  }
tec
execute0_lowered:
.L_overlay_start_1:
0x0: {  	(tag) =	ssettag $0x1  }
0x1: {  	s1 =	rddreg [dreg:$0x0]  }
0x2: {  	s2 =	rddreg [dreg:$0x1]  }
0x3: {  	s3 =	rddreg [dreg:$0x2]  }
0x4: {  	s4 =	srdreg.scid;
	s0 =	stileid.u32;
	s15 =	simm.s32 $0x14000  }
0x5: {  	s17 =	simm.s32 $0x6;
	s18 =	simm.s32 $0x1;
	s19 =	simm.s32 $0x80  }
0x6: {  	s20 =	simm.s32 $0x14C00;
	s21 =	simm.s32 $0x18C00;
	s22 =	simm.s32 $0x2  }
0x7: {  	s23 =	simm.s32 $0x3;
	s24 =	simm.s32 $0x4;
	s6 =	smul.u32 $0x98, s0  }
0x8: {  	s5 =	sand.u32 $0x1, s4;
	s25 =	sshll.u32 s0, $0x3;
	s26 =	smul.u32 $0x13C00, s0  }
0x9: {  	s4 =	simm.s32 $0x0;
	s30 =	smul.u32 $0x4F000, s0;
	s10 =	sshll.u32 s0, $0x6  }
0xa: {  	p0 =	seq.s32 s5, $0x0;
	s7 =	sor.u32 $0x980, s25;
	[smem:$0x7FF] =	sst s4  }
0xb: {  	s8 =	smul.u32 $0x13C000, s5;
	s5 =	ssub.s32 $0x2, s5;
	s25 =	simm.s32 $0x5  }
0xc: {  	s7 =	smov.u32 @p0 s6;
	_ =	strace $0x80000050;
	s28 =	sshrl.u32 s26, $0x3  }
0xd: {  	s29 =	sshrl.u32 s5, $0x1;
	s7 =	sshll.u32 s7, $0x4;
	s9 =	sadd.s32 s28, s2  }
0xe: {  	s6 =	sadd.s32 s26, s8;
	s11 =	ssub.s32 s5, s29;
	s5 =	simm.s32 $0x13  }
0xf: {  	s8 =	sshrl.u32 s30, $0x2;
	s26 =	simm.s32 $0x0;
	s13 =	sadd.s32 s7, s2  }
0x10: {  	s6 =	sshrl.u32 s6, $0x3;
	s5 =	simm.s32 @!p0 $0x1;
	s16 =	sadd.s32 s8, s3  }
0x11: {  	s8 =	sadd.s32 $0x19C00, s9;
	s9 =	sor.u32 $0x1C06, s10;
	s11 =	smax.u32 s11, $0x1  }
0x12: {  	s2 =	sadd.s32 s6, s2;
	s6 =	sadd.s32 $0xFC00, s13;
	s7 =	sadd.s32 $0x5C00, s13  }
0x13: {  	s12 =	sadd.s32 $0x5C80, s13;
	s31 =	sshll.u32 s5, $0xB;
	s13 =	sadd.s32 $0xFC80, s13  }
0x14: {  	s16 =	sshrl.u32 s16, $0x3;
	s10 =	sadd.s32 $0x41400, s2;
	[dreg:$0x4] =	wrdreg s31  }
.LBB2_1:
0x15: {  	s0 =	simm.s32 $0x13C00  }
0x16: {  	[tilespmem:s0], [sflag:$0x1] =	stream.linear.gather [hbm4b:s6+s4], $0x400, $0x38;
	[tilespmem:$0x1CC00] =	vst v63  }
0x17: {  	_ = 	snop  }
0x18: {  	[tilespmem:s15], [sflag:$0x1] =	stream.linear.gather [hbm4b:s7+s4], $0x400, $0x38;
	[tilespmem:$0x1CC00] =	vst v63  }
0x19: {  	[spmem:s16], [sflag:s9] =	dma.local [hbm:s8], $0x2780  }
0x1a: {  	_ =	swait.ge [sflag:s17], $0x2780  }
0x1b: {  	[sflag:s17] =	ssyncset.done $0x0  }
0x1c: {  	s28 =	simm.s32 $0x1;
	s29 =	smov.u32 s13;
	[sflag:s17] =	ssyncadd.s32 $0xFFFFD880  }
0x1d: {  	s30 =	smov.u32 s12;
	s31 =	simm.s32 $0x0;
	[bflag:$0x0] =	sbarrier.arrive $0xFFFF  }
.LBB2_2:
0x1e: {  	_ =	swait.ge [sflag:s18], $0x400  }
0x1f: {  	[sflag:s18] =	ssyncset.done $0x0  }
0x20: {  	p0 =	sge.u32 s28, s5;
	[sflag:s18] =	ssyncadd.s32 $0xFFFFFC00  }
0x21: {  	s2 =	sxor.u32 @!p0 $0xFFFFFFFF, s31;
	_ =	swait.ge [sflag:s18], $0x400  }
0x22: {  	s2 =	sand.u32 @!p0 $0x800, s2;
	[sflag:s18] =	ssyncset.done $0x0  }
0x23: {  	s14 =	simm.s32 @!p0 $0x0;
	s0 =	sadd.s32 @!p0 $0x13C00, s2;
	[sflag:s18] =	ssyncadd.s32 $0xFFFFFC00  }
0x24: {  	[tilespmem:s0], [sflag:$0x1] =	stream.linear.gather @!p0 [hbm4b:s29+s14], $0x400, $0x38;
	[tilespmem:$0x1CC00] =	vst v63  }
0x25: {  	s0 =	sor.u32 @!p0 $0x14000, s2;
	s2 =	sand.u32 $0x800, s31  }
0x26: {  	[tilespmem:s0], [sflag:$0x1] =	stream.linear.gather @!p0 [hbm4b:s30+s14], $0x400, $0x38;
	[tilespmem:$0x1CC00] =	vst v63  }
0x27: {  	s14 =	sadd.s32 $0x13C00, s2  }
0x28: {  	[tilespmem:s20], [sflag:$0x2] =	stream.indirect.gather [hbm4b:s1+s19], $0x80, s14, s19, $0xb8;
	[tilespmem:$0x1CC00] =	vst v63  }
0x29: {  	s14 =	sadd.s32 $0x13C80, s2  }
0x2a: {  	[tilespmem:s21], [sflag:$0x3] =	stream.indirect.gather [hbm4b:s1+s19], $0x80, s14, s19, $0xb8;
	[tilespmem:$0x1CC00] =	vst v63  }
0x2b: {  	_ =	swait.ge [sflag:s22], $0x4000  }
0x2c: {  	[sflag:s22] =	ssyncset.done $0x0  }
0x2d: {  	s14 =	sor.u32 $0x14000, s2;
	[sflag:s22] =	ssyncadd.s32 $0xFFFFC000  }
0x2e: {  	[spmem:s3] =	stream.indirect.scatter.add.f32 [tilespmem:s20], [sflag:$0x4], $0x80, s14, s19, $0xb8;
	[tilespmem:$0x1CC00] =	vst v63  }
0x2f: {  	_ =	swait.ge [sflag:s23], $0x4000  }
0x30: {  	[sflag:s23] =	ssyncset.done $0x0  }
0x31: {  	s14 =	sor.u32 $0x14080, s2;
	[sflag:s23] =	ssyncadd.s32 $0xFFFFC000  }
0x32: {  	[spmem:s3] =	stream.indirect.scatter.add.f32 [tilespmem:s21], [sflag:$0x5], $0x80, s14, s19, $0xb8;
	[tilespmem:$0x1CC00] =	vst v63  }
0x33: {  	_ =	swait.ge [sflag:s24], $0x4000  }
0x34: {  	[sflag:s24] =	ssyncset.done $0x0  }
0x35: {  	[sflag:s24] =	ssyncadd.s32 $0xFFFFC000  }
0x36: {  	_ =	swait.ge [sflag:s25], $0x4000  }
0x37: {  	[sflag:s25] =	ssyncset.done $0x0  }
0x38: {  	s14 =	sadd.s32 $0x13D00, s2;
	[sflag:s25] =	ssyncadd.s32 $0xFFFFC000  }
0x39: {  	[tilespmem:s20], [sflag:$0x2] =	stream.indirect.gather [hbm4b:s1+s19], $0x80, s14, s19, $0xb8;
	[tilespmem:$0x1CC00] =	vst v63  }
0x3a: {  	s14 =	sadd.s32 $0x13D80, s2  }
0x3b: {  	[tilespmem:s21], [sflag:$0x3] =	stream.indirect.gather [hbm4b:s1+s19], $0x80, s14, s19, $0xb8;
	[tilespmem:$0x1CC00] =	vst v63  }
0x3c: {  	_ =	swait.ge [sflag:s22], $0x4000  }
0x3d: {  	[sflag:s22] =	ssyncset.done $0x0  }
0x3e: {  	s14 =	sor.u32 $0x14100, s2;
	[sflag:s22] =	ssyncadd.s32 $0xFFFFC000  }
0x3f: {  	[spmem:s3] =	stream.indirect.scatter.add.f32 [tilespmem:s20], [sflag:$0x4], $0x80, s14, s19, $0xb8;
	[tilespmem:$0x1CC00] =	vst v63  }
0x40: {  	_ =	swait.ge [sflag:s23], $0x4000  }
0x41: {  	[sflag:s23] =	ssyncset.done $0x0  }
0x42: {  	s14 =	sor.u32 $0x14180, s2;
	[sflag:s23] =	ssyncadd.s32 $0xFFFFC000  }
0x43: {  	[spmem:s3] =	stream.indirect.scatter.add.f32 [tilespmem:s21], [sflag:$0x5], $0x80, s14, s19, $0xb8;
	[tilespmem:$0x1CC00] =	vst v63  }
0x44: {  	_ =	swait.ge [sflag:s24], $0x4000  }
0x45: {  	[sflag:s24] =	ssyncset.done $0x0  }
0x46: {  	[sflag:s24] =	ssyncadd.s32 $0xFFFFC000  }
0x47: {  	_ =	swait.ge [sflag:s25], $0x4000  }
0x48: {  	[sflag:s25] =	ssyncset.done $0x0  }
0x49: {  	s14 =	sadd.s32 $0x13E00, s2;
	[sflag:s25] =	ssyncadd.s32 $0xFFFFC000  }
0x4a: {  	[tilespmem:s20], [sflag:$0x2] =	stream.indirect.gather [hbm4b:s1+s19], $0x80, s14, s19, $0xb8;
	[tilespmem:$0x1CC00] =	vst v63  }
0x4b: {  	s14 =	sadd.s32 $0x13E80, s2  }
0x4c: {  	[tilespmem:s21], [sflag:$0x3] =	stream.indirect.gather [hbm4b:s1+s19], $0x80, s14, s19, $0xb8;
	[tilespmem:$0x1CC00] =	vst v63  }
0x4d: {  	_ =	swait.ge [sflag:s22], $0x4000  }
0x4e: {  	[sflag:s22] =	ssyncset.done $0x0  }
0x4f: {  	s14 =	sor.u32 $0x14200, s2;
	[sflag:s22] =	ssyncadd.s32 $0xFFFFC000  }
0x50: {  	[spmem:s3] =	stream.indirect.scatter.add.f32 [tilespmem:s20], [sflag:$0x4], $0x80, s14, s19, $0xb8;
	[tilespmem:$0x1CC00] =	vst v63  }
0x51: {  	_ =	swait.ge [sflag:s23], $0x4000  }
0x52: {  	[sflag:s23] =	ssyncset.done $0x0  }
0x53: {  	s14 =	sor.u32 $0x14280, s2;
	[sflag:s23] =	ssyncadd.s32 $0xFFFFC000  }
0x54: {  	[spmem:s3] =	stream.indirect.scatter.add.f32 [tilespmem:s21], [sflag:$0x5], $0x80, s14, s19, $0xb8;
	[tilespmem:$0x1CC00] =	vst v63  }
0x55: {  	_ =	swait.ge [sflag:s24], $0x4000  }
0x56: {  	[sflag:s24] =	ssyncset.done $0x0  }
0x57: {  	[sflag:s24] =	ssyncadd.s32 $0xFFFFC000  }
0x58: {  	_ =	swait.ge [sflag:s25], $0x4000  }
0x59: {  	[sflag:s25] =	ssyncset.done $0x0  }
0x5a: {  	s14 =	sadd.s32 $0x13F00, s2;
	[sflag:s25] =	ssyncadd.s32 $0xFFFFC000  }
0x5b: {  	[tilespmem:s20], [sflag:$0x2] =	stream.indirect.gather [hbm4b:s1+s19], $0x80, s14, s19, $0xb8;
	[tilespmem:$0x1CC00] =	vst v63  }
0x5c: {  	s14 =	sadd.s32 $0x13F80, s2  }
0x5d: {  	[tilespmem:s21], [sflag:$0x3] =	stream.indirect.gather [hbm4b:s1+s19], $0x80, s14, s19, $0xb8;
	[tilespmem:$0x1CC00] =	vst v63  }
0x5e: {  	_ =	swait.ge [sflag:s22], $0x4000  }
0x5f: {  	[sflag:s22] =	ssyncset.done $0x0  }
0x60: {  	s14 =	sor.u32 $0x14300, s2;
	[sflag:s22] =	ssyncadd.s32 $0xFFFFC000  }
0x61: {  	[spmem:s3] =	stream.indirect.scatter.add.f32 [tilespmem:s20], [sflag:$0x4], $0x80, s14, s19, $0xb8;
	[tilespmem:$0x1CC00] =	vst v63  }
0x62: {  	_ =	swait.ge [sflag:s23], $0x4000  }
0x63: {  	[sflag:s23] =	ssyncset.done $0x0  }
0x64: {  	s2 =	sor.u32 $0x14380, s2;
	[sflag:s23] =	ssyncadd.s32 $0xFFFFC000  }
0x65: {  	[spmem:s3] =	stream.indirect.scatter.add.f32 [tilespmem:s21], [sflag:$0x5], $0x80, s2, s19, $0xb8;
	[tilespmem:$0x1CC00] =	vst v63  }
0x66: {  	_ =	swait.ge [sflag:s24], $0x4000  }
0x67: {  	[sflag:s24] =	ssyncset.done $0x0  }
0x68: {  	[sflag:s24] =	ssyncadd.s32 $0xFFFFC000  }
0x69: {  	_ =	swait.ge [sflag:s25], $0x4000  }
0x6a: {  	s31 =	sadd.s32 $0x800, s31;
	s14 =	rddreg [dreg:$0x4]  }
0x6b: {  	p0 =	sne.s32 s14, s31  }
.Ltmp0:
0x6c: {  	_ = 	snop;
	(pc) =	sbr.rel @p0 .LBB2_2-.Ltmp0, $3  }
0x6d: {  	_ =	sdelay $0x1  }
0x6e: {  	s28 =	sadd.s32 $0x1, s28;
	[sflag:s25] =	ssyncset.done $0x0  }
0x6f: {  	s29 =	sadd.s32 $0x80, s29;
	s30 =	sadd.s32 $0x80, s30;
	[sflag:s25] =	ssyncadd.s32 $0xFFFFC000  }
0x70: {  	s26 =	sadd.s32 $0x1, s26  }
0x71: {  	p0 =	sne.s32 s26, s11  }
.Ltmp1:
0x72: {  	[bflag:$0x0] =	sbarrier.arrive $0xFFFF;
	(pc) =	sbr.rel @p0 .LBB2_1-.Ltmp1, $4  }
0x73: {  	[hbm:s10], [sflag:s9] =	dma.local [spmem:s16], $0x2780  }
0x74: {  	_ =	swait.ge [sflag:s17], $0x2780  }
0x75: {  	[sflag:s17] =	ssyncset.done $0x0  }
0x76: {  	[sflag:s17] =	ssyncadd.s32 $0xFFFFD880  }
0x77: {  	_ =	sfence.sel $0x180000  }
0x78: {  	[bflag:$0x0] =	sbarrier.arrive $0xFFFF  }
0x79: {  	_ =	strace $0x90000050  }
0x7a: {  	s0 =	stileid.u32;
	[bflag:$0x2] =	sbarrier.arrive $0xFFFF  }
0x7b: {  	p0 =	sne.s32 s0, $0x0;
	s0 =	rddreg [dreg:$0x3]  }
0x7c: {  	s0 =	sadd.s32 @!p0 $0x100000, s0  }
0x7d: {  	[sflag:s0] =	ssyncadd.tile.s32 @!p0 $0x1;
	_ =	shalt  }
.Lfunc_end2:
_tile_overlayer_lowered:
.L_overlay_start_2:
0x7e: {  	(tag) =	ssettag $0x2  }
0x7f: {  	s0 =	rddreg [dreg:$0x0];
	s2 =	stileid.u32  }
0x80: {  	s1 =	rddreg [dreg:$0x1];
	p0 =	sne.s32 s2, $0x0  }
0x81: {  	s3 =	rddreg [dreg:$0x2];
	[bflag:$0x3] =	sbarrier.arrive $0xFFFF;
	s2 =	simm.s32 @!p0 $0x1C06  }
0x82: {  	[timem:s3], [sflag:s2] =	dma.local @!p0 [hbm:s0], s1  }
0x83: {  	s0 =	simm.s32 @!p0 $0x6  }
0x84: {  	_ =	swait.ge @!p0 [sflag:s0], s1  }
0x85: {  	s1 =	ssub.s32 @!p0 $0x0, s1;
	[sflag:s0] =	ssyncset.done @!p0 $0x0  }
0x86: {  	[sflag:s0] =	ssyncadd.s32 @!p0 s1  }
0x87: {  	[bflag:$0x3] =	sbarrier.arrive $0xFFFF  }
0x88: {  	_ =	shalt  }

// kernel: kernel.26.cloned.1.call-start
scs
__scs_entry_jumppad:
0x0: {  	(pc) =	sbr.rel $0x88, $3  }
0x1: {  	(tag) =	ssettag $0x0;
	lr =	simm.s32 $0x1  }
0x2: {  	[smem:$0x3F88] =	sst lr;
	_ =	strace $0xD0000000  }
0x3: {  	_ = 	snop  }
0x4: {  	_ = 	snop  }
0x5: {  	_ = 	snop  }
0x6: {  	_ = 	snop  }
0x7: {  	_ = 	snop  }
__scs_overlays_trampoline_lowered:
0x8: {  	[smem:$0x3F97] =	sst s0  }
0x9: {  	[smem:$0x3F98] =	sst s1  }
0xa: {  	[smem:$0x3F99] =	sst s2  }
0xb: {  	[smem:$0x3F9A] =	sst s3  }
0xc: {  	[smem:$0x3F9B] =	sst s4  }
0xd: {  	[smem:$0x3F9C] =	sst s5  }
0xe: {  	[smem:$0x3F9D] =	sst s6  }
0xf: {  	[smem:$0x3F9E] =	sst s7  }
0x10: {  	[smem:$0x3F9F] =	sst s8  }
0x11: {  	[smem:$0x3FA0] =	sst s9;
	s0 =	simm.s32 @!p0 $0x0  }
0x12: {  	s1 =	sld [smem:$0x3F86];
	s0 =	simm.s32 @p0 $0x1  }
0x13: {  	[smem:$0x3FA1] =	sst s0;
	s0 =	simm.s32 @!p1 $0x0  }
0x14: {  	s2 =	sld [smem:$0x3F85];
	s0 =	simm.s32 @p1 $0x1  }
0x15: {  	[smem:$0x3FA2] =	sst s0;
	s0 =	simm.s32 @!p2 $0x0  }
0x16: {  	s3 =	sld [smem:$0x3FDB];
	s0 =	simm.s32 @p2 $0x1  }
0x17: {  	s4 =	simm.s32 $0x1BF5;
	[smem:$0x3FA4] =	sst s0  }
0x18: {  	s0 =	sld [smem:$0x3F87];
	_ =	swait.ge [sflag:s4], $0x0  }
0x19: {  	s7 =	sld [smem:$0x3F88]  }
0x1a: {  	s8 =	sadd.s32 $0xFFFFE003, lr  }
0x1b: {  	s9 =	sadd.s32 $0xFFFFFEF7, lr;
	s5 =	simm.s32 $0xFFFFFFFF;
	p2 =	slt.u32 s8, $0xFFFFF086  }
0x1c: {  	p1 =	slt.u32 s9, $0xF7A;
	s5 =	simm.s32 @!p2 $0x0  }
0x1d: {  	s5 =	simm.s32 @p1 $0x1;
	p0 =	seq.s32 s7, s2  }
0x1e: {  	s7 =	smul.u32 @!p0 $0xF7A, s2;
	p2 =	seq.s32 @!p0 s5, $0x0  }
0x1f: {  	s9 =	smul.u32 $0xF7A, s1;
	s8 =	simm.s32 @!p0 $0x1BF5;
	p2 =	por !p2, p0  }
0x20: {  	[sflag:s8] =	ssyncset.s32 @!p0 $0xFFFFF086;
	s6 =	sadd.s32 @!p0 s3, s7;
	s7 =	simm.s32 @!p0 $0x108  }
0x21: {  	s3 =	sadd.s32 s3, s9;
	s6 =	sadd.s32 @!p0 $0x88, s6;
	s7 =	simm.s32 @p2 $0x1082  }
0x22: {  	[simem:s7], [sflag:s8] =	dma.local @!p0 [hbm:s6], $0xF7A  }
0x23: {  	s9 =	sor.u32 $0xD0000000, s2;
	s6 =	simm.s32 $0x108;
	_ =	swait.ge @!p0 [sflag:s8], $0x0  }
0x24: {  	s3 =	sadd.s32 $0x88, s3;
	s6 =	simm.s32 @!p1 $0x1082;
	[sflag:s4] =	ssyncset.s32 $0xFFFFF086  }
0x25: {  	[simem:s6], [sflag:s4] =	dma.local [hbm:s3], $0xF7A  }
0x26: {  	[smem:$0x3F88] =	sst s1;
	(tag) =	ssettag s2;
	_ =	strace s9  }
0x27: {  	s1 =	sld [smem:$0x3F98]  }
0x28: {  	s2 =	sld [smem:$0x3F99]  }
0x29: {  	s4 =	sld [smem:$0x3F9B]  }
0x2a: {  	p0 =	seq.s32 s5, $0x0;
	s5 =	sld [smem:$0x3F9C]  }
0x2b: {  	s6 =	sld [smem:$0x3F9D]  }
0x2c: {  	s7 =	sld [smem:$0x3F9E]  }
0x2d: {  	s3 =	simm.s32 $0x108;
	s8 =	sld [smem:$0x3F9F]  }
0x2e: {  	s3 =	simm.s32 @!p0 $0x1082;
	s9 =	sld [smem:$0x3FA0]  }
0x2f: {  	lr =	sadd.s32 s0, s3;
	s0 =	sld [smem:$0x3F97]  }
0x30: {  	s3 =	sld [smem:$0x3F9A]  }
0x31: {  	[smem:$0x3FA3] =	sst s10  }
0x32: {  	s10 =	sld [smem:$0x3FA1];
	_ =	sdelay $0x3  }
0x33: {  	p0 =	seq.s32 s10, $0x1;
	s10 =	sld [smem:$0x3FA3];
	_ =	sdelay $0x3  }
0x34: {  	[smem:$0x3FA3] =	sst s10  }
0x35: {  	s10 =	sld [smem:$0x3FA2];
	_ =	sdelay $0x3  }
0x36: {  	p1 =	seq.s32 s10, $0x1;
	s10 =	sld [smem:$0x3FA3];
	_ =	sdelay $0x3  }
0x37: {  	[smem:$0x3FA3] =	sst s10  }
0x38: {  	s10 =	sld [smem:$0x3FA4]  }
0x39: {  	_ = 	snop;
	(pc) =	sbr.ind lr, $3  }
0x3a: {  	_ = 	snop  }
0x3b: {  	_ = 	snop  }
0x3c: {  	p2 =	seq.s32 s10, $0x1;
	s10 =	sld [smem:$0x3FA3]  }
0x3d: {  	_ =	shalt  }
0x3e: {  	_ =	shalt  }
0x3f: {  	_ =	shalt  }
0x40: {  	_ =	shalt  }
0x41: {  	_ =	shalt  }
0x42: {  	_ =	shalt  }
0x43: {  	_ =	shalt  }
0x44: {  	_ =	shalt  }
0x45: {  	_ =	shalt  }
0x46: {  	_ =	shalt  }
0x47: {  	_ =	shalt  }
0x48: {  	_ =	shalt  }
0x49: {  	_ =	shalt  }
0x4a: {  	_ =	shalt  }
0x4b: {  	_ =	shalt  }
0x4c: {  	_ =	shalt  }
0x4d: {  	_ =	shalt  }
0x4e: {  	_ =	shalt  }
0x4f: {  	_ =	shalt  }
0x50: {  	_ =	shalt  }
0x51: {  	_ =	shalt  }
0x52: {  	_ =	shalt  }
0x53: {  	_ =	shalt  }
0x54: {  	_ =	shalt  }
0x55: {  	_ =	shalt  }
0x56: {  	_ =	shalt  }
0x57: {  	_ =	shalt  }
0x58: {  	_ =	shalt  }
0x59: {  	_ =	shalt  }
0x5a: {  	_ =	shalt  }
0x5b: {  	_ =	shalt  }
0x5c: {  	_ =	shalt  }
0x5d: {  	_ =	shalt  }
0x5e: {  	_ =	shalt  }
0x5f: {  	_ =	shalt  }
0x60: {  	_ =	shalt  }
0x61: {  	_ =	shalt  }
0x62: {  	_ =	shalt  }
0x63: {  	_ =	shalt  }
0x64: {  	_ =	shalt  }
0x65: {  	_ =	shalt  }
0x66: {  	_ =	shalt  }
0x67: {  	_ =	shalt  }
0x68: {  	_ =	shalt  }
0x69: {  	_ =	shalt  }
0x6a: {  	_ =	shalt  }
0x6b: {  	_ =	shalt  }
0x6c: {  	_ =	shalt  }
0x6d: {  	_ =	shalt  }
0x6e: {  	_ =	shalt  }
0x6f: {  	_ =	shalt  }
0x70: {  	_ =	shalt  }
0x71: {  	_ =	shalt  }
0x72: {  	_ =	shalt  }
0x73: {  	_ =	shalt  }
0x74: {  	_ =	shalt  }
0x75: {  	_ =	shalt  }
0x76: {  	_ =	shalt  }
0x77: {  	_ =	shalt  }
0x78: {  	_ =	shalt  }
0x79: {  	_ =	shalt  }
0x7a: {  	_ =	shalt  }
0x7b: {  	_ =	shalt  }
0x7c: {  	_ =	shalt  }
0x7d: {  	_ =	shalt  }
0x7e: {  	_ =	shalt  }
0x7f: {  	_ =	shalt  }
0x80: {  	_ =	shalt  }
0x81: {  	_ =	shalt  }
0x82: {  	_ =	shalt  }
0x83: {  	_ =	shalt  }
0x84: {  	_ =	shalt  }
0x85: {  	_ =	shalt  }
0x86: {  	_ =	shalt  }
0x87: {  	_ =	shalt  }
.Lfunc_end0:
.L_simem_size_0:
called_computation.4_lowered:
.L_overlay_start_0:
0x88: {  	s2 =	sld [smem:$0x3FD9]  }
0x89: {  	s3 =	sld [smem:$0x3FFE];
	_ =	sdelay $0x1  }
0x8a: {  	s1 =	srdreg.scid  }
0x8b: {  	s0 =	sand.u32 $0x1, s1  }
0x8c: {  	s17 =	sshll.u32 s0, $0xA;
	s2 =	sadd.s32 s3, s2  }
0x8d: {  	s2 =	sadd.s32 s2, s17  }
0x8e: {  	[smem:$0x3FAF] =	sst s2  }
0x8f: {  	_ = 	snop  }
0x90: {  	s2 =	sld [smem:$0x3FD0];
	(tm) =	ssettm $0x1  }
0x91: {  	s18 =	sld [smem:$0x3FFB];
	_ =	sdelay $0x3  }
0x92: {  	_ =	strace s18  }
0x93: {  	s3 =	sld [smem:$0x3FFC];
	_ =	sdelay $0x3  }
0x94: {  	_ =	strace s3  }
0x95: {  	s3 =	sld [smem:$0x3FFD];
	_ =	sdelay $0x3  }
0x96: {  	_ =	strace s3  }
0x97: {  	_ =	strace $0x8FFFFFFF  }
0x98: {  	s19 =	sld [smem:$0x3FDB];
	_ =	sdelay $0x1  }
0x99: {  	s4 =	simm.s32 $_scs_section_size  }
0x9a: {  	s5 =	simm.s32 $_size__tile_overlayer_lowered;
	s6 =	simm.s32 $_tile_overlayer_lowered  }
0x9b: {  	s22 =	simm.s32 $0x1BFF;
	s21 =	sshll.u32 s6, $0x1;
	s3 =	sadd.s32 s4, s19  }
0x9c: {  	s7 =	simm.s32 $0x0;
	s20 =	sshll.u32 s5, $0x1;
	s5 =	sadd.s32 s21, s3  }
0x9d: {  	[timem:s7], [sflag:s22] =	dma.local [hbm:s5], s20  }
0x9e: {  	_ =	swait.ge [sflag:s22], s20  }
0x9f: {  	s4 =	ssub.s32 $0x0, s20;
	[sflag:s22] =	ssyncset.done $0x0  }
0xa0: {  	[sflag:s22] =	ssyncadd.s32 s4;
	_ =	sdelay $0x1  }
0xa1: {  	s23 =	simm.s32 $0x1B8B  }
0xa2: {  	_ =	swait.ge [sflag:s23], $0x1  }
0xa3: {  	[sflag:s23] =	ssyncset.done $0x0  }
0xa4: {  	s25 =	simm.s32 $0x1B8E;
	s24 =	sld [smem:$0x3FFE];
	[sflag:s23] =	ssyncadd.s32 $0xFFFFFFFF  }
0xa5: {  	s26 =	simm.s32 $execute0_lowered;
	[smem:$0x3FD2] =	sst s25  }
0xa6: {  	s5 =	sshll.u32 s26, $0x1;
	_ =	strace $0x80000052;
	[dreg:$0x1] =	wrdreg $0xFFFFFFFF  }
0xa7: {  	s28 =	simm.s32 $_size_execute0_lowered;
	s3 =	sadd.s32 s3, s5;
	[dreg:$0x0] =	wrdreg $0x0  }
0xa8: {  	s5 =	sshll.u32 s28, $0x1;
	[dreg:$0x2] =	wrdreg s3  }
0xa9: {  	[dreg:$0x3] =	wrdreg s5  }
0xaa: {  	[dreg:$0x4] =	wrdreg $0xC0  }
0xab: {  	_ =	task [dreg:s7], $0x5FFFF  }
0xac: {  	[dreg:$0x1] =	wrdreg $0xFFFFFFFF  }
0xad: {  	[dreg:$0x0] =	wrdreg $0x60  }
0xae: {  	[dreg:$0x2] =	wrdreg s2  }
0xaf: {  	[dreg:$0x3] =	wrdreg s24  }
0xb0: {  	[dreg:$0x4] =	wrdreg $0x0  }
0xb1: {  	[dreg:$0x5] =	wrdreg $0x9  }
0xb2: {  	_ =	task.clear_ibuf [dreg:s7], $0x6FFFF;
	_ =	strace $0x90000052  }
0xb3: {  	s29 =	simm.s32 $0x9;
	_ =	strace $0x80000054  }
0xb4: {  	_ =	swait.ge [sflag:s29], $0x1  }
0xb5: {  	[sflag:s29] =	ssyncadd.s32 $0xFFFFFFFF  }
0xb6: {  	_ =	strace $0x90000054  }
0xb7: {  	_ =	sfence  }
0xb8: {  	s30 =	sld [smem:$0x0];
	_ =	sdelay $0x2  }
0xb9: {  	s31 =	sshll.u32 s1, $0xD;
	s1 =	sshrl.u32 s1, $0x2  }
0xba: {  	s3 =	sand.u32 $0x4000, s31;
	s1 =	sadd.s32 s1, s30  }
0xbb: {  	s0 =	sor.u32 s3, s0;
	s1 =	sshll.u32 s1, $0x11  }
0xbc: {  	s0 =	sor.u32 s1, s0  }
0xbd: {  	s0 =	sadd.s32 $0x8F2B, s0  }
0xbe: {  	[sflag:s0] =	ssyncadd.remote.s32 $0x1  }
0xbf: {  	_ =	sfence.sel $0xFFFF  }
0xc0: {  	[dreg:$0x0] =	wrdreg $0xFFFFFFFF;
	(pc) =	sbr.abs _section_cstart, $3  }
0xc1: {  	[dreg:$0x1] =	wrdreg $0xFFFFFFFF  }
0xc2: {  	_ =	task.clear_ibuf [dreg:s7], $0x2FFFF;
	_ =	strace $0x9FFFFFFF  }
0xc3: {  	(tm) =	ssettm $0x7FFFFFFF  }
tec
execute0_lowered:
.L_overlay_start_1:
0x0: {  	(tag) =	ssettag $0x1  }
0x1: {  	s1 =	rddreg [dreg:$0x0]  }
0x2: {  	s2 =	rddreg [dreg:$0x1]  }
0x3: {  	s3 =	rddreg [dreg:$0x2]  }
0x4: {  	s4 =	srdreg.scid;
	s0 =	stileid.u32;
	s15 =	simm.s32 $0x14000  }
0x5: {  	s17 =	simm.s32 $0x6;
	s18 =	simm.s32 $0x1;
	s19 =	simm.s32 $0x80  }
0x6: {  	s20 =	simm.s32 $0x14C00;
	s21 =	simm.s32 $0x18C00;
	s22 =	simm.s32 $0x2  }
0x7: {  	s23 =	simm.s32 $0x3;
	s24 =	simm.s32 $0x4;
	s6 =	smul.u32 $0x98, s0  }
0x8: {  	s5 =	sand.u32 $0x1, s4;
	s25 =	sshll.u32 s0, $0x3;
	s26 =	smul.u32 $0x13C00, s0  }
0x9: {  	s4 =	simm.s32 $0x0;
	s30 =	smul.u32 $0x4F000, s0;
	s10 =	sshll.u32 s0, $0x6  }
0xa: {  	p0 =	seq.s32 s5, $0x0;
	s7 =	sor.u32 $0x980, s25;
	[smem:$0x7FF] =	sst s4  }
0xb: {  	s8 =	smul.u32 $0x13C000, s5;
	s5 =	ssub.s32 $0x2, s5;
	s25 =	simm.s32 $0x5  }
0xc: {  	s7 =	smov.u32 @p0 s6;
	_ =	strace $0x80000053;
	s28 =	sshrl.u32 s26, $0x3  }
0xd: {  	s29 =	sshrl.u32 s5, $0x1;
	s7 =	sshll.u32 s7, $0x4;
	s9 =	sadd.s32 s28, s2  }
0xe: {  	s6 =	sadd.s32 s26, s8;
	s11 =	ssub.s32 s5, s29;
	s5 =	simm.s32 $0x13  }
0xf: {  	s8 =	sshrl.u32 s30, $0x2;
	s26 =	simm.s32 $0x0;
	s13 =	sadd.s32 s7, s2  }
0x10: {  	s6 =	sshrl.u32 s6, $0x3;
	s5 =	simm.s32 @!p0 $0x1;
	s16 =	sadd.s32 s8, s3  }
0x11: {  	s8 =	sadd.s32 $0x19C00, s9;
	s9 =	sor.u32 $0x1C06, s10;
	s11 =	smax.u32 s11, $0x1  }
0x12: {  	s2 =	sadd.s32 s6, s2;
	s6 =	sadd.s32 $0xFC00, s13;
	s7 =	sadd.s32 $0x5C00, s13  }
0x13: {  	s12 =	sadd.s32 $0x5C80, s13;
	s31 =	sshll.u32 s5, $0xB;
	s13 =	sadd.s32 $0xFC80, s13  }
0x14: {  	s16 =	sshrl.u32 s16, $0x3;
	s10 =	sadd.s32 $0x41400, s2;
	[dreg:$0x4] =	wrdreg s31  }
.LBB2_1:
0x15: {  	s0 =	simm.s32 $0x13C00  }
0x16: {  	[tilespmem:s0], [sflag:$0x1] =	stream.linear.gather [hbm4b:s6+s4], $0x400, $0x38;
	[tilespmem:$0x1CC00] =	vst v63  }
0x17: {  	_ = 	snop  }
0x18: {  	[tilespmem:s15], [sflag:$0x1] =	stream.linear.gather [hbm4b:s7+s4], $0x400, $0x38;
	[tilespmem:$0x1CC00] =	vst v63  }
0x19: {  	[spmem:s16], [sflag:s9] =	dma.local [hbm:s8], $0x2780  }
0x1a: {  	_ =	swait.ge [sflag:s17], $0x2780  }
0x1b: {  	[sflag:s17] =	ssyncset.done $0x0  }
0x1c: {  	s28 =	simm.s32 $0x1;
	s29 =	smov.u32 s13;
	[sflag:s17] =	ssyncadd.s32 $0xFFFFD880  }
0x1d: {  	s30 =	smov.u32 s12;
	s31 =	simm.s32 $0x0;
	[bflag:$0x0] =	sbarrier.arrive $0xFFFF  }
.LBB2_2:
0x1e: {  	_ =	swait.ge [sflag:s18], $0x400  }
0x1f: {  	[sflag:s18] =	ssyncset.done $0x0  }
0x20: {  	p0 =	sge.u32 s28, s5;
	[sflag:s18] =	ssyncadd.s32 $0xFFFFFC00  }
0x21: {  	s2 =	sxor.u32 @!p0 $0xFFFFFFFF, s31;
	_ =	swait.ge [sflag:s18], $0x400  }
0x22: {  	s2 =	sand.u32 @!p0 $0x800, s2;
	[sflag:s18] =	ssyncset.done $0x0  }
0x23: {  	s14 =	simm.s32 @!p0 $0x0;
	s0 =	sadd.s32 @!p0 $0x13C00, s2;
	[sflag:s18] =	ssyncadd.s32 $0xFFFFFC00  }
0x24: {  	[tilespmem:s0], [sflag:$0x1] =	stream.linear.gather @!p0 [hbm4b:s29+s14], $0x400, $0x38;
	[tilespmem:$0x1CC00] =	vst v63  }
0x25: {  	s0 =	sor.u32 @!p0 $0x14000, s2;
	s2 =	sand.u32 $0x800, s31  }
0x26: {  	[tilespmem:s0], [sflag:$0x1] =	stream.linear.gather @!p0 [hbm4b:s30+s14], $0x400, $0x38;
	[tilespmem:$0x1CC00] =	vst v63  }
0x27: {  	s14 =	sadd.s32 $0x13C00, s2  }
0x28: {  	[tilespmem:s20], [sflag:$0x2] =	stream.indirect.gather [hbm4b:s1+s19], $0x80, s14, s19, $0xb8;
	[tilespmem:$0x1CC00] =	vst v63  }
0x29: {  	s14 =	sadd.s32 $0x13C80, s2  }
0x2a: {  	[tilespmem:s21], [sflag:$0x3] =	stream.indirect.gather [hbm4b:s1+s19], $0x80, s14, s19, $0xb8;
	[tilespmem:$0x1CC00] =	vst v63  }
0x2b: {  	_ =	swait.ge [sflag:s22], $0x4000  }
0x2c: {  	[sflag:s22] =	ssyncset.done $0x0  }
0x2d: {  	s14 =	sor.u32 $0x14000, s2;
	[sflag:s22] =	ssyncadd.s32 $0xFFFFC000  }
0x2e: {  	[spmem:s3] =	stream.indirect.scatter.add.f32 [tilespmem:s20], [sflag:$0x4], $0x80, s14, s19, $0xb8;
	[tilespmem:$0x1CC00] =	vst v63  }
0x2f: {  	_ =	swait.ge [sflag:s23], $0x4000  }
0x30: {  	[sflag:s23] =	ssyncset.done $0x0  }
0x31: {  	s14 =	sor.u32 $0x14080, s2;
	[sflag:s23] =	ssyncadd.s32 $0xFFFFC000  }
0x32: {  	[spmem:s3] =	stream.indirect.scatter.add.f32 [tilespmem:s21], [sflag:$0x5], $0x80, s14, s19, $0xb8;
	[tilespmem:$0x1CC00] =	vst v63  }
0x33: {  	_ =	swait.ge [sflag:s24], $0x4000  }
0x34: {  	[sflag:s24] =	ssyncset.done $0x0  }
0x35: {  	[sflag:s24] =	ssyncadd.s32 $0xFFFFC000  }
0x36: {  	_ =	swait.ge [sflag:s25], $0x4000  }
0x37: {  	[sflag:s25] =	ssyncset.done $0x0  }
0x38: {  	s14 =	sadd.s32 $0x13D00, s2;
	[sflag:s25] =	ssyncadd.s32 $0xFFFFC000  }
0x39: {  	[tilespmem:s20], [sflag:$0x2] =	stream.indirect.gather [hbm4b:s1+s19], $0x80, s14, s19, $0xb8;
	[tilespmem:$0x1CC00] =	vst v63  }
0x3a: {  	s14 =	sadd.s32 $0x13D80, s2  }
0x3b: {  	[tilespmem:s21], [sflag:$0x3] =	stream.indirect.gather [hbm4b:s1+s19], $0x80, s14, s19, $0xb8;
	[tilespmem:$0x1CC00] =	vst v63  }
0x3c: {  	_ =	swait.ge [sflag:s22], $0x4000  }
0x3d: {  	[sflag:s22] =	ssyncset.done $0x0  }
0x3e: {  	s14 =	sor.u32 $0x14100, s2;
	[sflag:s22] =	ssyncadd.s32 $0xFFFFC000  }
0x3f: {  	[spmem:s3] =	stream.indirect.scatter.add.f32 [tilespmem:s20], [sflag:$0x4], $0x80, s14, s19, $0xb8;
	[tilespmem:$0x1CC00] =	vst v63  }
0x40: {  	_ =	swait.ge [sflag:s23], $0x4000  }
0x41: {  	[sflag:s23] =	ssyncset.done $0x0  }
0x42: {  	s14 =	sor.u32 $0x14180, s2;
	[sflag:s23] =	ssyncadd.s32 $0xFFFFC000  }
0x43: {  	[spmem:s3] =	stream.indirect.scatter.add.f32 [tilespmem:s21], [sflag:$0x5], $0x80, s14, s19, $0xb8;
	[tilespmem:$0x1CC00] =	vst v63  }
0x44: {  	_ =	swait.ge [sflag:s24], $0x4000  }
0x45: {  	[sflag:s24] =	ssyncset.done $0x0  }
0x46: {  	[sflag:s24] =	ssyncadd.s32 $0xFFFFC000  }
0x47: {  	_ =	swait.ge [sflag:s25], $0x4000  }
0x48: {  	[sflag:s25] =	ssyncset.done $0x0  }
0x49: {  	s14 =	sadd.s32 $0x13E00, s2;
	[sflag:s25] =	ssyncadd.s32 $0xFFFFC000  }
0x4a: {  	[tilespmem:s20], [sflag:$0x2] =	stream.indirect.gather [hbm4b:s1+s19], $0x80, s14, s19, $0xb8;
	[tilespmem:$0x1CC00] =	vst v63  }
0x4b: {  	s14 =	sadd.s32 $0x13E80, s2  }
0x4c: {  	[tilespmem:s21], [sflag:$0x3] =	stream.indirect.gather [hbm4b:s1+s19], $0x80, s14, s19, $0xb8;
	[tilespmem:$0x1CC00] =	vst v63  }
0x4d: {  	_ =	swait.ge [sflag:s22], $0x4000  }
0x4e: {  	[sflag:s22] =	ssyncset.done $0x0  }
0x4f: {  	s14 =	sor.u32 $0x14200, s2;
	[sflag:s22] =	ssyncadd.s32 $0xFFFFC000  }
0x50: {  	[spmem:s3] =	stream.indirect.scatter.add.f32 [tilespmem:s20], [sflag:$0x4], $0x80, s14, s19, $0xb8;
	[tilespmem:$0x1CC00] =	vst v63  }
0x51: {  	_ =	swait.ge [sflag:s23], $0x4000  }
0x52: {  	[sflag:s23] =	ssyncset.done $0x0  }
0x53: {  	s14 =	sor.u32 $0x14280, s2;
	[sflag:s23] =	ssyncadd.s32 $0xFFFFC000  }
0x54: {  	[spmem:s3] =	stream.indirect.scatter.add.f32 [tilespmem:s21], [sflag:$0x5], $0x80, s14, s19, $0xb8;
	[tilespmem:$0x1CC00] =	vst v63  }
0x55: {  	_ =	swait.ge [sflag:s24], $0x4000  }
0x56: {  	[sflag:s24] =	ssyncset.done $0x0  }
0x57: {  	[sflag:s24] =	ssyncadd.s32 $0xFFFFC000  }
0x58: {  	_ =	swait.ge [sflag:s25], $0x4000  }
0x59: {  	[sflag:s25] =	ssyncset.done $0x0  }
0x5a: {  	s14 =	sadd.s32 $0x13F00, s2;
	[sflag:s25] =	ssyncadd.s32 $0xFFFFC000  }
0x5b: {  	[tilespmem:s20], [sflag:$0x2] =	stream.indirect.gather [hbm4b:s1+s19], $0x80, s14, s19, $0xb8;
	[tilespmem:$0x1CC00] =	vst v63  }
0x5c: {  	s14 =	sadd.s32 $0x13F80, s2  }
0x5d: {  	[tilespmem:s21], [sflag:$0x3] =	stream.indirect.gather [hbm4b:s1+s19], $0x80, s14, s19, $0xb8;
	[tilespmem:$0x1CC00] =	vst v63  }
0x5e: {  	_ =	swait.ge [sflag:s22], $0x4000  }
0x5f: {  	[sflag:s22] =	ssyncset.done $0x0  }
0x60: {  	s14 =	sor.u32 $0x14300, s2;
	[sflag:s22] =	ssyncadd.s32 $0xFFFFC000  }
0x61: {  	[spmem:s3] =	stream.indirect.scatter.add.f32 [tilespmem:s20], [sflag:$0x4], $0x80, s14, s19, $0xb8;
	[tilespmem:$0x1CC00] =	vst v63  }
0x62: {  	_ =	swait.ge [sflag:s23], $0x4000  }
0x63: {  	[sflag:s23] =	ssyncset.done $0x0  }
0x64: {  	s2 =	sor.u32 $0x14380, s2;
	[sflag:s23] =	ssyncadd.s32 $0xFFFFC000  }
0x65: {  	[spmem:s3] =	stream.indirect.scatter.add.f32 [tilespmem:s21], [sflag:$0x5], $0x80, s2, s19, $0xb8;
	[tilespmem:$0x1CC00] =	vst v63  }
0x66: {  	_ =	swait.ge [sflag:s24], $0x4000  }
0x67: {  	[sflag:s24] =	ssyncset.done $0x0  }
0x68: {  	[sflag:s24] =	ssyncadd.s32 $0xFFFFC000  }
0x69: {  	_ =	swait.ge [sflag:s25], $0x4000  }
0x6a: {  	s31 =	sadd.s32 $0x800, s31;
	s14 =	rddreg [dreg:$0x4]  }
0x6b: {  	p0 =	sne.s32 s14, s31  }
.Ltmp0:
0x6c: {  	_ = 	snop;
	(pc) =	sbr.rel @p0 .LBB2_2-.Ltmp0, $3  }
0x6d: {  	_ =	sdelay $0x1  }
0x6e: {  	s28 =	sadd.s32 $0x1, s28;
	[sflag:s25] =	ssyncset.done $0x0  }
0x6f: {  	s29 =	sadd.s32 $0x80, s29;
	s30 =	sadd.s32 $0x80, s30;
	[sflag:s25] =	ssyncadd.s32 $0xFFFFC000  }
0x70: {  	s26 =	sadd.s32 $0x1, s26  }
0x71: {  	p0 =	sne.s32 s26, s11  }
.Ltmp1:
0x72: {  	[bflag:$0x0] =	sbarrier.arrive $0xFFFF;
	(pc) =	sbr.rel @p0 .LBB2_1-.Ltmp1, $4  }
0x73: {  	[hbm:s10], [sflag:s9] =	dma.local [spmem:s16], $0x2780  }
0x74: {  	_ =	swait.ge [sflag:s17], $0x2780  }
0x75: {  	[sflag:s17] =	ssyncset.done $0x0  }
0x76: {  	[sflag:s17] =	ssyncadd.s32 $0xFFFFD880  }
0x77: {  	_ =	sfence.sel $0x180000  }
0x78: {  	[bflag:$0x0] =	sbarrier.arrive $0xFFFF  }
0x79: {  	_ =	strace $0x90000053  }
0x7a: {  	s0 =	stileid.u32;
	[bflag:$0x2] =	sbarrier.arrive $0xFFFF  }
0x7b: {  	p0 =	sne.s32 s0, $0x0;
	s0 =	rddreg [dreg:$0x3]  }
0x7c: {  	s0 =	sadd.s32 @!p0 $0x100000, s0  }
0x7d: {  	[sflag:s0] =	ssyncadd.tile.s32 @!p0 $0x1;
	_ =	shalt  }
.Lfunc_end2:
_tile_overlayer_lowered:
.L_overlay_start_2:
0x7e: {  	(tag) =	ssettag $0x2  }
0x7f: {  	s0 =	rddreg [dreg:$0x0];
	s2 =	stileid.u32  }
0x80: {  	s1 =	rddreg [dreg:$0x1];
	p0 =	sne.s32 s2, $0x0  }
0x81: {  	s3 =	rddreg [dreg:$0x2];
	[bflag:$0x3] =	sbarrier.arrive $0xFFFF;
	s2 =	simm.s32 @!p0 $0x1C06  }
0x82: {  	[timem:s3], [sflag:s2] =	dma.local @!p0 [hbm:s0], s1  }
0x83: {  	s0 =	simm.s32 @!p0 $0x6  }
0x84: {  	_ =	swait.ge @!p0 [sflag:s0], s1  }
0x85: {  	s1 =	ssub.s32 @!p0 $0x0, s1;
	[sflag:s0] =	ssyncset.done @!p0 $0x0  }
0x86: {  	[sflag:s0] =	ssyncadd.s32 @!p0 s1  }
0x87: {  	[bflag:$0x3] =	sbarrier.arrive $0xFFFF  }
0x88: {  	_ =	shalt  }

// kernel: kernel.29.cloned.1.call-start
scs
__scs_entry_jumppad:
0x0: {  	(pc) =	sbr.rel $0x88, $3  }
0x1: {  	(tag) =	ssettag $0x0;
	lr =	simm.s32 $0x1  }
0x2: {  	[smem:$0x3F88] =	sst lr;
	_ =	strace $0xD0000000  }
0x3: {  	_ = 	snop  }
0x4: {  	_ = 	snop  }
0x5: {  	_ = 	snop  }
0x6: {  	_ = 	snop  }
0x7: {  	_ = 	snop  }
__scs_overlays_trampoline_lowered:
0x8: {  	[smem:$0x3F97] =	sst s0  }
0x9: {  	[smem:$0x3F98] =	sst s1  }
0xa: {  	[smem:$0x3F99] =	sst s2  }
0xb: {  	[smem:$0x3F9A] =	sst s3  }
0xc: {  	[smem:$0x3F9B] =	sst s4  }
0xd: {  	[smem:$0x3F9C] =	sst s5  }
0xe: {  	[smem:$0x3F9D] =	sst s6  }
0xf: {  	[smem:$0x3F9E] =	sst s7  }
0x10: {  	[smem:$0x3F9F] =	sst s8  }
0x11: {  	[smem:$0x3FA0] =	sst s9;
	s0 =	simm.s32 @!p0 $0x0  }
0x12: {  	s1 =	sld [smem:$0x3F86];
	s0 =	simm.s32 @p0 $0x1  }
0x13: {  	[smem:$0x3FA1] =	sst s0;
	s0 =	simm.s32 @!p1 $0x0  }
0x14: {  	s2 =	sld [smem:$0x3F85];
	s0 =	simm.s32 @p1 $0x1  }
0x15: {  	[smem:$0x3FA2] =	sst s0;
	s0 =	simm.s32 @!p2 $0x0  }
0x16: {  	s3 =	sld [smem:$0x3FDB];
	s0 =	simm.s32 @p2 $0x1  }
0x17: {  	s4 =	simm.s32 $0x1BF5;
	[smem:$0x3FA4] =	sst s0  }
0x18: {  	s0 =	sld [smem:$0x3F87];
	_ =	swait.ge [sflag:s4], $0x0  }
0x19: {  	s7 =	sld [smem:$0x3F88]  }
0x1a: {  	s8 =	sadd.s32 $0xFFFFE003, lr  }
0x1b: {  	s9 =	sadd.s32 $0xFFFFFEF7, lr;
	s5 =	simm.s32 $0xFFFFFFFF;
	p2 =	slt.u32 s8, $0xFFFFF086  }
0x1c: {  	p1 =	slt.u32 s9, $0xF7A;
	s5 =	simm.s32 @!p2 $0x0  }
0x1d: {  	s5 =	simm.s32 @p1 $0x1;
	p0 =	seq.s32 s7, s2  }
0x1e: {  	s7 =	smul.u32 @!p0 $0xF7A, s2;
	p2 =	seq.s32 @!p0 s5, $0x0  }
0x1f: {  	s9 =	smul.u32 $0xF7A, s1;
	s8 =	simm.s32 @!p0 $0x1BF5;
	p2 =	por !p2, p0  }
0x20: {  	[sflag:s8] =	ssyncset.s32 @!p0 $0xFFFFF086;
	s6 =	sadd.s32 @!p0 s3, s7;
	s7 =	simm.s32 @!p0 $0x108  }
0x21: {  	s3 =	sadd.s32 s3, s9;
	s6 =	sadd.s32 @!p0 $0x88, s6;
	s7 =	simm.s32 @p2 $0x1082  }
0x22: {  	[simem:s7], [sflag:s8] =	dma.local @!p0 [hbm:s6], $0xF7A  }
0x23: {  	s9 =	sor.u32 $0xD0000000, s2;
	s6 =	simm.s32 $0x108;
	_ =	swait.ge @!p0 [sflag:s8], $0x0  }
0x24: {  	s3 =	sadd.s32 $0x88, s3;
	s6 =	simm.s32 @!p1 $0x1082;
	[sflag:s4] =	ssyncset.s32 $0xFFFFF086  }
0x25: {  	[simem:s6], [sflag:s4] =	dma.local [hbm:s3], $0xF7A  }
0x26: {  	[smem:$0x3F88] =	sst s1;
	(tag) =	ssettag s2;
	_ =	strace s9  }
0x27: {  	s1 =	sld [smem:$0x3F98]  }
0x28: {  	s2 =	sld [smem:$0x3F99]  }
0x29: {  	s4 =	sld [smem:$0x3F9B]  }
0x2a: {  	p0 =	seq.s32 s5, $0x0;
	s5 =	sld [smem:$0x3F9C]  }
0x2b: {  	s6 =	sld [smem:$0x3F9D]  }
0x2c: {  	s7 =	sld [smem:$0x3F9E]  }
0x2d: {  	s3 =	simm.s32 $0x108;
	s8 =	sld [smem:$0x3F9F]  }
0x2e: {  	s3 =	simm.s32 @!p0 $0x1082;
	s9 =	sld [smem:$0x3FA0]  }
0x2f: {  	lr =	sadd.s32 s0, s3;
	s0 =	sld [smem:$0x3F97]  }
0x30: {  	s3 =	sld [smem:$0x3F9A]  }
0x31: {  	[smem:$0x3FA3] =	sst s10  }
0x32: {  	s10 =	sld [smem:$0x3FA1];
	_ =	sdelay $0x3  }
0x33: {  	p0 =	seq.s32 s10, $0x1;
	s10 =	sld [smem:$0x3FA3];
	_ =	sdelay $0x3  }
0x34: {  	[smem:$0x3FA3] =	sst s10  }
0x35: {  	s10 =	sld [smem:$0x3FA2];
	_ =	sdelay $0x3  }
0x36: {  	p1 =	seq.s32 s10, $0x1;
	s10 =	sld [smem:$0x3FA3];
	_ =	sdelay $0x3  }
0x37: {  	[smem:$0x3FA3] =	sst s10  }
0x38: {  	s10 =	sld [smem:$0x3FA4]  }
0x39: {  	_ = 	snop;
	(pc) =	sbr.ind lr, $3  }
0x3a: {  	_ = 	snop  }
0x3b: {  	_ = 	snop  }
0x3c: {  	p2 =	seq.s32 s10, $0x1;
	s10 =	sld [smem:$0x3FA3]  }
0x3d: {  	_ =	shalt  }
0x3e: {  	_ =	shalt  }
0x3f: {  	_ =	shalt  }
0x40: {  	_ =	shalt  }
0x41: {  	_ =	shalt  }
0x42: {  	_ =	shalt  }
0x43: {  	_ =	shalt  }
0x44: {  	_ =	shalt  }
0x45: {  	_ =	shalt  }
0x46: {  	_ =	shalt  }
0x47: {  	_ =	shalt  }
0x48: {  	_ =	shalt  }
0x49: {  	_ =	shalt  }
0x4a: {  	_ =	shalt  }
0x4b: {  	_ =	shalt  }
0x4c: {  	_ =	shalt  }
0x4d: {  	_ =	shalt  }
0x4e: {  	_ =	shalt  }
0x4f: {  	_ =	shalt  }
0x50: {  	_ =	shalt  }
0x51: {  	_ =	shalt  }
0x52: {  	_ =	shalt  }
0x53: {  	_ =	shalt  }
0x54: {  	_ =	shalt  }
0x55: {  	_ =	shalt  }
0x56: {  	_ =	shalt  }
0x57: {  	_ =	shalt  }
0x58: {  	_ =	shalt  }
0x59: {  	_ =	shalt  }
0x5a: {  	_ =	shalt  }
0x5b: {  	_ =	shalt  }
0x5c: {  	_ =	shalt  }
0x5d: {  	_ =	shalt  }
0x5e: {  	_ =	shalt  }
0x5f: {  	_ =	shalt  }
0x60: {  	_ =	shalt  }
0x61: {  	_ =	shalt  }
0x62: {  	_ =	shalt  }
0x63: {  	_ =	shalt  }
0x64: {  	_ =	shalt  }
0x65: {  	_ =	shalt  }
0x66: {  	_ =	shalt  }
0x67: {  	_ =	shalt  }
0x68: {  	_ =	shalt  }
0x69: {  	_ =	shalt  }
0x6a: {  	_ =	shalt  }
0x6b: {  	_ =	shalt  }
0x6c: {  	_ =	shalt  }
0x6d: {  	_ =	shalt  }
0x6e: {  	_ =	shalt  }
0x6f: {  	_ =	shalt  }
0x70: {  	_ =	shalt  }
0x71: {  	_ =	shalt  }
0x72: {  	_ =	shalt  }
0x73: {  	_ =	shalt  }
0x74: {  	_ =	shalt  }
0x75: {  	_ =	shalt  }
0x76: {  	_ =	shalt  }
0x77: {  	_ =	shalt  }
0x78: {  	_ =	shalt  }
0x79: {  	_ =	shalt  }
0x7a: {  	_ =	shalt  }
0x7b: {  	_ =	shalt  }
0x7c: {  	_ =	shalt  }
0x7d: {  	_ =	shalt  }
0x7e: {  	_ =	shalt  }
0x7f: {  	_ =	shalt  }
0x80: {  	_ =	shalt  }
0x81: {  	_ =	shalt  }
0x82: {  	_ =	shalt  }
0x83: {  	_ =	shalt  }
0x84: {  	_ =	shalt  }
0x85: {  	_ =	shalt  }
0x86: {  	_ =	shalt  }
0x87: {  	_ =	shalt  }
.Lfunc_end0:
.L_simem_size_0:
called_computation.5_lowered:
.L_overlay_start_0:
0x88: {  	s2 =	sld [smem:$0x3FD9]  }
0x89: {  	s3 =	sld [smem:$0x3FFE];
	_ =	sdelay $0x1  }
0x8a: {  	s1 =	srdreg.scid  }
0x8b: {  	s0 =	sand.u32 $0x1, s1  }
0x8c: {  	s17 =	sshll.u32 s0, $0xA;
	s2 =	sadd.s32 s3, s2  }
0x8d: {  	s2 =	sadd.s32 s2, s17  }
0x8e: {  	[smem:$0x3FAF] =	sst s2  }
0x8f: {  	_ = 	snop  }
0x90: {  	s2 =	sld [smem:$0x3FD0];
	(tm) =	ssettm $0x1  }
0x91: {  	s18 =	sld [smem:$0x3FFB];
	_ =	sdelay $0x3  }
0x92: {  	_ =	strace s18  }
0x93: {  	s3 =	sld [smem:$0x3FFC];
	_ =	sdelay $0x3  }
0x94: {  	_ =	strace s3  }
0x95: {  	s3 =	sld [smem:$0x3FFD];
	_ =	sdelay $0x3  }
0x96: {  	_ =	strace s3  }
0x97: {  	_ =	strace $0x8FFFFFFF  }
0x98: {  	s19 =	sld [smem:$0x3FDB];
	_ =	sdelay $0x1  }
0x99: {  	s4 =	simm.s32 $_scs_section_size  }
0x9a: {  	s5 =	simm.s32 $_size__tile_overlayer_lowered;
	s6 =	simm.s32 $_tile_overlayer_lowered  }
0x9b: {  	s22 =	simm.s32 $0x1BFF;
	s21 =	sshll.u32 s6, $0x1;
	s3 =	sadd.s32 s4, s19  }
0x9c: {  	s7 =	simm.s32 $0x0;
	s20 =	sshll.u32 s5, $0x1;
	s5 =	sadd.s32 s21, s3  }
0x9d: {  	[timem:s7], [sflag:s22] =	dma.local [hbm:s5], s20  }
0x9e: {  	_ =	swait.ge [sflag:s22], s20  }
0x9f: {  	s4 =	ssub.s32 $0x0, s20;
	[sflag:s22] =	ssyncset.done $0x0  }
0xa0: {  	[sflag:s22] =	ssyncadd.s32 s4;
	_ =	sdelay $0x1  }
0xa1: {  	s23 =	simm.s32 $0x1B8B  }
0xa2: {  	_ =	swait.ge [sflag:s23], $0x1  }
0xa3: {  	[sflag:s23] =	ssyncset.done $0x0  }
0xa4: {  	s25 =	simm.s32 $0x1B8E;
	s24 =	sld [smem:$0x3FFE];
	[sflag:s23] =	ssyncadd.s32 $0xFFFFFFFF  }
0xa5: {  	s26 =	simm.s32 $execute0_lowered;
	[smem:$0x3FD2] =	sst s25  }
0xa6: {  	s5 =	sshll.u32 s26, $0x1;
	_ =	strace $0x80000055;
	[dreg:$0x1] =	wrdreg $0xFFFFFFFF  }
0xa7: {  	s28 =	simm.s32 $_size_execute0_lowered;
	s3 =	sadd.s32 s3, s5;
	[dreg:$0x0] =	wrdreg $0x0  }
0xa8: {  	s5 =	sshll.u32 s28, $0x1;
	[dreg:$0x2] =	wrdreg s3  }
0xa9: {  	[dreg:$0x3] =	wrdreg s5  }
0xaa: {  	[dreg:$0x4] =	wrdreg $0xC0  }
0xab: {  	_ =	task [dreg:s7], $0x5FFFF  }
0xac: {  	[dreg:$0x1] =	wrdreg $0xFFFFFFFF  }
0xad: {  	[dreg:$0x0] =	wrdreg $0x60  }
0xae: {  	[dreg:$0x2] =	wrdreg s2  }
0xaf: {  	[dreg:$0x3] =	wrdreg s24  }
0xb0: {  	[dreg:$0x4] =	wrdreg $0x0  }
0xb1: {  	[dreg:$0x5] =	wrdreg $0x9  }
0xb2: {  	_ =	task.clear_ibuf [dreg:s7], $0x6FFFF;
	_ =	strace $0x90000055  }
0xb3: {  	s29 =	simm.s32 $0x9;
	_ =	strace $0x80000057  }
0xb4: {  	_ =	swait.ge [sflag:s29], $0x1  }
0xb5: {  	[sflag:s29] =	ssyncadd.s32 $0xFFFFFFFF  }
0xb6: {  	_ =	strace $0x90000057  }
0xb7: {  	_ =	sfence  }
0xb8: {  	s30 =	sld [smem:$0x0];
	_ =	sdelay $0x2  }
0xb9: {  	s31 =	sshll.u32 s1, $0xD;
	s1 =	sshrl.u32 s1, $0x2  }
0xba: {  	s3 =	sand.u32 $0x4000, s31;
	s1 =	sadd.s32 s1, s30  }
0xbb: {  	s0 =	sor.u32 s3, s0;
	s1 =	sshll.u32 s1, $0x11  }
0xbc: {  	s0 =	sor.u32 s1, s0  }
0xbd: {  	s0 =	sadd.s32 $0x8F2B, s0  }
0xbe: {  	[sflag:s0] =	ssyncadd.remote.s32 $0x1  }
0xbf: {  	_ =	sfence.sel $0xFFFF  }
0xc0: {  	[dreg:$0x0] =	wrdreg $0xFFFFFFFF;
	(pc) =	sbr.abs _section_cstart, $3  }
0xc1: {  	[dreg:$0x1] =	wrdreg $0xFFFFFFFF  }
0xc2: {  	_ =	task.clear_ibuf [dreg:s7], $0x2FFFF;
	_ =	strace $0x9FFFFFFF  }
0xc3: {  	(tm) =	ssettm $0x7FFFFFFF  }
tec
execute0_lowered:
.L_overlay_start_1:
0x0: {  	(tag) =	ssettag $0x1  }
0x1: {  	s1 =	rddreg [dreg:$0x0]  }
0x2: {  	s2 =	rddreg [dreg:$0x1]  }
0x3: {  	s3 =	rddreg [dreg:$0x2]  }
0x4: {  	s4 =	srdreg.scid;
	s0 =	stileid.u32;
	s15 =	simm.s32 $0x14000  }
0x5: {  	s17 =	simm.s32 $0x6;
	s18 =	simm.s32 $0x1;
	s19 =	simm.s32 $0x80  }
0x6: {  	s20 =	simm.s32 $0x14C00;
	s21 =	simm.s32 $0x18C00;
	s22 =	simm.s32 $0x2  }
0x7: {  	s23 =	simm.s32 $0x3;
	s24 =	simm.s32 $0x4;
	s6 =	smul.u32 $0x98, s0  }
0x8: {  	s5 =	sand.u32 $0x1, s4;
	s25 =	sshll.u32 s0, $0x3;
	s26 =	smul.u32 $0x13C00, s0  }
0x9: {  	s4 =	simm.s32 $0x0;
	s30 =	smul.u32 $0x4F000, s0;
	s10 =	sshll.u32 s0, $0x6  }
0xa: {  	p0 =	seq.s32 s5, $0x0;
	s7 =	sor.u32 $0x980, s25;
	[smem:$0x7FF] =	sst s4  }
0xb: {  	s8 =	smul.u32 $0x13C000, s5;
	s5 =	ssub.s32 $0x2, s5;
	s25 =	simm.s32 $0x5  }
0xc: {  	s7 =	smov.u32 @p0 s6;
	_ =	strace $0x80000056;
	s28 =	sshrl.u32 s26, $0x3  }
0xd: {  	s29 =	sshrl.u32 s5, $0x1;
	s7 =	sshll.u32 s7, $0x4;
	s9 =	sadd.s32 s28, s2  }
0xe: {  	s6 =	sadd.s32 s26, s8;
	s11 =	ssub.s32 s5, s29;
	s5 =	simm.s32 $0x13  }
0xf: {  	s8 =	sshrl.u32 s30, $0x2;
	s26 =	simm.s32 $0x0;
	s13 =	sadd.s32 s7, s2  }
0x10: {  	s6 =	sshrl.u32 s6, $0x3;
	s5 =	simm.s32 @!p0 $0x1;
	s16 =	sadd.s32 s8, s3  }
0x11: {  	s8 =	sadd.s32 $0x19C00, s9;
	s9 =	sor.u32 $0x1C06, s10;
	s11 =	smax.u32 s11, $0x1  }
0x12: {  	s2 =	sadd.s32 s6, s2;
	s6 =	sadd.s32 $0xFC00, s13;
	s7 =	sadd.s32 $0x5C00, s13  }
0x13: {  	s12 =	sadd.s32 $0x5C80, s13;
	s31 =	sshll.u32 s5, $0xB;
	s13 =	sadd.s32 $0xFC80, s13  }
0x14: {  	s16 =	sshrl.u32 s16, $0x3;
	s10 =	sadd.s32 $0x41400, s2;
	[dreg:$0x4] =	wrdreg s31  }
.LBB2_1:
0x15: {  	s0 =	simm.s32 $0x13C00  }
0x16: {  	[tilespmem:s0], [sflag:$0x1] =	stream.linear.gather [hbm4b:s6+s4], $0x400, $0x38;
	[tilespmem:$0x1CC00] =	vst v63  }
0x17: {  	_ = 	snop  }
0x18: {  	[tilespmem:s15], [sflag:$0x1] =	stream.linear.gather [hbm4b:s7+s4], $0x400, $0x38;
	[tilespmem:$0x1CC00] =	vst v63  }
0x19: {  	[spmem:s16], [sflag:s9] =	dma.local [hbm:s8], $0x2780  }
0x1a: {  	_ =	swait.ge [sflag:s17], $0x2780  }
0x1b: {  	[sflag:s17] =	ssyncset.done $0x0  }
0x1c: {  	s28 =	simm.s32 $0x1;
	s29 =	smov.u32 s13;
	[sflag:s17] =	ssyncadd.s32 $0xFFFFD880  }
0x1d: {  	s30 =	smov.u32 s12;
	s31 =	simm.s32 $0x0;
	[bflag:$0x0] =	sbarrier.arrive $0xFFFF  }
.LBB2_2:
0x1e: {  	_ =	swait.ge [sflag:s18], $0x400  }
0x1f: {  	[sflag:s18] =	ssyncset.done $0x0  }
0x20: {  	p0 =	sge.u32 s28, s5;
	[sflag:s18] =	ssyncadd.s32 $0xFFFFFC00  }
0x21: {  	s2 =	sxor.u32 @!p0 $0xFFFFFFFF, s31;
	_ =	swait.ge [sflag:s18], $0x400  }
0x22: {  	s2 =	sand.u32 @!p0 $0x800, s2;
	[sflag:s18] =	ssyncset.done $0x0  }
0x23: {  	s14 =	simm.s32 @!p0 $0x0;
	s0 =	sadd.s32 @!p0 $0x13C00, s2;
	[sflag:s18] =	ssyncadd.s32 $0xFFFFFC00  }
0x24: {  	[tilespmem:s0], [sflag:$0x1] =	stream.linear.gather @!p0 [hbm4b:s29+s14], $0x400, $0x38;
	[tilespmem:$0x1CC00] =	vst v63  }
0x25: {  	s0 =	sor.u32 @!p0 $0x14000, s2;
	s2 =	sand.u32 $0x800, s31  }
0x26: {  	[tilespmem:s0], [sflag:$0x1] =	stream.linear.gather @!p0 [hbm4b:s30+s14], $0x400, $0x38;
	[tilespmem:$0x1CC00] =	vst v63  }
0x27: {  	s14 =	sadd.s32 $0x13C00, s2  }
0x28: {  	[tilespmem:s20], [sflag:$0x2] =	stream.indirect.gather [hbm4b:s1+s19], $0x80, s14, s19, $0xb8;
	[tilespmem:$0x1CC00] =	vst v63  }
0x29: {  	s14 =	sadd.s32 $0x13C80, s2  }
0x2a: {  	[tilespmem:s21], [sflag:$0x3] =	stream.indirect.gather [hbm4b:s1+s19], $0x80, s14, s19, $0xb8;
	[tilespmem:$0x1CC00] =	vst v63  }
0x2b: {  	_ =	swait.ge [sflag:s22], $0x4000  }
0x2c: {  	[sflag:s22] =	ssyncset.done $0x0  }
0x2d: {  	s14 =	sor.u32 $0x14000, s2;
	[sflag:s22] =	ssyncadd.s32 $0xFFFFC000  }
0x2e: {  	[spmem:s3] =	stream.indirect.scatter.add.f32 [tilespmem:s20], [sflag:$0x4], $0x80, s14, s19, $0xb8;
	[tilespmem:$0x1CC00] =	vst v63  }
0x2f: {  	_ =	swait.ge [sflag:s23], $0x4000  }
0x30: {  	[sflag:s23] =	ssyncset.done $0x0  }
0x31: {  	s14 =	sor.u32 $0x14080, s2;
	[sflag:s23] =	ssyncadd.s32 $0xFFFFC000  }
0x32: {  	[spmem:s3] =	stream.indirect.scatter.add.f32 [tilespmem:s21], [sflag:$0x5], $0x80, s14, s19, $0xb8;
	[tilespmem:$0x1CC00] =	vst v63  }
0x33: {  	_ =	swait.ge [sflag:s24], $0x4000  }
0x34: {  	[sflag:s24] =	ssyncset.done $0x0  }
0x35: {  	[sflag:s24] =	ssyncadd.s32 $0xFFFFC000  }
0x36: {  	_ =	swait.ge [sflag:s25], $0x4000  }
0x37: {  	[sflag:s25] =	ssyncset.done $0x0  }
0x38: {  	s14 =	sadd.s32 $0x13D00, s2;
	[sflag:s25] =	ssyncadd.s32 $0xFFFFC000  }
0x39: {  	[tilespmem:s20], [sflag:$0x2] =	stream.indirect.gather [hbm4b:s1+s19], $0x80, s14, s19, $0xb8;
	[tilespmem:$0x1CC00] =	vst v63  }
0x3a: {  	s14 =	sadd.s32 $0x13D80, s2  }
0x3b: {  	[tilespmem:s21], [sflag:$0x3] =	stream.indirect.gather [hbm4b:s1+s19], $0x80, s14, s19, $0xb8;
	[tilespmem:$0x1CC00] =	vst v63  }
0x3c: {  	_ =	swait.ge [sflag:s22], $0x4000  }
0x3d: {  	[sflag:s22] =	ssyncset.done $0x0  }
0x3e: {  	s14 =	sor.u32 $0x14100, s2;
	[sflag:s22] =	ssyncadd.s32 $0xFFFFC000  }
0x3f: {  	[spmem:s3] =	stream.indirect.scatter.add.f32 [tilespmem:s20], [sflag:$0x4], $0x80, s14, s19, $0xb8;
	[tilespmem:$0x1CC00] =	vst v63  }
0x40: {  	_ =	swait.ge [sflag:s23], $0x4000  }
0x41: {  	[sflag:s23] =	ssyncset.done $0x0  }
0x42: {  	s14 =	sor.u32 $0x14180, s2;
	[sflag:s23] =	ssyncadd.s32 $0xFFFFC000  }
0x43: {  	[spmem:s3] =	stream.indirect.scatter.add.f32 [tilespmem:s21], [sflag:$0x5], $0x80, s14, s19, $0xb8;
	[tilespmem:$0x1CC00] =	vst v63  }
0x44: {  	_ =	swait.ge [sflag:s24], $0x4000  }
0x45: {  	[sflag:s24] =	ssyncset.done $0x0  }
0x46: {  	[sflag:s24] =	ssyncadd.s32 $0xFFFFC000  }
0x47: {  	_ =	swait.ge [sflag:s25], $0x4000  }
0x48: {  	[sflag:s25] =	ssyncset.done $0x0  }
0x49: {  	s14 =	sadd.s32 $0x13E00, s2;
	[sflag:s25] =	ssyncadd.s32 $0xFFFFC000  }
0x4a: {  	[tilespmem:s20], [sflag:$0x2] =	stream.indirect.gather [hbm4b:s1+s19], $0x80, s14, s19, $0xb8;
	[tilespmem:$0x1CC00] =	vst v63  }
0x4b: {  	s14 =	sadd.s32 $0x13E80, s2  }
0x4c: {  	[tilespmem:s21], [sflag:$0x3] =	stream.indirect.gather [hbm4b:s1+s19], $0x80, s14, s19, $0xb8;
	[tilespmem:$0x1CC00] =	vst v63  }
0x4d: {  	_ =	swait.ge [sflag:s22], $0x4000  }
0x4e: {  	[sflag:s22] =	ssyncset.done $0x0  }
0x4f: {  	s14 =	sor.u32 $0x14200, s2;
	[sflag:s22] =	ssyncadd.s32 $0xFFFFC000  }
0x50: {  	[spmem:s3] =	stream.indirect.scatter.add.f32 [tilespmem:s20], [sflag:$0x4], $0x80, s14, s19, $0xb8;
	[tilespmem:$0x1CC00] =	vst v63  }
0x51: {  	_ =	swait.ge [sflag:s23], $0x4000  }
0x52: {  	[sflag:s23] =	ssyncset.done $0x0  }
0x53: {  	s14 =	sor.u32 $0x14280, s2;
	[sflag:s23] =	ssyncadd.s32 $0xFFFFC000  }
0x54: {  	[spmem:s3] =	stream.indirect.scatter.add.f32 [tilespmem:s21], [sflag:$0x5], $0x80, s14, s19, $0xb8;
	[tilespmem:$0x1CC00] =	vst v63  }
0x55: {  	_ =	swait.ge [sflag:s24], $0x4000  }
0x56: {  	[sflag:s24] =	ssyncset.done $0x0  }
0x57: {  	[sflag:s24] =	ssyncadd.s32 $0xFFFFC000  }
0x58: {  	_ =	swait.ge [sflag:s25], $0x4000  }
0x59: {  	[sflag:s25] =	ssyncset.done $0x0  }
0x5a: {  	s14 =	sadd.s32 $0x13F00, s2;
	[sflag:s25] =	ssyncadd.s32 $0xFFFFC000  }
0x5b: {  	[tilespmem:s20], [sflag:$0x2] =	stream.indirect.gather [hbm4b:s1+s19], $0x80, s14, s19, $0xb8;
	[tilespmem:$0x1CC00] =	vst v63  }
0x5c: {  	s14 =	sadd.s32 $0x13F80, s2  }
0x5d: {  	[tilespmem:s21], [sflag:$0x3] =	stream.indirect.gather [hbm4b:s1+s19], $0x80, s14, s19, $0xb8;
	[tilespmem:$0x1CC00] =	vst v63  }
0x5e: {  	_ =	swait.ge [sflag:s22], $0x4000  }
0x5f: {  	[sflag:s22] =	ssyncset.done $0x0  }
0x60: {  	s14 =	sor.u32 $0x14300, s2;
	[sflag:s22] =	ssyncadd.s32 $0xFFFFC000  }
0x61: {  	[spmem:s3] =	stream.indirect.scatter.add.f32 [tilespmem:s20], [sflag:$0x4], $0x80, s14, s19, $0xb8;
	[tilespmem:$0x1CC00] =	vst v63  }
0x62: {  	_ =	swait.ge [sflag:s23], $0x4000  }
0x63: {  	[sflag:s23] =	ssyncset.done $0x0  }
0x64: {  	s2 =	sor.u32 $0x14380, s2;
	[sflag:s23] =	ssyncadd.s32 $0xFFFFC000  }
0x65: {  	[spmem:s3] =	stream.indirect.scatter.add.f32 [tilespmem:s21], [sflag:$0x5], $0x80, s2, s19, $0xb8;
	[tilespmem:$0x1CC00] =	vst v63  }
0x66: {  	_ =	swait.ge [sflag:s24], $0x4000  }
0x67: {  	[sflag:s24] =	ssyncset.done $0x0  }
0x68: {  	[sflag:s24] =	ssyncadd.s32 $0xFFFFC000  }
0x69: {  	_ =	swait.ge [sflag:s25], $0x4000  }
0x6a: {  	s31 =	sadd.s32 $0x800, s31;
	s14 =	rddreg [dreg:$0x4]  }
0x6b: {  	p0 =	sne.s32 s14, s31  }
.Ltmp0:
0x6c: {  	_ = 	snop;
	(pc) =	sbr.rel @p0 .LBB2_2-.Ltmp0, $3  }
0x6d: {  	_ =	sdelay $0x1  }
0x6e: {  	s28 =	sadd.s32 $0x1, s28;
	[sflag:s25] =	ssyncset.done $0x0  }
0x6f: {  	s29 =	sadd.s32 $0x80, s29;
	s30 =	sadd.s32 $0x80, s30;
	[sflag:s25] =	ssyncadd.s32 $0xFFFFC000  }
0x70: {  	s26 =	sadd.s32 $0x1, s26  }
0x71: {  	p0 =	sne.s32 s26, s11  }
.Ltmp1:
0x72: {  	[bflag:$0x0] =	sbarrier.arrive $0xFFFF;
	(pc) =	sbr.rel @p0 .LBB2_1-.Ltmp1, $4  }
0x73: {  	[hbm:s10], [sflag:s9] =	dma.local [spmem:s16], $0x2780  }
0x74: {  	_ =	swait.ge [sflag:s17], $0x2780  }
0x75: {  	[sflag:s17] =	ssyncset.done $0x0  }
0x76: {  	[sflag:s17] =	ssyncadd.s32 $0xFFFFD880  }
0x77: {  	_ =	sfence.sel $0x180000  }
0x78: {  	[bflag:$0x0] =	sbarrier.arrive $0xFFFF  }
0x79: {  	_ =	strace $0x90000056  }
0x7a: {  	s0 =	stileid.u32;
	[bflag:$0x2] =	sbarrier.arrive $0xFFFF  }
0x7b: {  	p0 =	sne.s32 s0, $0x0;
	s0 =	rddreg [dreg:$0x3]  }
0x7c: {  	s0 =	sadd.s32 @!p0 $0x100000, s0  }
0x7d: {  	[sflag:s0] =	ssyncadd.tile.s32 @!p0 $0x1;
	_ =	shalt  }
.Lfunc_end2:
_tile_overlayer_lowered:
.L_overlay_start_2:
0x7e: {  	(tag) =	ssettag $0x2  }
0x7f: {  	s0 =	rddreg [dreg:$0x0];
	s2 =	stileid.u32  }
0x80: {  	s1 =	rddreg [dreg:$0x1];
	p0 =	sne.s32 s2, $0x0  }
0x81: {  	s3 =	rddreg [dreg:$0x2];
	[bflag:$0x3] =	sbarrier.arrive $0xFFFF;
	s2 =	simm.s32 @!p0 $0x1C06  }
0x82: {  	[timem:s3], [sflag:s2] =	dma.local @!p0 [hbm:s0], s1  }
0x83: {  	s0 =	simm.s32 @!p0 $0x6  }
0x84: {  	_ =	swait.ge @!p0 [sflag:s0], s1  }
0x85: {  	s1 =	ssub.s32 @!p0 $0x0, s1;
	[sflag:s0] =	ssyncset.done @!p0 $0x0  }
0x86: {  	[sflag:s0] =	ssyncadd.s32 @!p0 s1  }
0x87: {  	[bflag:$0x3] =	sbarrier.arrive $0xFFFF  }
0x88: {  	_ =	shalt  }

</sc_bundles>
